<compile_context>
chip_gen: v7x
topology: tpu7x:2x2x1
jax: 0.10.2.dev20260603
libtpu: 0.0.44.dev20260713+nightly
codegen_flags: <defaults>
</compile_context>

<pallas_src>
import jax
import jax.numpy as jnp
from jax import lax
from jax.experimental import pallas as pl
from jax.experimental.pallas import tpu as pltpu
from jax.experimental.pallas import tpu_sc as plsc

N = 10000
E = 320000
B = 20
NPG = 500
K = 10
HID = 256
DW = 128

NC = 2
NT = 16
CH = 80
NPT = 624
EPC_T = E // NT
EPW = E // (NT * NC)
RB = 1000

_mesh = plsc.VectorSubcoreMesh(core_axis_name="c", subcore_axis_name="s")
f32 = jnp.float32


def _rows_copy(mk_src, mk_dst, s):
    base = s * NPT
    pltpu.sync_copy(mk_src(base, NPT), mk_dst(base, NPT))

    @pl.when(s == NT - 1)
    def _():
        tail = NT * NPT
        pltpu.sync_copy(mk_src(tail, N - tail), mk_dst(tail, N - tail))


def _deg_body(dst_hbm, zeros_hbm, ones_hbm, out_hbm, idx_v, ones_v, acc_sh):
    c = lax.axis_index("c")
    s = lax.axis_index("s")
    pltpu.sync_copy(ones_hbm, ones_v)
    _rows_copy(lambda b, n: zeros_hbm.at[pl.ds(b, n)],
               lambda b, n: acc_sh.at[pl.ds(b, n)], s)
    plsc.subcore_barrier()
    w = c * NT + s

    def body(i, carry):
        base = w * EPW + i * CH
        pltpu.sync_copy(dst_hbm.at[pl.ds(base, CH)], idx_v)
        pltpu.sync_copy(ones_v, acc_sh.at[idx_v], add=True)
        return carry

    lax.fori_loop(0, EPW // CH, body, 0)
    plsc.subcore_barrier()
    _rows_copy(lambda b, n: acc_sh.at[pl.ds(b, n)],
               lambda b, n: out_hbm.at[c, pl.ds(b, n)], s)


_deg_call = pl.kernel(
    _deg_body,
    mesh=_mesh,
    out_type=jax.ShapeDtypeStruct((NC, N, DW), f32),
    scratch_types=[
        pltpu.VMEM((CH,), jnp.int32),
        pltpu.VMEM((CH, DW), f32),
        pltpu.VMEM_SHARED((N, DW), f32),
    ],
)


def _agg_es_body(tab_hbm, src_hbm, dst_hbm, zeros_hbm, out_hbm,
                 idx_s, idx_d, rows, acc_sh, sem):
    c = lax.axis_index("c")
    s = lax.axis_index("s")
    _rows_copy(lambda b, n: zeros_hbm.at[pl.ds(b, n)],
               lambda b, n: acc_sh.at[pl.ds(b, n)], s)
    plsc.subcore_barrier()
    w = c * NT + s

    def it(i, carry):
        base = w * EPW + i * CH
        pltpu.sync_copy(src_hbm.at[pl.ds(base, CH)], idx_s)
        pltpu.sync_copy(dst_hbm.at[pl.ds(base, CH)], idx_d)
        pltpu.async_copy(tab_hbm.at[idx_s], rows, sem).wait()
        pltpu.sync_copy(rows, acc_sh.at[idx_d], add=True)
        return carry

    lax.fori_loop(0, EPW // CH, it, 0)
    plsc.subcore_barrier()
    _rows_copy(lambda b, n: acc_sh.at[pl.ds(b, n)],
               lambda b, n: out_hbm.at[c, pl.ds(b, n)], s)


_agg_es_call = pl.kernel(
    _agg_es_body,
    mesh=_mesh,
    out_type=jax.ShapeDtypeStruct((NC, N, DW), f32),
    scratch_types=[
        pltpu.VMEM((CH,), jnp.int32),
        pltpu.VMEM((CH,), jnp.int32),
        pltpu.VMEM((CH, DW), f32),
        pltpu.VMEM_SHARED((N, DW), f32),
        pltpu.SemaphoreType.DMA,
    ],
)


def _agg_cs_body(tabL, tabR, src_hbm, dst_hbm, zeros_hbm, outL, outR,
                 idx_s, idx_d, rows, acc_sh, sem):
    c = lax.axis_index("c")
    s = lax.axis_index("s")

    def half(tab, out):
        _rows_copy(lambda b, n: zeros_hbm.at[pl.ds(b, n)],
                   lambda b, n: acc_sh.at[pl.ds(b, n)], s)
        plsc.subcore_barrier()

        def it(i, carry):
            base = s * EPC_T + i * CH
            pltpu.sync_copy(src_hbm.at[pl.ds(base, CH)], idx_s)
            pltpu.sync_copy(dst_hbm.at[pl.ds(base, CH)], idx_d)
            pltpu.async_copy(tab.at[idx_s], rows, sem).wait()
            pltpu.sync_copy(rows, acc_sh.at[idx_d], add=True)
            return carry

        lax.fori_loop(0, EPC_T // CH, it, 0)
        plsc.subcore_barrier()
        _rows_copy(lambda b, n: acc_sh.at[pl.ds(b, n)],
                   lambda b, n: out.at[pl.ds(b, n)], s)

    @pl.when(c == 0)
    def _():
        half(tabL, outL)

    @pl.when(c == 1)
    def _():
        half(tabR, outR)


_agg_cs_call = pl.kernel(
    _agg_cs_body,
    mesh=_mesh,
    out_type=[jax.ShapeDtypeStruct((N, DW), f32),
              jax.ShapeDtypeStruct((N, DW), f32)],
    scratch_types=[
        pltpu.VMEM((CH,), jnp.int32),
        pltpu.VMEM((CH,), jnp.int32),
        pltpu.VMEM((CH, DW), f32),
        pltpu.VMEM_SHARED((N, DW), f32),
        pltpu.SemaphoreType.DMA,
    ],
)



def _tc1_body(p0, p1, x, W0, dinv_o, z0L_o, z0R_o):
    deg = p0[...] + p1[...] + 1.0
    dinv = lax.rsqrt(deg)
    dinv_o[...] = dinv
    xw0 = jnp.dot(x[...], W0[...], preferred_element_type=f32)
    z0 = xw0 * dinv
    z0L_o[...] = z0[:, :DW]
    z0R_o[...] = z0[:, DW:]


def _tc2_body(sL, sR, zL, zR, dinv, b0, W1, pooled_o, z1L_o, z1R_o):
    dv = dinv[...]
    agg = jnp.concatenate([(sL[...] + zL[...]) * dv,
                           (sR[...] + zR[...]) * dv], axis=1)
    h = jnp.maximum(agg + b0[...], 0.0)
    rows = lax.broadcasted_iota(jnp.int32, (RB, 1), 0)
    neg = jnp.float32(-jnp.inf)
    m0 = jnp.max(jnp.where(rows < NPG, h, neg), axis=0, keepdims=True)
    m1 = jnp.max(jnp.where(rows >= NPG, h, neg), axis=0, keepdims=True)
    pooled_o[...] = jnp.concatenate([m0, m1], axis=0)[None]
    z1 = jnp.dot(h, W1[...], preferred_element_type=f32) * dv
    z1L_o[...] = z1[:, :DW]
    z1R_o[...] = z1[:, DW:]


def _tcg_body(pooled, Wfc, bfc, gi_o):
    gi_o[...] = jnp.dot(pooled[...], Wfc[...], preferred_element_type=f32) + bfc[...]


def _tc3_body(sL, sR, zL, zR, dinv, b1, W1, z2L_o, z2R_o):
    dv = dinv[...]
    agg = jnp.concatenate([(sL[...] + zL[...]) * dv,
                           (sR[...] + zR[...]) * dv], axis=1)
    l1 = jnp.maximum(agg + b1[...], 0.0)
    z2 = jnp.dot(l1, W1[...], preferred_element_type=f32) * dv
    z2L_o[...] = z2[:, :DW]
    z2R_o[...] = z2[:, DW:]


def _tc4_body(sL, sR, zL, zR, dinv, b1, W2, gi3, z3L_o, z3R_o):
    dv = dinv[...]
    agg = jnp.concatenate([(sL[...] + zL[...]) * dv,
                           (sR[...] + zR[...]) * dv], axis=1)
    l2 = jnp.maximum(agg + b1[...], 0.0)
    g0 = gi3[0, 0:1, :]
    g1 = gi3[0, 1:2, :]
    rows = lax.broadcasted_iota(jnp.int32, (RB, 1), 0)
    gcast = jnp.where(rows < NPG, g0, g1)
    concat = jnp.concatenate([l2, gcast], axis=1)
    z3 = jnp.dot(concat, W2[...], preferred_element_type=f32) * dv
    z3L_o[...] = z3[:, :DW]
    z3R_o[...] = z3[:, DW:]


def _tc5_body(sL, sR, zL, zR, dinv, b2, W3, zb_o):
    dv = dinv[...]
    agg = jnp.concatenate([(sL[...] + zL[...]) * dv,
                           (sR[...] + zR[...]) * dv], axis=1)
    c = jnp.maximum(agg + b2[...], 0.0)
    u = jnp.dot(c, W3[...], preferred_element_type=f32)
    zb_o[...] = jnp.broadcast_to(u * dv, (RB, DW))


def _tc6_body(zu, p0, p1, dinv, out_ref):
    lg = dinv[...] * (p0[...] + p1[...] + zu[...])
    iota = lax.broadcasted_iota(jnp.int32, (B, NPG), 1)
    cur = lg
    kth = None
    for _ in range(K):
        m = jnp.max(cur, axis=1, keepdims=True)
        first = jnp.min(jnp.where(cur == m, iota, NPG), axis=1, keepdims=True)
        cur = jnp.where(iota == first, jnp.float32(-jnp.inf), cur)
        kth = m
    out_ref[...] = (lg >= kth).astype(f32)


def _row_spec(w):
    return pl.BlockSpec((RB, w), lambda j: (j, 0))


def _full_spec(shape):
    nd = len(shape)
    return pl.BlockSpec(shape, lambda j: (0,) * nd)


_GRID = (N // RB,)


def _tc1(p0, p1, x, W0):
    return pl.pallas_call(
        _tc1_body,
        grid=_GRID,
        in_specs=[_row_spec(1), _row_spec(1), _row_spec(128),
                  _full_spec((128, HID))],
        out_specs=[_row_spec(1), _row_spec(DW), _row_spec(DW)],
        out_shape=[jax.ShapeDtypeStruct((N, 1), f32),
                   jax.ShapeDtypeStruct((N, DW), f32),
                   jax.ShapeDtypeStruct((N, DW), f32)],
    )(p0, p1, x, W0)


def _tc2(sL, sR, zL, zR, dinv, b0, W1):
    return pl.pallas_call(
        _tc2_body,
        grid=_GRID,
        in_specs=[_row_spec(DW)] * 4 + [_row_spec(1),
                  _full_spec((1, HID)), _full_spec((HID, HID))],
        out_specs=[pl.BlockSpec((1, 2, HID), lambda j: (j, 0, 0)),
                   _row_spec(DW), _row_spec(DW)],
        out_shape=[jax.ShapeDtypeStruct((N // RB, 2, HID), f32),
                   jax.ShapeDtypeStruct((N, DW), f32),
                   jax.ShapeDtypeStruct((N, DW), f32)],
    )(sL, sR, zL, zR, dinv, b0, W1)


def _tcg(pooled, Wfc, bfc):
    return pl.pallas_call(
        _tcg_body,
        out_shape=jax.ShapeDtypeStruct((B, HID), f32),
    )(pooled, Wfc, bfc)


def _tc3(sL, sR, zL, zR, dinv, b1, W1):
    return pl.pallas_call(
        _tc3_body,
        grid=_GRID,
        in_specs=[_row_spec(DW)] * 4 + [_row_spec(1),
                  _full_spec((1, HID)), _full_spec((HID, HID))],
        out_specs=[_row_spec(DW), _row_spec(DW)],
        out_shape=[jax.ShapeDtypeStruct((N, DW), f32),
                   jax.ShapeDtypeStruct((N, DW), f32)],
    )(sL, sR, zL, zR, dinv, b1, W1)


def _tc4(sL, sR, zL, zR, dinv, b1, W2, gi3):
    return pl.pallas_call(
        _tc4_body,
        grid=_GRID,
        in_specs=[_row_spec(DW)] * 4 + [_row_spec(1),
                  _full_spec((1, HID)), _full_spec((2 * HID, HID)),
                  pl.BlockSpec((1, 2, HID), lambda j: (j, 0, 0))],
        out_specs=[_row_spec(DW), _row_spec(DW)],
        out_shape=[jax.ShapeDtypeStruct((N, DW), f32),
                   jax.ShapeDtypeStruct((N, DW), f32)],
    )(sL, sR, zL, zR, dinv, b1, W2, gi3)


def _tc5(sL, sR, zL, zR, dinv, b2, W3):
    return pl.pallas_call(
        _tc5_body,
        grid=_GRID,
        in_specs=[_row_spec(DW)] * 4 + [_row_spec(1),
                  _full_spec((1, HID)), _full_spec((HID, 1))],
        out_specs=[_row_spec(DW)],
        out_shape=[jax.ShapeDtypeStruct((N, DW), f32)],
    )(sL, sR, zL, zR, dinv, b2, W3)[0]


def _tc6(zu, p0, p1, dinv):
    return pl.pallas_call(
        _tc6_body,
        out_shape=jax.ShapeDtypeStruct((B, NPG), f32),
    )(zu, p0, p1, dinv)


def kernel(x, edge_index, ptr, batch, W0, b0, Wfc, bfc, W1, b1, W2, b2, W3, b3):
    del ptr, batch, b3
    src = edge_index[0]
    dst = edge_index[1]
    zerosNW = jnp.zeros((N, DW), f32)
    onesCW = jnp.ones((CH, DW), f32)

    degp = _deg_call(dst, zerosNW, onesCW)
    dinv, z0L, z0R = _tc1(degp[0, :, 0:1], degp[1, :, 0:1], x, W0)
    s0L, s0R = _agg_cs_call(z0L, z0R, src, dst, zerosNW)
    pooled3, z1L, z1R = _tc2(s0L, s0R, z0L, z0R, dinv,
                             b0.reshape(1, HID), W1)
    gi = _tcg(pooled3.reshape(B, HID), Wfc, bfc.reshape(1, HID))
    s1L, s1R = _agg_cs_call(z1L, z1R, src, dst, zerosNW)
    z2L, z2R = _tc3(s1L, s1R, z1L, z1R, dinv, b1.reshape(1, HID), W1)
    s2L, s2R = _agg_cs_call(z2L, z2R, src, dst, zerosNW)
    z3L, z3R = _tc4(s2L, s2R, z2L, z2R, dinv, b1.reshape(1, HID), W2,
                    gi.reshape(N // RB, 2, HID))
    s3L, s3R = _agg_cs_call(z3L, z3R, src, dst, zerosNW)
    zb = _tc5(s3L, s3R, z3L, z3R, dinv, b2.reshape(1, HID), W3)
    p5 = _agg_es_call(zb, src, dst, zerosNW)
    mask = _tc6(zb[:, 0].reshape(B, NPG),
                p5[0, :, 0].reshape(B, NPG),
                p5[1, :, 0].reshape(B, NPG),
                dinv.reshape(B, NPG))
    return mask.reshape(N, 1)

# --- scband reference (transcript-rebuilt; emitter-appended) ---
"""Pipeline reference for scband-gnn-explainer-24567212933212 (READ-ONLY COPY).

The authoritative reference and input builder live on the scoring server;
editing this copy changes nothing except your own understanding.
"""

import jax, jax.numpy as jnp
import numpy as np

N = 10000
E = 320000
F_IN = 128
HID = 256
B = 20
NPG = 500
K = 10


def gcn_conv(x, edge_index, W, b):
    # torch_geometric GCNConv with default add_self_loops=True and symmetric normalization
    n = x.shape[0]
    loop = jnp.arange(n, dtype=edge_index.dtype)
    src = jnp.concatenate([edge_index[0], loop])
    dst = jnp.concatenate([edge_index[1], loop])
    deg = jnp.zeros((n,), jnp.float32).at[dst].add(1.0)
    dinv = jnp.where(deg > 0, deg ** -0.5, 0.0)
    norm = dinv[src] * dinv[dst]
    xw = x @ W
    out = jnp.zeros((n, W.shape[1]), jnp.float32).at[dst].add(xw[src] * norm[:, None])
    return out + b


def _forward(x, edge_index, batch, W0, b0, Wfc, bfc, W1, b1, W2, b2, W3, b3):
    # GNN_GumbelSelector
    h = jax.nn.relu(gcn_conv(x, edge_index, W0, b0))
    pooled = jax.ops.segment_max(h, batch, num_segments=B)  # global_max_pool
    global_info = pooled @ Wfc + bfc  # fc1
    l = jax.nn.relu(gcn_conv(h, edge_index, W1, b1))  # conv1 applied twice with shared weights
    l = jax.nn.relu(gcn_conv(l, edge_index, W1, b1))
    # GNN_ConcatenateLayer: concat(local features, per-graph global info broadcast to nodes)
    concat = jnp.concatenate([l, global_info[batch]], axis=-1)
    # dropout(p=0.2) in eval mode -> identity
    c = jax.nn.relu(gcn_conv(concat, edge_index, W2, b2))
    logits = gcn_conv(c, edge_index, W3, b3)  # [N, 1]
    # GNN_SampleConcrete (train_explainer=False): per-graph top-k thresholding
    lg = logits[:, 0].reshape(B, NPG)
    kth = jax.lax.top_k(lg, K)[0][:, -1]  # k-th largest logit per graph (lower_bound)
    mask = (lg >= kth[:, None]).astype(jnp.float32).reshape(N, 1)
    return mask


def setup_inputs(seed: int = 0):
    key = jax.random.key(seed)
    ks = jax.random.split(key, 10)
    x = jax.random.normal(ks[0], (N, F_IN), dtype=jnp.float32)
    edge_index = jax.random.randint(ks[1], (2, E), 0, N, dtype=jnp.int32)
    ptr = jnp.arange(B + 1, dtype=jnp.int32) * NPG
    batch = jnp.repeat(jnp.arange(B, dtype=jnp.int32), NPG)
    W0 = jax.random.normal(ks[2], (F_IN, HID), jnp.float32) * (1.0 / np.sqrt(F_IN))
    b0 = jnp.zeros((HID,), jnp.float32)
    Wfc = jax.random.normal(ks[3], (HID, HID), jnp.float32) * (1.0 / np.sqrt(HID))
    bfc = jnp.zeros((HID,), jnp.float32)
    W1 = jax.random.normal(ks[4], (HID, HID), jnp.float32) * (1.0 / np.sqrt(HID))
    b1 = jnp.zeros((HID,), jnp.float32)
    W2 = jax.random.normal(ks[5], (2 * HID, HID), jnp.float32) * (1.0 / np.sqrt(2 * HID))
    b2 = jnp.zeros((HID,), jnp.float32)
    W3 = jax.random.normal(ks[6], (HID, 1), jnp.float32) * (1.0 / np.sqrt(HID))
    b3 = jnp.zeros((1,), jnp.float32)
    return {"x": x, "edge_index": edge_index, "ptr": ptr, "batch": batch,
            "W0": W0, "b0": b0, "Wfc": Wfc, "bfc": bfc, "W1": W1, "b1": b1,
            "W2": W2, "b2": b2, "W3": W3, "b3": b3}


def reference(x, edge_index, ptr, batch, W0, b0, Wfc, bfc, W1, b1, W2, b2, W3, b3):
    del ptr  # equal-size graphs; segment info carried by batch
    return _forward(x, edge_index, batch, W0, b0, Wfc, bfc, W1, b1, W2, b2, W3, b3)

if __name__ == "__main__":
    import jax
    _d = setup_inputs()
    print(jax.jit(kernel)(*tuple(_d.values())))

</pallas_src>

<mosaic_0001>
#map = affine_map<(d0, d1) -> (0)>
#map1 = affine_map<(d0, d1) -> (0, 0)>
#map2 = affine_map<(d0, d1) -> (0, 0, 0)>
module attributes {stable_mosaic.version = 14 : i64} {
  func.func @_deg_body(%arg0: i32, %arg1: i32, %arg2: memref<320000xi32, #tpu.memory_space<hbm>>, %arg3: memref<10000x128xf32, #tpu.memory_space<hbm>>, %arg4: memref<80x128xf32, #tpu.memory_space<hbm>>, %arg5: memref<2x10000x128xf32, #tpu.memory_space<hbm>>, %arg6: memref<80xi32, #tpu.memory_space<vmem>>, %arg7: memref<80x128xf32, #tpu.memory_space<vmem>>, %arg8: memref<10000x128xf32, #tpu.memory_space<vmem_shared>>) attributes {dimension_semantics = [#tpu.dimension_semantics<core_parallel>, #tpu.dimension_semantics<subcore_parallel>], iteration_bounds = array<i64: 2, 16>, scalar_prefetch = 0 : i64, scratch_operands = 3 : i64, tpu.core_type = #tpu.core_type<sc_vector_subcore>, window_params = [{transform_indices = #map}, {transform_indices = #map1}, {transform_indices = #map1}, {transform_indices = #map2}]} {
    "tpu.region"() ({
      %run_scoped3A = tpu.sem_alloc : memref<!tpu.dma_semaphore, #tpu.memory_space<semaphore_mem>>
      tpu.enqueue_dma source(%arg4 : memref<80x128xf32, #tpu.memory_space<hbm>>) target(%arg7 : memref<80x128xf32, #tpu.memory_space<vmem>>) target_semaphore(%run_scoped3A : memref<!tpu.dma_semaphore, #tpu.memory_space<semaphore_mem>>)
      tpu.wait_dma2 semaphore(%run_scoped3A : memref<!tpu.dma_semaphore, #tpu.memory_space<semaphore_mem>>) src(%arg4 : memref<80x128xf32, #tpu.memory_space<hbm>>) dst(%arg7 : memref<80x128xf32, #tpu.memory_space<vmem>>)
      tpu.yield
    }) : () -> ()
    %mul3A = arith.constant 624 : i32
    %mul3A_0 = arith.muli %arg1, %mul3A : i32
    "tpu.region"() ({
      %run_scoped3A = tpu.sem_alloc : memref<!tpu.dma_semaphore, #tpu.memory_space<semaphore_mem>>
      %dma_start3A = arith.constant 0 : i32
      %dma_start3A_18 = tpu.memref_slice %arg8[%mul3A_0, %dma_start3A] : memref<10000x128xf32, #tpu.memory_space<vmem_shared>> -> memref<624x128xf32, #tpu.memory_space<vmem_shared>>
      %dma_start3A_19 = arith.constant 0 : i32
      %dma_start3A_20 = tpu.memref_slice %arg3[%mul3A_0, %dma_start3A_19] : memref<10000x128xf32, #tpu.memory_space<hbm>> -> memref<624x128xf32, #tpu.memory_space<hbm>>
      tpu.enqueue_dma source(%dma_start3A_20 : memref<624x128xf32, #tpu.memory_space<hbm>>) target(%dma_start3A_18 : memref<624x128xf32, #tpu.memory_space<vmem_shared>>) target_semaphore(%run_scoped3A : memref<!tpu.dma_semaphore, #tpu.memory_space<semaphore_mem>>)
      %dma_wait3A = arith.constant 0 : i32
      %dma_wait3A_21 = tpu.memref_slice %arg8[%mul3A_0, %dma_wait3A] : memref<10000x128xf32, #tpu.memory_space<vmem_shared>> -> memref<624x128xf32, #tpu.memory_space<vmem_shared>>
      %dma_wait3A_22 = arith.constant 0 : i32
      %dma_wait3A_23 = tpu.memref_slice %arg3[%mul3A_0, %dma_wait3A_22] : memref<10000x128xf32, #tpu.memory_space<hbm>> -> memref<624x128xf32, #tpu.memory_space<hbm>>
      tpu.wait_dma2 semaphore(%run_scoped3A : memref<!tpu.dma_semaphore, #tpu.memory_space<semaphore_mem>>) src(%dma_wait3A_23 : memref<624x128xf32, #tpu.memory_space<hbm>>) dst(%dma_wait3A_21 : memref<624x128xf32, #tpu.memory_space<vmem_shared>>)
      tpu.yield
    }) : () -> ()
    %eq3A = arith.constant 15 : i32
    %eq3A_1 = arith.cmpi eq, %arg1, %eq3A : i32
    %convert_element_type3A = arith.extui %eq3A_1 : i1 to i32
    %cond3A = arith.constant 0 : i32
    %cond3A_2 = arith.cmpi ne, %convert_element_type3A, %cond3A : i32
    scf.if %cond3A_2 {
      "tpu.region"() ({
        %run_scoped3A = tpu.sem_alloc : memref<!tpu.dma_semaphore, #tpu.memory_space<semaphore_mem>>
        %dma_start3A = arith.constant 9984 : i32
        %dma_start3A_18 = arith.constant 0 : i32
        %dma_start3A_19 = tpu.memref_slice %arg8[%dma_start3A, %dma_start3A_18] : memref<10000x128xf32, #tpu.memory_space<vmem_shared>> -> memref<16x128xf32, #tpu.memory_space<vmem_shared>>
        %dma_start3A_20 = arith.constant 9984 : i32
        %dma_start3A_21 = arith.constant 0 : i32
        %dma_start3A_22 = tpu.memref_slice %arg3[%dma_start3A_20, %dma_start3A_21] : memref<10000x128xf32, #tpu.memory_space<hbm>> -> memref<16x128xf32, #tpu.memory_space<hbm>>
        tpu.enqueue_dma source(%dma_start3A_22 : memref<16x128xf32, #tpu.memory_space<hbm>>) target(%dma_start3A_19 : memref<16x128xf32, #tpu.memory_space<vmem_shared>>) target_semaphore(%run_scoped3A : memref<!tpu.dma_semaphore, #tpu.memory_space<semaphore_mem>>)
        %dma_wait3A = arith.constant 9984 : i32
        %dma_wait3A_23 = arith.constant 0 : i32
        %dma_wait3A_24 = tpu.memref_slice %arg8[%dma_wait3A, %dma_wait3A_23] : memref<10000x128xf32, #tpu.memory_space<vmem_shared>> -> memref<16x128xf32, #tpu.memory_space<vmem_shared>>
        %dma_wait3A_25 = arith.constant 9984 : i32
        %dma_wait3A_26 = arith.constant 0 : i32
        %dma_wait3A_27 = tpu.memref_slice %arg3[%dma_wait3A_25, %dma_wait3A_26] : memref<10000x128xf32, #tpu.memory_space<hbm>> -> memref<16x128xf32, #tpu.memory_space<hbm>>
        tpu.wait_dma2 semaphore(%run_scoped3A : memref<!tpu.dma_semaphore, #tpu.memory_space<semaphore_mem>>) src(%dma_wait3A_27 : memref<16x128xf32, #tpu.memory_space<hbm>>) dst(%dma_wait3A_24 : memref<16x128xf32, #tpu.memory_space<vmem_shared>>)
        tpu.yield
      }) : () -> ()
    } else {
    }
    %barrier3A = arith.constant 0 : index
    tpu.barrier barrier_id(%barrier3A)
    %mul3A_3 = arith.constant 16 : i32
    %mul3A_4 = arith.muli %arg0, %mul3A_3 : i32
    %add3A = arith.addi %mul3A_4, %arg1 : i32
    %scan3A = arith.constant 0 : i32
    %scan3A_5 = arith.constant 0 : i32
    %scan3A_6 = arith.constant 125 : i32
    %scan3A_7 = arith.addi %scan3A_5, %scan3A_6 : i32
    %scan3A_8 = arith.constant 1 : i32
    scf.for %scan3A_18 = %scan3A_5 to %scan3A_7 step %scan3A_8  : i32 {
      %mul3A_19 = arith.constant 10000 : i32
      %mul3A_20 = arith.muli %add3A, %mul3A_19 : i32
      %mul3A_21 = arith.constant 80 : i32
      %mul3A_22 = arith.muli %scan3A_18, %mul3A_21 : i32
      %add3A_23 = arith.addi %mul3A_20, %mul3A_22 : i32
      "tpu.region"() ({
        %run_scoped3A = tpu.sem_alloc : memref<!tpu.dma_semaphore, #tpu.memory_space<semaphore_mem>>
        %dma_start3A = tpu.memref_slice %arg2[%add3A_23] : memref<320000xi32, #tpu.memory_space<hbm>> -> memref<80xi32, #tpu.memory_space<hbm>>
        %dma_start3A_24 = tpu.memref_slice %arg2[%add3A_23] : memref<320000xi32, #tpu.memory_space<hbm>> -> memref<80xi32, #tpu.memory_space<hbm>>
        tpu.enqueue_dma source(%dma_start3A_24 : memref<80xi32, #tpu.memory_space<hbm>>) target(%arg6 : memref<80xi32, #tpu.memory_space<vmem>>) target_semaphore(%run_scoped3A : memref<!tpu.dma_semaphore, #tpu.memory_space<semaphore_mem>>)
        %dma_wait3A = tpu.memref_slice %arg2[%add3A_23] : memref<320000xi32, #tpu.memory_space<hbm>> -> memref<80xi32, #tpu.memory_space<hbm>>
        %dma_wait3A_25 = tpu.memref_slice %arg2[%add3A_23] : memref<320000xi32, #tpu.memory_space<hbm>> -> memref<80xi32, #tpu.memory_space<hbm>>
        tpu.wait_dma2 semaphore(%run_scoped3A : memref<!tpu.dma_semaphore, #tpu.memory_space<semaphore_mem>>) src(%dma_wait3A_25 : memref<80xi32, #tpu.memory_space<hbm>>) dst(%arg6 : memref<80xi32, #tpu.memory_space<vmem>>)
        tpu.yield
      }) : () -> ()
      "tpu.region"() ({
        %run_scoped3A = tpu.sem_alloc : memref<!tpu.dma_semaphore, #tpu.memory_space<semaphore_mem>>
        %dma_start3A = arith.constant 0 : i32
        %dma_start3A_24 = arith.constant 0 : i32
        %dma_start3A_25 = tpu.memref_slice %arg8[%dma_start3A, %dma_start3A_24] : memref<10000x128xf32, #tpu.memory_space<vmem_shared>> -> memref<10000x128xf32, #tpu.memory_space<vmem_shared>>
        tpu.enqueue_indirect_dma source(%arg7 : memref<80x128xf32, #tpu.memory_space<vmem>>) target(%dma_start3A_25 : memref<10000x128xf32, #tpu.memory_space<vmem_shared>>) offsets(%arg6 : memref<80xi32, #tpu.memory_space<vmem>>) semaphore(%run_scoped3A : memref<!tpu.dma_semaphore, #tpu.memory_space<semaphore_mem>>) {add = true}
        %dma_wait3A = arith.constant 0 : i32
        %dma_wait3A_26 = arith.constant 0 : i32
        %dma_wait3A_27 = tpu.memref_slice %arg8[%dma_wait3A, %dma_wait3A_26] : memref<10000x128xf32, #tpu.memory_space<vmem_shared>> -> memref<10000x128xf32, #tpu.memory_space<vmem_shared>>
        tpu.wait_indirect_dma semaphore(%run_scoped3A : memref<!tpu.dma_semaphore, #tpu.memory_space<semaphore_mem>>) src(%arg7 : memref<80x128xf32, #tpu.memory_space<vmem>>) dst(%dma_wait3A_27 : memref<10000x128xf32, #tpu.memory_space<vmem_shared>>)
        tpu.yield
      }) : () -> ()
    }
    %scan3A_9 = arith.constant 125 : i32
    %barrier3A_10 = arith.constant 0 : index
    tpu.barrier barrier_id(%barrier3A_10)
    %mul3A_11 = arith.constant 624 : i32
    %mul3A_12 = arith.muli %arg1, %mul3A_11 : i32
    "tpu.region"() ({
      %run_scoped3A = tpu.sem_alloc : memref<!tpu.dma_semaphore, #tpu.memory_space<semaphore_mem>>
      %dma_start3A = arith.constant 0 : i32
      %dma_start3A_18 = tpu.memref_slice %arg5[%arg0, %mul3A_12, %dma_start3A] : memref<2x10000x128xf32, #tpu.memory_space<hbm>> -> memref<1x624x128xf32, #tpu.memory_space<hbm>>
      %dma_start3A_19 = tpu.memref_squeeze %dma_start3A_18 : memref<1x624x128xf32, #tpu.memory_space<hbm>> -> memref<624x128xf32, #tpu.memory_space<hbm>>
      %dma_start3A_20 = arith.constant 0 : i32
      %dma_start3A_21 = tpu.memref_slice %arg8[%mul3A_12, %dma_start3A_20] : memref<10000x128xf32, #tpu.memory_space<vmem_shared>> -> memref<624x128xf32, #tpu.memory_space<vmem_shared>>
      tpu.enqueue_dma source(%dma_start3A_21 : memref<624x128xf32, #tpu.memory_space<vmem_shared>>) target(%dma_start3A_19 : memref<624x128xf32, #tpu.memory_space<hbm>>) target_semaphore(%run_scoped3A : memref<!tpu.dma_semaphore, #tpu.memory_space<semaphore_mem>>)
      %dma_wait3A = arith.constant 0 : i32
      %dma_wait3A_22 = tpu.memref_slice %arg5[%arg0, %mul3A_12, %dma_wait3A] : memref<2x10000x128xf32, #tpu.memory_space<hbm>> -> memref<1x624x128xf32, #tpu.memory_space<hbm>>
      %dma_wait3A_23 = tpu.memref_squeeze %dma_wait3A_22 : memref<1x624x128xf32, #tpu.memory_space<hbm>> -> memref<624x128xf32, #tpu.memory_space<hbm>>
      %dma_wait3A_24 = arith.constant 0 : i32
      %dma_wait3A_25 = tpu.memref_slice %arg8[%mul3A_12, %dma_wait3A_24] : memref<10000x128xf32, #tpu.memory_space<vmem_shared>> -> memref<624x128xf32, #tpu.memory_space<vmem_shared>>
      tpu.wait_dma2 semaphore(%run_scoped3A : memref<!tpu.dma_semaphore, #tpu.memory_space<semaphore_mem>>) src(%dma_wait3A_25 : memref<624x128xf32, #tpu.memory_space<vmem_shared>>) dst(%dma_wait3A_23 : memref<624x128xf32, #tpu.memory_space<hbm>>)
      tpu.yield
    }) : () -> ()
    %eq3A_13 = arith.constant 15 : i32
    %eq3A_14 = arith.cmpi eq, %arg1, %eq3A_13 : i32
    %convert_element_type3A_15 = arith.extui %eq3A_14 : i1 to i32
    %cond3A_16 = arith.constant 0 : i32
    %cond3A_17 = arith.cmpi ne, %convert_element_type3A_15, %cond3A_16 : i32
    scf.if %cond3A_17 {
      "tpu.region"() ({
        %run_scoped3A = tpu.sem_alloc : memref<!tpu.dma_semaphore, #tpu.memory_space<semaphore_mem>>
        %dma_start3A = arith.constant 9984 : i32
        %dma_start3A_18 = arith.constant 0 : i32
        %dma_start3A_19 = tpu.memref_slice %arg5[%arg0, %dma_start3A, %dma_start3A_18] : memref<2x10000x128xf32, #tpu.memory_space<hbm>> -> memref<1x16x128xf32, #tpu.memory_space<hbm>>
        %dma_start3A_20 = tpu.memref_squeeze %dma_start3A_19 : memref<1x16x128xf32, #tpu.memory_space<hbm>> -> memref<16x128xf32, #tpu.memory_space<hbm>>
        %dma_start3A_21 = arith.constant 9984 : i32
        %dma_start3A_22 = arith.constant 0 : i32
        %dma_start3A_23 = tpu.memref_slice %arg8[%dma_start3A_21, %dma_start3A_22] : memref<10000x128xf32, #tpu.memory_space<vmem_shared>> -> memref<16x128xf32, #tpu.memory_space<vmem_shared>>
        tpu.enqueue_dma source(%dma_start3A_23 : memref<16x128xf32, #tpu.memory_space<vmem_shared>>) target(%dma_start3A_20 : memref<16x128xf32, #tpu.memory_space<hbm>>) target_semaphore(%run_scoped3A : memref<!tpu.dma_semaphore, #tpu.memory_space<semaphore_mem>>)
        %dma_wait3A = arith.constant 9984 : i32
        %dma_wait3A_24 = arith.constant 0 : i32
        %dma_wait3A_25 = tpu.memref_slice %arg5[%arg0, %dma_wait3A, %dma_wait3A_24] : memref<2x10000x128xf32, #tpu.memory_space<hbm>> -> memref<1x16x128xf32, #tpu.memory_space<hbm>>
        %dma_wait3A_26 = tpu.memref_squeeze %dma_wait3A_25 : memref<1x16x128xf32, #tpu.memory_space<hbm>> -> memref<16x128xf32, #tpu.memory_space<hbm>>
        %dma_wait3A_27 = arith.constant 9984 : i32
        %dma_wait3A_28 = arith.constant 0 : i32
        %dma_wait3A_29 = tpu.memref_slice %arg8[%dma_wait3A_27, %dma_wait3A_28] : memref<10000x128xf32, #tpu.memory_space<vmem_shared>> -> memref<16x128xf32, #tpu.memory_space<vmem_shared>>
        tpu.wait_dma2 semaphore(%run_scoped3A : memref<!tpu.dma_semaphore, #tpu.memory_space<semaphore_mem>>) src(%dma_wait3A_29 : memref<16x128xf32, #tpu.memory_space<vmem_shared>>) dst(%dma_wait3A_26 : memref<16x128xf32, #tpu.memory_space<hbm>>)
        tpu.yield
      }) : () -> ()
    } else {
    }
    return
  }
}

#map = affine_map<(d0, d1) -> (0, 0)>
#map1 = affine_map<(d0, d1) -> (0)>
module attributes {stable_mosaic.version = 14 : i64} {
  func.func @_agg_cs_body(%arg0: i32, %arg1: i32, %arg2: memref<10000x128xf32, #tpu.memory_space<hbm>>, %arg3: memref<10000x128xf32, #tpu.memory_space<hbm>>, %arg4: memref<320000xi32, #tpu.memory_space<hbm>>, %arg5: memref<320000xi32, #tpu.memory_space<hbm>>, %arg6: memref<10000x128xf32, #tpu.memory_space<hbm>>, %arg7: memref<10000x128xf32, #tpu.memory_space<hbm>>, %arg8: memref<10000x128xf32, #tpu.memory_space<hbm>>, %arg9: memref<80xi32, #tpu.memory_space<vmem>>, %arg10: memref<80xi32, #tpu.memory_space<vmem>>, %arg11: memref<80x128xf32, #tpu.memory_space<vmem>>, %arg12: memref<10000x128xf32, #tpu.memory_space<vmem_shared>>, %arg13: memref<!tpu.dma_semaphore, #tpu.memory_space<semaphore_mem>>) attributes {dimension_semantics = [#tpu.dimension_semantics<core_parallel>, #tpu.dimension_semantics<subcore_parallel>], iteration_bounds = array<i64: 2, 16>, scalar_prefetch = 0 : i64, scratch_operands = 5 : i64, tpu.core_type = #tpu.core_type<sc_vector_subcore>, window_params = [{transform_indices = #map}, {transform_indices = #map}, {transform_indices = #map1}, {transform_indices = #map1}, {transform_indices = #map}, {transform_indices = #map}, {transform_indices = #map}]} {
    %eq3A = arith.constant 0 : i32
    %eq3A_0 = arith.cmpi eq, %arg0, %eq3A : i32
    %convert_element_type3A = arith.extui %eq3A_0 : i1 to i32
    %cond3A = arith.constant 0 : i32
    %cond3A_1 = arith.cmpi ne, %convert_element_type3A, %cond3A : i32
    scf.if %cond3A_1 {
      %mul3A = arith.constant 624 : i32
      %mul3A_7 = arith.muli %arg1, %mul3A : i32
      "tpu.region"() ({
        %run_scoped3A = tpu.sem_alloc : memref<!tpu.dma_semaphore, #tpu.memory_space<semaphore_mem>>
        %dma_start3A = arith.constant 0 : i32
        %dma_start3A_26 = tpu.memref_slice %arg12[%mul3A_7, %dma_start3A] : memref<10000x128xf32, #tpu.memory_space<vmem_shared>> -> memref<624x128xf32, #tpu.memory_space<vmem_shared>>
        %dma_start3A_27 = arith.constant 0 : i32
        %dma_start3A_28 = tpu.memref_slice %arg6[%mul3A_7, %dma_start3A_27] : memref<10000x128xf32, #tpu.memory_space<hbm>> -> memref<624x128xf32, #tpu.memory_space<hbm>>
        tpu.enqueue_dma source(%dma_start3A_28 : memref<624x128xf32, #tpu.memory_space<hbm>>) target(%dma_start3A_26 : memref<624x128xf32, #tpu.memory_space<vmem_shared>>) target_semaphore(%run_scoped3A : memref<!tpu.dma_semaphore, #tpu.memory_space<semaphore_mem>>)
        %dma_wait3A = arith.constant 0 : i32
        %dma_wait3A_29 = tpu.memref_slice %arg12[%mul3A_7, %dma_wait3A] : memref<10000x128xf32, #tpu.memory_space<vmem_shared>> -> memref<624x128xf32, #tpu.memory_space<vmem_shared>>
        %dma_wait3A_30 = arith.constant 0 : i32
        %dma_wait3A_31 = tpu.memref_slice %arg6[%mul3A_7, %dma_wait3A_30] : memref<10000x128xf32, #tpu.memory_space<hbm>> -> memref<624x128xf32, #tpu.memory_space<hbm>>
        tpu.wait_dma2 semaphore(%run_scoped3A : memref<!tpu.dma_semaphore, #tpu.memory_space<semaphore_mem>>) src(%dma_wait3A_31 : memref<624x128xf32, #tpu.memory_space<hbm>>) dst(%dma_wait3A_29 : memref<624x128xf32, #tpu.memory_space<vmem_shared>>)
        tpu.yield
      }) : () -> ()
      %eq3A_8 = arith.constant 15 : i32
      %eq3A_9 = arith.cmpi eq, %arg1, %eq3A_8 : i32
      %convert_element_type3A_10 = arith.extui %eq3A_9 : i1 to i32
      %cond3A_11 = arith.constant 0 : i32
      %cond3A_12 = arith.cmpi ne, %convert_element_type3A_10, %cond3A_11 : i32
      scf.if %cond3A_12 {
        "tpu.region"() ({
          %run_scoped3A = tpu.sem_alloc : memref<!tpu.dma_semaphore, #tpu.memory_space<semaphore_mem>>
          %dma_start3A = arith.constant 9984 : i32
          %dma_start3A_26 = arith.constant 0 : i32
          %dma_start3A_27 = tpu.memref_slice %arg12[%dma_start3A, %dma_start3A_26] : memref<10000x128xf32, #tpu.memory_space<vmem_shared>> -> memref<16x128xf32, #tpu.memory_space<vmem_shared>>
          %dma_start3A_28 = arith.constant 9984 : i32
          %dma_start3A_29 = arith.constant 0 : i32
          %dma_start3A_30 = tpu.memref_slice %arg6[%dma_start3A_28, %dma_start3A_29] : memref<10000x128xf32, #tpu.memory_space<hbm>> -> memref<16x128xf32, #tpu.memory_space<hbm>>
          tpu.enqueue_dma source(%dma_start3A_30 : memref<16x128xf32, #tpu.memory_space<hbm>>) target(%dma_start3A_27 : memref<16x128xf32, #tpu.memory_space<vmem_shared>>) target_semaphore(%run_scoped3A : memref<!tpu.dma_semaphore, #tpu.memory_space<semaphore_mem>>)
          %dma_wait3A = arith.constant 9984 : i32
          %dma_wait3A_31 = arith.constant 0 : i32
          %dma_wait3A_32 = tpu.memref_slice %arg12[%dma_wait3A, %dma_wait3A_31] : memref<10000x128xf32, #tpu.memory_space<vmem_shared>> -> memref<16x128xf32, #tpu.memory_space<vmem_shared>>
          %dma_wait3A_33 = arith.constant 9984 : i32
          %dma_wait3A_34 = arith.constant 0 : i32
          %dma_wait3A_35 = tpu.memref_slice %arg6[%dma_wait3A_33, %dma_wait3A_34] : memref<10000x128xf32, #tpu.memory_space<hbm>> -> memref<16x128xf32, #tpu.memory_space<hbm>>
          tpu.wait_dma2 semaphore(%run_scoped3A : memref<!tpu.dma_semaphore, #tpu.memory_space<semaphore_mem>>) src(%dma_wait3A_35 : memref<16x128xf32, #tpu.memory_space<hbm>>) dst(%dma_wait3A_32 : memref<16x128xf32, #tpu.memory_space<vmem_shared>>)
          tpu.yield
        }) : () -> ()
      } else {
      }
      %barrier3A = arith.constant 0 : index
      tpu.barrier barrier_id(%barrier3A)
      %scan3A = arith.constant 0 : i32
      %scan3A_13 = arith.constant 0 : i32
      %scan3A_14 = arith.constant 250 : i32
      %scan3A_15 = arith.addi %scan3A_13, %scan3A_14 : i32
      %scan3A_16 = arith.constant 1 : i32
      scf.for %scan3A_26 = %scan3A_13 to %scan3A_15 step %scan3A_16  : i32 {
        %mul3A_27 = arith.constant 20000 : i32
        %mul3A_28 = arith.muli %arg1, %mul3A_27 : i32
        %mul3A_29 = arith.constant 80 : i32
        %mul3A_30 = arith.muli %scan3A_26, %mul3A_29 : i32
        %add3A = arith.addi %mul3A_28, %mul3A_30 : i32
        "tpu.region"() ({
          %run_scoped3A = tpu.sem_alloc : memref<!tpu.dma_semaphore, #tpu.memory_space<semaphore_mem>>
          %dma_start3A_35 = tpu.memref_slice %arg4[%add3A] : memref<320000xi32, #tpu.memory_space<hbm>> -> memref<80xi32, #tpu.memory_space<hbm>>
          %dma_start3A_36 = tpu.memref_slice %arg4[%add3A] : memref<320000xi32, #tpu.memory_space<hbm>> -> memref<80xi32, #tpu.memory_space<hbm>>
          tpu.enqueue_dma source(%dma_start3A_36 : memref<80xi32, #tpu.memory_space<hbm>>) target(%arg9 : memref<80xi32, #tpu.memory_space<vmem>>) target_semaphore(%run_scoped3A : memref<!tpu.dma_semaphore, #tpu.memory_space<semaphore_mem>>)
          %dma_wait3A_37 = tpu.memref_slice %arg4[%add3A] : memref<320000xi32, #tpu.memory_space<hbm>> -> memref<80xi32, #tpu.memory_space<hbm>>
          %dma_wait3A_38 = tpu.memref_slice %arg4[%add3A] : memref<320000xi32, #tpu.memory_space<hbm>> -> memref<80xi32, #tpu.memory_space<hbm>>
          tpu.wait_dma2 semaphore(%run_scoped3A : memref<!tpu.dma_semaphore, #tpu.memory_space<semaphore_mem>>) src(%dma_wait3A_38 : memref<80xi32, #tpu.memory_space<hbm>>) dst(%arg9 : memref<80xi32, #tpu.memory_space<vmem>>)
          tpu.yield
        }) : () -> ()
        "tpu.region"() ({
          %run_scoped3A = tpu.sem_alloc : memref<!tpu.dma_semaphore, #tpu.memory_space<semaphore_mem>>
          %dma_start3A_35 = tpu.memref_slice %arg5[%add3A] : memref<320000xi32, #tpu.memory_space<hbm>> -> memref<80xi32, #tpu.memory_space<hbm>>
          %dma_start3A_36 = tpu.memref_slice %arg5[%add3A] : memref<320000xi32, #tpu.memory_space<hbm>> -> memref<80xi32, #tpu.memory_space<hbm>>
          tpu.enqueue_dma source(%dma_start3A_36 : memref<80xi32, #tpu.memory_space<hbm>>) target(%arg10 : memref<80xi32, #tpu.memory_space<vmem>>) target_semaphore(%run_scoped3A : memref<!tpu.dma_semaphore, #tpu.memory_space<semaphore_mem>>)
          %dma_wait3A_37 = tpu.memref_slice %arg5[%add3A] : memref<320000xi32, #tpu.memory_space<hbm>> -> memref<80xi32, #tpu.memory_space<hbm>>
          %dma_wait3A_38 = tpu.memref_slice %arg5[%add3A] : memref<320000xi32, #tpu.memory_space<hbm>> -> memref<80xi32, #tpu.memory_space<hbm>>
          tpu.wait_dma2 semaphore(%run_scoped3A : memref<!tpu.dma_semaphore, #tpu.memory_space<semaphore_mem>>) src(%dma_wait3A_38 : memref<80xi32, #tpu.memory_space<hbm>>) dst(%arg10 : memref<80xi32, #tpu.memory_space<vmem>>)
          tpu.yield
        }) : () -> ()
        %dma_start3A = arith.constant 0 : i32
        %dma_start3A_31 = arith.constant 0 : i32
        %dma_start3A_32 = tpu.memref_slice %arg2[%dma_start3A, %dma_start3A_31] : memref<10000x128xf32, #tpu.memory_space<hbm>> -> memref<10000x128xf32, #tpu.memory_space<hbm>>
        tpu.enqueue_indirect_dma source(%dma_start3A_32 : memref<10000x128xf32, #tpu.memory_space<hbm>>) target(%arg11 : memref<80x128xf32, #tpu.memory_space<vmem>>) offsets(%arg9 : memref<80xi32, #tpu.memory_space<vmem>>) semaphore(%arg13 : memref<!tpu.dma_semaphore, #tpu.memory_space<semaphore_mem>>)
        %dma_wait3A = arith.constant 0 : i32
        %dma_wait3A_33 = arith.constant 0 : i32
        %dma_wait3A_34 = tpu.memref_slice %arg2[%dma_wait3A, %dma_wait3A_33] : memref<10000x128xf32, #tpu.memory_space<hbm>> -> memref<10000x128xf32, #tpu.memory_space<hbm>>
        tpu.wait_indirect_dma semaphore(%arg13 : memref<!tpu.dma_semaphore, #tpu.memory_space<semaphore_mem>>) src(%dma_wait3A_34 : memref<10000x128xf32, #tpu.memory_space<hbm>>) dst(%arg11 : memref<80x128xf32, #tpu.memory_space<vmem>>)
        "tpu.region"() ({
          %run_scoped3A = tpu.sem_alloc : memref<!tpu.dma_semaphore, #tpu.memory_space<semaphore_mem>>
          %dma_start3A_35 = arith.constant 0 : i32
          %dma_start3A_36 = arith.constant 0 : i32
          %dma_start3A_37 = tpu.memref_slice %arg12[%dma_start3A_35, %dma_start3A_36] : memref<10000x128xf32, #tpu.memory_space<vmem_shared>> -> memref<10000x128xf32, #tpu.memory_space<vmem_shared>>
          tpu.enqueue_indirect_dma source(%arg11 : memref<80x128xf32, #tpu.memory_space<vmem>>) target(%dma_start3A_37 : memref<10000x128xf32, #tpu.memory_space<vmem_shared>>) offsets(%arg10 : memref<80xi32, #tpu.memory_space<vmem>>) semaphore(%run_scoped3A : memref<!tpu.dma_semaphore, #tpu.memory_space<semaphore_mem>>) {add = true}
          %dma_wait3A_38 = arith.constant 0 : i32
          %dma_wait3A_39 = arith.constant 0 : i32
          %dma_wait3A_40 = tpu.memref_slice %arg12[%dma_wait3A_38, %dma_wait3A_39] : memref<10000x128xf32, #tpu.memory_space<vmem_shared>> -> memref<10000x128xf32, #tpu.memory_space<vmem_shared>>
          tpu.wait_indirect_dma semaphore(%run_scoped3A : memref<!tpu.dma_semaphore, #tpu.memory_space<semaphore_mem>>) src(%arg11 : memref<80x128xf32, #tpu.memory_space<vmem>>) dst(%dma_wait3A_40 : memref<10000x128xf32, #tpu.memory_space<vmem_shared>>)
          tpu.yield
        }) : () -> ()
      }
      %scan3A_17 = arith.constant 250 : i32
      %barrier3A_18 = arith.constant 0 : index
      tpu.barrier barrier_id(%barrier3A_18)
      %mul3A_19 = arith.constant 624 : i32
      %mul3A_20 = arith.muli %arg1, %mul3A_19 : i32
      "tpu.region"() ({
        %run_scoped3A = tpu.sem_alloc : memref<!tpu.dma_semaphore, #tpu.memory_space<semaphore_mem>>
        %dma_start3A = arith.constant 0 : i32
        %dma_start3A_26 = tpu.memref_slice %arg7[%mul3A_20, %dma_start3A] : memref<10000x128xf32, #tpu.memory_space<hbm>> -> memref<624x128xf32, #tpu.memory_space<hbm>>
        %dma_start3A_27 = arith.constant 0 : i32
        %dma_start3A_28 = tpu.memref_slice %arg12[%mul3A_20, %dma_start3A_27] : memref<10000x128xf32, #tpu.memory_space<vmem_shared>> -> memref<624x128xf32, #tpu.memory_space<vmem_shared>>
        tpu.enqueue_dma source(%dma_start3A_28 : memref<624x128xf32, #tpu.memory_space<vmem_shared>>) target(%dma_start3A_26 : memref<624x128xf32, #tpu.memory_space<hbm>>) target_semaphore(%run_scoped3A : memref<!tpu.dma_semaphore, #tpu.memory_space<semaphore_mem>>)
        %dma_wait3A = arith.constant 0 : i32
        %dma_wait3A_29 = tpu.memref_slice %arg7[%mul3A_20, %dma_wait3A] : memref<10000x128xf32, #tpu.memory_space<hbm>> -> memref<624x128xf32, #tpu.memory_space<hbm>>
        %dma_wait3A_30 = arith.constant 0 : i32
        %dma_wait3A_31 = tpu.memref_slice %arg12[%mul3A_20, %dma_wait3A_30] : memref<10000x128xf32, #tpu.memory_space<vmem_shared>> -> memref<624x128xf32, #tpu.memory_space<vmem_shared>>
        tpu.wait_dma2 semaphore(%run_scoped3A : memref<!tpu.dma_semaphore, #tpu.memory_space<semaphore_mem>>) src(%dma_wait3A_31 : memref<624x128xf32, #tpu.memory_space<vmem_shared>>) dst(%dma_wait3A_29 : memref<624x128xf32, #tpu.memory_space<hbm>>)
        tpu.yield
      }) : () -> ()
      %eq3A_21 = arith.constant 15 : i32
      %eq3A_22 = arith.cmpi eq, %arg1, %eq3A_21 : i32
      %convert_element_type3A_23 = arith.extui %eq3A_22 : i1 to i32
      %cond3A_24 = arith.constant 0 : i32
      %cond3A_25 = arith.cmpi ne, %convert_element_type3A_23, %cond3A_24 : i32
      scf.if %cond3A_25 {
        "tpu.region"() ({
          %run_scoped3A = tpu.sem_alloc : memref<!tpu.dma_semaphore, #tpu.memory_space<semaphore_mem>>
          %dma_start3A = arith.constant 9984 : i32
          %dma_start3A_26 = arith.constant 0 : i32
          %dma_start3A_27 = tpu.memref_slice %arg7[%dma_start3A, %dma_start3A_26] : memref<10000x128xf32, #tpu.memory_space<hbm>> -> memref<16x128xf32, #tpu.memory_space<hbm>>
          %dma_start3A_28 = arith.constant 9984 : i32
          %dma_start3A_29 = arith.constant 0 : i32
          %dma_start3A_30 = tpu.memref_slice %arg12[%dma_start3A_28, %dma_start3A_29] : memref<10000x128xf32, #tpu.memory_space<vmem_shared>> -> memref<16x128xf32, #tpu.memory_space<vmem_shared>>
          tpu.enqueue_dma source(%dma_start3A_30 : memref<16x128xf32, #tpu.memory_space<vmem_shared>>) target(%dma_start3A_27 : memref<16x128xf32, #tpu.memory_space<hbm>>) target_semaphore(%run_scoped3A : memref<!tpu.dma_semaphore, #tpu.memory_space<semaphore_mem>>)
          %dma_wait3A = arith.constant 9984 : i32
          %dma_wait3A_31 = arith.constant 0 : i32
          %dma_wait3A_32 = tpu.memref_slice %arg7[%dma_wait3A, %dma_wait3A_31] : memref<10000x128xf32, #tpu.memory_space<hbm>> -> memref<16x128xf32, #tpu.memory_space<hbm>>
          %dma_wait3A_33 = arith.constant 9984 : i32
          %dma_wait3A_34 = arith.constant 0 : i32
          %dma_wait3A_35 = tpu.memref_slice %arg12[%dma_wait3A_33, %dma_wait3A_34] : memref<10000x128xf32, #tpu.memory_space<vmem_shared>> -> memref<16x128xf32, #tpu.memory_space<vmem_shared>>
          tpu.wait_dma2 semaphore(%run_scoped3A : memref<!tpu.dma_semaphore, #tpu.memory_space<semaphore_mem>>) src(%dma_wait3A_35 : memref<16x128xf32, #tpu.memory_space<vmem_shared>>) dst(%dma_wait3A_32 : memref<16x128xf32, #tpu.memory_space<hbm>>)
          tpu.yield
        }) : () -> ()
      } else {
      }
    } else {
    }
    %eq3A_2 = arith.constant 1 : i32
    %eq3A_3 = arith.cmpi eq, %arg0, %eq3A_2 : i32
    %convert_element_type3A_4 = arith.extui %eq3A_3 : i1 to i32
    %cond3A_5 = arith.constant 0 : i32
    %cond3A_6 = arith.cmpi ne, %convert_element_type3A_4, %cond3A_5 : i32
    scf.if %cond3A_6 {
      %mul3A = arith.constant 624 : i32
      %mul3A_7 = arith.muli %arg1, %mul3A : i32
      "tpu.region"() ({
        %run_scoped3A = tpu.sem_alloc : memref<!tpu.dma_semaphore, #tpu.memory_space<semaphore_mem>>
        %dma_start3A = arith.constant 0 : i32
        %dma_start3A_26 = tpu.memref_slice %arg12[%mul3A_7, %dma_start3A] : memref<10000x128xf32, #tpu.memory_space<vmem_shared>> -> memref<624x128xf32, #tpu.memory_space<vmem_shared>>
        %dma_start3A_27 = arith.constant 0 : i32
        %dma_start3A_28 = tpu.memref_slice %arg6[%mul3A_7, %dma_start3A_27] : memref<10000x128xf32, #tpu.memory_space<hbm>> -> memref<624x128xf32, #tpu.memory_space<hbm>>
        tpu.enqueue_dma source(%dma_start3A_28 : memref<624x128xf32, #tpu.memory_space<hbm>>) target(%dma_start3A_26 : memref<624x128xf32, #tpu.memory_space<vmem_shared>>) target_semaphore(%run_scoped3A : memref<!tpu.dma_semaphore, #tpu.memory_space<semaphore_mem>>)
        %dma_wait3A = arith.constant 0 : i32
        %dma_wait3A_29 = tpu.memref_slice %arg12[%mul3A_7, %dma_wait3A] : memref<10000x128xf32, #tpu.memory_space<vmem_shared>> -> memref<624x128xf32, #tpu.memory_space<vmem_shared>>
        %dma_wait3A_30 = arith.constant 0 : i32
        %dma_wait3A_31 = tpu.memref_slice %arg6[%mul3A_7, %dma_wait3A_30] : memref<10000x128xf32, #tpu.memory_space<hbm>> -> memref<624x128xf32, #tpu.memory_space<hbm>>
        tpu.wait_dma2 semaphore(%run_scoped3A : memref<!tpu.dma_semaphore, #tpu.memory_space<semaphore_mem>>) src(%dma_wait3A_31 : memref<624x128xf32, #tpu.memory_space<hbm>>) dst(%dma_wait3A_29 : memref<624x128xf32, #tpu.memory_space<vmem_shared>>)
        tpu.yield
      }) : () -> ()
      %eq3A_8 = arith.constant 15 : i32
      %eq3A_9 = arith.cmpi eq, %arg1, %eq3A_8 : i32
      %convert_element_type3A_10 = arith.extui %eq3A_9 : i1 to i32
      %cond3A_11 = arith.constant 0 : i32
      %cond3A_12 = arith.cmpi ne, %convert_element_type3A_10, %cond3A_11 : i32
      scf.if %cond3A_12 {
        "tpu.region"() ({
          %run_scoped3A = tpu.sem_alloc : memref<!tpu.dma_semaphore, #tpu.memory_space<semaphore_mem>>
          %dma_start3A = arith.constant 9984 : i32
          %dma_start3A_26 = arith.constant 0 : i32
          %dma_start3A_27 = tpu.memref_slice %arg12[%dma_start3A, %dma_start3A_26] : memref<10000x128xf32, #tpu.memory_space<vmem_shared>> -> memref<16x128xf32, #tpu.memory_space<vmem_shared>>
          %dma_start3A_28 = arith.constant 9984 : i32
          %dma_start3A_29 = arith.constant 0 : i32
          %dma_start3A_30 = tpu.memref_slice %arg6[%dma_start3A_28, %dma_start3A_29] : memref<10000x128xf32, #tpu.memory_space<hbm>> -> memref<16x128xf32, #tpu.memory_space<hbm>>
          tpu.enqueue_dma source(%dma_start3A_30 : memref<16x128xf32, #tpu.memory_space<hbm>>) target(%dma_start3A_27 : memref<16x128xf32, #tpu.memory_space<vmem_shared>>) target_semaphore(%run_scoped3A : memref<!tpu.dma_semaphore, #tpu.memory_space<semaphore_mem>>)
          %dma_wait3A = arith.constant 9984 : i32
          %dma_wait3A_31 = arith.constant 0 : i32
          %dma_wait3A_32 = tpu.memref_slice %arg12[%dma_wait3A, %dma_wait3A_31] : memref<10000x128xf32, #tpu.memory_space<vmem_shared>> -> memref<16x128xf32, #tpu.memory_space<vmem_shared>>
          %dma_wait3A_33 = arith.constant 9984 : i32
          %dma_wait3A_34 = arith.constant 0 : i32
          %dma_wait3A_35 = tpu.memref_slice %arg6[%dma_wait3A_33, %dma_wait3A_34] : memref<10000x128xf32, #tpu.memory_space<hbm>> -> memref<16x128xf32, #tpu.memory_space<hbm>>
          tpu.wait_dma2 semaphore(%run_scoped3A : memref<!tpu.dma_semaphore, #tpu.memory_space<semaphore_mem>>) src(%dma_wait3A_35 : memref<16x128xf32, #tpu.memory_space<hbm>>) dst(%dma_wait3A_32 : memref<16x128xf32, #tpu.memory_space<vmem_shared>>)
          tpu.yield
        }) : () -> ()
      } else {
      }
      %barrier3A = arith.constant 0 : index
      tpu.barrier barrier_id(%barrier3A)
      %scan3A = arith.constant 0 : i32
      %scan3A_13 = arith.constant 0 : i32
      %scan3A_14 = arith.constant 250 : i32
      %scan3A_15 = arith.addi %scan3A_13, %scan3A_14 : i32
      %scan3A_16 = arith.constant 1 : i32
      scf.for %scan3A_26 = %scan3A_13 to %scan3A_15 step %scan3A_16  : i32 {
        %mul3A_27 = arith.constant 20000 : i32
        %mul3A_28 = arith.muli %arg1, %mul3A_27 : i32
        %mul3A_29 = arith.constant 80 : i32
        %mul3A_30 = arith.muli %scan3A_26, %mul3A_29 : i32
        %add3A = arith.addi %mul3A_28, %mul3A_30 : i32
        "tpu.region"() ({
          %run_scoped3A = tpu.sem_alloc : memref<!tpu.dma_semaphore, #tpu.memory_space<semaphore_mem>>
          %dma_start3A_35 = tpu.memref_slice %arg4[%add3A] : memref<320000xi32, #tpu.memory_space<hbm>> -> memref<80xi32, #tpu.memory_space<hbm>>
          %dma_start3A_36 = tpu.memref_slice %arg4[%add3A] : memref<320000xi32, #tpu.memory_space<hbm>> -> memref<80xi32, #tpu.memory_space<hbm>>
          tpu.enqueue_dma source(%dma_start3A_36 : memref<80xi32, #tpu.memory_space<hbm>>) target(%arg9 : memref<80xi32, #tpu.memory_space<vmem>>) target_semaphore(%run_scoped3A : memref<!tpu.dma_semaphore, #tpu.memory_space<semaphore_mem>>)
          %dma_wait3A_37 = tpu.memref_slice %arg4[%add3A] : memref<320000xi32, #tpu.memory_space<hbm>> -> memref<80xi32, #tpu.memory_space<hbm>>
          %dma_wait3A_38 = tpu.memref_slice %arg4[%add3A] : memref<320000xi32, #tpu.memory_space<hbm>> -> memref<80xi32, #tpu.memory_space<hbm>>
          tpu.wait_dma2 semaphore(%run_scoped3A : memref<!tpu.dma_semaphore, #tpu.memory_space<semaphore_mem>>) src(%dma_wait3A_38 : memref<80xi32, #tpu.memory_space<hbm>>) dst(%arg9 : memref<80xi32, #tpu.memory_space<vmem>>)
          tpu.yield
        }) : () -> ()
        "tpu.region"() ({
          %run_scoped3A = tpu.sem_alloc : memref<!tpu.dma_semaphore, #tpu.memory_space<semaphore_mem>>
          %dma_start3A_35 = tpu.memref_slice %arg5[%add3A] : memref<320000xi32, #tpu.memory_space<hbm>> -> memref<80xi32, #tpu.memory_space<hbm>>
          %dma_start3A_36 = tpu.memref_slice %arg5[%add3A] : memref<320000xi32, #tpu.memory_space<hbm>> -> memref<80xi32, #tpu.memory_space<hbm>>
          tpu.enqueue_dma source(%dma_start3A_36 : memref<80xi32, #tpu.memory_space<hbm>>) target(%arg10 : memref<80xi32, #tpu.memory_space<vmem>>) target_semaphore(%run_scoped3A : memref<!tpu.dma_semaphore, #tpu.memory_space<semaphore_mem>>)
          %dma_wait3A_37 = tpu.memref_slice %arg5[%add3A] : memref<320000xi32, #tpu.memory_space<hbm>> -> memref<80xi32, #tpu.memory_space<hbm>>
          %dma_wait3A_38 = tpu.memref_slice %arg5[%add3A] : memref<320000xi32, #tpu.memory_space<hbm>> -> memref<80xi32, #tpu.memory_space<hbm>>
          tpu.wait_dma2 semaphore(%run_scoped3A : memref<!tpu.dma_semaphore, #tpu.memory_space<semaphore_mem>>) src(%dma_wait3A_38 : memref<80xi32, #tpu.memory_space<hbm>>) dst(%arg10 : memref<80xi32, #tpu.memory_space<vmem>>)
          tpu.yield
        }) : () -> ()
        %dma_start3A = arith.constant 0 : i32
        %dma_start3A_31 = arith.constant 0 : i32
        %dma_start3A_32 = tpu.memref_slice %arg3[%dma_start3A, %dma_start3A_31] : memref<10000x128xf32, #tpu.memory_space<hbm>> -> memref<10000x128xf32, #tpu.memory_space<hbm>>
        tpu.enqueue_indirect_dma source(%dma_start3A_32 : memref<10000x128xf32, #tpu.memory_space<hbm>>) target(%arg11 : memref<80x128xf32, #tpu.memory_space<vmem>>) offsets(%arg9 : memref<80xi32, #tpu.memory_space<vmem>>) semaphore(%arg13 : memref<!tpu.dma_semaphore, #tpu.memory_space<semaphore_mem>>)
        %dma_wait3A = arith.constant 0 : i32
        %dma_wait3A_33 = arith.constant 0 : i32
        %dma_wait3A_34 = tpu.memref_slice %arg3[%dma_wait3A, %dma_wait3A_33] : memref<10000x128xf32, #tpu.memory_space<hbm>> -> memref<10000x128xf32, #tpu.memory_space<hbm>>
        tpu.wait_indirect_dma semaphore(%arg13 : memref<!tpu.dma_semaphore, #tpu.memory_space<semaphore_mem>>) src(%dma_wait3A_34 : memref<10000x128xf32, #tpu.memory_space<hbm>>) dst(%arg11 : memref<80x128xf32, #tpu.memory_space<vmem>>)
        "tpu.region"() ({
          %run_scoped3A = tpu.sem_alloc : memref<!tpu.dma_semaphore, #tpu.memory_space<semaphore_mem>>
          %dma_start3A_35 = arith.constant 0 : i32
          %dma_start3A_36 = arith.constant 0 : i32
          %dma_start3A_37 = tpu.memref_slice %arg12[%dma_start3A_35, %dma_start3A_36] : memref<10000x128xf32, #tpu.memory_space<vmem_shared>> -> memref<10000x128xf32, #tpu.memory_space<vmem_shared>>
          tpu.enqueue_indirect_dma source(%arg11 : memref<80x128xf32, #tpu.memory_space<vmem>>) target(%dma_start3A_37 : memref<10000x128xf32, #tpu.memory_space<vmem_shared>>) offsets(%arg10 : memref<80xi32, #tpu.memory_space<vmem>>) semaphore(%run_scoped3A : memref<!tpu.dma_semaphore, #tpu.memory_space<semaphore_mem>>) {add = true}
          %dma_wait3A_38 = arith.constant 0 : i32
          %dma_wait3A_39 = arith.constant 0 : i32
          %dma_wait3A_40 = tpu.memref_slice %arg12[%dma_wait3A_38, %dma_wait3A_39] : memref<10000x128xf32, #tpu.memory_space<vmem_shared>> -> memref<10000x128xf32, #tpu.memory_space<vmem_shared>>
          tpu.wait_indirect_dma semaphore(%run_scoped3A : memref<!tpu.dma_semaphore, #tpu.memory_space<semaphore_mem>>) src(%arg11 : memref<80x128xf32, #tpu.memory_space<vmem>>) dst(%dma_wait3A_40 : memref<10000x128xf32, #tpu.memory_space<vmem_shared>>)
          tpu.yield
        }) : () -> ()
      }
      %scan3A_17 = arith.constant 250 : i32
      %barrier3A_18 = arith.constant 0 : index
      tpu.barrier barrier_id(%barrier3A_18)
      %mul3A_19 = arith.constant 624 : i32
      %mul3A_20 = arith.muli %arg1, %mul3A_19 : i32
      "tpu.region"() ({
        %run_scoped3A = tpu.sem_alloc : memref<!tpu.dma_semaphore, #tpu.memory_space<semaphore_mem>>
        %dma_start3A = arith.constant 0 : i32
        %dma_start3A_26 = tpu.memref_slice %arg8[%mul3A_20, %dma_start3A] : memref<10000x128xf32, #tpu.memory_space<hbm>> -> memref<624x128xf32, #tpu.memory_space<hbm>>
        %dma_start3A_27 = arith.constant 0 : i32
        %dma_start3A_28 = tpu.memref_slice %arg12[%mul3A_20, %dma_start3A_27] : memref<10000x128xf32, #tpu.memory_space<vmem_shared>> -> memref<624x128xf32, #tpu.memory_space<vmem_shared>>
        tpu.enqueue_dma source(%dma_start3A_28 : memref<624x128xf32, #tpu.memory_space<vmem_shared>>) target(%dma_start3A_26 : memref<624x128xf32, #tpu.memory_space<hbm>>) target_semaphore(%run_scoped3A : memref<!tpu.dma_semaphore, #tpu.memory_space<semaphore_mem>>)
        %dma_wait3A = arith.constant 0 : i32
        %dma_wait3A_29 = tpu.memref_slice %arg8[%mul3A_20, %dma_wait3A] : memref<10000x128xf32, #tpu.memory_space<hbm>> -> memref<624x128xf32, #tpu.memory_space<hbm>>
        %dma_wait3A_30 = arith.constant 0 : i32
        %dma_wait3A_31 = tpu.memref_slice %arg12[%mul3A_20, %dma_wait3A_30] : memref<10000x128xf32, #tpu.memory_space<vmem_shared>> -> memref<624x128xf32, #tpu.memory_space<vmem_shared>>
        tpu.wait_dma2 semaphore(%run_scoped3A : memref<!tpu.dma_semaphore, #tpu.memory_space<semaphore_mem>>) src(%dma_wait3A_31 : memref<624x128xf32, #tpu.memory_space<vmem_shared>>) dst(%dma_wait3A_29 : memref<624x128xf32, #tpu.memory_space<hbm>>)
        tpu.yield
      }) : () -> ()
      %eq3A_21 = arith.constant 15 : i32
      %eq3A_22 = arith.cmpi eq, %arg1, %eq3A_21 : i32
      %convert_element_type3A_23 = arith.extui %eq3A_22 : i1 to i32
      %cond3A_24 = arith.constant 0 : i32
      %cond3A_25 = arith.cmpi ne, %convert_element_type3A_23, %cond3A_24 : i32
      scf.if %cond3A_25 {
        "tpu.region"() ({
          %run_scoped3A = tpu.sem_alloc : memref<!tpu.dma_semaphore, #tpu.memory_space<semaphore_mem>>
          %dma_start3A = arith.constant 9984 : i32
          %dma_start3A_26 = arith.constant 0 : i32
          %dma_start3A_27 = tpu.memref_slice %arg8[%dma_start3A, %dma_start3A_26] : memref<10000x128xf32, #tpu.memory_space<hbm>> -> memref<16x128xf32, #tpu.memory_space<hbm>>
          %dma_start3A_28 = arith.constant 9984 : i32
          %dma_start3A_29 = arith.constant 0 : i32
          %dma_start3A_30 = tpu.memref_slice %arg12[%dma_start3A_28, %dma_start3A_29] : memref<10000x128xf32, #tpu.memory_space<vmem_shared>> -> memref<16x128xf32, #tpu.memory_space<vmem_shared>>
          tpu.enqueue_dma source(%dma_start3A_30 : memref<16x128xf32, #tpu.memory_space<vmem_shared>>) target(%dma_start3A_27 : memref<16x128xf32, #tpu.memory_space<hbm>>) target_semaphore(%run_scoped3A : memref<!tpu.dma_semaphore, #tpu.memory_space<semaphore_mem>>)
          %dma_wait3A = arith.constant 9984 : i32
          %dma_wait3A_31 = arith.constant 0 : i32
          %dma_wait3A_32 = tpu.memref_slice %arg8[%dma_wait3A, %dma_wait3A_31] : memref<10000x128xf32, #tpu.memory_space<hbm>> -> memref<16x128xf32, #tpu.memory_space<hbm>>
          %dma_wait3A_33 = arith.constant 9984 : i32
          %dma_wait3A_34 = arith.constant 0 : i32
          %dma_wait3A_35 = tpu.memref_slice %arg12[%dma_wait3A_33, %dma_wait3A_34] : memref<10000x128xf32, #tpu.memory_space<vmem_shared>> -> memref<16x128xf32, #tpu.memory_space<vmem_shared>>
          tpu.wait_dma2 semaphore(%run_scoped3A : memref<!tpu.dma_semaphore, #tpu.memory_space<semaphore_mem>>) src(%dma_wait3A_35 : memref<16x128xf32, #tpu.memory_space<vmem_shared>>) dst(%dma_wait3A_32 : memref<16x128xf32, #tpu.memory_space<hbm>>)
          tpu.yield
        }) : () -> ()
      } else {
      }
    } else {
    }
    return
  }
}

#map = affine_map<(d0, d1) -> (0, 0)>
#map1 = affine_map<(d0, d1) -> (0)>
module attributes {stable_mosaic.version = 14 : i64} {
  func.func @_agg_cs_body(%arg0: i32, %arg1: i32, %arg2: memref<10000x128xf32, #tpu.memory_space<hbm>>, %arg3: memref<10000x128xf32, #tpu.memory_space<hbm>>, %arg4: memref<320000xi32, #tpu.memory_space<hbm>>, %arg5: memref<320000xi32, #tpu.memory_space<hbm>>, %arg6: memref<10000x128xf32, #tpu.memory_space<hbm>>, %arg7: memref<10000x128xf32, #tpu.memory_space<hbm>>, %arg8: memref<10000x128xf32, #tpu.memory_space<hbm>>, %arg9: memref<80xi32, #tpu.memory_space<vmem>>, %arg10: memref<80xi32, #tpu.memory_space<vmem>>, %arg11: memref<80x128xf32, #tpu.memory_space<vmem>>, %arg12: memref<10000x128xf32, #tpu.memory_space<vmem_shared>>, %arg13: memref<!tpu.dma_semaphore, #tpu.memory_space<semaphore_mem>>) attributes {dimension_semantics = [#tpu.dimension_semantics<core_parallel>, #tpu.dimension_semantics<subcore_parallel>], iteration_bounds = array<i64: 2, 16>, scalar_prefetch = 0 : i64, scratch_operands = 5 : i64, tpu.core_type = #tpu.core_type<sc_vector_subcore>, window_params = [{transform_indices = #map}, {transform_indices = #map}, {transform_indices = #map1}, {transform_indices = #map1}, {transform_indices = #map}, {transform_indices = #map}, {transform_indices = #map}]} {
    %eq3A = arith.constant 0 : i32
    %eq3A_0 = arith.cmpi eq, %arg0, %eq3A : i32
    %convert_element_type3A = arith.extui %eq3A_0 : i1 to i32
    %cond3A = arith.constant 0 : i32
    %cond3A_1 = arith.cmpi ne, %convert_element_type3A, %cond3A : i32
    scf.if %cond3A_1 {
      %mul3A = arith.constant 624 : i32
      %mul3A_7 = arith.muli %arg1, %mul3A : i32
      "tpu.region"() ({
        %run_scoped3A = tpu.sem_alloc : memref<!tpu.dma_semaphore, #tpu.memory_space<semaphore_mem>>
        %dma_start3A = arith.constant 0 : i32
        %dma_start3A_26 = tpu.memref_slice %arg12[%mul3A_7, %dma_start3A] : memref<10000x128xf32, #tpu.memory_space<vmem_shared>> -> memref<624x128xf32, #tpu.memory_space<vmem_shared>>
        %dma_start3A_27 = arith.constant 0 : i32
        %dma_start3A_28 = tpu.memref_slice %arg6[%mul3A_7, %dma_start3A_27] : memref<10000x128xf32, #tpu.memory_space<hbm>> -> memref<624x128xf32, #tpu.memory_space<hbm>>
        tpu.enqueue_dma source(%dma_start3A_28 : memref<624x128xf32, #tpu.memory_space<hbm>>) target(%dma_start3A_26 : memref<624x128xf32, #tpu.memory_space<vmem_shared>>) target_semaphore(%run_scoped3A : memref<!tpu.dma_semaphore, #tpu.memory_space<semaphore_mem>>)
        %dma_wait3A = arith.constant 0 : i32
        %dma_wait3A_29 = tpu.memref_slice %arg12[%mul3A_7, %dma_wait3A] : memref<10000x128xf32, #tpu.memory_space<vmem_shared>> -> memref<624x128xf32, #tpu.memory_space<vmem_shared>>
        %dma_wait3A_30 = arith.constant 0 : i32
        %dma_wait3A_31 = tpu.memref_slice %arg6[%mul3A_7, %dma_wait3A_30] : memref<10000x128xf32, #tpu.memory_space<hbm>> -> memref<624x128xf32, #tpu.memory_space<hbm>>
        tpu.wait_dma2 semaphore(%run_scoped3A : memref<!tpu.dma_semaphore, #tpu.memory_space<semaphore_mem>>) src(%dma_wait3A_31 : memref<624x128xf32, #tpu.memory_space<hbm>>) dst(%dma_wait3A_29 : memref<624x128xf32, #tpu.memory_space<vmem_shared>>)
        tpu.yield
      }) : () -> ()
      %eq3A_8 = arith.constant 15 : i32
      %eq3A_9 = arith.cmpi eq, %arg1, %eq3A_8 : i32
      %convert_element_type3A_10 = arith.extui %eq3A_9 : i1 to i32
      %cond3A_11 = arith.constant 0 : i32
      %cond3A_12 = arith.cmpi ne, %convert_element_type3A_10, %cond3A_11 : i32
      scf.if %cond3A_12 {
        "tpu.region"() ({
          %run_scoped3A = tpu.sem_alloc : memref<!tpu.dma_semaphore, #tpu.memory_space<semaphore_mem>>
          %dma_start3A = arith.constant 9984 : i32
          %dma_start3A_26 = arith.constant 0 : i32
          %dma_start3A_27 = tpu.memref_slice %arg12[%dma_start3A, %dma_start3A_26] : memref<10000x128xf32, #tpu.memory_space<vmem_shared>> -> memref<16x128xf32, #tpu.memory_space<vmem_shared>>
          %dma_start3A_28 = arith.constant 9984 : i32
          %dma_start3A_29 = arith.constant 0 : i32
          %dma_start3A_30 = tpu.memref_slice %arg6[%dma_start3A_28, %dma_start3A_29] : memref<10000x128xf32, #tpu.memory_space<hbm>> -> memref<16x128xf32, #tpu.memory_space<hbm>>
          tpu.enqueue_dma source(%dma_start3A_30 : memref<16x128xf32, #tpu.memory_space<hbm>>) target(%dma_start3A_27 : memref<16x128xf32, #tpu.memory_space<vmem_shared>>) target_semaphore(%run_scoped3A : memref<!tpu.dma_semaphore, #tpu.memory_space<semaphore_mem>>)
          %dma_wait3A = arith.constant 9984 : i32
          %dma_wait3A_31 = arith.constant 0 : i32
          %dma_wait3A_32 = tpu.memref_slice %arg12[%dma_wait3A, %dma_wait3A_31] : memref<10000x128xf32, #tpu.memory_space<vmem_shared>> -> memref<16x128xf32, #tpu.memory_space<vmem_shared>>
          %dma_wait3A_33 = arith.constant 9984 : i32
          %dma_wait3A_34 = arith.constant 0 : i32
          %dma_wait3A_35 = tpu.memref_slice %arg6[%dma_wait3A_33, %dma_wait3A_34] : memref<10000x128xf32, #tpu.memory_space<hbm>> -> memref<16x128xf32, #tpu.memory_space<hbm>>
          tpu.wait_dma2 semaphore(%run_scoped3A : memref<!tpu.dma_semaphore, #tpu.memory_space<semaphore_mem>>) src(%dma_wait3A_35 : memref<16x128xf32, #tpu.memory_space<hbm>>) dst(%dma_wait3A_32 : memref<16x128xf32, #tpu.memory_space<vmem_shared>>)
          tpu.yield
        }) : () -> ()
      } else {
      }
      %barrier3A = arith.constant 0 : index
      tpu.barrier barrier_id(%barrier3A)
      %scan3A = arith.constant 0 : i32
      %scan3A_13 = arith.constant 0 : i32
      %scan3A_14 = arith.constant 250 : i32
      %scan3A_15 = arith.addi %scan3A_13, %scan3A_14 : i32
      %scan3A_16 = arith.constant 1 : i32
      scf.for %scan3A_26 = %scan3A_13 to %scan3A_15 step %scan3A_16  : i32 {
        %mul3A_27 = arith.constant 20000 : i32
        %mul3A_28 = arith.muli %arg1, %mul3A_27 : i32
        %mul3A_29 = arith.constant 80 : i32
        %mul3A_30 = arith.muli %scan3A_26, %mul3A_29 : i32
        %add3A = arith.addi %mul3A_28, %mul3A_30 : i32
        "tpu.region"() ({
          %run_scoped3A = tpu.sem_alloc : memref<!tpu.dma_semaphore, #tpu.memory_space<semaphore_mem>>
          %dma_start3A_35 = tpu.memref_slice %arg4[%add3A] : memref<320000xi32, #tpu.memory_space<hbm>> -> memref<80xi32, #tpu.memory_space<hbm>>
          %dma_start3A_36 = tpu.memref_slice %arg4[%add3A] : memref<320000xi32, #tpu.memory_space<hbm>> -> memref<80xi32, #tpu.memory_space<hbm>>
          tpu.enqueue_dma source(%dma_start3A_36 : memref<80xi32, #tpu.memory_space<hbm>>) target(%arg9 : memref<80xi32, #tpu.memory_space<vmem>>) target_semaphore(%run_scoped3A : memref<!tpu.dma_semaphore, #tpu.memory_space<semaphore_mem>>)
          %dma_wait3A_37 = tpu.memref_slice %arg4[%add3A] : memref<320000xi32, #tpu.memory_space<hbm>> -> memref<80xi32, #tpu.memory_space<hbm>>
          %dma_wait3A_38 = tpu.memref_slice %arg4[%add3A] : memref<320000xi32, #tpu.memory_space<hbm>> -> memref<80xi32, #tpu.memory_space<hbm>>
          tpu.wait_dma2 semaphore(%run_scoped3A : memref<!tpu.dma_semaphore, #tpu.memory_space<semaphore_mem>>) src(%dma_wait3A_38 : memref<80xi32, #tpu.memory_space<hbm>>) dst(%arg9 : memref<80xi32, #tpu.memory_space<vmem>>)
          tpu.yield
        }) : () -> ()
        "tpu.region"() ({
          %run_scoped3A = tpu.sem_alloc : memref<!tpu.dma_semaphore, #tpu.memory_space<semaphore_mem>>
          %dma_start3A_35 = tpu.memref_slice %arg5[%add3A] : memref<320000xi32, #tpu.memory_space<hbm>> -> memref<80xi32, #tpu.memory_space<hbm>>
          %dma_start3A_36 = tpu.memref_slice %arg5[%add3A] : memref<320000xi32, #tpu.memory_space<hbm>> -> memref<80xi32, #tpu.memory_space<hbm>>
          tpu.enqueue_dma source(%dma_start3A_36 : memref<80xi32, #tpu.memory_space<hbm>>) target(%arg10 : memref<80xi32, #tpu.memory_space<vmem>>) target_semaphore(%run_scoped3A : memref<!tpu.dma_semaphore, #tpu.memory_space<semaphore_mem>>)
          %dma_wait3A_37 = tpu.memref_slice %arg5[%add3A] : memref<320000xi32, #tpu.memory_space<hbm>> -> memref<80xi32, #tpu.memory_space<hbm>>
          %dma_wait3A_38 = tpu.memref_slice %arg5[%add3A] : memref<320000xi32, #tpu.memory_space<hbm>> -> memref<80xi32, #tpu.memory_space<hbm>>
          tpu.wait_dma2 semaphore(%run_scoped3A : memref<!tpu.dma_semaphore, #tpu.memory_space<semaphore_mem>>) src(%dma_wait3A_38 : memref<80xi32, #tpu.memory_space<hbm>>) dst(%arg10 : memref<80xi32, #tpu.memory_space<vmem>>)
          tpu.yield
        }) : () -> ()
        %dma_start3A = arith.constant 0 : i32
        %dma_start3A_31 = arith.constant 0 : i32
        %dma_start3A_32 = tpu.memref_slice %arg2[%dma_start3A, %dma_start3A_31] : memref<10000x128xf32, #tpu.memory_space<hbm>> -> memref<10000x128xf32, #tpu.memory_space<hbm>>
        tpu.enqueue_indirect_dma source(%dma_start3A_32 : memref<10000x128xf32, #tpu.memory_space<hbm>>) target(%arg11 : memref<80x128xf32, #tpu.memory_space<vmem>>) offsets(%arg9 : memref<80xi32, #tpu.memory_space<vmem>>) semaphore(%arg13 : memref<!tpu.dma_semaphore, #tpu.memory_space<semaphore_mem>>)
        %dma_wait3A = arith.constant 0 : i32
        %dma_wait3A_33 = arith.constant 0 : i32
        %dma_wait3A_34 = tpu.memref_slice %arg2[%dma_wait3A, %dma_wait3A_33] : memref<10000x128xf32, #tpu.memory_space<hbm>> -> memref<10000x128xf32, #tpu.memory_space<hbm>>
        tpu.wait_indirect_dma semaphore(%arg13 : memref<!tpu.dma_semaphore, #tpu.memory_space<semaphore_mem>>) src(%dma_wait3A_34 : memref<10000x128xf32, #tpu.memory_space<hbm>>) dst(%arg11 : memref<80x128xf32, #tpu.memory_space<vmem>>)
        "tpu.region"() ({
          %run_scoped3A = tpu.sem_alloc : memref<!tpu.dma_semaphore, #tpu.memory_space<semaphore_mem>>
          %dma_start3A_35 = arith.constant 0 : i32
          %dma_start3A_36 = arith.constant 0 : i32
          %dma_start3A_37 = tpu.memref_slice %arg12[%dma_start3A_35, %dma_start3A_36] : memref<10000x128xf32, #tpu.memory_space<vmem_shared>> -> memref<10000x128xf32, #tpu.memory_space<vmem_shared>>
          tpu.enqueue_indirect_dma source(%arg11 : memref<80x128xf32, #tpu.memory_space<vmem>>) target(%dma_start3A_37 : memref<10000x128xf32, #tpu.memory_space<vmem_shared>>) offsets(%arg10 : memref<80xi32, #tpu.memory_space<vmem>>) semaphore(%run_scoped3A : memref<!tpu.dma_semaphore, #tpu.memory_space<semaphore_mem>>) {add = true}
          %dma_wait3A_38 = arith.constant 0 : i32
          %dma_wait3A_39 = arith.constant 0 : i32
          %dma_wait3A_40 = tpu.memref_slice %arg12[%dma_wait3A_38, %dma_wait3A_39] : memref<10000x128xf32, #tpu.memory_space<vmem_shared>> -> memref<10000x128xf32, #tpu.memory_space<vmem_shared>>
          tpu.wait_indirect_dma semaphore(%run_scoped3A : memref<!tpu.dma_semaphore, #tpu.memory_space<semaphore_mem>>) src(%arg11 : memref<80x128xf32, #tpu.memory_space<vmem>>) dst(%dma_wait3A_40 : memref<10000x128xf32, #tpu.memory_space<vmem_shared>>)
          tpu.yield
        }) : () -> ()
      }
      %scan3A_17 = arith.constant 250 : i32
      %barrier3A_18 = arith.constant 0 : index
      tpu.barrier barrier_id(%barrier3A_18)
      %mul3A_19 = arith.constant 624 : i32
      %mul3A_20 = arith.muli %arg1, %mul3A_19 : i32
      "tpu.region"() ({
        %run_scoped3A = tpu.sem_alloc : memref<!tpu.dma_semaphore, #tpu.memory_space<semaphore_mem>>
        %dma_start3A = arith.constant 0 : i32
        %dma_start3A_26 = tpu.memref_slice %arg7[%mul3A_20, %dma_start3A] : memref<10000x128xf32, #tpu.memory_space<hbm>> -> memref<624x128xf32, #tpu.memory_space<hbm>>
        %dma_start3A_27 = arith.constant 0 : i32
        %dma_start3A_28 = tpu.memref_slice %arg12[%mul3A_20, %dma_start3A_27] : memref<10000x128xf32, #tpu.memory_space<vmem_shared>> -> memref<624x128xf32, #tpu.memory_space<vmem_shared>>
        tpu.enqueue_dma source(%dma_start3A_28 : memref<624x128xf32, #tpu.memory_space<vmem_shared>>) target(%dma_start3A_26 : memref<624x128xf32, #tpu.memory_space<hbm>>) target_semaphore(%run_scoped3A : memref<!tpu.dma_semaphore, #tpu.memory_space<semaphore_mem>>)
        %dma_wait3A = arith.constant 0 : i32
        %dma_wait3A_29 = tpu.memref_slice %arg7[%mul3A_20, %dma_wait3A] : memref<10000x128xf32, #tpu.memory_space<hbm>> -> memref<624x128xf32, #tpu.memory_space<hbm>>
        %dma_wait3A_30 = arith.constant 0 : i32
        %dma_wait3A_31 = tpu.memref_slice %arg12[%mul3A_20, %dma_wait3A_30] : memref<10000x128xf32, #tpu.memory_space<vmem_shared>> -> memref<624x128xf32, #tpu.memory_space<vmem_shared>>
        tpu.wait_dma2 semaphore(%run_scoped3A : memref<!tpu.dma_semaphore, #tpu.memory_space<semaphore_mem>>) src(%dma_wait3A_31 : memref<624x128xf32, #tpu.memory_space<vmem_shared>>) dst(%dma_wait3A_29 : memref<624x128xf32, #tpu.memory_space<hbm>>)
        tpu.yield
      }) : () -> ()
      %eq3A_21 = arith.constant 15 : i32
      %eq3A_22 = arith.cmpi eq, %arg1, %eq3A_21 : i32
      %convert_element_type3A_23 = arith.extui %eq3A_22 : i1 to i32
      %cond3A_24 = arith.constant 0 : i32
      %cond3A_25 = arith.cmpi ne, %convert_element_type3A_23, %cond3A_24 : i32
      scf.if %cond3A_25 {
        "tpu.region"() ({
          %run_scoped3A = tpu.sem_alloc : memref<!tpu.dma_semaphore, #tpu.memory_space<semaphore_mem>>
          %dma_start3A = arith.constant 9984 : i32
          %dma_start3A_26 = arith.constant 0 : i32
          %dma_start3A_27 = tpu.memref_slice %arg7[%dma_start3A, %dma_start3A_26] : memref<10000x128xf32, #tpu.memory_space<hbm>> -> memref<16x128xf32, #tpu.memory_space<hbm>>
          %dma_start3A_28 = arith.constant 9984 : i32
          %dma_start3A_29 = arith.constant 0 : i32
          %dma_start3A_30 = tpu.memref_slice %arg12[%dma_start3A_28, %dma_start3A_29] : memref<10000x128xf32, #tpu.memory_space<vmem_shared>> -> memref<16x128xf32, #tpu.memory_space<vmem_shared>>
          tpu.enqueue_dma source(%dma_start3A_30 : memref<16x128xf32, #tpu.memory_space<vmem_shared>>) target(%dma_start3A_27 : memref<16x128xf32, #tpu.memory_space<hbm>>) target_semaphore(%run_scoped3A : memref<!tpu.dma_semaphore, #tpu.memory_space<semaphore_mem>>)
          %dma_wait3A = arith.constant 9984 : i32
          %dma_wait3A_31 = arith.constant 0 : i32
          %dma_wait3A_32 = tpu.memref_slice %arg7[%dma_wait3A, %dma_wait3A_31] : memref<10000x128xf32, #tpu.memory_space<hbm>> -> memref<16x128xf32, #tpu.memory_space<hbm>>
          %dma_wait3A_33 = arith.constant 9984 : i32
          %dma_wait3A_34 = arith.constant 0 : i32
          %dma_wait3A_35 = tpu.memref_slice %arg12[%dma_wait3A_33, %dma_wait3A_34] : memref<10000x128xf32, #tpu.memory_space<vmem_shared>> -> memref<16x128xf32, #tpu.memory_space<vmem_shared>>
          tpu.wait_dma2 semaphore(%run_scoped3A : memref<!tpu.dma_semaphore, #tpu.memory_space<semaphore_mem>>) src(%dma_wait3A_35 : memref<16x128xf32, #tpu.memory_space<vmem_shared>>) dst(%dma_wait3A_32 : memref<16x128xf32, #tpu.memory_space<hbm>>)
          tpu.yield
        }) : () -> ()
      } else {
      }
    } else {
    }
    %eq3A_2 = arith.constant 1 : i32
    %eq3A_3 = arith.cmpi eq, %arg0, %eq3A_2 : i32
    %convert_element_type3A_4 = arith.extui %eq3A_3 : i1 to i32
    %cond3A_5 = arith.constant 0 : i32
    %cond3A_6 = arith.cmpi ne, %convert_element_type3A_4, %cond3A_5 : i32
    scf.if %cond3A_6 {
      %mul3A = arith.constant 624 : i32
      %mul3A_7 = arith.muli %arg1, %mul3A : i32
      "tpu.region"() ({
        %run_scoped3A = tpu.sem_alloc : memref<!tpu.dma_semaphore, #tpu.memory_space<semaphore_mem>>
        %dma_start3A = arith.constant 0 : i32
        %dma_start3A_26 = tpu.memref_slice %arg12[%mul3A_7, %dma_start3A] : memref<10000x128xf32, #tpu.memory_space<vmem_shared>> -> memref<624x128xf32, #tpu.memory_space<vmem_shared>>
        %dma_start3A_27 = arith.constant 0 : i32
        %dma_start3A_28 = tpu.memref_slice %arg6[%mul3A_7, %dma_start3A_27] : memref<10000x128xf32, #tpu.memory_space<hbm>> -> memref<624x128xf32, #tpu.memory_space<hbm>>
        tpu.enqueue_dma source(%dma_start3A_28 : memref<624x128xf32, #tpu.memory_space<hbm>>) target(%dma_start3A_26 : memref<624x128xf32, #tpu.memory_space<vmem_shared>>) target_semaphore(%run_scoped3A : memref<!tpu.dma_semaphore, #tpu.memory_space<semaphore_mem>>)
        %dma_wait3A = arith.constant 0 : i32
        %dma_wait3A_29 = tpu.memref_slice %arg12[%mul3A_7, %dma_wait3A] : memref<10000x128xf32, #tpu.memory_space<vmem_shared>> -> memref<624x128xf32, #tpu.memory_space<vmem_shared>>
        %dma_wait3A_30 = arith.constant 0 : i32
        %dma_wait3A_31 = tpu.memref_slice %arg6[%mul3A_7, %dma_wait3A_30] : memref<10000x128xf32, #tpu.memory_space<hbm>> -> memref<624x128xf32, #tpu.memory_space<hbm>>
        tpu.wait_dma2 semaphore(%run_scoped3A : memref<!tpu.dma_semaphore, #tpu.memory_space<semaphore_mem>>) src(%dma_wait3A_31 : memref<624x128xf32, #tpu.memory_space<hbm>>) dst(%dma_wait3A_29 : memref<624x128xf32, #tpu.memory_space<vmem_shared>>)
        tpu.yield
      }) : () -> ()
      %eq3A_8 = arith.constant 15 : i32
      %eq3A_9 = arith.cmpi eq, %arg1, %eq3A_8 : i32
      %convert_element_type3A_10 = arith.extui %eq3A_9 : i1 to i32
      %cond3A_11 = arith.constant 0 : i32
      %cond3A_12 = arith.cmpi ne, %convert_element_type3A_10, %cond3A_11 : i32
      scf.if %cond3A_12 {
        "tpu.region"() ({
          %run_scoped3A = tpu.sem_alloc : memref<!tpu.dma_semaphore, #tpu.memory_space<semaphore_mem>>
          %dma_start3A = arith.constant 9984 : i32
          %dma_start3A_26 = arith.constant 0 : i32
          %dma_start3A_27 = tpu.memref_slice %arg12[%dma_start3A, %dma_start3A_26] : memref<10000x128xf32, #tpu.memory_space<vmem_shared>> -> memref<16x128xf32, #tpu.memory_space<vmem_shared>>
          %dma_start3A_28 = arith.constant 9984 : i32
          %dma_start3A_29 = arith.constant 0 : i32
          %dma_start3A_30 = tpu.memref_slice %arg6[%dma_start3A_28, %dma_start3A_29] : memref<10000x128xf32, #tpu.memory_space<hbm>> -> memref<16x128xf32, #tpu.memory_space<hbm>>
          tpu.enqueue_dma source(%dma_start3A_30 : memref<16x128xf32, #tpu.memory_space<hbm>>) target(%dma_start3A_27 : memref<16x128xf32, #tpu.memory_space<vmem_shared>>) target_semaphore(%run_scoped3A : memref<!tpu.dma_semaphore, #tpu.memory_space<semaphore_mem>>)
          %dma_wait3A = arith.constant 9984 : i32
          %dma_wait3A_31 = arith.constant 0 : i32
          %dma_wait3A_32 = tpu.memref_slice %arg12[%dma_wait3A, %dma_wait3A_31] : memref<10000x128xf32, #tpu.memory_space<vmem_shared>> -> memref<16x128xf32, #tpu.memory_space<vmem_shared>>
          %dma_wait3A_33 = arith.constant 9984 : i32
          %dma_wait3A_34 = arith.constant 0 : i32
          %dma_wait3A_35 = tpu.memref_slice %arg6[%dma_wait3A_33, %dma_wait3A_34] : memref<10000x128xf32, #tpu.memory_space<hbm>> -> memref<16x128xf32, #tpu.memory_space<hbm>>
          tpu.wait_dma2 semaphore(%run_scoped3A : memref<!tpu.dma_semaphore, #tpu.memory_space<semaphore_mem>>) src(%dma_wait3A_35 : memref<16x128xf32, #tpu.memory_space<hbm>>) dst(%dma_wait3A_32 : memref<16x128xf32, #tpu.memory_space<vmem_shared>>)
          tpu.yield
        }) : () -> ()
      } else {
      }
      %barrier3A = arith.constant 0 : index
      tpu.barrier barrier_id(%barrier3A)
      %scan3A = arith.constant 0 : i32
      %scan3A_13 = arith.constant 0 : i32
      %scan3A_14 = arith.constant 250 : i32
      %scan3A_15 = arith.addi %scan3A_13, %scan3A_14 : i32
      %scan3A_16 = arith.constant 1 : i32
      scf.for %scan3A_26 = %scan3A_13 to %scan3A_15 step %scan3A_16  : i32 {
        %mul3A_27 = arith.constant 20000 : i32
        %mul3A_28 = arith.muli %arg1, %mul3A_27 : i32
        %mul3A_29 = arith.constant 80 : i32
        %mul3A_30 = arith.muli %scan3A_26, %mul3A_29 : i32
        %add3A = arith.addi %mul3A_28, %mul3A_30 : i32
        "tpu.region"() ({
          %run_scoped3A = tpu.sem_alloc : memref<!tpu.dma_semaphore, #tpu.memory_space<semaphore_mem>>
          %dma_start3A_35 = tpu.memref_slice %arg4[%add3A] : memref<320000xi32, #tpu.memory_space<hbm>> -> memref<80xi32, #tpu.memory_space<hbm>>
          %dma_start3A_36 = tpu.memref_slice %arg4[%add3A] : memref<320000xi32, #tpu.memory_space<hbm>> -> memref<80xi32, #tpu.memory_space<hbm>>
          tpu.enqueue_dma source(%dma_start3A_36 : memref<80xi32, #tpu.memory_space<hbm>>) target(%arg9 : memref<80xi32, #tpu.memory_space<vmem>>) target_semaphore(%run_scoped3A : memref<!tpu.dma_semaphore, #tpu.memory_space<semaphore_mem>>)
          %dma_wait3A_37 = tpu.memref_slice %arg4[%add3A] : memref<320000xi32, #tpu.memory_space<hbm>> -> memref<80xi32, #tpu.memory_space<hbm>>
          %dma_wait3A_38 = tpu.memref_slice %arg4[%add3A] : memref<320000xi32, #tpu.memory_space<hbm>> -> memref<80xi32, #tpu.memory_space<hbm>>
          tpu.wait_dma2 semaphore(%run_scoped3A : memref<!tpu.dma_semaphore, #tpu.memory_space<semaphore_mem>>) src(%dma_wait3A_38 : memref<80xi32, #tpu.memory_space<hbm>>) dst(%arg9 : memref<80xi32, #tpu.memory_space<vmem>>)
          tpu.yield
        }) : () -> ()
        "tpu.region"() ({
          %run_scoped3A = tpu.sem_alloc : memref<!tpu.dma_semaphore, #tpu.memory_space<semaphore_mem>>
          %dma_start3A_35 = tpu.memref_slice %arg5[%add3A] : memref<320000xi32, #tpu.memory_space<hbm>> -> memref<80xi32, #tpu.memory_space<hbm>>
          %dma_start3A_36 = tpu.memref_slice %arg5[%add3A] : memref<320000xi32, #tpu.memory_space<hbm>> -> memref<80xi32, #tpu.memory_space<hbm>>
          tpu.enqueue_dma source(%dma_start3A_36 : memref<80xi32, #tpu.memory_space<hbm>>) target(%arg10 : memref<80xi32, #tpu.memory_space<vmem>>) target_semaphore(%run_scoped3A : memref<!tpu.dma_semaphore, #tpu.memory_space<semaphore_mem>>)
          %dma_wait3A_37 = tpu.memref_slice %arg5[%add3A] : memref<320000xi32, #tpu.memory_space<hbm>> -> memref<80xi32, #tpu.memory_space<hbm>>
          %dma_wait3A_38 = tpu.memref_slice %arg5[%add3A] : memref<320000xi32, #tpu.memory_space<hbm>> -> memref<80xi32, #tpu.memory_space<hbm>>
          tpu.wait_dma2 semaphore(%run_scoped3A : memref<!tpu.dma_semaphore, #tpu.memory_space<semaphore_mem>>) src(%dma_wait3A_38 : memref<80xi32, #tpu.memory_space<hbm>>) dst(%arg10 : memref<80xi32, #tpu.memory_space<vmem>>)
          tpu.yield
        }) : () -> ()
        %dma_start3A = arith.constant 0 : i32
        %dma_start3A_31 = arith.constant 0 : i32
        %dma_start3A_32 = tpu.memref_slice %arg3[%dma_start3A, %dma_start3A_31] : memref<10000x128xf32, #tpu.memory_space<hbm>> -> memref<10000x128xf32, #tpu.memory_space<hbm>>
        tpu.enqueue_indirect_dma source(%dma_start3A_32 : memref<10000x128xf32, #tpu.memory_space<hbm>>) target(%arg11 : memref<80x128xf32, #tpu.memory_space<vmem>>) offsets(%arg9 : memref<80xi32, #tpu.memory_space<vmem>>) semaphore(%arg13 : memref<!tpu.dma_semaphore, #tpu.memory_space<semaphore_mem>>)
        %dma_wait3A = arith.constant 0 : i32
        %dma_wait3A_33 = arith.constant 0 : i32
        %dma_wait3A_34 = tpu.memref_slice %arg3[%dma_wait3A, %dma_wait3A_33] : memref<10000x128xf32, #tpu.memory_space<hbm>> -> memref<10000x128xf32, #tpu.memory_space<hbm>>
        tpu.wait_indirect_dma semaphore(%arg13 : memref<!tpu.dma_semaphore, #tpu.memory_space<semaphore_mem>>) src(%dma_wait3A_34 : memref<10000x128xf32, #tpu.memory_space<hbm>>) dst(%arg11 : memref<80x128xf32, #tpu.memory_space<vmem>>)
        "tpu.region"() ({
          %run_scoped3A = tpu.sem_alloc : memref<!tpu.dma_semaphore, #tpu.memory_space<semaphore_mem>>
          %dma_start3A_35 = arith.constant 0 : i32
          %dma_start3A_36 = arith.constant 0 : i32
          %dma_start3A_37 = tpu.memref_slice %arg12[%dma_start3A_35, %dma_start3A_36] : memref<10000x128xf32, #tpu.memory_space<vmem_shared>> -> memref<10000x128xf32, #tpu.memory_space<vmem_shared>>
          tpu.enqueue_indirect_dma source(%arg11 : memref<80x128xf32, #tpu.memory_space<vmem>>) target(%dma_start3A_37 : memref<10000x128xf32, #tpu.memory_space<vmem_shared>>) offsets(%arg10 : memref<80xi32, #tpu.memory_space<vmem>>) semaphore(%run_scoped3A : memref<!tpu.dma_semaphore, #tpu.memory_space<semaphore_mem>>) {add = true}
          %dma_wait3A_38 = arith.constant 0 : i32
          %dma_wait3A_39 = arith.constant 0 : i32
          %dma_wait3A_40 = tpu.memref_slice %arg12[%dma_wait3A_38, %dma_wait3A_39] : memref<10000x128xf32, #tpu.memory_space<vmem_shared>> -> memref<10000x128xf32, #tpu.memory_space<vmem_shared>>
          tpu.wait_indirect_dma semaphore(%run_scoped3A : memref<!tpu.dma_semaphore, #tpu.memory_space<semaphore_mem>>) src(%arg11 : memref<80x128xf32, #tpu.memory_space<vmem>>) dst(%dma_wait3A_40 : memref<10000x128xf32, #tpu.memory_space<vmem_shared>>)
          tpu.yield
        }) : () -> ()
      }
      %scan3A_17 = arith.constant 250 : i32
      %barrier3A_18 = arith.constant 0 : index
      tpu.barrier barrier_id(%barrier3A_18)
      %mul3A_19 = arith.constant 624 : i32
      %mul3A_20 = arith.muli %arg1, %mul3A_19 : i32
      "tpu.region"() ({
        %run_scoped3A = tpu.sem_alloc : memref<!tpu.dma_semaphore, #tpu.memory_space<semaphore_mem>>
        %dma_start3A = arith.constant 0 : i32
        %dma_start3A_26 = tpu.memref_slice %arg8[%mul3A_20, %dma_start3A] : memref<10000x128xf32, #tpu.memory_space<hbm>> -> memref<624x128xf32, #tpu.memory_space<hbm>>
        %dma_start3A_27 = arith.constant 0 : i32
        %dma_start3A_28 = tpu.memref_slice %arg12[%mul3A_20, %dma_start3A_27] : memref<10000x128xf32, #tpu.memory_space<vmem_shared>> -> memref<624x128xf32, #tpu.memory_space<vmem_shared>>
        tpu.enqueue_dma source(%dma_start3A_28 : memref<624x128xf32, #tpu.memory_space<vmem_shared>>) target(%dma_start3A_26 : memref<624x128xf32, #tpu.memory_space<hbm>>) target_semaphore(%run_scoped3A : memref<!tpu.dma_semaphore, #tpu.memory_space<semaphore_mem>>)
        %dma_wait3A = arith.constant 0 : i32
        %dma_wait3A_29 = tpu.memref_slice %arg8[%mul3A_20, %dma_wait3A] : memref<10000x128xf32, #tpu.memory_space<hbm>> -> memref<624x128xf32, #tpu.memory_space<hbm>>
        %dma_wait3A_30 = arith.constant 0 : i32
        %dma_wait3A_31 = tpu.memref_slice %arg12[%mul3A_20, %dma_wait3A_30] : memref<10000x128xf32, #tpu.memory_space<vmem_shared>> -> memref<624x128xf32, #tpu.memory_space<vmem_shared>>
        tpu.wait_dma2 semaphore(%run_scoped3A : memref<!tpu.dma_semaphore, #tpu.memory_space<semaphore_mem>>) src(%dma_wait3A_31 : memref<624x128xf32, #tpu.memory_space<vmem_shared>>) dst(%dma_wait3A_29 : memref<624x128xf32, #tpu.memory_space<hbm>>)
        tpu.yield
      }) : () -> ()
      %eq3A_21 = arith.constant 15 : i32
      %eq3A_22 = arith.cmpi eq, %arg1, %eq3A_21 : i32
      %convert_element_type3A_23 = arith.extui %eq3A_22 : i1 to i32
      %cond3A_24 = arith.constant 0 : i32
      %cond3A_25 = arith.cmpi ne, %convert_element_type3A_23, %cond3A_24 : i32
      scf.if %cond3A_25 {
        "tpu.region"() ({
          %run_scoped3A = tpu.sem_alloc : memref<!tpu.dma_semaphore, #tpu.memory_space<semaphore_mem>>
          %dma_start3A = arith.constant 9984 : i32
          %dma_start3A_26 = arith.constant 0 : i32
          %dma_start3A_27 = tpu.memref_slice %arg8[%dma_start3A, %dma_start3A_26] : memref<10000x128xf32, #tpu.memory_space<hbm>> -> memref<16x128xf32, #tpu.memory_space<hbm>>
          %dma_start3A_28 = arith.constant 9984 : i32
          %dma_start3A_29 = arith.constant 0 : i32
          %dma_start3A_30 = tpu.memref_slice %arg12[%dma_start3A_28, %dma_start3A_29] : memref<10000x128xf32, #tpu.memory_space<vmem_shared>> -> memref<16x128xf32, #tpu.memory_space<vmem_shared>>
          tpu.enqueue_dma source(%dma_start3A_30 : memref<16x128xf32, #tpu.memory_space<vmem_shared>>) target(%dma_start3A_27 : memref<16x128xf32, #tpu.memory_space<hbm>>) target_semaphore(%run_scoped3A : memref<!tpu.dma_semaphore, #tpu.memory_space<semaphore_mem>>)
          %dma_wait3A = arith.constant 9984 : i32
          %dma_wait3A_31 = arith.constant 0 : i32
          %dma_wait3A_32 = tpu.memref_slice %arg8[%dma_wait3A, %dma_wait3A_31] : memref<10000x128xf32, #tpu.memory_space<hbm>> -> memref<16x128xf32, #tpu.memory_space<hbm>>
          %dma_wait3A_33 = arith.constant 9984 : i32
          %dma_wait3A_34 = arith.constant 0 : i32
          %dma_wait3A_35 = tpu.memref_slice %arg12[%dma_wait3A_33, %dma_wait3A_34] : memref<10000x128xf32, #tpu.memory_space<vmem_shared>> -> memref<16x128xf32, #tpu.memory_space<vmem_shared>>
          tpu.wait_dma2 semaphore(%run_scoped3A : memref<!tpu.dma_semaphore, #tpu.memory_space<semaphore_mem>>) src(%dma_wait3A_35 : memref<16x128xf32, #tpu.memory_space<vmem_shared>>) dst(%dma_wait3A_32 : memref<16x128xf32, #tpu.memory_space<hbm>>)
          tpu.yield
        }) : () -> ()
      } else {
      }
    } else {
    }
    return
  }
}

#map = affine_map<(d0, d1) -> (0, 0)>
#map1 = affine_map<(d0, d1) -> (0)>
module attributes {stable_mosaic.version = 14 : i64} {
  func.func @_agg_cs_body(%arg0: i32, %arg1: i32, %arg2: memref<10000x128xf32, #tpu.memory_space<hbm>>, %arg3: memref<10000x128xf32, #tpu.memory_space<hbm>>, %arg4: memref<320000xi32, #tpu.memory_space<hbm>>, %arg5: memref<320000xi32, #tpu.memory_space<hbm>>, %arg6: memref<10000x128xf32, #tpu.memory_space<hbm>>, %arg7: memref<10000x128xf32, #tpu.memory_space<hbm>>, %arg8: memref<10000x128xf32, #tpu.memory_space<hbm>>, %arg9: memref<80xi32, #tpu.memory_space<vmem>>, %arg10: memref<80xi32, #tpu.memory_space<vmem>>, %arg11: memref<80x128xf32, #tpu.memory_space<vmem>>, %arg12: memref<10000x128xf32, #tpu.memory_space<vmem_shared>>, %arg13: memref<!tpu.dma_semaphore, #tpu.memory_space<semaphore_mem>>) attributes {dimension_semantics = [#tpu.dimension_semantics<core_parallel>, #tpu.dimension_semantics<subcore_parallel>], iteration_bounds = array<i64: 2, 16>, scalar_prefetch = 0 : i64, scratch_operands = 5 : i64, tpu.core_type = #tpu.core_type<sc_vector_subcore>, window_params = [{transform_indices = #map}, {transform_indices = #map}, {transform_indices = #map1}, {transform_indices = #map1}, {transform_indices = #map}, {transform_indices = #map}, {transform_indices = #map}]} {
    %eq3A = arith.constant 0 : i32
    %eq3A_0 = arith.cmpi eq, %arg0, %eq3A : i32
    %convert_element_type3A = arith.extui %eq3A_0 : i1 to i32
    %cond3A = arith.constant 0 : i32
    %cond3A_1 = arith.cmpi ne, %convert_element_type3A, %cond3A : i32
    scf.if %cond3A_1 {
      %mul3A = arith.constant 624 : i32
      %mul3A_7 = arith.muli %arg1, %mul3A : i32
      "tpu.region"() ({
        %run_scoped3A = tpu.sem_alloc : memref<!tpu.dma_semaphore, #tpu.memory_space<semaphore_mem>>
        %dma_start3A = arith.constant 0 : i32
        %dma_start3A_26 = tpu.memref_slice %arg12[%mul3A_7, %dma_start3A] : memref<10000x128xf32, #tpu.memory_space<vmem_shared>> -> memref<624x128xf32, #tpu.memory_space<vmem_shared>>
        %dma_start3A_27 = arith.constant 0 : i32
        %dma_start3A_28 = tpu.memref_slice %arg6[%mul3A_7, %dma_start3A_27] : memref<10000x128xf32, #tpu.memory_space<hbm>> -> memref<624x128xf32, #tpu.memory_space<hbm>>
        tpu.enqueue_dma source(%dma_start3A_28 : memref<624x128xf32, #tpu.memory_space<hbm>>) target(%dma_start3A_26 : memref<624x128xf32, #tpu.memory_space<vmem_shared>>) target_semaphore(%run_scoped3A : memref<!tpu.dma_semaphore, #tpu.memory_space<semaphore_mem>>)
        %dma_wait3A = arith.constant 0 : i32
        %dma_wait3A_29 = tpu.memref_slice %arg12[%mul3A_7, %dma_wait3A] : memref<10000x128xf32, #tpu.memory_space<vmem_shared>> -> memref<624x128xf32, #tpu.memory_space<vmem_shared>>
        %dma_wait3A_30 = arith.constant 0 : i32
        %dma_wait3A_31 = tpu.memref_slice %arg6[%mul3A_7, %dma_wait3A_30] : memref<10000x128xf32, #tpu.memory_space<hbm>> -> memref<624x128xf32, #tpu.memory_space<hbm>>
        tpu.wait_dma2 semaphore(%run_scoped3A : memref<!tpu.dma_semaphore, #tpu.memory_space<semaphore_mem>>) src(%dma_wait3A_31 : memref<624x128xf32, #tpu.memory_space<hbm>>) dst(%dma_wait3A_29 : memref<624x128xf32, #tpu.memory_space<vmem_shared>>)
        tpu.yield
      }) : () -> ()
      %eq3A_8 = arith.constant 15 : i32
      %eq3A_9 = arith.cmpi eq, %arg1, %eq3A_8 : i32
      %convert_element_type3A_10 = arith.extui %eq3A_9 : i1 to i32
      %cond3A_11 = arith.constant 0 : i32
      %cond3A_12 = arith.cmpi ne, %convert_element_type3A_10, %cond3A_11 : i32
      scf.if %cond3A_12 {
        "tpu.region"() ({
          %run_scoped3A = tpu.sem_alloc : memref<!tpu.dma_semaphore, #tpu.memory_space<semaphore_mem>>
          %dma_start3A = arith.constant 9984 : i32
          %dma_start3A_26 = arith.constant 0 : i32
          %dma_start3A_27 = tpu.memref_slice %arg12[%dma_start3A, %dma_start3A_26] : memref<10000x128xf32, #tpu.memory_space<vmem_shared>> -> memref<16x128xf32, #tpu.memory_space<vmem_shared>>
          %dma_start3A_28 = arith.constant 9984 : i32
          %dma_start3A_29 = arith.constant 0 : i32
          %dma_start3A_30 = tpu.memref_slice %arg6[%dma_start3A_28, %dma_start3A_29] : memref<10000x128xf32, #tpu.memory_space<hbm>> -> memref<16x128xf32, #tpu.memory_space<hbm>>
          tpu.enqueue_dma source(%dma_start3A_30 : memref<16x128xf32, #tpu.memory_space<hbm>>) target(%dma_start3A_27 : memref<16x128xf32, #tpu.memory_space<vmem_shared>>) target_semaphore(%run_scoped3A : memref<!tpu.dma_semaphore, #tpu.memory_space<semaphore_mem>>)
          %dma_wait3A = arith.constant 9984 : i32
          %dma_wait3A_31 = arith.constant 0 : i32
          %dma_wait3A_32 = tpu.memref_slice %arg12[%dma_wait3A, %dma_wait3A_31] : memref<10000x128xf32, #tpu.memory_space<vmem_shared>> -> memref<16x128xf32, #tpu.memory_space<vmem_shared>>
          %dma_wait3A_33 = arith.constant 9984 : i32
          %dma_wait3A_34 = arith.constant 0 : i32
          %dma_wait3A_35 = tpu.memref_slice %arg6[%dma_wait3A_33, %dma_wait3A_34] : memref<10000x128xf32, #tpu.memory_space<hbm>> -> memref<16x128xf32, #tpu.memory_space<hbm>>
          tpu.wait_dma2 semaphore(%run_scoped3A : memref<!tpu.dma_semaphore, #tpu.memory_space<semaphore_mem>>) src(%dma_wait3A_35 : memref<16x128xf32, #tpu.memory_space<hbm>>) dst(%dma_wait3A_32 : memref<16x128xf32, #tpu.memory_space<vmem_shared>>)
          tpu.yield
        }) : () -> ()
      } else {
      }
      %barrier3A = arith.constant 0 : index
      tpu.barrier barrier_id(%barrier3A)
      %scan3A = arith.constant 0 : i32
      %scan3A_13 = arith.constant 0 : i32
      %scan3A_14 = arith.constant 250 : i32
      %scan3A_15 = arith.addi %scan3A_13, %scan3A_14 : i32
      %scan3A_16 = arith.constant 1 : i32
      scf.for %scan3A_26 = %scan3A_13 to %scan3A_15 step %scan3A_16  : i32 {
        %mul3A_27 = arith.constant 20000 : i32
        %mul3A_28 = arith.muli %arg1, %mul3A_27 : i32
        %mul3A_29 = arith.constant 80 : i32
        %mul3A_30 = arith.muli %scan3A_26, %mul3A_29 : i32
        %add3A = arith.addi %mul3A_28, %mul3A_30 : i32
        "tpu.region"() ({
          %run_scoped3A = tpu.sem_alloc : memref<!tpu.dma_semaphore, #tpu.memory_space<semaphore_mem>>
          %dma_start3A_35 = tpu.memref_slice %arg4[%add3A] : memref<320000xi32, #tpu.memory_space<hbm>> -> memref<80xi32, #tpu.memory_space<hbm>>
          %dma_start3A_36 = tpu.memref_slice %arg4[%add3A] : memref<320000xi32, #tpu.memory_space<hbm>> -> memref<80xi32, #tpu.memory_space<hbm>>
          tpu.enqueue_dma source(%dma_start3A_36 : memref<80xi32, #tpu.memory_space<hbm>>) target(%arg9 : memref<80xi32, #tpu.memory_space<vmem>>) target_semaphore(%run_scoped3A : memref<!tpu.dma_semaphore, #tpu.memory_space<semaphore_mem>>)
          %dma_wait3A_37 = tpu.memref_slice %arg4[%add3A] : memref<320000xi32, #tpu.memory_space<hbm>> -> memref<80xi32, #tpu.memory_space<hbm>>
          %dma_wait3A_38 = tpu.memref_slice %arg4[%add3A] : memref<320000xi32, #tpu.memory_space<hbm>> -> memref<80xi32, #tpu.memory_space<hbm>>
          tpu.wait_dma2 semaphore(%run_scoped3A : memref<!tpu.dma_semaphore, #tpu.memory_space<semaphore_mem>>) src(%dma_wait3A_38 : memref<80xi32, #tpu.memory_space<hbm>>) dst(%arg9 : memref<80xi32, #tpu.memory_space<vmem>>)
          tpu.yield
        }) : () -> ()
        "tpu.region"() ({
          %run_scoped3A = tpu.sem_alloc : memref<!tpu.dma_semaphore, #tpu.memory_space<semaphore_mem>>
          %dma_start3A_35 = tpu.memref_slice %arg5[%add3A] : memref<320000xi32, #tpu.memory_space<hbm>> -> memref<80xi32, #tpu.memory_space<hbm>>
          %dma_start3A_36 = tpu.memref_slice %arg5[%add3A] : memref<320000xi32, #tpu.memory_space<hbm>> -> memref<80xi32, #tpu.memory_space<hbm>>
          tpu.enqueue_dma source(%dma_start3A_36 : memref<80xi32, #tpu.memory_space<hbm>>) target(%arg10 : memref<80xi32, #tpu.memory_space<vmem>>) target_semaphore(%run_scoped3A : memref<!tpu.dma_semaphore, #tpu.memory_space<semaphore_mem>>)
          %dma_wait3A_37 = tpu.memref_slice %arg5[%add3A] : memref<320000xi32, #tpu.memory_space<hbm>> -> memref<80xi32, #tpu.memory_space<hbm>>
          %dma_wait3A_38 = tpu.memref_slice %arg5[%add3A] : memref<320000xi32, #tpu.memory_space<hbm>> -> memref<80xi32, #tpu.memory_space<hbm>>
          tpu.wait_dma2 semaphore(%run_scoped3A : memref<!tpu.dma_semaphore, #tpu.memory_space<semaphore_mem>>) src(%dma_wait3A_38 : memref<80xi32, #tpu.memory_space<hbm>>) dst(%arg10 : memref<80xi32, #tpu.memory_space<vmem>>)
          tpu.yield
        }) : () -> ()
        %dma_start3A = arith.constant 0 : i32
        %dma_start3A_31 = arith.constant 0 : i32
        %dma_start3A_32 = tpu.memref_slice %arg2[%dma_start3A, %dma_start3A_31] : memref<10000x128xf32, #tpu.memory_space<hbm>> -> memref<10000x128xf32, #tpu.memory_space<hbm>>
        tpu.enqueue_indirect_dma source(%dma_start3A_32 : memref<10000x128xf32, #tpu.memory_space<hbm>>) target(%arg11 : memref<80x128xf32, #tpu.memory_space<vmem>>) offsets(%arg9 : memref<80xi32, #tpu.memory_space<vmem>>) semaphore(%arg13 : memref<!tpu.dma_semaphore, #tpu.memory_space<semaphore_mem>>)
        %dma_wait3A = arith.constant 0 : i32
        %dma_wait3A_33 = arith.constant 0 : i32
        %dma_wait3A_34 = tpu.memref_slice %arg2[%dma_wait3A, %dma_wait3A_33] : memref<10000x128xf32, #tpu.memory_space<hbm>> -> memref<10000x128xf32, #tpu.memory_space<hbm>>
        tpu.wait_indirect_dma semaphore(%arg13 : memref<!tpu.dma_semaphore, #tpu.memory_space<semaphore_mem>>) src(%dma_wait3A_34 : memref<10000x128xf32, #tpu.memory_space<hbm>>) dst(%arg11 : memref<80x128xf32, #tpu.memory_space<vmem>>)
        "tpu.region"() ({
          %run_scoped3A = tpu.sem_alloc : memref<!tpu.dma_semaphore, #tpu.memory_space<semaphore_mem>>
          %dma_start3A_35 = arith.constant 0 : i32
          %dma_start3A_36 = arith.constant 0 : i32
          %dma_start3A_37 = tpu.memref_slice %arg12[%dma_start3A_35, %dma_start3A_36] : memref<10000x128xf32, #tpu.memory_space<vmem_shared>> -> memref<10000x128xf32, #tpu.memory_space<vmem_shared>>
          tpu.enqueue_indirect_dma source(%arg11 : memref<80x128xf32, #tpu.memory_space<vmem>>) target(%dma_start3A_37 : memref<10000x128xf32, #tpu.memory_space<vmem_shared>>) offsets(%arg10 : memref<80xi32, #tpu.memory_space<vmem>>) semaphore(%run_scoped3A : memref<!tpu.dma_semaphore, #tpu.memory_space<semaphore_mem>>) {add = true}
          %dma_wait3A_38 = arith.constant 0 : i32
          %dma_wait3A_39 = arith.constant 0 : i32
          %dma_wait3A_40 = tpu.memref_slice %arg12[%dma_wait3A_38, %dma_wait3A_39] : memref<10000x128xf32, #tpu.memory_space<vmem_shared>> -> memref<10000x128xf32, #tpu.memory_space<vmem_shared>>
          tpu.wait_indirect_dma semaphore(%run_scoped3A : memref<!tpu.dma_semaphore, #tpu.memory_space<semaphore_mem>>) src(%arg11 : memref<80x128xf32, #tpu.memory_space<vmem>>) dst(%dma_wait3A_40 : memref<10000x128xf32, #tpu.memory_space<vmem_shared>>)
          tpu.yield
        }) : () -> ()
      }
      %scan3A_17 = arith.constant 250 : i32
      %barrier3A_18 = arith.constant 0 : index
      tpu.barrier barrier_id(%barrier3A_18)
      %mul3A_19 = arith.constant 624 : i32
      %mul3A_20 = arith.muli %arg1, %mul3A_19 : i32
      "tpu.region"() ({
        %run_scoped3A = tpu.sem_alloc : memref<!tpu.dma_semaphore, #tpu.memory_space<semaphore_mem>>
        %dma_start3A = arith.constant 0 : i32
        %dma_start3A_26 = tpu.memref_slice %arg7[%mul3A_20, %dma_start3A] : memref<10000x128xf32, #tpu.memory_space<hbm>> -> memref<624x128xf32, #tpu.memory_space<hbm>>
        %dma_start3A_27 = arith.constant 0 : i32
        %dma_start3A_28 = tpu.memref_slice %arg12[%mul3A_20, %dma_start3A_27] : memref<10000x128xf32, #tpu.memory_space<vmem_shared>> -> memref<624x128xf32, #tpu.memory_space<vmem_shared>>
        tpu.enqueue_dma source(%dma_start3A_28 : memref<624x128xf32, #tpu.memory_space<vmem_shared>>) target(%dma_start3A_26 : memref<624x128xf32, #tpu.memory_space<hbm>>) target_semaphore(%run_scoped3A : memref<!tpu.dma_semaphore, #tpu.memory_space<semaphore_mem>>)
        %dma_wait3A = arith.constant 0 : i32
        %dma_wait3A_29 = tpu.memref_slice %arg7[%mul3A_20, %dma_wait3A] : memref<10000x128xf32, #tpu.memory_space<hbm>> -> memref<624x128xf32, #tpu.memory_space<hbm>>
        %dma_wait3A_30 = arith.constant 0 : i32
        %dma_wait3A_31 = tpu.memref_slice %arg12[%mul3A_20, %dma_wait3A_30] : memref<10000x128xf32, #tpu.memory_space<vmem_shared>> -> memref<624x128xf32, #tpu.memory_space<vmem_shared>>
        tpu.wait_dma2 semaphore(%run_scoped3A : memref<!tpu.dma_semaphore, #tpu.memory_space<semaphore_mem>>) src(%dma_wait3A_31 : memref<624x128xf32, #tpu.memory_space<vmem_shared>>) dst(%dma_wait3A_29 : memref<624x128xf32, #tpu.memory_space<hbm>>)
        tpu.yield
      }) : () -> ()
      %eq3A_21 = arith.constant 15 : i32
      %eq3A_22 = arith.cmpi eq, %arg1, %eq3A_21 : i32
      %convert_element_type3A_23 = arith.extui %eq3A_22 : i1 to i32
      %cond3A_24 = arith.constant 0 : i32
      %cond3A_25 = arith.cmpi ne, %convert_element_type3A_23, %cond3A_24 : i32
      scf.if %cond3A_25 {
        "tpu.region"() ({
          %run_scoped3A = tpu.sem_alloc : memref<!tpu.dma_semaphore, #tpu.memory_space<semaphore_mem>>
          %dma_start3A = arith.constant 9984 : i32
          %dma_start3A_26 = arith.constant 0 : i32
          %dma_start3A_27 = tpu.memref_slice %arg7[%dma_start3A, %dma_start3A_26] : memref<10000x128xf32, #tpu.memory_space<hbm>> -> memref<16x128xf32, #tpu.memory_space<hbm>>
          %dma_start3A_28 = arith.constant 9984 : i32
          %dma_start3A_29 = arith.constant 0 : i32
          %dma_start3A_30 = tpu.memref_slice %arg12[%dma_start3A_28, %dma_start3A_29] : memref<10000x128xf32, #tpu.memory_space<vmem_shared>> -> memref<16x128xf32, #tpu.memory_space<vmem_shared>>
          tpu.enqueue_dma source(%dma_start3A_30 : memref<16x128xf32, #tpu.memory_space<vmem_shared>>) target(%dma_start3A_27 : memref<16x128xf32, #tpu.memory_space<hbm>>) target_semaphore(%run_scoped3A : memref<!tpu.dma_semaphore, #tpu.memory_space<semaphore_mem>>)
          %dma_wait3A = arith.constant 9984 : i32
          %dma_wait3A_31 = arith.constant 0 : i32
          %dma_wait3A_32 = tpu.memref_slice %arg7[%dma_wait3A, %dma_wait3A_31] : memref<10000x128xf32, #tpu.memory_space<hbm>> -> memref<16x128xf32, #tpu.memory_space<hbm>>
          %dma_wait3A_33 = arith.constant 9984 : i32
          %dma_wait3A_34 = arith.constant 0 : i32
          %dma_wait3A_35 = tpu.memref_slice %arg12[%dma_wait3A_33, %dma_wait3A_34] : memref<10000x128xf32, #tpu.memory_space<vmem_shared>> -> memref<16x128xf32, #tpu.memory_space<vmem_shared>>
          tpu.wait_dma2 semaphore(%run_scoped3A : memref<!tpu.dma_semaphore, #tpu.memory_space<semaphore_mem>>) src(%dma_wait3A_35 : memref<16x128xf32, #tpu.memory_space<vmem_shared>>) dst(%dma_wait3A_32 : memref<16x128xf32, #tpu.memory_space<hbm>>)
          tpu.yield
        }) : () -> ()
      } else {
      }
    } else {
    }
    %eq3A_2 = arith.constant 1 : i32
    %eq3A_3 = arith.cmpi eq, %arg0, %eq3A_2 : i32
    %convert_element_type3A_4 = arith.extui %eq3A_3 : i1 to i32
    %cond3A_5 = arith.constant 0 : i32
    %cond3A_6 = arith.cmpi ne, %convert_element_type3A_4, %cond3A_5 : i32
    scf.if %cond3A_6 {
      %mul3A = arith.constant 624 : i32
      %mul3A_7 = arith.muli %arg1, %mul3A : i32
      "tpu.region"() ({
        %run_scoped3A = tpu.sem_alloc : memref<!tpu.dma_semaphore, #tpu.memory_space<semaphore_mem>>
        %dma_start3A = arith.constant 0 : i32
        %dma_start3A_26 = tpu.memref_slice %arg12[%mul3A_7, %dma_start3A] : memref<10000x128xf32, #tpu.memory_space<vmem_shared>> -> memref<624x128xf32, #tpu.memory_space<vmem_shared>>
        %dma_start3A_27 = arith.constant 0 : i32
        %dma_start3A_28 = tpu.memref_slice %arg6[%mul3A_7, %dma_start3A_27] : memref<10000x128xf32, #tpu.memory_space<hbm>> -> memref<624x128xf32, #tpu.memory_space<hbm>>
        tpu.enqueue_dma source(%dma_start3A_28 : memref<624x128xf32, #tpu.memory_space<hbm>>) target(%dma_start3A_26 : memref<624x128xf32, #tpu.memory_space<vmem_shared>>) target_semaphore(%run_scoped3A : memref<!tpu.dma_semaphore, #tpu.memory_space<semaphore_mem>>)
        %dma_wait3A = arith.constant 0 : i32
        %dma_wait3A_29 = tpu.memref_slice %arg12[%mul3A_7, %dma_wait3A] : memref<10000x128xf32, #tpu.memory_space<vmem_shared>> -> memref<624x128xf32, #tpu.memory_space<vmem_shared>>
        %dma_wait3A_30 = arith.constant 0 : i32
        %dma_wait3A_31 = tpu.memref_slice %arg6[%mul3A_7, %dma_wait3A_30] : memref<10000x128xf32, #tpu.memory_space<hbm>> -> memref<624x128xf32, #tpu.memory_space<hbm>>
        tpu.wait_dma2 semaphore(%run_scoped3A : memref<!tpu.dma_semaphore, #tpu.memory_space<semaphore_mem>>) src(%dma_wait3A_31 : memref<624x128xf32, #tpu.memory_space<hbm>>) dst(%dma_wait3A_29 : memref<624x128xf32, #tpu.memory_space<vmem_shared>>)
        tpu.yield
      }) : () -> ()
      %eq3A_8 = arith.constant 15 : i32
      %eq3A_9 = arith.cmpi eq, %arg1, %eq3A_8 : i32
      %convert_element_type3A_10 = arith.extui %eq3A_9 : i1 to i32
      %cond3A_11 = arith.constant 0 : i32
      %cond3A_12 = arith.cmpi ne, %convert_element_type3A_10, %cond3A_11 : i32
      scf.if %cond3A_12 {
        "tpu.region"() ({
          %run_scoped3A = tpu.sem_alloc : memref<!tpu.dma_semaphore, #tpu.memory_space<semaphore_mem>>
          %dma_start3A = arith.constant 9984 : i32
          %dma_start3A_26 = arith.constant 0 : i32
          %dma_start3A_27 = tpu.memref_slice %arg12[%dma_start3A, %dma_start3A_26] : memref<10000x128xf32, #tpu.memory_space<vmem_shared>> -> memref<16x128xf32, #tpu.memory_space<vmem_shared>>
          %dma_start3A_28 = arith.constant 9984 : i32
          %dma_start3A_29 = arith.constant 0 : i32
          %dma_start3A_30 = tpu.memref_slice %arg6[%dma_start3A_28, %dma_start3A_29] : memref<10000x128xf32, #tpu.memory_space<hbm>> -> memref<16x128xf32, #tpu.memory_space<hbm>>
          tpu.enqueue_dma source(%dma_start3A_30 : memref<16x128xf32, #tpu.memory_space<hbm>>) target(%dma_start3A_27 : memref<16x128xf32, #tpu.memory_space<vmem_shared>>) target_semaphore(%run_scoped3A : memref<!tpu.dma_semaphore, #tpu.memory_space<semaphore_mem>>)
          %dma_wait3A = arith.constant 9984 : i32
          %dma_wait3A_31 = arith.constant 0 : i32
          %dma_wait3A_32 = tpu.memref_slice %arg12[%dma_wait3A, %dma_wait3A_31] : memref<10000x128xf32, #tpu.memory_space<vmem_shared>> -> memref<16x128xf32, #tpu.memory_space<vmem_shared>>
          %dma_wait3A_33 = arith.constant 9984 : i32
          %dma_wait3A_34 = arith.constant 0 : i32
          %dma_wait3A_35 = tpu.memref_slice %arg6[%dma_wait3A_33, %dma_wait3A_34] : memref<10000x128xf32, #tpu.memory_space<hbm>> -> memref<16x128xf32, #tpu.memory_space<hbm>>
          tpu.wait_dma2 semaphore(%run_scoped3A : memref<!tpu.dma_semaphore, #tpu.memory_space<semaphore_mem>>) src(%dma_wait3A_35 : memref<16x128xf32, #tpu.memory_space<hbm>>) dst(%dma_wait3A_32 : memref<16x128xf32, #tpu.memory_space<vmem_shared>>)
          tpu.yield
        }) : () -> ()
      } else {
      }
      %barrier3A = arith.constant 0 : index
      tpu.barrier barrier_id(%barrier3A)
      %scan3A = arith.constant 0 : i32
      %scan3A_13 = arith.constant 0 : i32
      %scan3A_14 = arith.constant 250 : i32
      %scan3A_15 = arith.addi %scan3A_13, %scan3A_14 : i32
      %scan3A_16 = arith.constant 1 : i32
      scf.for %scan3A_26 = %scan3A_13 to %scan3A_15 step %scan3A_16  : i32 {
        %mul3A_27 = arith.constant 20000 : i32
        %mul3A_28 = arith.muli %arg1, %mul3A_27 : i32
        %mul3A_29 = arith.constant 80 : i32
        %mul3A_30 = arith.muli %scan3A_26, %mul3A_29 : i32
        %add3A = arith.addi %mul3A_28, %mul3A_30 : i32
        "tpu.region"() ({
          %run_scoped3A = tpu.sem_alloc : memref<!tpu.dma_semaphore, #tpu.memory_space<semaphore_mem>>
          %dma_start3A_35 = tpu.memref_slice %arg4[%add3A] : memref<320000xi32, #tpu.memory_space<hbm>> -> memref<80xi32, #tpu.memory_space<hbm>>
          %dma_start3A_36 = tpu.memref_slice %arg4[%add3A] : memref<320000xi32, #tpu.memory_space<hbm>> -> memref<80xi32, #tpu.memory_space<hbm>>
          tpu.enqueue_dma source(%dma_start3A_36 : memref<80xi32, #tpu.memory_space<hbm>>) target(%arg9 : memref<80xi32, #tpu.memory_space<vmem>>) target_semaphore(%run_scoped3A : memref<!tpu.dma_semaphore, #tpu.memory_space<semaphore_mem>>)
          %dma_wait3A_37 = tpu.memref_slice %arg4[%add3A] : memref<320000xi32, #tpu.memory_space<hbm>> -> memref<80xi32, #tpu.memory_space<hbm>>
          %dma_wait3A_38 = tpu.memref_slice %arg4[%add3A] : memref<320000xi32, #tpu.memory_space<hbm>> -> memref<80xi32, #tpu.memory_space<hbm>>
          tpu.wait_dma2 semaphore(%run_scoped3A : memref<!tpu.dma_semaphore, #tpu.memory_space<semaphore_mem>>) src(%dma_wait3A_38 : memref<80xi32, #tpu.memory_space<hbm>>) dst(%arg9 : memref<80xi32, #tpu.memory_space<vmem>>)
          tpu.yield
        }) : () -> ()
        "tpu.region"() ({
          %run_scoped3A = tpu.sem_alloc : memref<!tpu.dma_semaphore, #tpu.memory_space<semaphore_mem>>
          %dma_start3A_35 = tpu.memref_slice %arg5[%add3A] : memref<320000xi32, #tpu.memory_space<hbm>> -> memref<80xi32, #tpu.memory_space<hbm>>
          %dma_start3A_36 = tpu.memref_slice %arg5[%add3A] : memref<320000xi32, #tpu.memory_space<hbm>> -> memref<80xi32, #tpu.memory_space<hbm>>
          tpu.enqueue_dma source(%dma_start3A_36 : memref<80xi32, #tpu.memory_space<hbm>>) target(%arg10 : memref<80xi32, #tpu.memory_space<vmem>>) target_semaphore(%run_scoped3A : memref<!tpu.dma_semaphore, #tpu.memory_space<semaphore_mem>>)
          %dma_wait3A_37 = tpu.memref_slice %arg5[%add3A] : memref<320000xi32, #tpu.memory_space<hbm>> -> memref<80xi32, #tpu.memory_space<hbm>>
          %dma_wait3A_38 = tpu.memref_slice %arg5[%add3A] : memref<320000xi32, #tpu.memory_space<hbm>> -> memref<80xi32, #tpu.memory_space<hbm>>
          tpu.wait_dma2 semaphore(%run_scoped3A : memref<!tpu.dma_semaphore, #tpu.memory_space<semaphore_mem>>) src(%dma_wait3A_38 : memref<80xi32, #tpu.memory_space<hbm>>) dst(%arg10 : memref<80xi32, #tpu.memory_space<vmem>>)
          tpu.yield
        }) : () -> ()
        %dma_start3A = arith.constant 0 : i32
        %dma_start3A_31 = arith.constant 0 : i32
        %dma_start3A_32 = tpu.memref_slice %arg3[%dma_start3A, %dma_start3A_31] : memref<10000x128xf32, #tpu.memory_space<hbm>> -> memref<10000x128xf32, #tpu.memory_space<hbm>>
        tpu.enqueue_indirect_dma source(%dma_start3A_32 : memref<10000x128xf32, #tpu.memory_space<hbm>>) target(%arg11 : memref<80x128xf32, #tpu.memory_space<vmem>>) offsets(%arg9 : memref<80xi32, #tpu.memory_space<vmem>>) semaphore(%arg13 : memref<!tpu.dma_semaphore, #tpu.memory_space<semaphore_mem>>)
        %dma_wait3A = arith.constant 0 : i32
        %dma_wait3A_33 = arith.constant 0 : i32
        %dma_wait3A_34 = tpu.memref_slice %arg3[%dma_wait3A, %dma_wait3A_33] : memref<10000x128xf32, #tpu.memory_space<hbm>> -> memref<10000x128xf32, #tpu.memory_space<hbm>>
        tpu.wait_indirect_dma semaphore(%arg13 : memref<!tpu.dma_semaphore, #tpu.memory_space<semaphore_mem>>) src(%dma_wait3A_34 : memref<10000x128xf32, #tpu.memory_space<hbm>>) dst(%arg11 : memref<80x128xf32, #tpu.memory_space<vmem>>)
        "tpu.region"() ({
          %run_scoped3A = tpu.sem_alloc : memref<!tpu.dma_semaphore, #tpu.memory_space<semaphore_mem>>
          %dma_start3A_35 = arith.constant 0 : i32
          %dma_start3A_36 = arith.constant 0 : i32
          %dma_start3A_37 = tpu.memref_slice %arg12[%dma_start3A_35, %dma_start3A_36] : memref<10000x128xf32, #tpu.memory_space<vmem_shared>> -> memref<10000x128xf32, #tpu.memory_space<vmem_shared>>
          tpu.enqueue_indirect_dma source(%arg11 : memref<80x128xf32, #tpu.memory_space<vmem>>) target(%dma_start3A_37 : memref<10000x128xf32, #tpu.memory_space<vmem_shared>>) offsets(%arg10 : memref<80xi32, #tpu.memory_space<vmem>>) semaphore(%run_scoped3A : memref<!tpu.dma_semaphore, #tpu.memory_space<semaphore_mem>>) {add = true}
          %dma_wait3A_38 = arith.constant 0 : i32
          %dma_wait3A_39 = arith.constant 0 : i32
          %dma_wait3A_40 = tpu.memref_slice %arg12[%dma_wait3A_38, %dma_wait3A_39] : memref<10000x128xf32, #tpu.memory_space<vmem_shared>> -> memref<10000x128xf32, #tpu.memory_space<vmem_shared>>
          tpu.wait_indirect_dma semaphore(%run_scoped3A : memref<!tpu.dma_semaphore, #tpu.memory_space<semaphore_mem>>) src(%arg11 : memref<80x128xf32, #tpu.memory_space<vmem>>) dst(%dma_wait3A_40 : memref<10000x128xf32, #tpu.memory_space<vmem_shared>>)
          tpu.yield
        }) : () -> ()
      }
      %scan3A_17 = arith.constant 250 : i32
      %barrier3A_18 = arith.constant 0 : index
      tpu.barrier barrier_id(%barrier3A_18)
      %mul3A_19 = arith.constant 624 : i32
      %mul3A_20 = arith.muli %arg1, %mul3A_19 : i32
      "tpu.region"() ({
        %run_scoped3A = tpu.sem_alloc : memref<!tpu.dma_semaphore, #tpu.memory_space<semaphore_mem>>
        %dma_start3A = arith.constant 0 : i32
        %dma_start3A_26 = tpu.memref_slice %arg8[%mul3A_20, %dma_start3A] : memref<10000x128xf32, #tpu.memory_space<hbm>> -> memref<624x128xf32, #tpu.memory_space<hbm>>
        %dma_start3A_27 = arith.constant 0 : i32
        %dma_start3A_28 = tpu.memref_slice %arg12[%mul3A_20, %dma_start3A_27] : memref<10000x128xf32, #tpu.memory_space<vmem_shared>> -> memref<624x128xf32, #tpu.memory_space<vmem_shared>>
        tpu.enqueue_dma source(%dma_start3A_28 : memref<624x128xf32, #tpu.memory_space<vmem_shared>>) target(%dma_start3A_26 : memref<624x128xf32, #tpu.memory_space<hbm>>) target_semaphore(%run_scoped3A : memref<!tpu.dma_semaphore, #tpu.memory_space<semaphore_mem>>)
        %dma_wait3A = arith.constant 0 : i32
        %dma_wait3A_29 = tpu.memref_slice %arg8[%mul3A_20, %dma_wait3A] : memref<10000x128xf32, #tpu.memory_space<hbm>> -> memref<624x128xf32, #tpu.memory_space<hbm>>
        %dma_wait3A_30 = arith.constant 0 : i32
        %dma_wait3A_31 = tpu.memref_slice %arg12[%mul3A_20, %dma_wait3A_30] : memref<10000x128xf32, #tpu.memory_space<vmem_shared>> -> memref<624x128xf32, #tpu.memory_space<vmem_shared>>
        tpu.wait_dma2 semaphore(%run_scoped3A : memref<!tpu.dma_semaphore, #tpu.memory_space<semaphore_mem>>) src(%dma_wait3A_31 : memref<624x128xf32, #tpu.memory_space<vmem_shared>>) dst(%dma_wait3A_29 : memref<624x128xf32, #tpu.memory_space<hbm>>)
        tpu.yield
      }) : () -> ()
      %eq3A_21 = arith.constant 15 : i32
      %eq3A_22 = arith.cmpi eq, %arg1, %eq3A_21 : i32
      %convert_element_type3A_23 = arith.extui %eq3A_22 : i1 to i32
      %cond3A_24 = arith.constant 0 : i32
      %cond3A_25 = arith.cmpi ne, %convert_element_type3A_23, %cond3A_24 : i32
      scf.if %cond3A_25 {
        "tpu.region"() ({
          %run_scoped3A = tpu.sem_alloc : memref<!tpu.dma_semaphore, #tpu.memory_space<semaphore_mem>>
          %dma_start3A = arith.constant 9984 : i32
          %dma_start3A_26 = arith.constant 0 : i32
          %dma_start3A_27 = tpu.memref_slice %arg8[%dma_start3A, %dma_start3A_26] : memref<10000x128xf32, #tpu.memory_space<hbm>> -> memref<16x128xf32, #tpu.memory_space<hbm>>
          %dma_start3A_28 = arith.constant 9984 : i32
          %dma_start3A_29 = arith.constant 0 : i32
          %dma_start3A_30 = tpu.memref_slice %arg12[%dma_start3A_28, %dma_start3A_29] : memref<10000x128xf32, #tpu.memory_space<vmem_shared>> -> memref<16x128xf32, #tpu.memory_space<vmem_shared>>
          tpu.enqueue_dma source(%dma_start3A_30 : memref<16x128xf32, #tpu.memory_space<vmem_shared>>) target(%dma_start3A_27 : memref<16x128xf32, #tpu.memory_space<hbm>>) target_semaphore(%run_scoped3A : memref<!tpu.dma_semaphore, #tpu.memory_space<semaphore_mem>>)
          %dma_wait3A = arith.constant 9984 : i32
          %dma_wait3A_31 = arith.constant 0 : i32
          %dma_wait3A_32 = tpu.memref_slice %arg8[%dma_wait3A, %dma_wait3A_31] : memref<10000x128xf32, #tpu.memory_space<hbm>> -> memref<16x128xf32, #tpu.memory_space<hbm>>
          %dma_wait3A_33 = arith.constant 9984 : i32
          %dma_wait3A_34 = arith.constant 0 : i32
          %dma_wait3A_35 = tpu.memref_slice %arg12[%dma_wait3A_33, %dma_wait3A_34] : memref<10000x128xf32, #tpu.memory_space<vmem_shared>> -> memref<16x128xf32, #tpu.memory_space<vmem_shared>>
          tpu.wait_dma2 semaphore(%run_scoped3A : memref<!tpu.dma_semaphore, #tpu.memory_space<semaphore_mem>>) src(%dma_wait3A_35 : memref<16x128xf32, #tpu.memory_space<vmem_shared>>) dst(%dma_wait3A_32 : memref<16x128xf32, #tpu.memory_space<hbm>>)
          tpu.yield
        }) : () -> ()
      } else {
      }
    } else {
    }
    return
  }
}

#map = affine_map<(d0, d1) -> (0, 0)>
#map1 = affine_map<(d0, d1) -> (0)>
#map2 = affine_map<(d0, d1) -> (0, 0, 0)>
module attributes {stable_mosaic.version = 14 : i64} {
  func.func @_agg_es_body(%arg0: i32, %arg1: i32, %arg2: memref<10000x128xf32, #tpu.memory_space<hbm>>, %arg3: memref<320000xi32, #tpu.memory_space<hbm>>, %arg4: memref<320000xi32, #tpu.memory_space<hbm>>, %arg5: memref<10000x128xf32, #tpu.memory_space<hbm>>, %arg6: memref<2x10000x128xf32, #tpu.memory_space<hbm>>, %arg7: memref<80xi32, #tpu.memory_space<vmem>>, %arg8: memref<80xi32, #tpu.memory_space<vmem>>, %arg9: memref<80x128xf32, #tpu.memory_space<vmem>>, %arg10: memref<10000x128xf32, #tpu.memory_space<vmem_shared>>, %arg11: memref<!tpu.dma_semaphore, #tpu.memory_space<semaphore_mem>>) attributes {dimension_semantics = [#tpu.dimension_semantics<core_parallel>, #tpu.dimension_semantics<subcore_parallel>], iteration_bounds = array<i64: 2, 16>, scalar_prefetch = 0 : i64, scratch_operands = 5 : i64, tpu.core_type = #tpu.core_type<sc_vector_subcore>, window_params = [{transform_indices = #map}, {transform_indices = #map1}, {transform_indices = #map1}, {transform_indices = #map}, {transform_indices = #map2}]} {
    %mul3A = arith.constant 624 : i32
    %mul3A_0 = arith.muli %arg1, %mul3A : i32
    "tpu.region"() ({
      %run_scoped3A = tpu.sem_alloc : memref<!tpu.dma_semaphore, #tpu.memory_space<semaphore_mem>>
      %dma_start3A = arith.constant 0 : i32
      %dma_start3A_18 = tpu.memref_slice %arg10[%mul3A_0, %dma_start3A] : memref<10000x128xf32, #tpu.memory_space<vmem_shared>> -> memref<624x128xf32, #tpu.memory_space<vmem_shared>>
      %dma_start3A_19 = arith.constant 0 : i32
      %dma_start3A_20 = tpu.memref_slice %arg5[%mul3A_0, %dma_start3A_19] : memref<10000x128xf32, #tpu.memory_space<hbm>> -> memref<624x128xf32, #tpu.memory_space<hbm>>
      tpu.enqueue_dma source(%dma_start3A_20 : memref<624x128xf32, #tpu.memory_space<hbm>>) target(%dma_start3A_18 : memref<624x128xf32, #tpu.memory_space<vmem_shared>>) target_semaphore(%run_scoped3A : memref<!tpu.dma_semaphore, #tpu.memory_space<semaphore_mem>>)
      %dma_wait3A = arith.constant 0 : i32
      %dma_wait3A_21 = tpu.memref_slice %arg10[%mul3A_0, %dma_wait3A] : memref<10000x128xf32, #tpu.memory_space<vmem_shared>> -> memref<624x128xf32, #tpu.memory_space<vmem_shared>>
      %dma_wait3A_22 = arith.constant 0 : i32
      %dma_wait3A_23 = tpu.memref_slice %arg5[%mul3A_0, %dma_wait3A_22] : memref<10000x128xf32, #tpu.memory_space<hbm>> -> memref<624x128xf32, #tpu.memory_space<hbm>>
      tpu.wait_dma2 semaphore(%run_scoped3A : memref<!tpu.dma_semaphore, #tpu.memory_space<semaphore_mem>>) src(%dma_wait3A_23 : memref<624x128xf32, #tpu.memory_space<hbm>>) dst(%dma_wait3A_21 : memref<624x128xf32, #tpu.memory_space<vmem_shared>>)
      tpu.yield
    }) : () -> ()
    %eq3A = arith.constant 15 : i32
    %eq3A_1 = arith.cmpi eq, %arg1, %eq3A : i32
    %convert_element_type3A = arith.extui %eq3A_1 : i1 to i32
    %cond3A = arith.constant 0 : i32
    %cond3A_2 = arith.cmpi ne, %convert_element_type3A, %cond3A : i32
    scf.if %cond3A_2 {
      "tpu.region"() ({
        %run_scoped3A = tpu.sem_alloc : memref<!tpu.dma_semaphore, #tpu.memory_space<semaphore_mem>>
        %dma_start3A = arith.constant 9984 : i32
        %dma_start3A_18 = arith.constant 0 : i32
        %dma_start3A_19 = tpu.memref_slice %arg10[%dma_start3A, %dma_start3A_18] : memref<10000x128xf32, #tpu.memory_space<vmem_shared>> -> memref<16x128xf32, #tpu.memory_space<vmem_shared>>
        %dma_start3A_20 = arith.constant 9984 : i32
        %dma_start3A_21 = arith.constant 0 : i32
        %dma_start3A_22 = tpu.memref_slice %arg5[%dma_start3A_20, %dma_start3A_21] : memref<10000x128xf32, #tpu.memory_space<hbm>> -> memref<16x128xf32, #tpu.memory_space<hbm>>
        tpu.enqueue_dma source(%dma_start3A_22 : memref<16x128xf32, #tpu.memory_space<hbm>>) target(%dma_start3A_19 : memref<16x128xf32, #tpu.memory_space<vmem_shared>>) target_semaphore(%run_scoped3A : memref<!tpu.dma_semaphore, #tpu.memory_space<semaphore_mem>>)
        %dma_wait3A = arith.constant 9984 : i32
        %dma_wait3A_23 = arith.constant 0 : i32
        %dma_wait3A_24 = tpu.memref_slice %arg10[%dma_wait3A, %dma_wait3A_23] : memref<10000x128xf32, #tpu.memory_space<vmem_shared>> -> memref<16x128xf32, #tpu.memory_space<vmem_shared>>
        %dma_wait3A_25 = arith.constant 9984 : i32
        %dma_wait3A_26 = arith.constant 0 : i32
        %dma_wait3A_27 = tpu.memref_slice %arg5[%dma_wait3A_25, %dma_wait3A_26] : memref<10000x128xf32, #tpu.memory_space<hbm>> -> memref<16x128xf32, #tpu.memory_space<hbm>>
        tpu.wait_dma2 semaphore(%run_scoped3A : memref<!tpu.dma_semaphore, #tpu.memory_space<semaphore_mem>>) src(%dma_wait3A_27 : memref<16x128xf32, #tpu.memory_space<hbm>>) dst(%dma_wait3A_24 : memref<16x128xf32, #tpu.memory_space<vmem_shared>>)
        tpu.yield
      }) : () -> ()
    } else {
    }
    %barrier3A = arith.constant 0 : index
    tpu.barrier barrier_id(%barrier3A)
    %mul3A_3 = arith.constant 16 : i32
    %mul3A_4 = arith.muli %arg0, %mul3A_3 : i32
    %add3A = arith.addi %mul3A_4, %arg1 : i32
    %scan3A = arith.constant 0 : i32
    %scan3A_5 = arith.constant 0 : i32
    %scan3A_6 = arith.constant 125 : i32
    %scan3A_7 = arith.addi %scan3A_5, %scan3A_6 : i32
    %scan3A_8 = arith.constant 1 : i32
    scf.for %scan3A_18 = %scan3A_5 to %scan3A_7 step %scan3A_8  : i32 {
      %mul3A_19 = arith.constant 10000 : i32
      %mul3A_20 = arith.muli %add3A, %mul3A_19 : i32
      %mul3A_21 = arith.constant 80 : i32
      %mul3A_22 = arith.muli %scan3A_18, %mul3A_21 : i32
      %add3A_23 = arith.addi %mul3A_20, %mul3A_22 : i32
      "tpu.region"() ({
        %run_scoped3A = tpu.sem_alloc : memref<!tpu.dma_semaphore, #tpu.memory_space<semaphore_mem>>
        %dma_start3A_28 = tpu.memref_slice %arg3[%add3A_23] : memref<320000xi32, #tpu.memory_space<hbm>> -> memref<80xi32, #tpu.memory_space<hbm>>
        %dma_start3A_29 = tpu.memref_slice %arg3[%add3A_23] : memref<320000xi32, #tpu.memory_space<hbm>> -> memref<80xi32, #tpu.memory_space<hbm>>
        tpu.enqueue_dma source(%dma_start3A_29 : memref<80xi32, #tpu.memory_space<hbm>>) target(%arg7 : memref<80xi32, #tpu.memory_space<vmem>>) target_semaphore(%run_scoped3A : memref<!tpu.dma_semaphore, #tpu.memory_space<semaphore_mem>>)
        %dma_wait3A_30 = tpu.memref_slice %arg3[%add3A_23] : memref<320000xi32, #tpu.memory_space<hbm>> -> memref<80xi32, #tpu.memory_space<hbm>>
        %dma_wait3A_31 = tpu.memref_slice %arg3[%add3A_23] : memref<320000xi32, #tpu.memory_space<hbm>> -> memref<80xi32, #tpu.memory_space<hbm>>
        tpu.wait_dma2 semaphore(%run_scoped3A : memref<!tpu.dma_semaphore, #tpu.memory_space<semaphore_mem>>) src(%dma_wait3A_31 : memref<80xi32, #tpu.memory_space<hbm>>) dst(%arg7 : memref<80xi32, #tpu.memory_space<vmem>>)
        tpu.yield
      }) : () -> ()
      "tpu.region"() ({
        %run_scoped3A = tpu.sem_alloc : memref<!tpu.dma_semaphore, #tpu.memory_space<semaphore_mem>>
        %dma_start3A_28 = tpu.memref_slice %arg4[%add3A_23] : memref<320000xi32, #tpu.memory_space<hbm>> -> memref<80xi32, #tpu.memory_space<hbm>>
        %dma_start3A_29 = tpu.memref_slice %arg4[%add3A_23] : memref<320000xi32, #tpu.memory_space<hbm>> -> memref<80xi32, #tpu.memory_space<hbm>>
        tpu.enqueue_dma source(%dma_start3A_29 : memref<80xi32, #tpu.memory_space<hbm>>) target(%arg8 : memref<80xi32, #tpu.memory_space<vmem>>) target_semaphore(%run_scoped3A : memref<!tpu.dma_semaphore, #tpu.memory_space<semaphore_mem>>)
        %dma_wait3A_30 = tpu.memref_slice %arg4[%add3A_23] : memref<320000xi32, #tpu.memory_space<hbm>> -> memref<80xi32, #tpu.memory_space<hbm>>
        %dma_wait3A_31 = tpu.memref_slice %arg4[%add3A_23] : memref<320000xi32, #tpu.memory_space<hbm>> -> memref<80xi32, #tpu.memory_space<hbm>>
        tpu.wait_dma2 semaphore(%run_scoped3A : memref<!tpu.dma_semaphore, #tpu.memory_space<semaphore_mem>>) src(%dma_wait3A_31 : memref<80xi32, #tpu.memory_space<hbm>>) dst(%arg8 : memref<80xi32, #tpu.memory_space<vmem>>)
        tpu.yield
      }) : () -> ()
      %dma_start3A = arith.constant 0 : i32
      %dma_start3A_24 = arith.constant 0 : i32
      %dma_start3A_25 = tpu.memref_slice %arg2[%dma_start3A, %dma_start3A_24] : memref<10000x128xf32, #tpu.memory_space<hbm>> -> memref<10000x128xf32, #tpu.memory_space<hbm>>
      tpu.enqueue_indirect_dma source(%dma_start3A_25 : memref<10000x128xf32, #tpu.memory_space<hbm>>) target(%arg9 : memref<80x128xf32, #tpu.memory_space<vmem>>) offsets(%arg7 : memref<80xi32, #tpu.memory_space<vmem>>) semaphore(%arg11 : memref<!tpu.dma_semaphore, #tpu.memory_space<semaphore_mem>>)
      %dma_wait3A = arith.constant 0 : i32
      %dma_wait3A_26 = arith.constant 0 : i32
      %dma_wait3A_27 = tpu.memref_slice %arg2[%dma_wait3A, %dma_wait3A_26] : memref<10000x128xf32, #tpu.memory_space<hbm>> -> memref<10000x128xf32, #tpu.memory_space<hbm>>
      tpu.wait_indirect_dma semaphore(%arg11 : memref<!tpu.dma_semaphore, #tpu.memory_space<semaphore_mem>>) src(%dma_wait3A_27 : memref<10000x128xf32, #tpu.memory_space<hbm>>) dst(%arg9 : memref<80x128xf32, #tpu.memory_space<vmem>>)
      "tpu.region"() ({
        %run_scoped3A = tpu.sem_alloc : memref<!tpu.dma_semaphore, #tpu.memory_space<semaphore_mem>>
        %dma_start3A_28 = arith.constant 0 : i32
        %dma_start3A_29 = arith.constant 0 : i32
        %dma_start3A_30 = tpu.memref_slice %arg10[%dma_start3A_28, %dma_start3A_29] : memref<10000x128xf32, #tpu.memory_space<vmem_shared>> -> memref<10000x128xf32, #tpu.memory_space<vmem_shared>>
        tpu.enqueue_indirect_dma source(%arg9 : memref<80x128xf32, #tpu.memory_space<vmem>>) target(%dma_start3A_30 : memref<10000x128xf32, #tpu.memory_space<vmem_shared>>) offsets(%arg8 : memref<80xi32, #tpu.memory_space<vmem>>) semaphore(%run_scoped3A : memref<!tpu.dma_semaphore, #tpu.memory_space<semaphore_mem>>) {add = true}
        %dma_wait3A_31 = arith.constant 0 : i32
        %dma_wait3A_32 = arith.constant 0 : i32
        %dma_wait3A_33 = tpu.memref_slice %arg10[%dma_wait3A_31, %dma_wait3A_32] : memref<10000x128xf32, #tpu.memory_space<vmem_shared>> -> memref<10000x128xf32, #tpu.memory_space<vmem_shared>>
        tpu.wait_indirect_dma semaphore(%run_scoped3A : memref<!tpu.dma_semaphore, #tpu.memory_space<semaphore_mem>>) src(%arg9 : memref<80x128xf32, #tpu.memory_space<vmem>>) dst(%dma_wait3A_33 : memref<10000x128xf32, #tpu.memory_space<vmem_shared>>)
        tpu.yield
      }) : () -> ()
    }
    %scan3A_9 = arith.constant 125 : i32
    %barrier3A_10 = arith.constant 0 : index
    tpu.barrier barrier_id(%barrier3A_10)
    %mul3A_11 = arith.constant 624 : i32
    %mul3A_12 = arith.muli %arg1, %mul3A_11 : i32
    "tpu.region"() ({
      %run_scoped3A = tpu.sem_alloc : memref<!tpu.dma_semaphore, #tpu.memory_space<semaphore_mem>>
      %dma_start3A = arith.constant 0 : i32
      %dma_start3A_18 = tpu.memref_slice %arg6[%arg0, %mul3A_12, %dma_start3A] : memref<2x10000x128xf32, #tpu.memory_space<hbm>> -> memref<1x624x128xf32, #tpu.memory_space<hbm>>
      %dma_start3A_19 = tpu.memref_squeeze %dma_start3A_18 : memref<1x624x128xf32, #tpu.memory_space<hbm>> -> memref<624x128xf32, #tpu.memory_space<hbm>>
      %dma_start3A_20 = arith.constant 0 : i32
      %dma_start3A_21 = tpu.memref_slice %arg10[%mul3A_12, %dma_start3A_20] : memref<10000x128xf32, #tpu.memory_space<vmem_shared>> -> memref<624x128xf32, #tpu.memory_space<vmem_shared>>
      tpu.enqueue_dma source(%dma_start3A_21 : memref<624x128xf32, #tpu.memory_space<vmem_shared>>) target(%dma_start3A_19 : memref<624x128xf32, #tpu.memory_space<hbm>>) target_semaphore(%run_scoped3A : memref<!tpu.dma_semaphore, #tpu.memory_space<semaphore_mem>>)
      %dma_wait3A = arith.constant 0 : i32
      %dma_wait3A_22 = tpu.memref_slice %arg6[%arg0, %mul3A_12, %dma_wait3A] : memref<2x10000x128xf32, #tpu.memory_space<hbm>> -> memref<1x624x128xf32, #tpu.memory_space<hbm>>
      %dma_wait3A_23 = tpu.memref_squeeze %dma_wait3A_22 : memref<1x624x128xf32, #tpu.memory_space<hbm>> -> memref<624x128xf32, #tpu.memory_space<hbm>>
      %dma_wait3A_24 = arith.constant 0 : i32
      %dma_wait3A_25 = tpu.memref_slice %arg10[%mul3A_12, %dma_wait3A_24] : memref<10000x128xf32, #tpu.memory_space<vmem_shared>> -> memref<624x128xf32, #tpu.memory_space<vmem_shared>>
      tpu.wait_dma2 semaphore(%run_scoped3A : memref<!tpu.dma_semaphore, #tpu.memory_space<semaphore_mem>>) src(%dma_wait3A_25 : memref<624x128xf32, #tpu.memory_space<vmem_shared>>) dst(%dma_wait3A_23 : memref<624x128xf32, #tpu.memory_space<hbm>>)
      tpu.yield
    }) : () -> ()
    %eq3A_13 = arith.constant 15 : i32
    %eq3A_14 = arith.cmpi eq, %arg1, %eq3A_13 : i32
    %convert_element_type3A_15 = arith.extui %eq3A_14 : i1 to i32
    %cond3A_16 = arith.constant 0 : i32
    %cond3A_17 = arith.cmpi ne, %convert_element_type3A_15, %cond3A_16 : i32
    scf.if %cond3A_17 {
      "tpu.region"() ({
        %run_scoped3A = tpu.sem_alloc : memref<!tpu.dma_semaphore, #tpu.memory_space<semaphore_mem>>
        %dma_start3A = arith.constant 9984 : i32
        %dma_start3A_18 = arith.constant 0 : i32
        %dma_start3A_19 = tpu.memref_slice %arg6[%arg0, %dma_start3A, %dma_start3A_18] : memref<2x10000x128xf32, #tpu.memory_space<hbm>> -> memref<1x16x128xf32, #tpu.memory_space<hbm>>
        %dma_start3A_20 = tpu.memref_squeeze %dma_start3A_19 : memref<1x16x128xf32, #tpu.memory_space<hbm>> -> memref<16x128xf32, #tpu.memory_space<hbm>>
        %dma_start3A_21 = arith.constant 9984 : i32
        %dma_start3A_22 = arith.constant 0 : i32
        %dma_start3A_23 = tpu.memref_slice %arg10[%dma_start3A_21, %dma_start3A_22] : memref<10000x128xf32, #tpu.memory_space<vmem_shared>> -> memref<16x128xf32, #tpu.memory_space<vmem_shared>>
        tpu.enqueue_dma source(%dma_start3A_23 : memref<16x128xf32, #tpu.memory_space<vmem_shared>>) target(%dma_start3A_20 : memref<16x128xf32, #tpu.memory_space<hbm>>) target_semaphore(%run_scoped3A : memref<!tpu.dma_semaphore, #tpu.memory_space<semaphore_mem>>)
        %dma_wait3A = arith.constant 9984 : i32
        %dma_wait3A_24 = arith.constant 0 : i32
        %dma_wait3A_25 = tpu.memref_slice %arg6[%arg0, %dma_wait3A, %dma_wait3A_24] : memref<2x10000x128xf32, #tpu.memory_space<hbm>> -> memref<1x16x128xf32, #tpu.memory_space<hbm>>
        %dma_wait3A_26 = tpu.memref_squeeze %dma_wait3A_25 : memref<1x16x128xf32, #tpu.memory_space<hbm>> -> memref<16x128xf32, #tpu.memory_space<hbm>>
        %dma_wait3A_27 = arith.constant 9984 : i32
        %dma_wait3A_28 = arith.constant 0 : i32
        %dma_wait3A_29 = tpu.memref_slice %arg10[%dma_wait3A_27, %dma_wait3A_28] : memref<10000x128xf32, #tpu.memory_space<vmem_shared>> -> memref<16x128xf32, #tpu.memory_space<vmem_shared>>
        tpu.wait_dma2 semaphore(%run_scoped3A : memref<!tpu.dma_semaphore, #tpu.memory_space<semaphore_mem>>) src(%dma_wait3A_29 : memref<16x128xf32, #tpu.memory_space<vmem_shared>>) dst(%dma_wait3A_26 : memref<16x128xf32, #tpu.memory_space<hbm>>)
        tpu.yield
      }) : () -> ()
    } else {
    }
    return
  }
}

#map = affine_map<(d0, d1) -> (0, 0)>
#map1 = affine_map<(d0, d1) -> (0)>
module attributes {stable_mosaic.version = 14 : i64} {
  func.func @_agg_cs_body(%arg0: i32, %arg1: i32, %arg2: memref<10000x128xf32, #tpu.memory_space<hbm>>, %arg3: memref<10000x128xf32, #tpu.memory_space<hbm>>, %arg4: memref<320000xi32, #tpu.memory_space<hbm>>, %arg5: memref<320000xi32, #tpu.memory_space<hbm>>, %arg6: memref<10000x128xf32, #tpu.memory_space<hbm>>, %arg7: memref<10000x128xf32, #tpu.memory_space<hbm>>, %arg8: memref<10000x128xf32, #tpu.memory_space<hbm>>, %arg9: memref<80xi32, #tpu.memory_space<vmem>>, %arg10: memref<80xi32, #tpu.memory_space<vmem>>, %arg11: memref<80x128xf32, #tpu.memory_space<vmem>>, %arg12: memref<10000x128xf32, #tpu.memory_space<vmem_shared>>, %arg13: memref<!tpu.dma_semaphore, #tpu.memory_space<semaphore_mem>>) attributes {dimension_semantics = [#tpu.dimension_semantics<core_parallel>, #tpu.dimension_semantics<subcore_parallel>], iteration_bounds = array<i64: 2, 16>, scalar_prefetch = 0 : i64, scratch_operands = 5 : i64, tpu.core_type = #tpu.core_type<sc_vector_subcore>, window_params = [{transform_indices = #map}, {transform_indices = #map}, {transform_indices = #map1}, {transform_indices = #map1}, {transform_indices = #map}, {transform_indices = #map}, {transform_indices = #map}]} {
    %eq3A = arith.constant 0 : i32
    %eq3A_0 = arith.cmpi eq, %arg0, %eq3A : i32
    %convert_element_type3A = arith.extui %eq3A_0 : i1 to i32
    %cond3A = arith.constant 0 : i32
    %cond3A_1 = arith.cmpi ne, %convert_element_type3A, %cond3A : i32
    scf.if %cond3A_1 {
      %mul3A = arith.constant 624 : i32
      %mul3A_7 = arith.muli %arg1, %mul3A : i32
      "tpu.region"() ({
        %run_scoped3A = tpu.sem_alloc : memref<!tpu.dma_semaphore, #tpu.memory_space<semaphore_mem>>
        %dma_start3A = arith.constant 0 : i32
        %dma_start3A_26 = tpu.memref_slice %arg12[%mul3A_7, %dma_start3A] : memref<10000x128xf32, #tpu.memory_space<vmem_shared>> -> memref<624x128xf32, #tpu.memory_space<vmem_shared>>
        %dma_start3A_27 = arith.constant 0 : i32
        %dma_start3A_28 = tpu.memref_slice %arg6[%mul3A_7, %dma_start3A_27] : memref<10000x128xf32, #tpu.memory_space<hbm>> -> memref<624x128xf32, #tpu.memory_space<hbm>>
        tpu.enqueue_dma source(%dma_start3A_28 : memref<624x128xf32, #tpu.memory_space<hbm>>) target(%dma_start3A_26 : memref<624x128xf32, #tpu.memory_space<vmem_shared>>) target_semaphore(%run_scoped3A : memref<!tpu.dma_semaphore, #tpu.memory_space<semaphore_mem>>)
        %dma_wait3A = arith.constant 0 : i32
        %dma_wait3A_29 = tpu.memref_slice %arg12[%mul3A_7, %dma_wait3A] : memref<10000x128xf32, #tpu.memory_space<vmem_shared>> -> memref<624x128xf32, #tpu.memory_space<vmem_shared>>
        %dma_wait3A_30 = arith.constant 0 : i32
        %dma_wait3A_31 = tpu.memref_slice %arg6[%mul3A_7, %dma_wait3A_30] : memref<10000x128xf32, #tpu.memory_space<hbm>> -> memref<624x128xf32, #tpu.memory_space<hbm>>
        tpu.wait_dma2 semaphore(%run_scoped3A : memref<!tpu.dma_semaphore, #tpu.memory_space<semaphore_mem>>) src(%dma_wait3A_31 : memref<624x128xf32, #tpu.memory_space<hbm>>) dst(%dma_wait3A_29 : memref<624x128xf32, #tpu.memory_space<vmem_shared>>)
        tpu.yield
      }) : () -> ()
      %eq3A_8 = arith.constant 15 : i32
      %eq3A_9 = arith.cmpi eq, %arg1, %eq3A_8 : i32
      %convert_element_type3A_10 = arith.extui %eq3A_9 : i1 to i32
      %cond3A_11 = arith.constant 0 : i32
      %cond3A_12 = arith.cmpi ne, %convert_element_type3A_10, %cond3A_11 : i32
      scf.if %cond3A_12 {
        "tpu.region"() ({
          %run_scoped3A = tpu.sem_alloc : memref<!tpu.dma_semaphore, #tpu.memory_space<semaphore_mem>>
          %dma_start3A = arith.constant 9984 : i32
          %dma_start3A_26 = arith.constant 0 : i32
          %dma_start3A_27 = tpu.memref_slice %arg12[%dma_start3A, %dma_start3A_26] : memref<10000x128xf32, #tpu.memory_space<vmem_shared>> -> memref<16x128xf32, #tpu.memory_space<vmem_shared>>
          %dma_start3A_28 = arith.constant 9984 : i32
          %dma_start3A_29 = arith.constant 0 : i32
          %dma_start3A_30 = tpu.memref_slice %arg6[%dma_start3A_28, %dma_start3A_29] : memref<10000x128xf32, #tpu.memory_space<hbm>> -> memref<16x128xf32, #tpu.memory_space<hbm>>
          tpu.enqueue_dma source(%dma_start3A_30 : memref<16x128xf32, #tpu.memory_space<hbm>>) target(%dma_start3A_27 : memref<16x128xf32, #tpu.memory_space<vmem_shared>>) target_semaphore(%run_scoped3A : memref<!tpu.dma_semaphore, #tpu.memory_space<semaphore_mem>>)
          %dma_wait3A = arith.constant 9984 : i32
          %dma_wait3A_31 = arith.constant 0 : i32
          %dma_wait3A_32 = tpu.memref_slice %arg12[%dma_wait3A, %dma_wait3A_31] : memref<10000x128xf32, #tpu.memory_space<vmem_shared>> -> memref<16x128xf32, #tpu.memory_space<vmem_shared>>
          %dma_wait3A_33 = arith.constant 9984 : i32
          %dma_wait3A_34 = arith.constant 0 : i32
          %dma_wait3A_35 = tpu.memref_slice %arg6[%dma_wait3A_33, %dma_wait3A_34] : memref<10000x128xf32, #tpu.memory_space<hbm>> -> memref<16x128xf32, #tpu.memory_space<hbm>>
          tpu.wait_dma2 semaphore(%run_scoped3A : memref<!tpu.dma_semaphore, #tpu.memory_space<semaphore_mem>>) src(%dma_wait3A_35 : memref<16x128xf32, #tpu.memory_space<hbm>>) dst(%dma_wait3A_32 : memref<16x128xf32, #tpu.memory_space<vmem_shared>>)
          tpu.yield
        }) : () -> ()
      } else {
      }
      %barrier3A = arith.constant 0 : index
      tpu.barrier barrier_id(%barrier3A)
      %scan3A = arith.constant 0 : i32
      %scan3A_13 = arith.constant 0 : i32
      %scan3A_14 = arith.constant 250 : i32
      %scan3A_15 = arith.addi %scan3A_13, %scan3A_14 : i32
      %scan3A_16 = arith.constant 1 : i32
      scf.for %scan3A_26 = %scan3A_13 to %scan3A_15 step %scan3A_16  : i32 {
        %mul3A_27 = arith.constant 20000 : i32
        %mul3A_28 = arith.muli %arg1, %mul3A_27 : i32
        %mul3A_29 = arith.constant 80 : i32
        %mul3A_30 = arith.muli %scan3A_26, %mul3A_29 : i32
        %add3A = arith.addi %mul3A_28, %mul3A_30 : i32
        "tpu.region"() ({
          %run_scoped3A = tpu.sem_alloc : memref<!tpu.dma_semaphore, #tpu.memory_space<semaphore_mem>>
          %dma_start3A_35 = tpu.memref_slice %arg4[%add3A] : memref<320000xi32, #tpu.memory_space<hbm>> -> memref<80xi32, #tpu.memory_space<hbm>>
          %dma_start3A_36 = tpu.memref_slice %arg4[%add3A] : memref<320000xi32, #tpu.memory_space<hbm>> -> memref<80xi32, #tpu.memory_space<hbm>>
          tpu.enqueue_dma source(%dma_start3A_36 : memref<80xi32, #tpu.memory_space<hbm>>) target(%arg9 : memref<80xi32, #tpu.memory_space<vmem>>) target_semaphore(%run_scoped3A : memref<!tpu.dma_semaphore, #tpu.memory_space<semaphore_mem>>)
          %dma_wait3A_37 = tpu.memref_slice %arg4[%add3A] : memref<320000xi32, #tpu.memory_space<hbm>> -> memref<80xi32, #tpu.memory_space<hbm>>
          %dma_wait3A_38 = tpu.memref_slice %arg4[%add3A] : memref<320000xi32, #tpu.memory_space<hbm>> -> memref<80xi32, #tpu.memory_space<hbm>>
          tpu.wait_dma2 semaphore(%run_scoped3A : memref<!tpu.dma_semaphore, #tpu.memory_space<semaphore_mem>>) src(%dma_wait3A_38 : memref<80xi32, #tpu.memory_space<hbm>>) dst(%arg9 : memref<80xi32, #tpu.memory_space<vmem>>)
          tpu.yield
        }) : () -> ()
        "tpu.region"() ({
          %run_scoped3A = tpu.sem_alloc : memref<!tpu.dma_semaphore, #tpu.memory_space<semaphore_mem>>
          %dma_start3A_35 = tpu.memref_slice %arg5[%add3A] : memref<320000xi32, #tpu.memory_space<hbm>> -> memref<80xi32, #tpu.memory_space<hbm>>
          %dma_start3A_36 = tpu.memref_slice %arg5[%add3A] : memref<320000xi32, #tpu.memory_space<hbm>> -> memref<80xi32, #tpu.memory_space<hbm>>
          tpu.enqueue_dma source(%dma_start3A_36 : memref<80xi32, #tpu.memory_space<hbm>>) target(%arg10 : memref<80xi32, #tpu.memory_space<vmem>>) target_semaphore(%run_scoped3A : memref<!tpu.dma_semaphore, #tpu.memory_space<semaphore_mem>>)
          %dma_wait3A_37 = tpu.memref_slice %arg5[%add3A] : memref<320000xi32, #tpu.memory_space<hbm>> -> memref<80xi32, #tpu.memory_space<hbm>>
          %dma_wait3A_38 = tpu.memref_slice %arg5[%add3A] : memref<320000xi32, #tpu.memory_space<hbm>> -> memref<80xi32, #tpu.memory_space<hbm>>
          tpu.wait_dma2 semaphore(%run_scoped3A : memref<!tpu.dma_semaphore, #tpu.memory_space<semaphore_mem>>) src(%dma_wait3A_38 : memref<80xi32, #tpu.memory_space<hbm>>) dst(%arg10 : memref<80xi32, #tpu.memory_space<vmem>>)
          tpu.yield
        }) : () -> ()
        %dma_start3A = arith.constant 0 : i32
        %dma_start3A_31 = arith.constant 0 : i32
        %dma_start3A_32 = tpu.memref_slice %arg2[%dma_start3A, %dma_start3A_31] : memref<10000x128xf32, #tpu.memory_space<hbm>> -> memref<10000x128xf32, #tpu.memory_space<hbm>>
        tpu.enqueue_indirect_dma source(%dma_start3A_32 : memref<10000x128xf32, #tpu.memory_space<hbm>>) target(%arg11 : memref<80x128xf32, #tpu.memory_space<vmem>>) offsets(%arg9 : memref<80xi32, #tpu.memory_space<vmem>>) semaphore(%arg13 : memref<!tpu.dma_semaphore, #tpu.memory_space<semaphore_mem>>)
        %dma_wait3A = arith.constant 0 : i32
        %dma_wait3A_33 = arith.constant 0 : i32
        %dma_wait3A_34 = tpu.memref_slice %arg2[%dma_wait3A, %dma_wait3A_33] : memref<10000x128xf32, #tpu.memory_space<hbm>> -> memref<10000x128xf32, #tpu.memory_space<hbm>>
        tpu.wait_indirect_dma semaphore(%arg13 : memref<!tpu.dma_semaphore, #tpu.memory_space<semaphore_mem>>) src(%dma_wait3A_34 : memref<10000x128xf32, #tpu.memory_space<hbm>>) dst(%arg11 : memref<80x128xf32, #tpu.memory_space<vmem>>)
        "tpu.region"() ({
          %run_scoped3A = tpu.sem_alloc : memref<!tpu.dma_semaphore, #tpu.memory_space<semaphore_mem>>
          %dma_start3A_35 = arith.constant 0 : i32
          %dma_start3A_36 = arith.constant 0 : i32
          %dma_start3A_37 = tpu.memref_slice %arg12[%dma_start3A_35, %dma_start3A_36] : memref<10000x128xf32, #tpu.memory_space<vmem_shared>> -> memref<10000x128xf32, #tpu.memory_space<vmem_shared>>
          tpu.enqueue_indirect_dma source(%arg11 : memref<80x128xf32, #tpu.memory_space<vmem>>) target(%dma_start3A_37 : memref<10000x128xf32, #tpu.memory_space<vmem_shared>>) offsets(%arg10 : memref<80xi32, #tpu.memory_space<vmem>>) semaphore(%run_scoped3A : memref<!tpu.dma_semaphore, #tpu.memory_space<semaphore_mem>>) {add = true}
          %dma_wait3A_38 = arith.constant 0 : i32
          %dma_wait3A_39 = arith.constant 0 : i32
          %dma_wait3A_40 = tpu.memref_slice %arg12[%dma_wait3A_38, %dma_wait3A_39] : memref<10000x128xf32, #tpu.memory_space<vmem_shared>> -> memref<10000x128xf32, #tpu.memory_space<vmem_shared>>
          tpu.wait_indirect_dma semaphore(%run_scoped3A : memref<!tpu.dma_semaphore, #tpu.memory_space<semaphore_mem>>) src(%arg11 : memref<80x128xf32, #tpu.memory_space<vmem>>) dst(%dma_wait3A_40 : memref<10000x128xf32, #tpu.memory_space<vmem_shared>>)
          tpu.yield
        }) : () -> ()
      }
      %scan3A_17 = arith.constant 250 : i32
      %barrier3A_18 = arith.constant 0 : index
      tpu.barrier barrier_id(%barrier3A_18)
      %mul3A_19 = arith.constant 624 : i32
      %mul3A_20 = arith.muli %arg1, %mul3A_19 : i32
      "tpu.region"() ({
        %run_scoped3A = tpu.sem_alloc : memref<!tpu.dma_semaphore, #tpu.memory_space<semaphore_mem>>
        %dma_start3A = arith.constant 0 : i32
        %dma_start3A_26 = tpu.memref_slice %arg7[%mul3A_20, %dma_start3A] : memref<10000x128xf32, #tpu.memory_space<hbm>> -> memref<624x128xf32, #tpu.memory_space<hbm>>
        %dma_start3A_27 = arith.constant 0 : i32
        %dma_start3A_28 = tpu.memref_slice %arg12[%mul3A_20, %dma_start3A_27] : memref<10000x128xf32, #tpu.memory_space<vmem_shared>> -> memref<624x128xf32, #tpu.memory_space<vmem_shared>>
        tpu.enqueue_dma source(%dma_start3A_28 : memref<624x128xf32, #tpu.memory_space<vmem_shared>>) target(%dma_start3A_26 : memref<624x128xf32, #tpu.memory_space<hbm>>) target_semaphore(%run_scoped3A : memref<!tpu.dma_semaphore, #tpu.memory_space<semaphore_mem>>)
        %dma_wait3A = arith.constant 0 : i32
        %dma_wait3A_29 = tpu.memref_slice %arg7[%mul3A_20, %dma_wait3A] : memref<10000x128xf32, #tpu.memory_space<hbm>> -> memref<624x128xf32, #tpu.memory_space<hbm>>
        %dma_wait3A_30 = arith.constant 0 : i32
        %dma_wait3A_31 = tpu.memref_slice %arg12[%mul3A_20, %dma_wait3A_30] : memref<10000x128xf32, #tpu.memory_space<vmem_shared>> -> memref<624x128xf32, #tpu.memory_space<vmem_shared>>
        tpu.wait_dma2 semaphore(%run_scoped3A : memref<!tpu.dma_semaphore, #tpu.memory_space<semaphore_mem>>) src(%dma_wait3A_31 : memref<624x128xf32, #tpu.memory_space<vmem_shared>>) dst(%dma_wait3A_29 : memref<624x128xf32, #tpu.memory_space<hbm>>)
        tpu.yield
      }) : () -> ()
      %eq3A_21 = arith.constant 15 : i32
      %eq3A_22 = arith.cmpi eq, %arg1, %eq3A_21 : i32
      %convert_element_type3A_23 = arith.extui %eq3A_22 : i1 to i32
      %cond3A_24 = arith.constant 0 : i32
      %cond3A_25 = arith.cmpi ne, %convert_element_type3A_23, %cond3A_24 : i32
      scf.if %cond3A_25 {
        "tpu.region"() ({
          %run_scoped3A = tpu.sem_alloc : memref<!tpu.dma_semaphore, #tpu.memory_space<semaphore_mem>>
          %dma_start3A = arith.constant 9984 : i32
          %dma_start3A_26 = arith.constant 0 : i32
          %dma_start3A_27 = tpu.memref_slice %arg7[%dma_start3A, %dma_start3A_26] : memref<10000x128xf32, #tpu.memory_space<hbm>> -> memref<16x128xf32, #tpu.memory_space<hbm>>
          %dma_start3A_28 = arith.constant 9984 : i32
          %dma_start3A_29 = arith.constant 0 : i32
          %dma_start3A_30 = tpu.memref_slice %arg12[%dma_start3A_28, %dma_start3A_29] : memref<10000x128xf32, #tpu.memory_space<vmem_shared>> -> memref<16x128xf32, #tpu.memory_space<vmem_shared>>
          tpu.enqueue_dma source(%dma_start3A_30 : memref<16x128xf32, #tpu.memory_space<vmem_shared>>) target(%dma_start3A_27 : memref<16x128xf32, #tpu.memory_space<hbm>>) target_semaphore(%run_scoped3A : memref<!tpu.dma_semaphore, #tpu.memory_space<semaphore_mem>>)
          %dma_wait3A = arith.constant 9984 : i32
          %dma_wait3A_31 = arith.constant 0 : i32
          %dma_wait3A_32 = tpu.memref_slice %arg7[%dma_wait3A, %dma_wait3A_31] : memref<10000x128xf32, #tpu.memory_space<hbm>> -> memref<16x128xf32, #tpu.memory_space<hbm>>
          %dma_wait3A_33 = arith.constant 9984 : i32
          %dma_wait3A_34 = arith.constant 0 : i32
          %dma_wait3A_35 = tpu.memref_slice %arg12[%dma_wait3A_33, %dma_wait3A_34] : memref<10000x128xf32, #tpu.memory_space<vmem_shared>> -> memref<16x128xf32, #tpu.memory_space<vmem_shared>>
          tpu.wait_dma2 semaphore(%run_scoped3A : memref<!tpu.dma_semaphore, #tpu.memory_space<semaphore_mem>>) src(%dma_wait3A_35 : memref<16x128xf32, #tpu.memory_space<vmem_shared>>) dst(%dma_wait3A_32 : memref<16x128xf32, #tpu.memory_space<hbm>>)
          tpu.yield
        }) : () -> ()
      } else {
      }
    } else {
    }
    %eq3A_2 = arith.constant 1 : i32
    %eq3A_3 = arith.cmpi eq, %arg0, %eq3A_2 : i32
    %convert_element_type3A_4 = arith.extui %eq3A_3 : i1 to i32
    %cond3A_5 = arith.constant 0 : i32
    %cond3A_6 = arith.cmpi ne, %convert_element_type3A_4, %cond3A_5 : i32
    scf.if %cond3A_6 {
      %mul3A = arith.constant 624 : i32
      %mul3A_7 = arith.muli %arg1, %mul3A : i32
      "tpu.region"() ({
        %run_scoped3A = tpu.sem_alloc : memref<!tpu.dma_semaphore, #tpu.memory_space<semaphore_mem>>
        %dma_start3A = arith.constant 0 : i32
        %dma_start3A_26 = tpu.memref_slice %arg12[%mul3A_7, %dma_start3A] : memref<10000x128xf32, #tpu.memory_space<vmem_shared>> -> memref<624x128xf32, #tpu.memory_space<vmem_shared>>
        %dma_start3A_27 = arith.constant 0 : i32
        %dma_start3A_28 = tpu.memref_slice %arg6[%mul3A_7, %dma_start3A_27] : memref<10000x128xf32, #tpu.memory_space<hbm>> -> memref<624x128xf32, #tpu.memory_space<hbm>>
        tpu.enqueue_dma source(%dma_start3A_28 : memref<624x128xf32, #tpu.memory_space<hbm>>) target(%dma_start3A_26 : memref<624x128xf32, #tpu.memory_space<vmem_shared>>) target_semaphore(%run_scoped3A : memref<!tpu.dma_semaphore, #tpu.memory_space<semaphore_mem>>)
        %dma_wait3A = arith.constant 0 : i32
        %dma_wait3A_29 = tpu.memref_slice %arg12[%mul3A_7, %dma_wait3A] : memref<10000x128xf32, #tpu.memory_space<vmem_shared>> -> memref<624x128xf32, #tpu.memory_space<vmem_shared>>
        %dma_wait3A_30 = arith.constant 0 : i32
        %dma_wait3A_31 = tpu.memref_slice %arg6[%mul3A_7, %dma_wait3A_30] : memref<10000x128xf32, #tpu.memory_space<hbm>> -> memref<624x128xf32, #tpu.memory_space<hbm>>
        tpu.wait_dma2 semaphore(%run_scoped3A : memref<!tpu.dma_semaphore, #tpu.memory_space<semaphore_mem>>) src(%dma_wait3A_31 : memref<624x128xf32, #tpu.memory_space<hbm>>) dst(%dma_wait3A_29 : memref<624x128xf32, #tpu.memory_space<vmem_shared>>)
        tpu.yield
      }) : () -> ()
      %eq3A_8 = arith.constant 15 : i32
      %eq3A_9 = arith.cmpi eq, %arg1, %eq3A_8 : i32
      %convert_element_type3A_10 = arith.extui %eq3A_9 : i1 to i32
      %cond3A_11 = arith.constant 0 : i32
      %cond3A_12 = arith.cmpi ne, %convert_element_type3A_10, %cond3A_11 : i32
      scf.if %cond3A_12 {
        "tpu.region"() ({
          %run_scoped3A = tpu.sem_alloc : memref<!tpu.dma_semaphore, #tpu.memory_space<semaphore_mem>>
          %dma_start3A = arith.constant 9984 : i32
          %dma_start3A_26 = arith.constant 0 : i32
          %dma_start3A_27 = tpu.memref_slice %arg12[%dma_start3A, %dma_start3A_26] : memref<10000x128xf32, #tpu.memory_space<vmem_shared>> -> memref<16x128xf32, #tpu.memory_space<vmem_shared>>
          %dma_start3A_28 = arith.constant 9984 : i32
          %dma_start3A_29 = arith.constant 0 : i32
          %dma_start3A_30 = tpu.memref_slice %arg6[%dma_start3A_28, %dma_start3A_29] : memref<10000x128xf32, #tpu.memory_space<hbm>> -> memref<16x128xf32, #tpu.memory_space<hbm>>
          tpu.enqueue_dma source(%dma_start3A_30 : memref<16x128xf32, #tpu.memory_space<hbm>>) target(%dma_start3A_27 : memref<16x128xf32, #tpu.memory_space<vmem_shared>>) target_semaphore(%run_scoped3A : memref<!tpu.dma_semaphore, #tpu.memory_space<semaphore_mem>>)
          %dma_wait3A = arith.constant 9984 : i32
          %dma_wait3A_31 = arith.constant 0 : i32
          %dma_wait3A_32 = tpu.memref_slice %arg12[%dma_wait3A, %dma_wait3A_31] : memref<10000x128xf32, #tpu.memory_space<vmem_shared>> -> memref<16x128xf32, #tpu.memory_space<vmem_shared>>
          %dma_wait3A_33 = arith.constant 9984 : i32
          %dma_wait3A_34 = arith.constant 0 : i32
          %dma_wait3A_35 = tpu.memref_slice %arg6[%dma_wait3A_33, %dma_wait3A_34] : memref<10000x128xf32, #tpu.memory_space<hbm>> -> memref<16x128xf32, #tpu.memory_space<hbm>>
          tpu.wait_dma2 semaphore(%run_scoped3A : memref<!tpu.dma_semaphore, #tpu.memory_space<semaphore_mem>>) src(%dma_wait3A_35 : memref<16x128xf32, #tpu.memory_space<hbm>>) dst(%dma_wait3A_32 : memref<16x128xf32, #tpu.memory_space<vmem_shared>>)
          tpu.yield
        }) : () -> ()
      } else {
      }
      %barrier3A = arith.constant 0 : index
      tpu.barrier barrier_id(%barrier3A)
      %scan3A = arith.constant 0 : i32
      %scan3A_13 = arith.constant 0 : i32
      %scan3A_14 = arith.constant 250 : i32
      %scan3A_15 = arith.addi %scan3A_13, %scan3A_14 : i32
      %scan3A_16 = arith.constant 1 : i32
      scf.for %scan3A_26 = %scan3A_13 to %scan3A_15 step %scan3A_16  : i32 {
        %mul3A_27 = arith.constant 20000 : i32
        %mul3A_28 = arith.muli %arg1, %mul3A_27 : i32
        %mul3A_29 = arith.constant 80 : i32
        %mul3A_30 = arith.muli %scan3A_26, %mul3A_29 : i32
        %add3A = arith.addi %mul3A_28, %mul3A_30 : i32
        "tpu.region"() ({
          %run_scoped3A = tpu.sem_alloc : memref<!tpu.dma_semaphore, #tpu.memory_space<semaphore_mem>>
          %dma_start3A_35 = tpu.memref_slice %arg4[%add3A] : memref<320000xi32, #tpu.memory_space<hbm>> -> memref<80xi32, #tpu.memory_space<hbm>>
          %dma_start3A_36 = tpu.memref_slice %arg4[%add3A] : memref<320000xi32, #tpu.memory_space<hbm>> -> memref<80xi32, #tpu.memory_space<hbm>>
          tpu.enqueue_dma source(%dma_start3A_36 : memref<80xi32, #tpu.memory_space<hbm>>) target(%arg9 : memref<80xi32, #tpu.memory_space<vmem>>) target_semaphore(%run_scoped3A : memref<!tpu.dma_semaphore, #tpu.memory_space<semaphore_mem>>)
          %dma_wait3A_37 = tpu.memref_slice %arg4[%add3A] : memref<320000xi32, #tpu.memory_space<hbm>> -> memref<80xi32, #tpu.memory_space<hbm>>
          %dma_wait3A_38 = tpu.memref_slice %arg4[%add3A] : memref<320000xi32, #tpu.memory_space<hbm>> -> memref<80xi32, #tpu.memory_space<hbm>>
          tpu.wait_dma2 semaphore(%run_scoped3A : memref<!tpu.dma_semaphore, #tpu.memory_space<semaphore_mem>>) src(%dma_wait3A_38 : memref<80xi32, #tpu.memory_space<hbm>>) dst(%arg9 : memref<80xi32, #tpu.memory_space<vmem>>)
          tpu.yield
        }) : () -> ()
        "tpu.region"() ({
          %run_scoped3A = tpu.sem_alloc : memref<!tpu.dma_semaphore, #tpu.memory_space<semaphore_mem>>
          %dma_start3A_35 = tpu.memref_slice %arg5[%add3A] : memref<320000xi32, #tpu.memory_space<hbm>> -> memref<80xi32, #tpu.memory_space<hbm>>
          %dma_start3A_36 = tpu.memref_slice %arg5[%add3A] : memref<320000xi32, #tpu.memory_space<hbm>> -> memref<80xi32, #tpu.memory_space<hbm>>
          tpu.enqueue_dma source(%dma_start3A_36 : memref<80xi32, #tpu.memory_space<hbm>>) target(%arg10 : memref<80xi32, #tpu.memory_space<vmem>>) target_semaphore(%run_scoped3A : memref<!tpu.dma_semaphore, #tpu.memory_space<semaphore_mem>>)
          %dma_wait3A_37 = tpu.memref_slice %arg5[%add3A] : memref<320000xi32, #tpu.memory_space<hbm>> -> memref<80xi32, #tpu.memory_space<hbm>>
          %dma_wait3A_38 = tpu.memref_slice %arg5[%add3A] : memref<320000xi32, #tpu.memory_space<hbm>> -> memref<80xi32, #tpu.memory_space<hbm>>
          tpu.wait_dma2 semaphore(%run_scoped3A : memref<!tpu.dma_semaphore, #tpu.memory_space<semaphore_mem>>) src(%dma_wait3A_38 : memref<80xi32, #tpu.memory_space<hbm>>) dst(%arg10 : memref<80xi32, #tpu.memory_space<vmem>>)
          tpu.yield
        }) : () -> ()
        %dma_start3A = arith.constant 0 : i32
        %dma_start3A_31 = arith.constant 0 : i32
        %dma_start3A_32 = tpu.memref_slice %arg3[%dma_start3A, %dma_start3A_31] : memref<10000x128xf32, #tpu.memory_space<hbm>> -> memref<10000x128xf32, #tpu.memory_space<hbm>>
        tpu.enqueue_indirect_dma source(%dma_start3A_32 : memref<10000x128xf32, #tpu.memory_space<hbm>>) target(%arg11 : memref<80x128xf32, #tpu.memory_space<vmem>>) offsets(%arg9 : memref<80xi32, #tpu.memory_space<vmem>>) semaphore(%arg13 : memref<!tpu.dma_semaphore, #tpu.memory_space<semaphore_mem>>)
        %dma_wait3A = arith.constant 0 : i32
        %dma_wait3A_33 = arith.constant 0 : i32
        %dma_wait3A_34 = tpu.memref_slice %arg3[%dma_wait3A, %dma_wait3A_33] : memref<10000x128xf32, #tpu.memory_space<hbm>> -> memref<10000x128xf32, #tpu.memory_space<hbm>>
        tpu.wait_indirect_dma semaphore(%arg13 : memref<!tpu.dma_semaphore, #tpu.memory_space<semaphore_mem>>) src(%dma_wait3A_34 : memref<10000x128xf32, #tpu.memory_space<hbm>>) dst(%arg11 : memref<80x128xf32, #tpu.memory_space<vmem>>)
        "tpu.region"() ({
          %run_scoped3A = tpu.sem_alloc : memref<!tpu.dma_semaphore, #tpu.memory_space<semaphore_mem>>
          %dma_start3A_35 = arith.constant 0 : i32
          %dma_start3A_36 = arith.constant 0 : i32
          %dma_start3A_37 = tpu.memref_slice %arg12[%dma_start3A_35, %dma_start3A_36] : memref<10000x128xf32, #tpu.memory_space<vmem_shared>> -> memref<10000x128xf32, #tpu.memory_space<vmem_shared>>
          tpu.enqueue_indirect_dma source(%arg11 : memref<80x128xf32, #tpu.memory_space<vmem>>) target(%dma_start3A_37 : memref<10000x128xf32, #tpu.memory_space<vmem_shared>>) offsets(%arg10 : memref<80xi32, #tpu.memory_space<vmem>>) semaphore(%run_scoped3A : memref<!tpu.dma_semaphore, #tpu.memory_space<semaphore_mem>>) {add = true}
          %dma_wait3A_38 = arith.constant 0 : i32
          %dma_wait3A_39 = arith.constant 0 : i32
          %dma_wait3A_40 = tpu.memref_slice %arg12[%dma_wait3A_38, %dma_wait3A_39] : memref<10000x128xf32, #tpu.memory_space<vmem_shared>> -> memref<10000x128xf32, #tpu.memory_space<vmem_shared>>
          tpu.wait_indirect_dma semaphore(%run_scoped3A : memref<!tpu.dma_semaphore, #tpu.memory_space<semaphore_mem>>) src(%arg11 : memref<80x128xf32, #tpu.memory_space<vmem>>) dst(%dma_wait3A_40 : memref<10000x128xf32, #tpu.memory_space<vmem_shared>>)
          tpu.yield
        }) : () -> ()
      }
      %scan3A_17 = arith.constant 250 : i32
      %barrier3A_18 = arith.constant 0 : index
      tpu.barrier barrier_id(%barrier3A_18)
      %mul3A_19 = arith.constant 624 : i32
      %mul3A_20 = arith.muli %arg1, %mul3A_19 : i32
      "tpu.region"() ({
        %run_scoped3A = tpu.sem_alloc : memref<!tpu.dma_semaphore, #tpu.memory_space<semaphore_mem>>
        %dma_start3A = arith.constant 0 : i32
        %dma_start3A_26 = tpu.memref_slice %arg8[%mul3A_20, %dma_start3A] : memref<10000x128xf32, #tpu.memory_space<hbm>> -> memref<624x128xf32, #tpu.memory_space<hbm>>
        %dma_start3A_27 = arith.constant 0 : i32
        %dma_start3A_28 = tpu.memref_slice %arg12[%mul3A_20, %dma_start3A_27] : memref<10000x128xf32, #tpu.memory_space<vmem_shared>> -> memref<624x128xf32, #tpu.memory_space<vmem_shared>>
        tpu.enqueue_dma source(%dma_start3A_28 : memref<624x128xf32, #tpu.memory_space<vmem_shared>>) target(%dma_start3A_26 : memref<624x128xf32, #tpu.memory_space<hbm>>) target_semaphore(%run_scoped3A : memref<!tpu.dma_semaphore, #tpu.memory_space<semaphore_mem>>)
        %dma_wait3A = arith.constant 0 : i32
        %dma_wait3A_29 = tpu.memref_slice %arg8[%mul3A_20, %dma_wait3A] : memref<10000x128xf32, #tpu.memory_space<hbm>> -> memref<624x128xf32, #tpu.memory_space<hbm>>
        %dma_wait3A_30 = arith.constant 0 : i32
        %dma_wait3A_31 = tpu.memref_slice %arg12[%mul3A_20, %dma_wait3A_30] : memref<10000x128xf32, #tpu.memory_space<vmem_shared>> -> memref<624x128xf32, #tpu.memory_space<vmem_shared>>
        tpu.wait_dma2 semaphore(%run_scoped3A : memref<!tpu.dma_semaphore, #tpu.memory_space<semaphore_mem>>) src(%dma_wait3A_31 : memref<624x128xf32, #tpu.memory_space<vmem_shared>>) dst(%dma_wait3A_29 : memref<624x128xf32, #tpu.memory_space<hbm>>)
        tpu.yield
      }) : () -> ()
      %eq3A_21 = arith.constant 15 : i32
      %eq3A_22 = arith.cmpi eq, %arg1, %eq3A_21 : i32
      %convert_element_type3A_23 = arith.extui %eq3A_22 : i1 to i32
      %cond3A_24 = arith.constant 0 : i32
      %cond3A_25 = arith.cmpi ne, %convert_element_type3A_23, %cond3A_24 : i32
      scf.if %cond3A_25 {
        "tpu.region"() ({
          %run_scoped3A = tpu.sem_alloc : memref<!tpu.dma_semaphore, #tpu.memory_space<semaphore_mem>>
          %dma_start3A = arith.constant 9984 : i32
          %dma_start3A_26 = arith.constant 0 : i32
          %dma_start3A_27 = tpu.memref_slice %arg8[%dma_start3A, %dma_start3A_26] : memref<10000x128xf32, #tpu.memory_space<hbm>> -> memref<16x128xf32, #tpu.memory_space<hbm>>
          %dma_start3A_28 = arith.constant 9984 : i32
          %dma_start3A_29 = arith.constant 0 : i32
          %dma_start3A_30 = tpu.memref_slice %arg12[%dma_start3A_28, %dma_start3A_29] : memref<10000x128xf32, #tpu.memory_space<vmem_shared>> -> memref<16x128xf32, #tpu.memory_space<vmem_shared>>
          tpu.enqueue_dma source(%dma_start3A_30 : memref<16x128xf32, #tpu.memory_space<vmem_shared>>) target(%dma_start3A_27 : memref<16x128xf32, #tpu.memory_space<hbm>>) target_semaphore(%run_scoped3A : memref<!tpu.dma_semaphore, #tpu.memory_space<semaphore_mem>>)
          %dma_wait3A = arith.constant 9984 : i32
          %dma_wait3A_31 = arith.constant 0 : i32
          %dma_wait3A_32 = tpu.memref_slice %arg8[%dma_wait3A, %dma_wait3A_31] : memref<10000x128xf32, #tpu.memory_space<hbm>> -> memref<16x128xf32, #tpu.memory_space<hbm>>
          %dma_wait3A_33 = arith.constant 9984 : i32
          %dma_wait3A_34 = arith.constant 0 : i32
          %dma_wait3A_35 = tpu.memref_slice %arg12[%dma_wait3A_33, %dma_wait3A_34] : memref<10000x128xf32, #tpu.memory_space<vmem_shared>> -> memref<16x128xf32, #tpu.memory_space<vmem_shared>>
          tpu.wait_dma2 semaphore(%run_scoped3A : memref<!tpu.dma_semaphore, #tpu.memory_space<semaphore_mem>>) src(%dma_wait3A_35 : memref<16x128xf32, #tpu.memory_space<vmem_shared>>) dst(%dma_wait3A_32 : memref<16x128xf32, #tpu.memory_space<hbm>>)
          tpu.yield
        }) : () -> ()
      } else {
      }
    } else {
    }
    return
  }
}

module attributes {stable_mosaic.version = 14 : i64} {
  func.func @_tc1_body(%arg0: i32, %arg1: memref<1000x1xf32, #tpu.memory_space<vmem>>, %arg2: memref<1000x1xf32, #tpu.memory_space<vmem>>, %arg3: memref<1000x128xf32, #tpu.memory_space<vmem>>, %arg4: memref<128x256xf32, #tpu.memory_space<vmem>>, %arg5: memref<1000x1xf32, #tpu.memory_space<vmem>>, %arg6: memref<1000x128xf32, #tpu.memory_space<vmem>>, %arg7: memref<1000x128xf32, #tpu.memory_space<vmem>>) attributes {dimension_semantics = [#tpu.dimension_semantics<arbitrary>], iteration_bounds = array<i64: 10>, scalar_prefetch = 0 : i64, scratch_operands = 0 : i64, tpu.core_type = #tpu.core_type<tc>, window_params = [{transform_indices = @transform_0, window_bounds = array<i64: 1000, 1>}, {transform_indices = @transform_1, window_bounds = array<i64: 1000, 1>}, {transform_indices = @transform_2, window_bounds = array<i64: 1000, 128>}, {pipeline_mode = #tpu.pipeline_mode<synchronous>, transform_indices = @transform_3, window_bounds = array<i64: 128, 256>}, {transform_indices = @transform_4, window_bounds = array<i64: 1000, 1>}, {transform_indices = @transform_5, window_bounds = array<i64: 1000, 128>}, {transform_indices = @transform_6, window_bounds = array<i64: 1000, 128>}]} {
    %get3A = arith.constant 0 : index
    %get3A_0 = arith.constant 0 : index
    %get3A_1 = vector.load %arg1[%get3A, %get3A_0] : memref<1000x1xf32, #tpu.memory_space<vmem>>, vector<1000x1xf32>
    %get3A_2 = arith.constant 0 : index
    %get3A_3 = arith.constant 0 : index
    %get3A_4 = vector.load %arg2[%get3A_2, %get3A_3] : memref<1000x1xf32, #tpu.memory_space<vmem>>, vector<1000x1xf32>
    %add3A = arith.addf %get3A_1, %get3A_4 : vector<1000x1xf32>
    %add3A_5 = arith.constant 1.000000e+00 : f32
    %add3A_6 = vector.broadcast %add3A_5 : f32 to vector<1000x1xf32>
    %add3A_7 = arith.addf %add3A, %add3A_6 : vector<1000x1xf32>
    %rsqrt3A = math.rsqrt %add3A_7 : vector<1000x1xf32>
    %swap3A = arith.constant 0 : index
    %swap3A_8 = arith.constant 0 : index
    %swap3A_9 = vector.load %arg5[%swap3A, %swap3A_8] : memref<1000x1xf32, #tpu.memory_space<vmem>>, vector<1000x1xf32>
    tpu.vector_store %arg5[%swap3A, %swap3A_8], %rsqrt3A {strides = array<i32>} : memref<1000x1xf32, #tpu.memory_space<vmem>>, vector<1000x1xf32>,
    %get3A_10 = arith.constant 0 : index
    %get3A_11 = arith.constant 0 : index
    %get3A_12 = vector.load %arg3[%get3A_10, %get3A_11] : memref<1000x128xf32, #tpu.memory_space<vmem>>, vector<1000x128xf32>
    %get3A_13 = arith.constant 0 : index
    %get3A_14 = arith.constant 0 : index
    %get3A_15 = vector.load %arg4[%get3A_13, %get3A_14] : memref<128x256xf32, #tpu.memory_space<vmem>>, vector<128x256xf32>
    %dot_general3A = arith.constant dense<0.000000e+00> : vector<1000x256xf32>
    %dot_general3A_16 = tpu.matmul %get3A_12, %get3A_15, %dot_general3A {dimension_numbers = #tpu.dot_dimension_numbers<[1], [0], [0], [1], [0, 0, 1, 1], [], []>, transpose_lhs_hint = false} : vector<1000x128xf32>, vector<128x256xf32>, vector<1000x256xf32> -> vector<1000x256xf32>
    %mul3A = vector.broadcast %rsqrt3A : vector<1000x1xf32> to vector<1000x256xf32>
    %mul3A_17 = arith.mulf %dot_general3A_16, %mul3A : vector<1000x256xf32>
    %slice3A = vector.extract_strided_slice %mul3A_17 {offsets = [0, 0], sizes = [1000, 128], strides = [1, 1]} : vector<1000x256xf32> to vector<1000x128xf32>
    %swap3A_18 = arith.constant 0 : index
    %swap3A_19 = arith.constant 0 : index
    %swap3A_20 = vector.load %arg6[%swap3A_18, %swap3A_19] : memref<1000x128xf32, #tpu.memory_space<vmem>>, vector<1000x128xf32>
    tpu.vector_store %arg6[%swap3A_18, %swap3A_19], %slice3A {strides = array<i32>} : memref<1000x128xf32, #tpu.memory_space<vmem>>, vector<1000x128xf32>,
    %slice3A_21 = vector.extract_strided_slice %mul3A_17 {offsets = [0, 128], sizes = [1000, 128], strides = [1, 1]} : vector<1000x256xf32> to vector<1000x128xf32>
    %swap3A_22 = arith.constant 0 : index
    %swap3A_23 = arith.constant 0 : index
    %swap3A_24 = vector.load %arg7[%swap3A_22, %swap3A_23] : memref<1000x128xf32, #tpu.memory_space<vmem>>, vector<1000x128xf32>
    tpu.vector_store %arg7[%swap3A_22, %swap3A_23], %slice3A_21 {strides = array<i32>} : memref<1000x128xf32, #tpu.memory_space<vmem>>, vector<1000x128xf32>,
    return
  }
  func.func @transform_0(%arg0: i32) -> (i32, i32) {
    %c0_i32 = arith.constant 0 : i32
    %c0_i32_0 = arith.constant 0 : i32
    return %arg0, %c0_i32 : i32, i32
  }
  func.func @transform_1(%arg0: i32) -> (i32, i32) {
    %c0_i32 = arith.constant 0 : i32
    %c0_i32_0 = arith.constant 0 : i32
    return %arg0, %c0_i32 : i32, i32
  }
  func.func @transform_2(%arg0: i32) -> (i32, i32) {
    %c0_i32 = arith.constant 0 : i32
    %c0_i32_0 = arith.constant 0 : i32
    return %arg0, %c0_i32 : i32, i32
  }
  func.func @transform_3(%arg0: i32) -> (i32, i32) {
    %c0_i32 = arith.constant 0 : i32
    %c0_i32_0 = arith.constant 0 : i32
    %c0_i32_1 = arith.constant 0 : i32
    return %c0_i32, %c0_i32_0 : i32, i32
  }
  func.func @transform_4(%arg0: i32) -> (i32, i32) {
    %c0_i32 = arith.constant 0 : i32
    %c0_i32_0 = arith.constant 0 : i32
    return %arg0, %c0_i32 : i32, i32
  }
  func.func @transform_5(%arg0: i32) -> (i32, i32) {
    %c0_i32 = arith.constant 0 : i32
    %c0_i32_0 = arith.constant 0 : i32
    return %arg0, %c0_i32 : i32, i32
  }
  func.func @transform_6(%arg0: i32) -> (i32, i32) {
    %c0_i32 = arith.constant 0 : i32
    %c0_i32_0 = arith.constant 0 : i32
    return %arg0, %c0_i32 : i32, i32
  }
}

module attributes {stable_mosaic.version = 14 : i64} {
  func.func @_tc3_body(%arg0: i32, %arg1: memref<1000x128xf32, #tpu.memory_space<vmem>>, %arg2: memref<1000x128xf32, #tpu.memory_space<vmem>>, %arg3: memref<1000x128xf32, #tpu.memory_space<vmem>>, %arg4: memref<1000x128xf32, #tpu.memory_space<vmem>>, %arg5: memref<1000x1xf32, #tpu.memory_space<vmem>>, %arg6: memref<1x256xf32, #tpu.memory_space<vmem>>, %arg7: memref<256x256xf32, #tpu.memory_space<vmem>>, %arg8: memref<1000x128xf32, #tpu.memory_space<vmem>>, %arg9: memref<1000x128xf32, #tpu.memory_space<vmem>>) attributes {dimension_semantics = [#tpu.dimension_semantics<arbitrary>], iteration_bounds = array<i64: 10>, scalar_prefetch = 0 : i64, scratch_operands = 0 : i64, tpu.core_type = #tpu.core_type<tc>, window_params = [{transform_indices = @transform_0, window_bounds = array<i64: 1000, 128>}, {transform_indices = @transform_1, window_bounds = array<i64: 1000, 128>}, {transform_indices = @transform_2, window_bounds = array<i64: 1000, 128>}, {transform_indices = @transform_3, window_bounds = array<i64: 1000, 128>}, {transform_indices = @transform_4, window_bounds = array<i64: 1000, 1>}, {pipeline_mode = #tpu.pipeline_mode<synchronous>, transform_indices = @transform_5, window_bounds = array<i64: 1, 256>}, {pipeline_mode = #tpu.pipeline_mode<synchronous>, transform_indices = @transform_6, window_bounds = array<i64: 256, 256>}, {transform_indices = @transform_7, window_bounds = array<i64: 1000, 128>}, {transform_indices = @transform_8, window_bounds = array<i64: 1000, 128>}]} {
    %get3A = arith.constant 0 : index
    %get3A_0 = arith.constant 0 : index
    %get3A_1 = vector.load %arg5[%get3A, %get3A_0] : memref<1000x1xf32, #tpu.memory_space<vmem>>, vector<1000x1xf32>
    %get3A_2 = arith.constant 0 : index
    %get3A_3 = arith.constant 0 : index
    %get3A_4 = vector.load %arg1[%get3A_2, %get3A_3] : memref<1000x128xf32, #tpu.memory_space<vmem>>, vector<1000x128xf32>
    %get3A_5 = arith.constant 0 : index
    %get3A_6 = arith.constant 0 : index
    %get3A_7 = vector.load %arg3[%get3A_5, %get3A_6] : memref<1000x128xf32, #tpu.memory_space<vmem>>, vector<1000x128xf32>
    %add3A = arith.addf %get3A_4, %get3A_7 : vector<1000x128xf32>
    %mul3A = vector.broadcast %get3A_1 : vector<1000x1xf32> to vector<1000x128xf32>
    %mul3A_8 = arith.mulf %add3A, %mul3A : vector<1000x128xf32>
    %get3A_9 = arith.constant 0 : index
    %get3A_10 = arith.constant 0 : index
    %get3A_11 = vector.load %arg2[%get3A_9, %get3A_10] : memref<1000x128xf32, #tpu.memory_space<vmem>>, vector<1000x128xf32>
    %get3A_12 = arith.constant 0 : index
    %get3A_13 = arith.constant 0 : index
    %get3A_14 = vector.load %arg4[%get3A_12, %get3A_13] : memref<1000x128xf32, #tpu.memory_space<vmem>>, vector<1000x128xf32>
    %add3A_15 = arith.addf %get3A_11, %get3A_14 : vector<1000x128xf32>
    %mul3A_16 = vector.broadcast %get3A_1 : vector<1000x1xf32> to vector<1000x128xf32>
    %mul3A_17 = arith.mulf %add3A_15, %mul3A_16 : vector<1000x128xf32>
    %concatenate3A = tpu.concatenate %mul3A_8, %mul3A_17 in 1 : vector<1000x128xf32>, vector<1000x128xf32> -> vector<1000x256xf32>
    %get3A_18 = arith.constant 0 : index
    %get3A_19 = arith.constant 0 : index
    %get3A_20 = vector.load %arg6[%get3A_18, %get3A_19] : memref<1x256xf32, #tpu.memory_space<vmem>>, vector<1x256xf32>
    %add3A_21 = vector.broadcast %get3A_20 : vector<1x256xf32> to vector<1000x256xf32>
    %add3A_22 = arith.addf %concatenate3A, %add3A_21 : vector<1000x256xf32>
    %max3A = arith.constant 0.000000e+00 : f32
    %max3A_23 = vector.broadcast %max3A : f32 to vector<1000x256xf32>
    %max3A_24 = arith.maximumf %add3A_22, %max3A_23 : vector<1000x256xf32>
    %get3A_25 = arith.constant 0 : index
    %get3A_26 = arith.constant 0 : index
    %get3A_27 = vector.load %arg7[%get3A_25, %get3A_26] : memref<256x256xf32, #tpu.memory_space<vmem>>, vector<256x256xf32>
    %dot_general3A = arith.constant dense<0.000000e+00> : vector<1000x256xf32>
    %dot_general3A_28 = tpu.matmul %max3A_24, %get3A_27, %dot_general3A {dimension_numbers = #tpu.dot_dimension_numbers<[1], [0], [0], [1], [0, 0, 1, 1], [], []>, transpose_lhs_hint = false} : vector<1000x256xf32>, vector<256x256xf32>, vector<1000x256xf32> -> vector<1000x256xf32>
    %mul3A_29 = vector.broadcast %get3A_1 : vector<1000x1xf32> to vector<1000x256xf32>
    %mul3A_30 = arith.mulf %dot_general3A_28, %mul3A_29 : vector<1000x256xf32>
    %slice3A = vector.extract_strided_slice %mul3A_30 {offsets = [0, 0], sizes = [1000, 128], strides = [1, 1]} : vector<1000x256xf32> to vector<1000x128xf32>
    %swap3A = arith.constant 0 : index
    %swap3A_31 = arith.constant 0 : index
    %swap3A_32 = vector.load %arg8[%swap3A, %swap3A_31] : memref<1000x128xf32, #tpu.memory_space<vmem>>, vector<1000x128xf32>
    tpu.vector_store %arg8[%swap3A, %swap3A_31], %slice3A {strides = array<i32>} : memref<1000x128xf32, #tpu.memory_space<vmem>>, vector<1000x128xf32>,
    %slice3A_33 = vector.extract_strided_slice %mul3A_30 {offsets = [0, 128], sizes = [1000, 128], strides = [1, 1]} : vector<1000x256xf32> to vector<1000x128xf32>
    %swap3A_34 = arith.constant 0 : index
    %swap3A_35 = arith.constant 0 : index
    %swap3A_36 = vector.load %arg9[%swap3A_34, %swap3A_35] : memref<1000x128xf32, #tpu.memory_space<vmem>>, vector<1000x128xf32>
    tpu.vector_store %arg9[%swap3A_34, %swap3A_35], %slice3A_33 {strides = array<i32>} : memref<1000x128xf32, #tpu.memory_space<vmem>>, vector<1000x128xf32>,
    return
  }
  func.func @transform_0(%arg0: i32) -> (i32, i32) {
    %c0_i32 = arith.constant 0 : i32
    %c0_i32_0 = arith.constant 0 : i32
    return %arg0, %c0_i32 : i32, i32
  }
  func.func @transform_1(%arg0: i32) -> (i32, i32) {
    %c0_i32 = arith.constant 0 : i32
    %c0_i32_0 = arith.constant 0 : i32
    return %arg0, %c0_i32 : i32, i32
  }
  func.func @transform_2(%arg0: i32) -> (i32, i32) {
    %c0_i32 = arith.constant 0 : i32
    %c0_i32_0 = arith.constant 0 : i32
    return %arg0, %c0_i32 : i32, i32
  }
  func.func @transform_3(%arg0: i32) -> (i32, i32) {
    %c0_i32 = arith.constant 0 : i32
    %c0_i32_0 = arith.constant 0 : i32
    return %arg0, %c0_i32 : i32, i32
  }
  func.func @transform_4(%arg0: i32) -> (i32, i32) {
    %c0_i32 = arith.constant 0 : i32
    %c0_i32_0 = arith.constant 0 : i32
    return %arg0, %c0_i32 : i32, i32
  }
  func.func @transform_5(%arg0: i32) -> (i32, i32) {
    %c0_i32 = arith.constant 0 : i32
    %c0_i32_0 = arith.constant 0 : i32
    %c0_i32_1 = arith.constant 0 : i32
    return %c0_i32, %c0_i32_0 : i32, i32
  }
  func.func @transform_6(%arg0: i32) -> (i32, i32) {
    %c0_i32 = arith.constant 0 : i32
    %c0_i32_0 = arith.constant 0 : i32
    %c0_i32_1 = arith.constant 0 : i32
    return %c0_i32, %c0_i32_0 : i32, i32
  }
  func.func @transform_7(%arg0: i32) -> (i32, i32) {
    %c0_i32 = arith.constant 0 : i32
    %c0_i32_0 = arith.constant 0 : i32
    return %arg0, %c0_i32 : i32, i32
  }
  func.func @transform_8(%arg0: i32) -> (i32, i32) {
    %c0_i32 = arith.constant 0 : i32
    %c0_i32_0 = arith.constant 0 : i32
    return %arg0, %c0_i32 : i32, i32
  }
}

module attributes {stable_mosaic.version = 14 : i64} {
  func.func @_tc2_body(%arg0: i32, %arg1: memref<1000x128xf32, #tpu.memory_space<vmem>>, %arg2: memref<1000x128xf32, #tpu.memory_space<vmem>>, %arg3: memref<1000x128xf32, #tpu.memory_space<vmem>>, %arg4: memref<1000x128xf32, #tpu.memory_space<vmem>>, %arg5: memref<1000x1xf32, #tpu.memory_space<vmem>>, %arg6: memref<1x256xf32, #tpu.memory_space<vmem>>, %arg7: memref<256x256xf32, #tpu.memory_space<vmem>>, %arg8: memref<1x2x256xf32, #tpu.memory_space<vmem>>, %arg9: memref<1000x128xf32, #tpu.memory_space<vmem>>, %arg10: memref<1000x128xf32, #tpu.memory_space<vmem>>) attributes {dimension_semantics = [#tpu.dimension_semantics<arbitrary>], iteration_bounds = array<i64: 10>, scalar_prefetch = 0 : i64, scratch_operands = 0 : i64, tpu.core_type = #tpu.core_type<tc>, window_params = [{transform_indices = @transform_0, window_bounds = array<i64: 1000, 128>}, {transform_indices = @transform_1, window_bounds = array<i64: 1000, 128>}, {transform_indices = @transform_2, window_bounds = array<i64: 1000, 128>}, {transform_indices = @transform_3, window_bounds = array<i64: 1000, 128>}, {transform_indices = @transform_4, window_bounds = array<i64: 1000, 1>}, {pipeline_mode = #tpu.pipeline_mode<synchronous>, transform_indices = @transform_5, window_bounds = array<i64: 1, 256>}, {pipeline_mode = #tpu.pipeline_mode<synchronous>, transform_indices = @transform_6, window_bounds = array<i64: 256, 256>}, {transform_indices = @transform_7, window_bounds = array<i64: 1, 2, 256>}, {transform_indices = @transform_8, window_bounds = array<i64: 1000, 128>}, {transform_indices = @transform_9, window_bounds = array<i64: 1000, 128>}]} {
    %get3A = arith.constant 0 : index
    %get3A_0 = arith.constant 0 : index
    %get3A_1 = vector.load %arg5[%get3A, %get3A_0] : memref<1000x1xf32, #tpu.memory_space<vmem>>, vector<1000x1xf32>
    %get3A_2 = arith.constant 0 : index
    %get3A_3 = arith.constant 0 : index
    %get3A_4 = vector.load %arg1[%get3A_2, %get3A_3] : memref<1000x128xf32, #tpu.memory_space<vmem>>, vector<1000x128xf32>
    %get3A_5 = arith.constant 0 : index
    %get3A_6 = arith.constant 0 : index
    %get3A_7 = vector.load %arg3[%get3A_5, %get3A_6] : memref<1000x128xf32, #tpu.memory_space<vmem>>, vector<1000x128xf32>
    %add3A = arith.addf %get3A_4, %get3A_7 : vector<1000x128xf32>
    %mul3A = vector.broadcast %get3A_1 : vector<1000x1xf32> to vector<1000x128xf32>
    %mul3A_8 = arith.mulf %add3A, %mul3A : vector<1000x128xf32>
    %get3A_9 = arith.constant 0 : index
    %get3A_10 = arith.constant 0 : index
    %get3A_11 = vector.load %arg2[%get3A_9, %get3A_10] : memref<1000x128xf32, #tpu.memory_space<vmem>>, vector<1000x128xf32>
    %get3A_12 = arith.constant 0 : index
    %get3A_13 = arith.constant 0 : index
    %get3A_14 = vector.load %arg4[%get3A_12, %get3A_13] : memref<1000x128xf32, #tpu.memory_space<vmem>>, vector<1000x128xf32>
    %add3A_15 = arith.addf %get3A_11, %get3A_14 : vector<1000x128xf32>
    %mul3A_16 = vector.broadcast %get3A_1 : vector<1000x1xf32> to vector<1000x128xf32>
    %mul3A_17 = arith.mulf %add3A_15, %mul3A_16 : vector<1000x128xf32>
    %concatenate3A = tpu.concatenate %mul3A_8, %mul3A_17 in 1 : vector<1000x128xf32>, vector<1000x128xf32> -> vector<1000x256xf32>
    %get3A_18 = arith.constant 0 : index
    %get3A_19 = arith.constant 0 : index
    %get3A_20 = vector.load %arg6[%get3A_18, %get3A_19] : memref<1x256xf32, #tpu.memory_space<vmem>>, vector<1x256xf32>
    %add3A_21 = vector.broadcast %get3A_20 : vector<1x256xf32> to vector<1000x256xf32>
    %add3A_22 = arith.addf %concatenate3A, %add3A_21 : vector<1000x256xf32>
    %max3A = arith.constant 0.000000e+00 : f32
    %max3A_23 = vector.broadcast %max3A : f32 to vector<1000x256xf32>
    %max3A_24 = arith.maximumf %add3A_22, %max3A_23 : vector<1000x256xf32>
    %iota3A = tpu.iota {dimensions = array<i32: 0>} : vector<1000x1xi32>
    %lt3A = arith.constant 500 : i32
    %lt3A_25 = vector.broadcast %lt3A : i32 to vector<1000x1xi32>
    %lt3A_26 = arith.cmpi slt, %iota3A, %lt3A_25 : vector<1000x1xi32>
    %jit3A = arith.constant 0xFF800000 : f32
    %broadcast_in_dim3A = vector.shape_cast %lt3A_26 : vector<1000x1xi1> to vector<1000x1xi1>
    %broadcast_in_dim3A_27 = vector.broadcast %broadcast_in_dim3A : vector<1000x1xi1> to vector<1000x256xi1>
    %broadcast_in_dim3A_28 = vector.broadcast %jit3A : f32 to vector<1000x256xf32>
    %select_n3A = arith.select %broadcast_in_dim3A_27, %max3A_24, %broadcast_in_dim3A_28 : vector<1000x256xi1>, vector<1000x256xf32>
    %reduce_max3A = arith.constant dense<0xFF800000> : vector<256xf32>
    %reduce_max3A_29 = vector.multi_reduction <maximumf>, %select_n3A, %reduce_max3A [0] : vector<1000x256xf32> to vector<256xf32>
    %broadcast_in_dim3A_30 = vector.shape_cast %reduce_max3A_29 : vector<256xf32> to vector<1x256xf32>
    %ge3A = arith.constant 500 : i32
    %ge3A_31 = vector.broadcast %ge3A : i32 to vector<1000x1xi32>
    %ge3A_32 = arith.cmpi sge, %iota3A, %ge3A_31 : vector<1000x1xi32>
    %jit3A_33 = arith.constant 0xFF800000 : f32
    %broadcast_in_dim3A_34 = vector.shape_cast %ge3A_32 : vector<1000x1xi1> to vector<1000x1xi1>
    %broadcast_in_dim3A_35 = vector.broadcast %broadcast_in_dim3A_34 : vector<1000x1xi1> to vector<1000x256xi1>
    %broadcast_in_dim3A_36 = vector.broadcast %jit3A_33 : f32 to vector<1000x256xf32>
    %select_n3A_37 = arith.select %broadcast_in_dim3A_35, %max3A_24, %broadcast_in_dim3A_36 : vector<1000x256xi1>, vector<1000x256xf32>
    %reduce_max3A_38 = arith.constant dense<0xFF800000> : vector<256xf32>
    %reduce_max3A_39 = vector.multi_reduction <maximumf>, %select_n3A_37, %reduce_max3A_38 [0] : vector<1000x256xf32> to vector<256xf32>
    %broadcast_in_dim3A_40 = vector.shape_cast %reduce_max3A_39 : vector<256xf32> to vector<1x256xf32>
    %concatenate3A_41 = tpu.concatenate %broadcast_in_dim3A_30, %broadcast_in_dim3A_40 in 0 : vector<1x256xf32>, vector<1x256xf32> -> vector<2x256xf32>
    %broadcast_in_dim3A_42 = vector.shape_cast %concatenate3A_41 : vector<2x256xf32> to vector<1x2x256xf32>
    %swap3A = arith.constant 0 : index
    %swap3A_43 = arith.constant 0 : index
    %swap3A_44 = arith.constant 0 : index
    %swap3A_45 = vector.load %arg8[%swap3A, %swap3A_43, %swap3A_44] : memref<1x2x256xf32, #tpu.memory_space<vmem>>, vector<1x2x256xf32>
    tpu.vector_store %arg8[%swap3A, %swap3A_43, %swap3A_44], %broadcast_in_dim3A_42 {strides = array<i32>} : memref<1x2x256xf32, #tpu.memory_space<vmem>>, vector<1x2x256xf32>,
    %get3A_46 = arith.constant 0 : index
    %get3A_47 = arith.constant 0 : index
    %get3A_48 = vector.load %arg7[%get3A_46, %get3A_47] : memref<256x256xf32, #tpu.memory_space<vmem>>, vector<256x256xf32>
    %dot_general3A = arith.constant dense<0.000000e+00> : vector<1000x256xf32>
    %dot_general3A_49 = tpu.matmul %max3A_24, %get3A_48, %dot_general3A {dimension_numbers = #tpu.dot_dimension_numbers<[1], [0], [0], [1], [0, 0, 1, 1], [], []>, transpose_lhs_hint = false} : vector<1000x256xf32>, vector<256x256xf32>, vector<1000x256xf32> -> vector<1000x256xf32>
    %mul3A_50 = vector.broadcast %get3A_1 : vector<1000x1xf32> to vector<1000x256xf32>
    %mul3A_51 = arith.mulf %dot_general3A_49, %mul3A_50 : vector<1000x256xf32>
    %slice3A = vector.extract_strided_slice %mul3A_51 {offsets = [0, 0], sizes = [1000, 128], strides = [1, 1]} : vector<1000x256xf32> to vector<1000x128xf32>
    %swap3A_52 = arith.constant 0 : index
    %swap3A_53 = arith.constant 0 : index
    %swap3A_54 = vector.load %arg9[%swap3A_52, %swap3A_53] : memref<1000x128xf32, #tpu.memory_space<vmem>>, vector<1000x128xf32>
    tpu.vector_store %arg9[%swap3A_52, %swap3A_53], %slice3A {strides = array<i32>} : memref<1000x128xf32, #tpu.memory_space<vmem>>, vector<1000x128xf32>,
    %slice3A_55 = vector.extract_strided_slice %mul3A_51 {offsets = [0, 128], sizes = [1000, 128], strides = [1, 1]} : vector<1000x256xf32> to vector<1000x128xf32>
    %swap3A_56 = arith.constant 0 : index
    %swap3A_57 = arith.constant 0 : index
    %swap3A_58 = vector.load %arg10[%swap3A_56, %swap3A_57] : memref<1000x128xf32, #tpu.memory_space<vmem>>, vector<1000x128xf32>
    tpu.vector_store %arg10[%swap3A_56, %swap3A_57], %slice3A_55 {strides = array<i32>} : memref<1000x128xf32, #tpu.memory_space<vmem>>, vector<1000x128xf32>,
    return
  }
  func.func @transform_0(%arg0: i32) -> (i32, i32) {
    %c0_i32 = arith.constant 0 : i32
    %c0_i32_0 = arith.constant 0 : i32
    return %arg0, %c0_i32 : i32, i32
  }
  func.func @transform_1(%arg0: i32) -> (i32, i32) {
    %c0_i32 = arith.constant 0 : i32
    %c0_i32_0 = arith.constant 0 : i32
    return %arg0, %c0_i32 : i32, i32
  }
  func.func @transform_2(%arg0: i32) -> (i32, i32) {
    %c0_i32 = arith.constant 0 : i32
    %c0_i32_0 = arith.constant 0 : i32
    return %arg0, %c0_i32 : i32, i32
  }
  func.func @transform_3(%arg0: i32) -> (i32, i32) {
    %c0_i32 = arith.constant 0 : i32
    %c0_i32_0 = arith.constant 0 : i32
    return %arg0, %c0_i32 : i32, i32
  }
  func.func @transform_4(%arg0: i32) -> (i32, i32) {
    %c0_i32 = arith.constant 0 : i32
    %c0_i32_0 = arith.constant 0 : i32
    return %arg0, %c0_i32 : i32, i32
  }
  func.func @transform_5(%arg0: i32) -> (i32, i32) {
    %c0_i32 = arith.constant 0 : i32
    %c0_i32_0 = arith.constant 0 : i32
    %c0_i32_1 = arith.constant 0 : i32
    return %c0_i32, %c0_i32_0 : i32, i32
  }
  func.func @transform_6(%arg0: i32) -> (i32, i32) {
    %c0_i32 = arith.constant 0 : i32
    %c0_i32_0 = arith.constant 0 : i32
    %c0_i32_1 = arith.constant 0 : i32
    return %c0_i32, %c0_i32_0 : i32, i32
  }
  func.func @transform_7(%arg0: i32) -> (i32, i32, i32) {
    %c0_i32 = arith.constant 0 : i32
    %c0_i32_0 = arith.constant 0 : i32
    %c0_i32_1 = arith.constant 0 : i32
    return %arg0, %c0_i32, %c0_i32_0 : i32, i32, i32
  }
  func.func @transform_8(%arg0: i32) -> (i32, i32) {
    %c0_i32 = arith.constant 0 : i32
    %c0_i32_0 = arith.constant 0 : i32
    return %arg0, %c0_i32 : i32, i32
  }
  func.func @transform_9(%arg0: i32) -> (i32, i32) {
    %c0_i32 = arith.constant 0 : i32
    %c0_i32_0 = arith.constant 0 : i32
    return %arg0, %c0_i32 : i32, i32
  }
}

module attributes {stable_mosaic.version = 14 : i64} {
  func.func @_tcg_body(%arg0: memref<20x256xf32, #tpu.memory_space<vmem>>, %arg1: memref<256x256xf32, #tpu.memory_space<vmem>>, %arg2: memref<1x256xf32, #tpu.memory_space<vmem>>, %arg3: memref<20x256xf32, #tpu.memory_space<vmem>>) attributes {dimension_semantics = [], scalar_prefetch = 0 : i64, scratch_operands = 0 : i64, tpu.core_type = #tpu.core_type<tc>} {
    %get3A = arith.constant 0 : index
    %get3A_0 = arith.constant 0 : index
    %get3A_1 = vector.load %arg0[%get3A, %get3A_0] : memref<20x256xf32, #tpu.memory_space<vmem>>, vector<20x256xf32>
    %get3A_2 = arith.constant 0 : index
    %get3A_3 = arith.constant 0 : index
    %get3A_4 = vector.load %arg1[%get3A_2, %get3A_3] : memref<256x256xf32, #tpu.memory_space<vmem>>, vector<256x256xf32>
    %dot_general3A = arith.constant dense<0.000000e+00> : vector<20x256xf32>
    %dot_general3A_5 = tpu.matmul %get3A_1, %get3A_4, %dot_general3A {dimension_numbers = #tpu.dot_dimension_numbers<[1], [0], [0], [1], [0, 0, 1, 1], [], []>, transpose_lhs_hint = false} : vector<20x256xf32>, vector<256x256xf32>, vector<20x256xf32> -> vector<20x256xf32>
    %get3A_6 = arith.constant 0 : index
    %get3A_7 = arith.constant 0 : index
    %get3A_8 = vector.load %arg2[%get3A_6, %get3A_7] : memref<1x256xf32, #tpu.memory_space<vmem>>, vector<1x256xf32>
    %add3A = vector.broadcast %get3A_8 : vector<1x256xf32> to vector<20x256xf32>
    %add3A_9 = arith.addf %dot_general3A_5, %add3A : vector<20x256xf32>
    %swap3A = arith.constant 0 : index
    %swap3A_10 = arith.constant 0 : index
    %swap3A_11 = vector.load %arg3[%swap3A, %swap3A_10] : memref<20x256xf32, #tpu.memory_space<vmem>>, vector<20x256xf32>
    tpu.vector_store %arg3[%swap3A, %swap3A_10], %add3A_9 {strides = array<i32>} : memref<20x256xf32, #tpu.memory_space<vmem>>, vector<20x256xf32>,
    return
  }
}

module attributes {stable_mosaic.version = 14 : i64} {
  func.func @_tc4_body(%arg0: i32, %arg1: memref<1000x128xf32, #tpu.memory_space<vmem>>, %arg2: memref<1000x128xf32, #tpu.memory_space<vmem>>, %arg3: memref<1000x128xf32, #tpu.memory_space<vmem>>, %arg4: memref<1000x128xf32, #tpu.memory_space<vmem>>, %arg5: memref<1000x1xf32, #tpu.memory_space<vmem>>, %arg6: memref<1x256xf32, #tpu.memory_space<vmem>>, %arg7: memref<512x256xf32, #tpu.memory_space<vmem>>, %arg8: memref<1x2x256xf32, #tpu.memory_space<vmem>>, %arg9: memref<1000x128xf32, #tpu.memory_space<vmem>>, %arg10: memref<1000x128xf32, #tpu.memory_space<vmem>>) attributes {dimension_semantics = [#tpu.dimension_semantics<arbitrary>], iteration_bounds = array<i64: 10>, scalar_prefetch = 0 : i64, scratch_operands = 0 : i64, tpu.core_type = #tpu.core_type<tc>, window_params = [{transform_indices = @transform_0, window_bounds = array<i64: 1000, 128>}, {transform_indices = @transform_1, window_bounds = array<i64: 1000, 128>}, {transform_indices = @transform_2, window_bounds = array<i64: 1000, 128>}, {transform_indices = @transform_3, window_bounds = array<i64: 1000, 128>}, {transform_indices = @transform_4, window_bounds = array<i64: 1000, 1>}, {pipeline_mode = #tpu.pipeline_mode<synchronous>, transform_indices = @transform_5, window_bounds = array<i64: 1, 256>}, {pipeline_mode = #tpu.pipeline_mode<synchronous>, transform_indices = @transform_6, window_bounds = array<i64: 512, 256>}, {transform_indices = @transform_7, window_bounds = array<i64: 1, 2, 256>}, {transform_indices = @transform_8, window_bounds = array<i64: 1000, 128>}, {transform_indices = @transform_9, window_bounds = array<i64: 1000, 128>}]} {
    %get3A = arith.constant 0 : index
    %get3A_0 = arith.constant 0 : index
    %get3A_1 = vector.load %arg5[%get3A, %get3A_0] : memref<1000x1xf32, #tpu.memory_space<vmem>>, vector<1000x1xf32>
    %get3A_2 = arith.constant 0 : index
    %get3A_3 = arith.constant 0 : index
    %get3A_4 = vector.load %arg1[%get3A_2, %get3A_3] : memref<1000x128xf32, #tpu.memory_space<vmem>>, vector<1000x128xf32>
    %get3A_5 = arith.constant 0 : index
    %get3A_6 = arith.constant 0 : index
    %get3A_7 = vector.load %arg3[%get3A_5, %get3A_6] : memref<1000x128xf32, #tpu.memory_space<vmem>>, vector<1000x128xf32>
    %add3A = arith.addf %get3A_4, %get3A_7 : vector<1000x128xf32>
    %mul3A = vector.broadcast %get3A_1 : vector<1000x1xf32> to vector<1000x128xf32>
    %mul3A_8 = arith.mulf %add3A, %mul3A : vector<1000x128xf32>
    %get3A_9 = arith.constant 0 : index
    %get3A_10 = arith.constant 0 : index
    %get3A_11 = vector.load %arg2[%get3A_9, %get3A_10] : memref<1000x128xf32, #tpu.memory_space<vmem>>, vector<1000x128xf32>
    %get3A_12 = arith.constant 0 : index
    %get3A_13 = arith.constant 0 : index
    %get3A_14 = vector.load %arg4[%get3A_12, %get3A_13] : memref<1000x128xf32, #tpu.memory_space<vmem>>, vector<1000x128xf32>
    %add3A_15 = arith.addf %get3A_11, %get3A_14 : vector<1000x128xf32>
    %mul3A_16 = vector.broadcast %get3A_1 : vector<1000x1xf32> to vector<1000x128xf32>
    %mul3A_17 = arith.mulf %add3A_15, %mul3A_16 : vector<1000x128xf32>
    %concatenate3A = tpu.concatenate %mul3A_8, %mul3A_17 in 1 : vector<1000x128xf32>, vector<1000x128xf32> -> vector<1000x256xf32>
    %get3A_18 = arith.constant 0 : index
    %get3A_19 = arith.constant 0 : index
    %get3A_20 = vector.load %arg6[%get3A_18, %get3A_19] : memref<1x256xf32, #tpu.memory_space<vmem>>, vector<1x256xf32>
    %add3A_21 = vector.broadcast %get3A_20 : vector<1x256xf32> to vector<1000x256xf32>
    %add3A_22 = arith.addf %concatenate3A, %add3A_21 : vector<1000x256xf32>
    %max3A = arith.constant 0.000000e+00 : f32
    %max3A_23 = vector.broadcast %max3A : f32 to vector<1000x256xf32>
    %max3A_24 = arith.maximumf %add3A_22, %max3A_23 : vector<1000x256xf32>
    %get3A_25 = arith.constant 0 : index
    %get3A_26 = arith.constant 0 : index
    %get3A_27 = arith.constant 0 : index
    %get3A_28 = vector.load %arg8[%get3A_25, %get3A_26, %get3A_27] : memref<1x2x256xf32, #tpu.memory_space<vmem>>, vector<1x1x256xf32>
    %get3A_29 = vector.shape_cast %get3A_28 : vector<1x1x256xf32> to vector<1x256xf32>
    %get3A_30 = arith.constant 0 : index
    %get3A_31 = arith.constant 1 : index
    %get3A_32 = arith.constant 0 : index
    %get3A_33 = vector.load %arg8[%get3A_30, %get3A_31, %get3A_32] : memref<1x2x256xf32, #tpu.memory_space<vmem>>, vector<1x1x256xf32>
    %get3A_34 = vector.shape_cast %get3A_33 : vector<1x1x256xf32> to vector<1x256xf32>
    %iota3A = tpu.iota {dimensions = array<i32: 0>} : vector<1000x1xi32>
    %lt3A = arith.constant 500 : i32
    %lt3A_35 = vector.broadcast %lt3A : i32 to vector<1000x1xi32>
    %lt3A_36 = arith.cmpi slt, %iota3A, %lt3A_35 : vector<1000x1xi32>
    %broadcast_in_dim3A = vector.shape_cast %lt3A_36 : vector<1000x1xi1> to vector<1000x1xi1>
    %broadcast_in_dim3A_37 = vector.broadcast %broadcast_in_dim3A : vector<1000x1xi1> to vector<1000x256xi1>
    %broadcast_in_dim3A_38 = vector.shape_cast %get3A_29 : vector<1x256xf32> to vector<1x256xf32>
    %broadcast_in_dim3A_39 = vector.broadcast %broadcast_in_dim3A_38 : vector<1x256xf32> to vector<1000x256xf32>
    %broadcast_in_dim3A_40 = vector.shape_cast %get3A_34 : vector<1x256xf32> to vector<1x256xf32>
    %broadcast_in_dim3A_41 = vector.broadcast %broadcast_in_dim3A_40 : vector<1x256xf32> to vector<1000x256xf32>
    %select_n3A = arith.select %broadcast_in_dim3A_37, %broadcast_in_dim3A_39, %broadcast_in_dim3A_41 : vector<1000x256xi1>, vector<1000x256xf32>
    %concatenate3A_42 = tpu.concatenate %max3A_24, %select_n3A in 1 : vector<1000x256xf32>, vector<1000x256xf32> -> vector<1000x512xf32>
    %get3A_43 = arith.constant 0 : index
    %get3A_44 = arith.constant 0 : index
    %get3A_45 = vector.load %arg7[%get3A_43, %get3A_44] : memref<512x256xf32, #tpu.memory_space<vmem>>, vector<512x256xf32>
    %dot_general3A = arith.constant dense<0.000000e+00> : vector<1000x256xf32>
    %dot_general3A_46 = tpu.matmul %concatenate3A_42, %get3A_45, %dot_general3A {dimension_numbers = #tpu.dot_dimension_numbers<[1], [0], [0], [1], [0, 0, 1, 1], [], []>, transpose_lhs_hint = false} : vector<1000x512xf32>, vector<512x256xf32>, vector<1000x256xf32> -> vector<1000x256xf32>
    %mul3A_47 = vector.broadcast %get3A_1 : vector<1000x1xf32> to vector<1000x256xf32>
    %mul3A_48 = arith.mulf %dot_general3A_46, %mul3A_47 : vector<1000x256xf32>
    %slice3A = vector.extract_strided_slice %mul3A_48 {offsets = [0, 0], sizes = [1000, 128], strides = [1, 1]} : vector<1000x256xf32> to vector<1000x128xf32>
    %swap3A = arith.constant 0 : index
    %swap3A_49 = arith.constant 0 : index
    %swap3A_50 = vector.load %arg9[%swap3A, %swap3A_49] : memref<1000x128xf32, #tpu.memory_space<vmem>>, vector<1000x128xf32>
    tpu.vector_store %arg9[%swap3A, %swap3A_49], %slice3A {strides = array<i32>} : memref<1000x128xf32, #tpu.memory_space<vmem>>, vector<1000x128xf32>,
    %slice3A_51 = vector.extract_strided_slice %mul3A_48 {offsets = [0, 128], sizes = [1000, 128], strides = [1, 1]} : vector<1000x256xf32> to vector<1000x128xf32>
    %swap3A_52 = arith.constant 0 : index
    %swap3A_53 = arith.constant 0 : index
    %swap3A_54 = vector.load %arg10[%swap3A_52, %swap3A_53] : memref<1000x128xf32, #tpu.memory_space<vmem>>, vector<1000x128xf32>
    tpu.vector_store %arg10[%swap3A_52, %swap3A_53], %slice3A_51 {strides = array<i32>} : memref<1000x128xf32, #tpu.memory_space<vmem>>, vector<1000x128xf32>,
    return
  }
  func.func @transform_0(%arg0: i32) -> (i32, i32) {
    %c0_i32 = arith.constant 0 : i32
    %c0_i32_0 = arith.constant 0 : i32
    return %arg0, %c0_i32 : i32, i32
  }
  func.func @transform_1(%arg0: i32) -> (i32, i32) {
    %c0_i32 = arith.constant 0 : i32
    %c0_i32_0 = arith.constant 0 : i32
    return %arg0, %c0_i32 : i32, i32
  }
  func.func @transform_2(%arg0: i32) -> (i32, i32) {
    %c0_i32 = arith.constant 0 : i32
    %c0_i32_0 = arith.constant 0 : i32
    return %arg0, %c0_i32 : i32, i32
  }
  func.func @transform_3(%arg0: i32) -> (i32, i32) {
    %c0_i32 = arith.constant 0 : i32
    %c0_i32_0 = arith.constant 0 : i32
    return %arg0, %c0_i32 : i32, i32
  }
  func.func @transform_4(%arg0: i32) -> (i32, i32) {
    %c0_i32 = arith.constant 0 : i32
    %c0_i32_0 = arith.constant 0 : i32
    return %arg0, %c0_i32 : i32, i32
  }
  func.func @transform_5(%arg0: i32) -> (i32, i32) {
    %c0_i32 = arith.constant 0 : i32
    %c0_i32_0 = arith.constant 0 : i32
    %c0_i32_1 = arith.constant 0 : i32
    return %c0_i32, %c0_i32_0 : i32, i32
  }
  func.func @transform_6(%arg0: i32) -> (i32, i32) {
    %c0_i32 = arith.constant 0 : i32
    %c0_i32_0 = arith.constant 0 : i32
    %c0_i32_1 = arith.constant 0 : i32
    return %c0_i32, %c0_i32_0 : i32, i32
  }
  func.func @transform_7(%arg0: i32) -> (i32, i32, i32) {
    %c0_i32 = arith.constant 0 : i32
    %c0_i32_0 = arith.constant 0 : i32
    %c0_i32_1 = arith.constant 0 : i32
    return %arg0, %c0_i32, %c0_i32_0 : i32, i32, i32
  }
  func.func @transform_8(%arg0: i32) -> (i32, i32) {
    %c0_i32 = arith.constant 0 : i32
    %c0_i32_0 = arith.constant 0 : i32
    return %arg0, %c0_i32 : i32, i32
  }
  func.func @transform_9(%arg0: i32) -> (i32, i32) {
    %c0_i32 = arith.constant 0 : i32
    %c0_i32_0 = arith.constant 0 : i32
    return %arg0, %c0_i32 : i32, i32
  }
}

module attributes {stable_mosaic.version = 14 : i64} {
  func.func @_tc5_body(%arg0: i32, %arg1: memref<1000x128xf32, #tpu.memory_space<vmem>>, %arg2: memref<1000x128xf32, #tpu.memory_space<vmem>>, %arg3: memref<1000x128xf32, #tpu.memory_space<vmem>>, %arg4: memref<1000x128xf32, #tpu.memory_space<vmem>>, %arg5: memref<1000x1xf32, #tpu.memory_space<vmem>>, %arg6: memref<1x256xf32, #tpu.memory_space<vmem>>, %arg7: memref<256x1xf32, #tpu.memory_space<vmem>>, %arg8: memref<1000x128xf32, #tpu.memory_space<vmem>>) attributes {dimension_semantics = [#tpu.dimension_semantics<arbitrary>], iteration_bounds = array<i64: 10>, scalar_prefetch = 0 : i64, scratch_operands = 0 : i64, tpu.core_type = #tpu.core_type<tc>, window_params = [{transform_indices = @transform_0, window_bounds = array<i64: 1000, 128>}, {transform_indices = @transform_1, window_bounds = array<i64: 1000, 128>}, {transform_indices = @transform_2, window_bounds = array<i64: 1000, 128>}, {transform_indices = @transform_3, window_bounds = array<i64: 1000, 128>}, {transform_indices = @transform_4, window_bounds = array<i64: 1000, 1>}, {pipeline_mode = #tpu.pipeline_mode<synchronous>, transform_indices = @transform_5, window_bounds = array<i64: 1, 256>}, {pipeline_mode = #tpu.pipeline_mode<synchronous>, transform_indices = @transform_6, window_bounds = array<i64: 256, 1>}, {transform_indices = @transform_7, window_bounds = array<i64: 1000, 128>}]} {
    %get3A = arith.constant 0 : index
    %get3A_0 = arith.constant 0 : index
    %get3A_1 = vector.load %arg5[%get3A, %get3A_0] : memref<1000x1xf32, #tpu.memory_space<vmem>>, vector<1000x1xf32>
    %get3A_2 = arith.constant 0 : index
    %get3A_3 = arith.constant 0 : index
    %get3A_4 = vector.load %arg1[%get3A_2, %get3A_3] : memref<1000x128xf32, #tpu.memory_space<vmem>>, vector<1000x128xf32>
    %get3A_5 = arith.constant 0 : index
    %get3A_6 = arith.constant 0 : index
    %get3A_7 = vector.load %arg3[%get3A_5, %get3A_6] : memref<1000x128xf32, #tpu.memory_space<vmem>>, vector<1000x128xf32>
    %add3A = arith.addf %get3A_4, %get3A_7 : vector<1000x128xf32>
    %mul3A = vector.broadcast %get3A_1 : vector<1000x1xf32> to vector<1000x128xf32>
    %mul3A_8 = arith.mulf %add3A, %mul3A : vector<1000x128xf32>
    %get3A_9 = arith.constant 0 : index
    %get3A_10 = arith.constant 0 : index
    %get3A_11 = vector.load %arg2[%get3A_9, %get3A_10] : memref<1000x128xf32, #tpu.memory_space<vmem>>, vector<1000x128xf32>
    %get3A_12 = arith.constant 0 : index
    %get3A_13 = arith.constant 0 : index
    %get3A_14 = vector.load %arg4[%get3A_12, %get3A_13] : memref<1000x128xf32, #tpu.memory_space<vmem>>, vector<1000x128xf32>
    %add3A_15 = arith.addf %get3A_11, %get3A_14 : vector<1000x128xf32>
    %mul3A_16 = vector.broadcast %get3A_1 : vector<1000x1xf32> to vector<1000x128xf32>
    %mul3A_17 = arith.mulf %add3A_15, %mul3A_16 : vector<1000x128xf32>
    %concatenate3A = tpu.concatenate %mul3A_8, %mul3A_17 in 1 : vector<1000x128xf32>, vector<1000x128xf32> -> vector<1000x256xf32>
    %get3A_18 = arith.constant 0 : index
    %get3A_19 = arith.constant 0 : index
    %get3A_20 = vector.load %arg6[%get3A_18, %get3A_19] : memref<1x256xf32, #tpu.memory_space<vmem>>, vector<1x256xf32>
    %add3A_21 = vector.broadcast %get3A_20 : vector<1x256xf32> to vector<1000x256xf32>
    %add3A_22 = arith.addf %concatenate3A, %add3A_21 : vector<1000x256xf32>
    %max3A = arith.constant 0.000000e+00 : f32
    %max3A_23 = vector.broadcast %max3A : f32 to vector<1000x256xf32>
    %max3A_24 = arith.maximumf %add3A_22, %max3A_23 : vector<1000x256xf32>
    %get3A_25 = arith.constant 0 : index
    %get3A_26 = arith.constant 0 : index
    %get3A_27 = vector.load %arg7[%get3A_25, %get3A_26] : memref<256x1xf32, #tpu.memory_space<vmem>>, vector<256x1xf32>
    %dot_general3A = arith.constant dense<0.000000e+00> : vector<1000x1xf32>
    %dot_general3A_28 = tpu.matmul %max3A_24, %get3A_27, %dot_general3A {dimension_numbers = #tpu.dot_dimension_numbers<[1], [0], [0], [1], [0, 0, 1, 1], [], []>, transpose_lhs_hint = false} : vector<1000x256xf32>, vector<256x1xf32>, vector<1000x1xf32> -> vector<1000x1xf32>
    %mul3A_29 = arith.mulf %dot_general3A_28, %get3A_1 : vector<1000x1xf32>
    %broadcast_in_dim3A = vector.shape_cast %mul3A_29 : vector<1000x1xf32> to vector<1000x1xf32>
    %broadcast_in_dim3A_30 = vector.broadcast %broadcast_in_dim3A : vector<1000x1xf32> to vector<1000x128xf32>
    %swap3A = arith.constant 0 : index
    %swap3A_31 = arith.constant 0 : index
    %swap3A_32 = vector.load %arg8[%swap3A, %swap3A_31] : memref<1000x128xf32, #tpu.memory_space<vmem>>, vector<1000x128xf32>
    tpu.vector_store %arg8[%swap3A, %swap3A_31], %broadcast_in_dim3A_30 {strides = array<i32>} : memref<1000x128xf32, #tpu.memory_space<vmem>>, vector<1000x128xf32>,
    return
  }
  func.func @transform_0(%arg0: i32) -> (i32, i32) {
    %c0_i32 = arith.constant 0 : i32
    %c0_i32_0 = arith.constant 0 : i32
    return %arg0, %c0_i32 : i32, i32
  }
  func.func @transform_1(%arg0: i32) -> (i32, i32) {
    %c0_i32 = arith.constant 0 : i32
    %c0_i32_0 = arith.constant 0 : i32
    return %arg0, %c0_i32 : i32, i32
  }
  func.func @transform_2(%arg0: i32) -> (i32, i32) {
    %c0_i32 = arith.constant 0 : i32
    %c0_i32_0 = arith.constant 0 : i32
    return %arg0, %c0_i32 : i32, i32
  }
  func.func @transform_3(%arg0: i32) -> (i32, i32) {
    %c0_i32 = arith.constant 0 : i32
    %c0_i32_0 = arith.constant 0 : i32
    return %arg0, %c0_i32 : i32, i32
  }
  func.func @transform_4(%arg0: i32) -> (i32, i32) {
    %c0_i32 = arith.constant 0 : i32
    %c0_i32_0 = arith.constant 0 : i32
    return %arg0, %c0_i32 : i32, i32
  }
  func.func @transform_5(%arg0: i32) -> (i32, i32) {
    %c0_i32 = arith.constant 0 : i32
    %c0_i32_0 = arith.constant 0 : i32
    %c0_i32_1 = arith.constant 0 : i32
    return %c0_i32, %c0_i32_0 : i32, i32
  }
  func.func @transform_6(%arg0: i32) -> (i32, i32) {
    %c0_i32 = arith.constant 0 : i32
    %c0_i32_0 = arith.constant 0 : i32
    %c0_i32_1 = arith.constant 0 : i32
    return %c0_i32, %c0_i32_0 : i32, i32
  }
  func.func @transform_7(%arg0: i32) -> (i32, i32) {
    %c0_i32 = arith.constant 0 : i32
    %c0_i32_0 = arith.constant 0 : i32
    return %arg0, %c0_i32 : i32, i32
  }
}

module attributes {stable_mosaic.version = 14 : i64} {
  func.func @_tc6_body(%arg0: memref<20x500xf32, #tpu.memory_space<vmem>>, %arg1: memref<20x500xf32, #tpu.memory_space<vmem>>, %arg2: memref<20x500xf32, #tpu.memory_space<vmem>>, %arg3: memref<20x500xf32, #tpu.memory_space<vmem>>, %arg4: memref<20x500xf32, #tpu.memory_space<vmem>>) attributes {dimension_semantics = [], scalar_prefetch = 0 : i64, scratch_operands = 0 : i64, tpu.core_type = #tpu.core_type<tc>} {
    %get3A = arith.constant 0 : index
    %get3A_0 = arith.constant 0 : index
    %get3A_1 = vector.load %arg3[%get3A, %get3A_0] : memref<20x500xf32, #tpu.memory_space<vmem>>, vector<20x500xf32>
    %get3A_2 = arith.constant 0 : index
    %get3A_3 = arith.constant 0 : index
    %get3A_4 = vector.load %arg1[%get3A_2, %get3A_3] : memref<20x500xf32, #tpu.memory_space<vmem>>, vector<20x500xf32>
    %get3A_5 = arith.constant 0 : index
    %get3A_6 = arith.constant 0 : index
    %get3A_7 = vector.load %arg2[%get3A_5, %get3A_6] : memref<20x500xf32, #tpu.memory_space<vmem>>, vector<20x500xf32>
    %add3A = arith.addf %get3A_4, %get3A_7 : vector<20x500xf32>
    %get3A_8 = arith.constant 0 : index
    %get3A_9 = arith.constant 0 : index
    %get3A_10 = vector.load %arg0[%get3A_8, %get3A_9] : memref<20x500xf32, #tpu.memory_space<vmem>>, vector<20x500xf32>
    %add3A_11 = arith.addf %add3A, %get3A_10 : vector<20x500xf32>
    %mul3A = arith.mulf %get3A_1, %add3A_11 : vector<20x500xf32>
    %iota3A = tpu.iota {dimensions = array<i32: 1>} : vector<20x500xi32>
    %reduce_max3A = arith.constant dense<0xFF800000> : vector<20xf32>
    %reduce_max3A_12 = vector.multi_reduction <maximumf>, %mul3A, %reduce_max3A [1] : vector<20x500xf32> to vector<20xf32>
    %broadcast_in_dim3A = vector.shape_cast %reduce_max3A_12 : vector<20xf32> to vector<20x1xf32>
    %eq3A = vector.broadcast %broadcast_in_dim3A : vector<20x1xf32> to vector<20x500xf32>
    %eq3A_13 = arith.cmpf oeq, %mul3A, %eq3A : vector<20x500xf32>
    %jit3A = arith.constant 500 : i32
    %broadcast_in_dim3A_14 = vector.broadcast %jit3A : i32 to vector<20x500xi32>
    %select_n3A = arith.select %eq3A_13, %iota3A, %broadcast_in_dim3A_14 : vector<20x500xi1>, vector<20x500xi32>
    %reduce_min3A = arith.constant dense<2147483647> : vector<20xi32>
    %reduce_min3A_15 = vector.multi_reduction <minsi>, %select_n3A, %reduce_min3A [1] : vector<20x500xi32> to vector<20xi32>
    %broadcast_in_dim3A_16 = vector.shape_cast %reduce_min3A_15 : vector<20xi32> to vector<20x1xi32>
    %eq3A_17 = vector.broadcast %broadcast_in_dim3A_16 : vector<20x1xi32> to vector<20x500xi32>
    %eq3A_18 = arith.cmpi eq, %iota3A, %eq3A_17 : vector<20x500xi32>
    %jit3A_19 = arith.constant 0xFF800000 : f32
    %broadcast_in_dim3A_20 = vector.broadcast %jit3A_19 : f32 to vector<20x500xf32>
    %select_n3A_21 = arith.select %eq3A_18, %broadcast_in_dim3A_20, %mul3A : vector<20x500xi1>, vector<20x500xf32>
    %reduce_max3A_22 = arith.constant dense<0xFF800000> : vector<20xf32>
    %reduce_max3A_23 = vector.multi_reduction <maximumf>, %select_n3A_21, %reduce_max3A_22 [1] : vector<20x500xf32> to vector<20xf32>
    %broadcast_in_dim3A_24 = vector.shape_cast %reduce_max3A_23 : vector<20xf32> to vector<20x1xf32>
    %eq3A_25 = vector.broadcast %broadcast_in_dim3A_24 : vector<20x1xf32> to vector<20x500xf32>
    %eq3A_26 = arith.cmpf oeq, %select_n3A_21, %eq3A_25 : vector<20x500xf32>
    %jit3A_27 = arith.constant 500 : i32
    %broadcast_in_dim3A_28 = vector.broadcast %jit3A_27 : i32 to vector<20x500xi32>
    %select_n3A_29 = arith.select %eq3A_26, %iota3A, %broadcast_in_dim3A_28 : vector<20x500xi1>, vector<20x500xi32>
    %reduce_min3A_30 = arith.constant dense<2147483647> : vector<20xi32>
    %reduce_min3A_31 = vector.multi_reduction <minsi>, %select_n3A_29, %reduce_min3A_30 [1] : vector<20x500xi32> to vector<20xi32>
    %broadcast_in_dim3A_32 = vector.shape_cast %reduce_min3A_31 : vector<20xi32> to vector<20x1xi32>
    %eq3A_33 = vector.broadcast %broadcast_in_dim3A_32 : vector<20x1xi32> to vector<20x500xi32>
    %eq3A_34 = arith.cmpi eq, %iota3A, %eq3A_33 : vector<20x500xi32>
    %jit3A_35 = arith.constant 0xFF800000 : f32
    %broadcast_in_dim3A_36 = vector.broadcast %jit3A_35 : f32 to vector<20x500xf32>
    %select_n3A_37 = arith.select %eq3A_34, %broadcast_in_dim3A_36, %select_n3A_21 : vector<20x500xi1>, vector<20x500xf32>
    %reduce_max3A_38 = arith.constant dense<0xFF800000> : vector<20xf32>
    %reduce_max3A_39 = vector.multi_reduction <maximumf>, %select_n3A_37, %reduce_max3A_38 [1] : vector<20x500xf32> to vector<20xf32>
    %broadcast_in_dim3A_40 = vector.shape_cast %reduce_max3A_39 : vector<20xf32> to vector<20x1xf32>
    %eq3A_41 = vector.broadcast %broadcast_in_dim3A_40 : vector<20x1xf32> to vector<20x500xf32>
    %eq3A_42 = arith.cmpf oeq, %select_n3A_37, %eq3A_41 : vector<20x500xf32>
    %jit3A_43 = arith.constant 500 : i32
    %broadcast_in_dim3A_44 = vector.broadcast %jit3A_43 : i32 to vector<20x500xi32>
    %select_n3A_45 = arith.select %eq3A_42, %iota3A, %broadcast_in_dim3A_44 : vector<20x500xi1>, vector<20x500xi32>
    %reduce_min3A_46 = arith.constant dense<2147483647> : vector<20xi32>
    %reduce_min3A_47 = vector.multi_reduction <minsi>, %select_n3A_45, %reduce_min3A_46 [1] : vector<20x500xi32> to vector<20xi32>
    %broadcast_in_dim3A_48 = vector.shape_cast %reduce_min3A_47 : vector<20xi32> to vector<20x1xi32>
    %eq3A_49 = vector.broadcast %broadcast_in_dim3A_48 : vector<20x1xi32> to vector<20x500xi32>
    %eq3A_50 = arith.cmpi eq, %iota3A, %eq3A_49 : vector<20x500xi32>
    %jit3A_51 = arith.constant 0xFF800000 : f32
    %broadcast_in_dim3A_52 = vector.broadcast %jit3A_51 : f32 to vector<20x500xf32>
    %select_n3A_53 = arith.select %eq3A_50, %broadcast_in_dim3A_52, %select_n3A_37 : vector<20x500xi1>, vector<20x500xf32>
    %reduce_max3A_54 = arith.constant dense<0xFF800000> : vector<20xf32>
    %reduce_max3A_55 = vector.multi_reduction <maximumf>, %select_n3A_53, %reduce_max3A_54 [1] : vector<20x500xf32> to vector<20xf32>
    %broadcast_in_dim3A_56 = vector.shape_cast %reduce_max3A_55 : vector<20xf32> to vector<20x1xf32>
    %eq3A_57 = vector.broadcast %broadcast_in_dim3A_56 : vector<20x1xf32> to vector<20x500xf32>
    %eq3A_58 = arith.cmpf oeq, %select_n3A_53, %eq3A_57 : vector<20x500xf32>
    %jit3A_59 = arith.constant 500 : i32
    %broadcast_in_dim3A_60 = vector.broadcast %jit3A_59 : i32 to vector<20x500xi32>
    %select_n3A_61 = arith.select %eq3A_58, %iota3A, %broadcast_in_dim3A_60 : vector<20x500xi1>, vector<20x500xi32>
    %reduce_min3A_62 = arith.constant dense<2147483647> : vector<20xi32>
    %reduce_min3A_63 = vector.multi_reduction <minsi>, %select_n3A_61, %reduce_min3A_62 [1] : vector<20x500xi32> to vector<20xi32>
    %broadcast_in_dim3A_64 = vector.shape_cast %reduce_min3A_63 : vector<20xi32> to vector<20x1xi32>
    %eq3A_65 = vector.broadcast %broadcast_in_dim3A_64 : vector<20x1xi32> to vector<20x500xi32>
    %eq3A_66 = arith.cmpi eq, %iota3A, %eq3A_65 : vector<20x500xi32>
    %jit3A_67 = arith.constant 0xFF800000 : f32
    %broadcast_in_dim3A_68 = vector.broadcast %jit3A_67 : f32 to vector<20x500xf32>
    %select_n3A_69 = arith.select %eq3A_66, %broadcast_in_dim3A_68, %select_n3A_53 : vector<20x500xi1>, vector<20x500xf32>
    %reduce_max3A_70 = arith.constant dense<0xFF800000> : vector<20xf32>
    %reduce_max3A_71 = vector.multi_reduction <maximumf>, %select_n3A_69, %reduce_max3A_70 [1] : vector<20x500xf32> to vector<20xf32>
    %broadcast_in_dim3A_72 = vector.shape_cast %reduce_max3A_71 : vector<20xf32> to vector<20x1xf32>
    %eq3A_73 = vector.broadcast %broadcast_in_dim3A_72 : vector<20x1xf32> to vector<20x500xf32>
    %eq3A_74 = arith.cmpf oeq, %select_n3A_69, %eq3A_73 : vector<20x500xf32>
    %jit3A_75 = arith.constant 500 : i32
    %broadcast_in_dim3A_76 = vector.broadcast %jit3A_75 : i32 to vector<20x500xi32>
    %select_n3A_77 = arith.select %eq3A_74, %iota3A, %broadcast_in_dim3A_76 : vector<20x500xi1>, vector<20x500xi32>
    %reduce_min3A_78 = arith.constant dense<2147483647> : vector<20xi32>
    %reduce_min3A_79 = vector.multi_reduction <minsi>, %select_n3A_77, %reduce_min3A_78 [1] : vector<20x500xi32> to vector<20xi32>
    %broadcast_in_dim3A_80 = vector.shape_cast %reduce_min3A_79 : vector<20xi32> to vector<20x1xi32>
    %eq3A_81 = vector.broadcast %broadcast_in_dim3A_80 : vector<20x1xi32> to vector<20x500xi32>
    %eq3A_82 = arith.cmpi eq, %iota3A, %eq3A_81 : vector<20x500xi32>
    %jit3A_83 = arith.constant 0xFF800000 : f32
    %broadcast_in_dim3A_84 = vector.broadcast %jit3A_83 : f32 to vector<20x500xf32>
    %select_n3A_85 = arith.select %eq3A_82, %broadcast_in_dim3A_84, %select_n3A_69 : vector<20x500xi1>, vector<20x500xf32>
    %reduce_max3A_86 = arith.constant dense<0xFF800000> : vector<20xf32>
    %reduce_max3A_87 = vector.multi_reduction <maximumf>, %select_n3A_85, %reduce_max3A_86 [1] : vector<20x500xf32> to vector<20xf32>
    %broadcast_in_dim3A_88 = vector.shape_cast %reduce_max3A_87 : vector<20xf32> to vector<20x1xf32>
    %eq3A_89 = vector.broadcast %broadcast_in_dim3A_88 : vector<20x1xf32> to vector<20x500xf32>
    %eq3A_90 = arith.cmpf oeq, %select_n3A_85, %eq3A_89 : vector<20x500xf32>
    %jit3A_91 = arith.constant 500 : i32
    %broadcast_in_dim3A_92 = vector.broadcast %jit3A_91 : i32 to vector<20x500xi32>
    %select_n3A_93 = arith.select %eq3A_90, %iota3A, %broadcast_in_dim3A_92 : vector<20x500xi1>, vector<20x500xi32>
    %reduce_min3A_94 = arith.constant dense<2147483647> : vector<20xi32>
    %reduce_min3A_95 = vector.multi_reduction <minsi>, %select_n3A_93, %reduce_min3A_94 [1] : vector<20x500xi32> to vector<20xi32>
    %broadcast_in_dim3A_96 = vector.shape_cast %reduce_min3A_95 : vector<20xi32> to vector<20x1xi32>
    %eq3A_97 = vector.broadcast %broadcast_in_dim3A_96 : vector<20x1xi32> to vector<20x500xi32>
    %eq3A_98 = arith.cmpi eq, %iota3A, %eq3A_97 : vector<20x500xi32>
    %jit3A_99 = arith.constant 0xFF800000 : f32
    %broadcast_in_dim3A_100 = vector.broadcast %jit3A_99 : f32 to vector<20x500xf32>
    %select_n3A_101 = arith.select %eq3A_98, %broadcast_in_dim3A_100, %select_n3A_85 : vector<20x500xi1>, vector<20x500xf32>
    %reduce_max3A_102 = arith.constant dense<0xFF800000> : vector<20xf32>
    %reduce_max3A_103 = vector.multi_reduction <maximumf>, %select_n3A_101, %reduce_max3A_102 [1] : vector<20x500xf32> to vector<20xf32>
    %broadcast_in_dim3A_104 = vector.shape_cast %reduce_max3A_103 : vector<20xf32> to vector<20x1xf32>
    %eq3A_105 = vector.broadcast %broadcast_in_dim3A_104 : vector<20x1xf32> to vector<20x500xf32>
    %eq3A_106 = arith.cmpf oeq, %select_n3A_101, %eq3A_105 : vector<20x500xf32>
    %jit3A_107 = arith.constant 500 : i32
    %broadcast_in_dim3A_108 = vector.broadcast %jit3A_107 : i32 to vector<20x500xi32>
    %select_n3A_109 = arith.select %eq3A_106, %iota3A, %broadcast_in_dim3A_108 : vector<20x500xi1>, vector<20x500xi32>
    %reduce_min3A_110 = arith.constant dense<2147483647> : vector<20xi32>
    %reduce_min3A_111 = vector.multi_reduction <minsi>, %select_n3A_109, %reduce_min3A_110 [1] : vector<20x500xi32> to vector<20xi32>
    %broadcast_in_dim3A_112 = vector.shape_cast %reduce_min3A_111 : vector<20xi32> to vector<20x1xi32>
    %eq3A_113 = vector.broadcast %broadcast_in_dim3A_112 : vector<20x1xi32> to vector<20x500xi32>
    %eq3A_114 = arith.cmpi eq, %iota3A, %eq3A_113 : vector<20x500xi32>
    %jit3A_115 = arith.constant 0xFF800000 : f32
    %broadcast_in_dim3A_116 = vector.broadcast %jit3A_115 : f32 to vector<20x500xf32>
    %select_n3A_117 = arith.select %eq3A_114, %broadcast_in_dim3A_116, %select_n3A_101 : vector<20x500xi1>, vector<20x500xf32>
    %reduce_max3A_118 = arith.constant dense<0xFF800000> : vector<20xf32>
    %reduce_max3A_119 = vector.multi_reduction <maximumf>, %select_n3A_117, %reduce_max3A_118 [1] : vector<20x500xf32> to vector<20xf32>
    %broadcast_in_dim3A_120 = vector.shape_cast %reduce_max3A_119 : vector<20xf32> to vector<20x1xf32>
    %eq3A_121 = vector.broadcast %broadcast_in_dim3A_120 : vector<20x1xf32> to vector<20x500xf32>
    %eq3A_122 = arith.cmpf oeq, %select_n3A_117, %eq3A_121 : vector<20x500xf32>
    %jit3A_123 = arith.constant 500 : i32
    %broadcast_in_dim3A_124 = vector.broadcast %jit3A_123 : i32 to vector<20x500xi32>
    %select_n3A_125 = arith.select %eq3A_122, %iota3A, %broadcast_in_dim3A_124 : vector<20x500xi1>, vector<20x500xi32>
    %reduce_min3A_126 = arith.constant dense<2147483647> : vector<20xi32>
    %reduce_min3A_127 = vector.multi_reduction <minsi>, %select_n3A_125, %reduce_min3A_126 [1] : vector<20x500xi32> to vector<20xi32>
    %broadcast_in_dim3A_128 = vector.shape_cast %reduce_min3A_127 : vector<20xi32> to vector<20x1xi32>
    %eq3A_129 = vector.broadcast %broadcast_in_dim3A_128 : vector<20x1xi32> to vector<20x500xi32>
    %eq3A_130 = arith.cmpi eq, %iota3A, %eq3A_129 : vector<20x500xi32>
    %jit3A_131 = arith.constant 0xFF800000 : f32
    %broadcast_in_dim3A_132 = vector.broadcast %jit3A_131 : f32 to vector<20x500xf32>
    %select_n3A_133 = arith.select %eq3A_130, %broadcast_in_dim3A_132, %select_n3A_117 : vector<20x500xi1>, vector<20x500xf32>
    %reduce_max3A_134 = arith.constant dense<0xFF800000> : vector<20xf32>
    %reduce_max3A_135 = vector.multi_reduction <maximumf>, %select_n3A_133, %reduce_max3A_134 [1] : vector<20x500xf32> to vector<20xf32>
    %broadcast_in_dim3A_136 = vector.shape_cast %reduce_max3A_135 : vector<20xf32> to vector<20x1xf32>
    %eq3A_137 = vector.broadcast %broadcast_in_dim3A_136 : vector<20x1xf32> to vector<20x500xf32>
    %eq3A_138 = arith.cmpf oeq, %select_n3A_133, %eq3A_137 : vector<20x500xf32>
    %jit3A_139 = arith.constant 500 : i32
    %broadcast_in_dim3A_140 = vector.broadcast %jit3A_139 : i32 to vector<20x500xi32>
    %select_n3A_141 = arith.select %eq3A_138, %iota3A, %broadcast_in_dim3A_140 : vector<20x500xi1>, vector<20x500xi32>
    %reduce_min3A_142 = arith.constant dense<2147483647> : vector<20xi32>
    %reduce_min3A_143 = vector.multi_reduction <minsi>, %select_n3A_141, %reduce_min3A_142 [1] : vector<20x500xi32> to vector<20xi32>
    %broadcast_in_dim3A_144 = vector.shape_cast %reduce_min3A_143 : vector<20xi32> to vector<20x1xi32>
    %eq3A_145 = vector.broadcast %broadcast_in_dim3A_144 : vector<20x1xi32> to vector<20x500xi32>
    %eq3A_146 = arith.cmpi eq, %iota3A, %eq3A_145 : vector<20x500xi32>
    %jit3A_147 = arith.constant 0xFF800000 : f32
    %broadcast_in_dim3A_148 = vector.broadcast %jit3A_147 : f32 to vector<20x500xf32>
    %select_n3A_149 = arith.select %eq3A_146, %broadcast_in_dim3A_148, %select_n3A_133 : vector<20x500xi1>, vector<20x500xf32>
    %reduce_max3A_150 = arith.constant dense<0xFF800000> : vector<20xf32>
    %reduce_max3A_151 = vector.multi_reduction <maximumf>, %select_n3A_149, %reduce_max3A_150 [1] : vector<20x500xf32> to vector<20xf32>
    %broadcast_in_dim3A_152 = vector.shape_cast %reduce_max3A_151 : vector<20xf32> to vector<20x1xf32>
    %ge3A = vector.broadcast %broadcast_in_dim3A_152 : vector<20x1xf32> to vector<20x500xf32>
    %ge3A_153 = arith.cmpf oge, %mul3A, %ge3A : vector<20x500xf32>
    %convert_element_type3A = arith.extui %ge3A_153 : vector<20x500xi1> to vector<20x500xi32>
    %convert_element_type3A_154 = arith.sitofp %convert_element_type3A : vector<20x500xi32> to vector<20x500xf32>
    %swap3A = arith.constant 0 : index
    %swap3A_155 = arith.constant 0 : index
    %swap3A_156 = vector.load %arg4[%swap3A, %swap3A_155] : memref<20x500xf32, #tpu.memory_space<vmem>>, vector<20x500xf32>
    tpu.vector_store %arg4[%swap3A, %swap3A_155], %convert_element_type3A_154 {strides = array<i32>} : memref<20x500xf32, #tpu.memory_space<vmem>>, vector<20x500xf32>,
    return
  }
}

</mosaic_0001>

<sc_bundles>
// kernel: kernel.15.cloned.1.call-start
scs
__scs_entry_jumppad:
0x0: {  	(pc) =	sbr.rel $0x88, $3  }
0x1: {  	(tag) =	ssettag $0x0;
	lr =	simm.s32 $0x1  }
0x2: {  	[smem:$0x3F96] =	sst lr;
	_ =	strace $0xD0000000  }
0x3: {  	_ = 	snop  }
0x4: {  	_ = 	snop  }
0x5: {  	_ = 	snop  }
0x6: {  	_ = 	snop  }
0x7: {  	_ = 	snop  }
__scs_overlays_trampoline_lowered:
0x8: {  	[smem:$0x3FA5] =	sst s0  }
0x9: {  	[smem:$0x3FA6] =	sst s1  }
0xa: {  	[smem:$0x3FA7] =	sst s2  }
0xb: {  	[smem:$0x3FA8] =	sst s3  }
0xc: {  	[smem:$0x3FA9] =	sst s4  }
0xd: {  	[smem:$0x3FAA] =	sst s5  }
0xe: {  	[smem:$0x3FAB] =	sst s6  }
0xf: {  	[smem:$0x3FAC] =	sst s7  }
0x10: {  	[smem:$0x3FAD] =	sst s8  }
0x11: {  	[smem:$0x3FAE] =	sst s9;
	s0 =	simm.s32 @!p0 $0x0  }
0x12: {  	s1 =	sld [smem:$0x3F94];
	s0 =	simm.s32 @p0 $0x1  }
0x13: {  	[smem:$0x3FAF] =	sst s0;
	s0 =	simm.s32 @!p1 $0x0  }
0x14: {  	s2 =	sld [smem:$0x3F93];
	s0 =	simm.s32 @p1 $0x1  }
0x15: {  	[smem:$0x3FB0] =	sst s0;
	s0 =	simm.s32 @!p2 $0x0  }
0x16: {  	s3 =	sld [smem:$0x3FDB];
	s0 =	simm.s32 @p2 $0x1  }
0x17: {  	s4 =	simm.s32 $0x1BF5;
	[smem:$0x3FB2] =	sst s0  }
0x18: {  	s0 =	sld [smem:$0x3F95];
	_ =	swait.ge [sflag:s4], $0x0  }
0x19: {  	s7 =	sld [smem:$0x3F96]  }
0x1a: {  	s8 =	sadd.s32 $0xFFFFE003, lr  }
0x1b: {  	s9 =	sadd.s32 $0xFFFFFEF7, lr;
	s5 =	simm.s32 $0xFFFFFFFF;
	p2 =	slt.u32 s8, $0xFFFFF086  }
0x1c: {  	p1 =	slt.u32 s9, $0xF7A;
	s5 =	simm.s32 @!p2 $0x0  }
0x1d: {  	s5 =	simm.s32 @p1 $0x1;
	p0 =	seq.s32 s7, s2  }
0x1e: {  	s7 =	smul.u32 @!p0 $0xF7A, s2;
	p2 =	seq.s32 @!p0 s5, $0x0  }
0x1f: {  	s9 =	smul.u32 $0xF7A, s1;
	s8 =	simm.s32 @!p0 $0x1BF5;
	p2 =	por !p2, p0  }
0x20: {  	[sflag:s8] =	ssyncset.s32 @!p0 $0xFFFFF086;
	s6 =	sadd.s32 @!p0 s3, s7;
	s7 =	simm.s32 @!p0 $0x108  }
0x21: {  	s3 =	sadd.s32 s3, s9;
	s6 =	sadd.s32 @!p0 $0x88, s6;
	s7 =	simm.s32 @p2 $0x1082  }
0x22: {  	[simem:s7], [sflag:s8] =	dma.local @!p0 [hbm:s6], $0xF7A  }
0x23: {  	s9 =	sor.u32 $0xD0000000, s2;
	s6 =	simm.s32 $0x108;
	_ =	swait.ge @!p0 [sflag:s8], $0x0  }
0x24: {  	s3 =	sadd.s32 $0x88, s3;
	s6 =	simm.s32 @!p1 $0x1082;
	[sflag:s4] =	ssyncset.s32 $0xFFFFF086  }
0x25: {  	[simem:s6], [sflag:s4] =	dma.local [hbm:s3], $0xF7A  }
0x26: {  	[smem:$0x3F96] =	sst s1;
	(tag) =	ssettag s2;
	_ =	strace s9  }
0x27: {  	s1 =	sld [smem:$0x3FA6]  }
0x28: {  	s2 =	sld [smem:$0x3FA7]  }
0x29: {  	s4 =	sld [smem:$0x3FA9]  }
0x2a: {  	p0 =	seq.s32 s5, $0x0;
	s5 =	sld [smem:$0x3FAA]  }
0x2b: {  	s6 =	sld [smem:$0x3FAB]  }
0x2c: {  	s7 =	sld [smem:$0x3FAC]  }
0x2d: {  	s3 =	simm.s32 $0x108;
	s8 =	sld [smem:$0x3FAD]  }
0x2e: {  	s3 =	simm.s32 @!p0 $0x1082;
	s9 =	sld [smem:$0x3FAE]  }
0x2f: {  	lr =	sadd.s32 s0, s3;
	s0 =	sld [smem:$0x3FA5]  }
0x30: {  	s3 =	sld [smem:$0x3FA8]  }
0x31: {  	[smem:$0x3FB1] =	sst s10  }
0x32: {  	s10 =	sld [smem:$0x3FAF];
	_ =	sdelay $0x3  }
0x33: {  	p0 =	seq.s32 s10, $0x1;
	s10 =	sld [smem:$0x3FB1];
	_ =	sdelay $0x3  }
0x34: {  	[smem:$0x3FB1] =	sst s10  }
0x35: {  	s10 =	sld [smem:$0x3FB0];
	_ =	sdelay $0x3  }
0x36: {  	p1 =	seq.s32 s10, $0x1;
	s10 =	sld [smem:$0x3FB1];
	_ =	sdelay $0x3  }
0x37: {  	[smem:$0x3FB1] =	sst s10  }
0x38: {  	s10 =	sld [smem:$0x3FB2]  }
0x39: {  	_ = 	snop;
	(pc) =	sbr.ind lr, $3  }
0x3a: {  	_ = 	snop  }
0x3b: {  	_ = 	snop  }
0x3c: {  	p2 =	seq.s32 s10, $0x1;
	s10 =	sld [smem:$0x3FB1]  }
0x3d: {  	_ =	shalt  }
0x3e: {  	_ =	shalt  }
0x3f: {  	_ =	shalt  }
0x40: {  	_ =	shalt  }
0x41: {  	_ =	shalt  }
0x42: {  	_ =	shalt  }
0x43: {  	_ =	shalt  }
0x44: {  	_ =	shalt  }
0x45: {  	_ =	shalt  }
0x46: {  	_ =	shalt  }
0x47: {  	_ =	shalt  }
0x48: {  	_ =	shalt  }
0x49: {  	_ =	shalt  }
0x4a: {  	_ =	shalt  }
0x4b: {  	_ =	shalt  }
0x4c: {  	_ =	shalt  }
0x4d: {  	_ =	shalt  }
0x4e: {  	_ =	shalt  }
0x4f: {  	_ =	shalt  }
0x50: {  	_ =	shalt  }
0x51: {  	_ =	shalt  }
0x52: {  	_ =	shalt  }
0x53: {  	_ =	shalt  }
0x54: {  	_ =	shalt  }
0x55: {  	_ =	shalt  }
0x56: {  	_ =	shalt  }
0x57: {  	_ =	shalt  }
0x58: {  	_ =	shalt  }
0x59: {  	_ =	shalt  }
0x5a: {  	_ =	shalt  }
0x5b: {  	_ =	shalt  }
0x5c: {  	_ =	shalt  }
0x5d: {  	_ =	shalt  }
0x5e: {  	_ =	shalt  }
0x5f: {  	_ =	shalt  }
0x60: {  	_ =	shalt  }
0x61: {  	_ =	shalt  }
0x62: {  	_ =	shalt  }
0x63: {  	_ =	shalt  }
0x64: {  	_ =	shalt  }
0x65: {  	_ =	shalt  }
0x66: {  	_ =	shalt  }
0x67: {  	_ =	shalt  }
0x68: {  	_ =	shalt  }
0x69: {  	_ =	shalt  }
0x6a: {  	_ =	shalt  }
0x6b: {  	_ =	shalt  }
0x6c: {  	_ =	shalt  }
0x6d: {  	_ =	shalt  }
0x6e: {  	_ =	shalt  }
0x6f: {  	_ =	shalt  }
0x70: {  	_ =	shalt  }
0x71: {  	_ =	shalt  }
0x72: {  	_ =	shalt  }
0x73: {  	_ =	shalt  }
0x74: {  	_ =	shalt  }
0x75: {  	_ =	shalt  }
0x76: {  	_ =	shalt  }
0x77: {  	_ =	shalt  }
0x78: {  	_ =	shalt  }
0x79: {  	_ =	shalt  }
0x7a: {  	_ =	shalt  }
0x7b: {  	_ =	shalt  }
0x7c: {  	_ =	shalt  }
0x7d: {  	_ =	shalt  }
0x7e: {  	_ =	shalt  }
0x7f: {  	_ =	shalt  }
0x80: {  	_ =	shalt  }
0x81: {  	_ =	shalt  }
0x82: {  	_ =	shalt  }
0x83: {  	_ =	shalt  }
0x84: {  	_ =	shalt  }
0x85: {  	_ =	shalt  }
0x86: {  	_ =	shalt  }
0x87: {  	_ =	shalt  }
.Lfunc_end0:
.L_simem_size_0:
called_computation_lowered:
.L_overlay_start_0:
0x88: {  	s2 =	sld [smem:$0x3FD9]  }
0x89: {  	s3 =	sld [smem:$0x3FFE];
	_ =	sdelay $0x1  }
0x8a: {  	s1 =	srdreg.scid  }
0x8b: {  	s0 =	sand.u32 $0x1, s1  }
0x8c: {  	s16 =	sshll.u32 s0, $0xA;
	s2 =	sadd.s32 s3, s2  }
0x8d: {  	s2 =	sadd.s32 s2, s16  }
0x8e: {  	[smem:$0x3FBD] =	sst s2  }
0x8f: {  	_ = 	snop  }
0x90: {  	(tm) =	ssettm $0x1  }
0x91: {  	s17 =	sld [smem:$0x3FFB];
	_ =	sdelay $0x3  }
0x92: {  	_ =	strace s17  }
0x93: {  	s2 =	sld [smem:$0x3FFC];
	_ =	sdelay $0x3  }
0x94: {  	_ =	strace s2  }
0x95: {  	s2 =	sld [smem:$0x3FFD];
	_ =	sdelay $0x3  }
0x96: {  	_ =	strace s2  }
0x97: {  	_ =	strace $0x8FFFFFFF  }
0x98: {  	s18 =	sld [smem:$0x3FDB];
	_ =	sdelay $0x1  }
0x99: {  	s19 =	simm.s32 $_scs_section_size  }
0x9a: {  	s4 =	simm.s32 $_size__tile_overlayer_lowered;
	s5 =	simm.s32 $_tile_overlayer_lowered  }
0x9b: {  	s22 =	simm.s32 $0x1BFF;
	s21 =	sshll.u32 s5, $0x1;
	s2 =	sadd.s32 s19, s18  }
0x9c: {  	s6 =	simm.s32 $0x0;
	s20 =	sshll.u32 s4, $0x1;
	s4 =	sadd.s32 s21, s2  }
0x9d: {  	[timem:s6], [sflag:s22] =	dma.local [hbm:s4], s20  }
0x9e: {  	_ =	swait.ge [sflag:s22], s20  }
0x9f: {  	s3 =	ssub.s32 $0x0, s20;
	[sflag:s22] =	ssyncset.done $0x0  }
0xa0: {  	[sflag:s22] =	ssyncadd.s32 s3;
	_ =	sdelay $0x1  }
0xa1: {  	s23 =	simm.s32 $0x1B8B  }
0xa2: {  	_ =	swait.ge [sflag:s23], $0x1  }
0xa3: {  	[sflag:s23] =	ssyncset.done $0x0  }
0xa4: {  	s25 =	simm.s32 $0x1B8E;
	s24 =	sld [smem:$0x3FFE];
	[sflag:s23] =	ssyncadd.s32 $0xFFFFFFFF  }
0xa5: {  	s26 =	simm.s32 $execute0_lowered;
	[smem:$0x3FD2] =	sst s25  }
0xa6: {  	s4 =	sshll.u32 s26, $0x1;
	_ =	strace $0x80000046;
	[dreg:$0x1] =	wrdreg $0xFFFFFFFF  }
0xa7: {  	s28 =	simm.s32 $_size_execute0_lowered;
	s2 =	sadd.s32 s2, s4;
	[dreg:$0x0] =	wrdreg $0x0  }
0xa8: {  	s4 =	sshll.u32 s28, $0x1;
	[dreg:$0x2] =	wrdreg s2  }
0xa9: {  	[dreg:$0x3] =	wrdreg s4  }
0xaa: {  	[dreg:$0x4] =	wrdreg $0xC0  }
0xab: {  	_ =	task [dreg:s6], $0x5FFFF  }
0xac: {  	[dreg:$0x1] =	wrdreg $0xFFFFFFFF  }
0xad: {  	[dreg:$0x0] =	wrdreg $0x60  }
0xae: {  	[dreg:$0x2] =	wrdreg s24  }
0xaf: {  	[dreg:$0x3] =	wrdreg $0x28800  }
0xb0: {  	[dreg:$0x4] =	wrdreg $0x9  }
0xb1: {  	_ =	task.clear_ibuf [dreg:s6], $0x5FFFF;
	_ =	strace $0x90000046  }
0xb2: {  	s29 =	simm.s32 $0x9;
	_ =	strace $0x80000048  }
0xb3: {  	_ =	swait.ge [sflag:s29], $0x1  }
0xb4: {  	[sflag:s29] =	ssyncadd.s32 $0xFFFFFFFF  }
0xb5: {  	_ =	strace $0x90000048  }
0xb6: {  	_ =	sfence  }
0xb7: {  	s30 =	sld [smem:$0x0];
	_ =	sdelay $0x2  }
0xb8: {  	s31 =	sshll.u32 s1, $0xD;
	s1 =	sshrl.u32 s1, $0x2  }
0xb9: {  	s3 =	sand.u32 $0x4000, s31;
	s1 =	sadd.s32 s1, s30  }
0xba: {  	s0 =	sor.u32 s3, s0;
	s1 =	sshll.u32 s1, $0x11  }
0xbb: {  	s0 =	sor.u32 s1, s0  }
0xbc: {  	s0 =	sadd.s32 $0x8F2B, s0  }
0xbd: {  	[sflag:s0] =	ssyncadd.remote.s32 $0x1  }
0xbe: {  	_ =	sfence.sel $0xFFFF  }
0xbf: {  	[dreg:$0x0] =	wrdreg $0xFFFFFFFF;
	(pc) =	sbr.abs _section_cstart, $3  }
0xc0: {  	[dreg:$0x1] =	wrdreg $0xFFFFFFFF  }
0xc1: {  	_ =	task.clear_ibuf [dreg:s6], $0x2FFFF;
	_ =	strace $0x9FFFFFFF  }
0xc2: {  	(tm) =	ssettm $0x7FFFFFFF  }
0xc3: {  	_ =	shalt  }
tec
execute0_lowered:
.L_overlay_start_1:
0x0: {  	(tag) =	ssettag $0x1  }
0x1: {  	s6 =	rddreg [dreg:$0x0]  }
0x2: {  	s0 =	srdreg.scid;
	s2 =	rddreg [dreg:$0x1]  }
0x3: {  	s1 =	rddreg [dreg:$0x2];
	s5 =	sand.u32 $0x1, s0  }
0x4: {  	s0 =	stileid.u32;
	s4 =	smul.u32 $0x27100, s5  }
0x5: {  	s3 =	simm.s32 $0x0;
	s17 =	simm.s32 $0x0;
	s7 =	smul.u32 $0x2710, s0  }
0x6: {  	[smem:$0x7FF] =	sst s3;
	s14 =	sadd.s32 $0x40A00, s6;
	s26 =	smul.u32 $0x13800, s0  }
0x7: {  	s16 =	sadd.s32 $0x138000, s2;
	_ =	strace $0x80000047;
	s11 =	smul.u32 $0x4E000, s0  }
0x8: {  	s9 =	ssub.s32 $0x2, s5;
	s13 =	smul.u32 $0x138800, s5;
	p0 =	sne.s32 s0, $0xF  }
0x9: {  	s31 =	sshll.u32 s0, $0x6;
	s12 =	sshrl.u32 s9, $0x1;
	s4 =	sadd.s32 s7, s4  }
0xa: {  	s28 =	sshrl.u32 s26, $0x3;
	s9 =	ssub.s32 s9, s12;
	s29 =	sshrl.u32 s11, $0x2  }
0xb: {  	s7 =	sadd.s32 s26, s13;
	s30 =	sshrl.u32 s13, $0x3;
	s11 =	simm.s32 $0x80  }
0xc: {  	s12 =	simm.s32 $0x1;
	s13 =	sor.u32 $0x1C01, s31;
	s4 =	sshrl.u32 s4, $0x3  }
0xd: {  	s8 =	sadd.s32 s28, s6;
	s15 =	sadd.s32 s29, s2;
	s7 =	sshrl.u32 s7, $0x3  }
0xe: {  	s9 =	smax.u32 s9, $0x1;
	s10 =	sadd.s32 s4, s6;
	s4 =	sadd.s32 $0x40400, s6  }
0xf: {  	s5 =	sadd.s32 $0x19200, s8;
	s6 =	sadd.s32 $0x40200, s6;
	s7 =	sadd.s32 s14, s7  }
0x10: {  	s8 =	sadd.s32 s14, s30;
	s14 =	sshrl.u32 s15, $0x3;
	s15 =	sshrl.u32 @!p0 s16, $0x3  }
0x11: {  	s16 =	simm.s32 $0x50;
	s8 =	sadd.s32 $0x27000, s8;
	s10 =	sadd.s32 $0xF400, s10  }
.LBB2_1:
0x12: {  	[tilespmem:s11], [sflag:$0x1] =	stream.linear.gather [hbm4b:s4+s3], $0x2800, $0x38;
	[tilespmem:$0x16100] =	vst v63  }
0x13: {  	_ =	swait.ge [sflag:s12], $0x2800  }
0x14: {  	[sflag:s12] =	ssyncset.done $0x0  }
0x15: {  	[sflag:s12] =	ssyncadd.s32 $0xFFFFD800  }
0x16: {  	[spmem:s14], [sflag:s13] =	dma.local [hbm:s5], $0x2700  }
0x17: {  	_ =	swait.ge [sflag:s12], $0x2700  }
0x18: {  	[sflag:s12] =	ssyncset.done $0x0  }
0x19: {  	s18 =	simm.s32 @!p0 $0x1;
	[sflag:s12] =	ssyncadd.s32 $0xFFFFD900  }
0x1a: {  	[spmem:s15], [sflag:s13] =	dma.local @!p0 [hbm:s6], $0x100  }
0x1b: {  	_ =	swait.ge @!p0 [sflag:s18], $0x100  }
0x1c: {  	[sflag:s18] =	ssyncset.done @!p0 $0x0  }
0x1d: {  	[sflag:s18] =	ssyncadd.s32 @!p0 $0xFFFFFF00  }
0x1e: {  	s31 =	sadd.s32 $0x0, s10;
	[bflag:$0x0] =	sbarrier.arrive $0xFFFF  }
0x1f: {  	[tilespmem:s3], [sflag:$0x1] =	stream.linear.gather [hbm4b:s31+s3], $0x50, $0x38;
	[tilespmem:$0x16100] =	vst v63  }
0x20: {  	_ =	swait.ge [sflag:s12], $0x50  }
0x21: {  	[sflag:s12] =	ssyncset.done $0x0  }
0x22: {  	[sflag:s12] =	ssyncadd.s32 $0xFFFFFFB0  }
0x23: {  	[spmem:s2] =	stream.indirect.scatter.add.f32 [tilespmem:s11], [sflag:$0x1], $0x80, s3, s16, $0xb8;
	[tilespmem:$0x16100] =	vst v63  }
0x24: {  	_ =	swait.ge [sflag:s12], $0x2800  }
0x25: {  	s19 =	simm.s32 $0x14;
	s18 =	simm.s32 $0xA;
	[sflag:s12] =	ssyncset.done $0x0  }
.LBB2_2:
0x26: {  	s20 =	sadd.s32 s18, s10  }
0x27: {  	[sflag:s12] =	ssyncadd.s32 $0xFFFFD800;
	s18 =	smov.u32 s19;
	s21 =	sadd.s32 $0xA, s19  }
0x28: {  	[tilespmem:s3], [sflag:$0x1] =	stream.linear.gather [hbm4b:s20+s3], $0x50, $0x38;
	[tilespmem:$0x16100] =	vst v63  }
0x29: {  	p1 =	sne.s32 s19, $0x4D8;
	_ =	swait.ge [sflag:s12], $0x50  }
.Ltmp0:
0x2a: {  	[sflag:s12] =	ssyncset.done $0x0;
	(pc) =	sbr.rel @p1 .LBB2_2-.Ltmp0, $4  }
0x2b: {  	[sflag:s12] =	ssyncadd.s32 $0xFFFFFFB0  }
0x2c: {  	[spmem:s2] =	stream.indirect.scatter.add.f32 [tilespmem:s11], [sflag:$0x1], $0x80, s3, s16, $0xb8;
	[tilespmem:$0x16100] =	vst v63  }
0x2d: {  	_ =	swait.ge [sflag:s12], $0x2800  }
0x2e: {  	s19 =	smov.u32 s21;
	[sflag:s12] =	ssyncset.done $0x0  }
0x2f: {  	s18 =	sadd.s32 s18, s10;
	[sflag:s12] =	ssyncadd.s32 $0xFFFFD800  }
0x30: {  	[tilespmem:s3], [sflag:$0x1] =	stream.linear.gather [hbm4b:s18+s3], $0x50, $0x38;
	[tilespmem:$0x16100] =	vst v63  }
0x31: {  	_ =	swait.ge [sflag:s12], $0x50  }
0x32: {  	[sflag:s12] =	ssyncset.done $0x0  }
0x33: {  	[sflag:s12] =	ssyncadd.s32 $0xFFFFFFB0  }
0x34: {  	[spmem:s2] =	stream.indirect.scatter.add.f32 [tilespmem:s11], [sflag:$0x1], $0x80, s3, s16, $0xb8;
	[tilespmem:$0x16100] =	vst v63  }
0x35: {  	_ =	swait.ge [sflag:s12], $0x2800  }
0x36: {  	[sflag:s12] =	ssyncset.done $0x0  }
0x37: {  	[sflag:s12] =	ssyncadd.s32 $0xFFFFD800  }
0x38: {  	[bflag:$0x0] =	sbarrier.arrive $0xFFFF  }
0x39: {  	[hbm:s7], [sflag:s13] =	dma.local [spmem:s14], $0x2700  }
0x3a: {  	s17 =	sadd.s32 $0x1, s17;
	_ =	swait.ge [sflag:s12], $0x2700  }
0x3b: {  	p1 =	sne.s32 s17, s9;
	[sflag:s12] =	ssyncset.done $0x0  }
.Ltmp1:
0x3c: {  	s18 =	simm.s32 @!p0 $0x1;
	[sflag:s12] =	ssyncadd.s32 $0xFFFFD900;
	(pc) =	sbr.rel @p1 .LBB2_1-.Ltmp1, $4  }
0x3d: {  	[hbm:s8], [sflag:s13] =	dma.local @!p0 [spmem:s15], $0x100  }
0x3e: {  	_ =	swait.ge @!p0 [sflag:s18], $0x100  }
0x3f: {  	[sflag:s18] =	ssyncset.done @!p0 $0x0  }
0x40: {  	[sflag:s18] =	ssyncadd.s32 @!p0 $0xFFFFFF00  }
0x41: {  	_ =	sfence.sel $0x180000  }
0x42: {  	[bflag:$0x0] =	sbarrier.arrive $0xFFFF  }
0x43: {  	p0 =	sne.s32 s0, $0x0;
	_ =	strace $0x90000047  }
0x44: {  	s0 =	sadd.s32 @!p0 $0x100000, s1;
	[bflag:$0x2] =	sbarrier.arrive $0xFFFF  }
0x45: {  	[sflag:s0] =	ssyncadd.tile.s32 @!p0 $0x1;
	_ =	shalt  }
.Lfunc_end2:
_tile_overlayer_lowered:
.L_overlay_start_2:
0x46: {  	(tag) =	ssettag $0x2  }
0x47: {  	s0 =	rddreg [dreg:$0x0];
	s2 =	stileid.u32  }
0x48: {  	s1 =	rddreg [dreg:$0x1];
	p0 =	sne.s32 s2, $0x0  }
0x49: {  	s3 =	rddreg [dreg:$0x2];
	[bflag:$0x3] =	sbarrier.arrive $0xFFFF;
	s2 =	simm.s32 @!p0 $0x1C01  }
0x4a: {  	[timem:s3], [sflag:s2] =	dma.local @!p0 [hbm:s0], s1  }
0x4b: {  	s0 =	simm.s32 @!p0 $0x1  }
0x4c: {  	_ =	swait.ge @!p0 [sflag:s0], s1  }
0x4d: {  	s1 =	ssub.s32 @!p0 $0x0, s1;
	[sflag:s0] =	ssyncset.done @!p0 $0x0  }
0x4e: {  	[sflag:s0] =	ssyncadd.s32 @!p0 s1  }
0x4f: {  	[bflag:$0x3] =	sbarrier.arrive $0xFFFF  }
0x50: {  	_ =	shalt  }

// kernel: kernel.18.cloned.1.call-start
scs
__scs_entry_jumppad:
0x0: {  	(pc) =	sbr.rel $0x88, $3  }
0x1: {  	(tag) =	ssettag $0x0;
	lr =	simm.s32 $0x1  }
0x2: {  	[smem:$0x3F96] =	sst lr;
	_ =	strace $0xD0000000  }
0x3: {  	_ = 	snop  }
0x4: {  	_ = 	snop  }
0x5: {  	_ = 	snop  }
0x6: {  	_ = 	snop  }
0x7: {  	_ = 	snop  }
__scs_overlays_trampoline_lowered:
0x8: {  	[smem:$0x3FA5] =	sst s0  }
0x9: {  	[smem:$0x3FA6] =	sst s1  }
0xa: {  	[smem:$0x3FA7] =	sst s2  }
0xb: {  	[smem:$0x3FA8] =	sst s3  }
0xc: {  	[smem:$0x3FA9] =	sst s4  }
0xd: {  	[smem:$0x3FAA] =	sst s5  }
0xe: {  	[smem:$0x3FAB] =	sst s6  }
0xf: {  	[smem:$0x3FAC] =	sst s7  }
0x10: {  	[smem:$0x3FAD] =	sst s8  }
0x11: {  	[smem:$0x3FAE] =	sst s9;
	s0 =	simm.s32 @!p0 $0x0  }
0x12: {  	s1 =	sld [smem:$0x3F94];
	s0 =	simm.s32 @p0 $0x1  }
0x13: {  	[smem:$0x3FAF] =	sst s0;
	s0 =	simm.s32 @!p1 $0x0  }
0x14: {  	s2 =	sld [smem:$0x3F93];
	s0 =	simm.s32 @p1 $0x1  }
0x15: {  	[smem:$0x3FB0] =	sst s0;
	s0 =	simm.s32 @!p2 $0x0  }
0x16: {  	s3 =	sld [smem:$0x3FDB];
	s0 =	simm.s32 @p2 $0x1  }
0x17: {  	s4 =	simm.s32 $0x1BF5;
	[smem:$0x3FB2] =	sst s0  }
0x18: {  	s0 =	sld [smem:$0x3F95];
	_ =	swait.ge [sflag:s4], $0x0  }
0x19: {  	s7 =	sld [smem:$0x3F96]  }
0x1a: {  	s8 =	sadd.s32 $0xFFFFE003, lr  }
0x1b: {  	s9 =	sadd.s32 $0xFFFFFEF7, lr;
	s5 =	simm.s32 $0xFFFFFFFF;
	p2 =	slt.u32 s8, $0xFFFFF086  }
0x1c: {  	p1 =	slt.u32 s9, $0xF7A;
	s5 =	simm.s32 @!p2 $0x0  }
0x1d: {  	s5 =	simm.s32 @p1 $0x1;
	p0 =	seq.s32 s7, s2  }
0x1e: {  	s7 =	smul.u32 @!p0 $0xF7A, s2;
	p2 =	seq.s32 @!p0 s5, $0x0  }
0x1f: {  	s9 =	smul.u32 $0xF7A, s1;
	s8 =	simm.s32 @!p0 $0x1BF5;
	p2 =	por !p2, p0  }
0x20: {  	[sflag:s8] =	ssyncset.s32 @!p0 $0xFFFFF086;
	s6 =	sadd.s32 @!p0 s3, s7;
	s7 =	simm.s32 @!p0 $0x108  }
0x21: {  	s3 =	sadd.s32 s3, s9;
	s6 =	sadd.s32 @!p0 $0x88, s6;
	s7 =	simm.s32 @p2 $0x1082  }
0x22: {  	[simem:s7], [sflag:s8] =	dma.local @!p0 [hbm:s6], $0xF7A  }
0x23: {  	s9 =	sor.u32 $0xD0000000, s2;
	s6 =	simm.s32 $0x108;
	_ =	swait.ge @!p0 [sflag:s8], $0x0  }
0x24: {  	s3 =	sadd.s32 $0x88, s3;
	s6 =	simm.s32 @!p1 $0x1082;
	[sflag:s4] =	ssyncset.s32 $0xFFFFF086  }
0x25: {  	[simem:s6], [sflag:s4] =	dma.local [hbm:s3], $0xF7A  }
0x26: {  	[smem:$0x3F96] =	sst s1;
	(tag) =	ssettag s2;
	_ =	strace s9  }
0x27: {  	s1 =	sld [smem:$0x3FA6]  }
0x28: {  	s2 =	sld [smem:$0x3FA7]  }
0x29: {  	s4 =	sld [smem:$0x3FA9]  }
0x2a: {  	p0 =	seq.s32 s5, $0x0;
	s5 =	sld [smem:$0x3FAA]  }
0x2b: {  	s6 =	sld [smem:$0x3FAB]  }
0x2c: {  	s7 =	sld [smem:$0x3FAC]  }
0x2d: {  	s3 =	simm.s32 $0x108;
	s8 =	sld [smem:$0x3FAD]  }
0x2e: {  	s3 =	simm.s32 @!p0 $0x1082;
	s9 =	sld [smem:$0x3FAE]  }
0x2f: {  	lr =	sadd.s32 s0, s3;
	s0 =	sld [smem:$0x3FA5]  }
0x30: {  	s3 =	sld [smem:$0x3FA8]  }
0x31: {  	[smem:$0x3FB1] =	sst s10  }
0x32: {  	s10 =	sld [smem:$0x3FAF];
	_ =	sdelay $0x3  }
0x33: {  	p0 =	seq.s32 s10, $0x1;
	s10 =	sld [smem:$0x3FB1];
	_ =	sdelay $0x3  }
0x34: {  	[smem:$0x3FB1] =	sst s10  }
0x35: {  	s10 =	sld [smem:$0x3FB0];
	_ =	sdelay $0x3  }
0x36: {  	p1 =	seq.s32 s10, $0x1;
	s10 =	sld [smem:$0x3FB1];
	_ =	sdelay $0x3  }
0x37: {  	[smem:$0x3FB1] =	sst s10  }
0x38: {  	s10 =	sld [smem:$0x3FB2]  }
0x39: {  	_ = 	snop;
	(pc) =	sbr.ind lr, $3  }
0x3a: {  	_ = 	snop  }
0x3b: {  	_ = 	snop  }
0x3c: {  	p2 =	seq.s32 s10, $0x1;
	s10 =	sld [smem:$0x3FB1]  }
0x3d: {  	_ =	shalt  }
0x3e: {  	_ =	shalt  }
0x3f: {  	_ =	shalt  }
0x40: {  	_ =	shalt  }
0x41: {  	_ =	shalt  }
0x42: {  	_ =	shalt  }
0x43: {  	_ =	shalt  }
0x44: {  	_ =	shalt  }
0x45: {  	_ =	shalt  }
0x46: {  	_ =	shalt  }
0x47: {  	_ =	shalt  }
0x48: {  	_ =	shalt  }
0x49: {  	_ =	shalt  }
0x4a: {  	_ =	shalt  }
0x4b: {  	_ =	shalt  }
0x4c: {  	_ =	shalt  }
0x4d: {  	_ =	shalt  }
0x4e: {  	_ =	shalt  }
0x4f: {  	_ =	shalt  }
0x50: {  	_ =	shalt  }
0x51: {  	_ =	shalt  }
0x52: {  	_ =	shalt  }
0x53: {  	_ =	shalt  }
0x54: {  	_ =	shalt  }
0x55: {  	_ =	shalt  }
0x56: {  	_ =	shalt  }
0x57: {  	_ =	shalt  }
0x58: {  	_ =	shalt  }
0x59: {  	_ =	shalt  }
0x5a: {  	_ =	shalt  }
0x5b: {  	_ =	shalt  }
0x5c: {  	_ =	shalt  }
0x5d: {  	_ =	shalt  }
0x5e: {  	_ =	shalt  }
0x5f: {  	_ =	shalt  }
0x60: {  	_ =	shalt  }
0x61: {  	_ =	shalt  }
0x62: {  	_ =	shalt  }
0x63: {  	_ =	shalt  }
0x64: {  	_ =	shalt  }
0x65: {  	_ =	shalt  }
0x66: {  	_ =	shalt  }
0x67: {  	_ =	shalt  }
0x68: {  	_ =	shalt  }
0x69: {  	_ =	shalt  }
0x6a: {  	_ =	shalt  }
0x6b: {  	_ =	shalt  }
0x6c: {  	_ =	shalt  }
0x6d: {  	_ =	shalt  }
0x6e: {  	_ =	shalt  }
0x6f: {  	_ =	shalt  }
0x70: {  	_ =	shalt  }
0x71: {  	_ =	shalt  }
0x72: {  	_ =	shalt  }
0x73: {  	_ =	shalt  }
0x74: {  	_ =	shalt  }
0x75: {  	_ =	shalt  }
0x76: {  	_ =	shalt  }
0x77: {  	_ =	shalt  }
0x78: {  	_ =	shalt  }
0x79: {  	_ =	shalt  }
0x7a: {  	_ =	shalt  }
0x7b: {  	_ =	shalt  }
0x7c: {  	_ =	shalt  }
0x7d: {  	_ =	shalt  }
0x7e: {  	_ =	shalt  }
0x7f: {  	_ =	shalt  }
0x80: {  	_ =	shalt  }
0x81: {  	_ =	shalt  }
0x82: {  	_ =	shalt  }
0x83: {  	_ =	shalt  }
0x84: {  	_ =	shalt  }
0x85: {  	_ =	shalt  }
0x86: {  	_ =	shalt  }
0x87: {  	_ =	shalt  }
.Lfunc_end0:
.L_simem_size_0:
called_computation.1_lowered:
.L_overlay_start_0:
0x88: {  	s2 =	sld [smem:$0x3FD9]  }
0x89: {  	s3 =	sld [smem:$0x3FFE];
	_ =	sdelay $0x1  }
0x8a: {  	s1 =	srdreg.scid  }
0x8b: {  	s0 =	sand.u32 $0x1, s1  }
0x8c: {  	s16 =	sshll.u32 s0, $0xA;
	s2 =	sadd.s32 s3, s2  }
0x8d: {  	s2 =	sadd.s32 s2, s16  }
0x8e: {  	[smem:$0x3FBD] =	sst s2  }
0x8f: {  	_ = 	snop  }
0x90: {  	(tm) =	ssettm $0x1  }
0x91: {  	s17 =	sld [smem:$0x3FFB];
	_ =	sdelay $0x3  }
0x92: {  	_ =	strace s17  }
0x93: {  	s2 =	sld [smem:$0x3FFC];
	_ =	sdelay $0x3  }
0x94: {  	_ =	strace s2  }
0x95: {  	s2 =	sld [smem:$0x3FFD];
	_ =	sdelay $0x3  }
0x96: {  	_ =	strace s2  }
0x97: {  	_ =	strace $0x8FFFFFFF  }
0x98: {  	s18 =	sld [smem:$0x3FDB];
	_ =	sdelay $0x1  }
0x99: {  	s19 =	simm.s32 $_scs_section_size  }
0x9a: {  	s4 =	simm.s32 $_size__tile_overlayer_lowered;
	s5 =	simm.s32 $_tile_overlayer_lowered  }
0x9b: {  	s22 =	simm.s32 $0x1BFF;
	s21 =	sshll.u32 s5, $0x1;
	s2 =	sadd.s32 s19, s18  }
0x9c: {  	s6 =	simm.s32 $0x0;
	s20 =	sshll.u32 s4, $0x1;
	s4 =	sadd.s32 s21, s2  }
0x9d: {  	[timem:s6], [sflag:s22] =	dma.local [hbm:s4], s20  }
0x9e: {  	_ =	swait.ge [sflag:s22], s20  }
0x9f: {  	s3 =	ssub.s32 $0x0, s20;
	[sflag:s22] =	ssyncset.done $0x0  }
0xa0: {  	[sflag:s22] =	ssyncadd.s32 s3;
	_ =	sdelay $0x1  }
0xa1: {  	s23 =	simm.s32 $0x1B8B  }
0xa2: {  	_ =	swait.ge [sflag:s23], $0x1  }
0xa3: {  	[sflag:s23] =	ssyncset.done $0x0  }
0xa4: {  	s25 =	simm.s32 $0x1B8E;
	s24 =	sld [smem:$0x3FFE];
	[sflag:s23] =	ssyncadd.s32 $0xFFFFFFFF  }
0xa5: {  	s26 =	simm.s32 $execute0_lowered;
	[smem:$0x3FD2] =	sst s25  }
0xa6: {  	s4 =	sshll.u32 s26, $0x1;
	_ =	strace $0x80000049;
	[dreg:$0x1] =	wrdreg $0xFFFFFFFF  }
0xa7: {  	s28 =	simm.s32 $_size_execute0_lowered;
	s2 =	sadd.s32 s2, s4;
	[dreg:$0x0] =	wrdreg $0x0  }
0xa8: {  	s4 =	sshll.u32 s28, $0x1;
	[dreg:$0x2] =	wrdreg s2  }
0xa9: {  	[dreg:$0x3] =	wrdreg s4  }
0xaa: {  	[dreg:$0x4] =	wrdreg $0xC0  }
0xab: {  	_ =	task [dreg:s6], $0x5FFFF  }
0xac: {  	[dreg:$0x1] =	wrdreg $0xFFFFFFFF  }
0xad: {  	[dreg:$0x0] =	wrdreg $0x60  }
0xae: {  	[dreg:$0x2] =	wrdreg s24  }
0xaf: {  	[dreg:$0x3] =	wrdreg $0x29000  }
0xb0: {  	[dreg:$0x4] =	wrdreg $0x9  }
0xb1: {  	_ =	task.clear_ibuf [dreg:s6], $0x5FFFF;
	_ =	strace $0x90000049  }
0xb2: {  	s29 =	simm.s32 $0x9;
	_ =	strace $0x8000004B  }
0xb3: {  	_ =	swait.ge [sflag:s29], $0x1  }
0xb4: {  	[sflag:s29] =	ssyncadd.s32 $0xFFFFFFFF  }
0xb5: {  	_ =	strace $0x9000004B  }
0xb6: {  	_ =	sfence  }
0xb7: {  	s30 =	sld [smem:$0x0];
	_ =	sdelay $0x2  }
0xb8: {  	s31 =	sshll.u32 s1, $0xD;
	s1 =	sshrl.u32 s1, $0x2  }
0xb9: {  	s3 =	sand.u32 $0x4000, s31;
	s1 =	sadd.s32 s1, s30  }
0xba: {  	s0 =	sor.u32 s3, s0;
	s1 =	sshll.u32 s1, $0x11  }
0xbb: {  	s0 =	sor.u32 s1, s0  }
0xbc: {  	s0 =	sadd.s32 $0x8F2B, s0  }
0xbd: {  	[sflag:s0] =	ssyncadd.remote.s32 $0x1  }
0xbe: {  	_ =	sfence.sel $0xFFFF  }
0xbf: {  	[dreg:$0x0] =	wrdreg $0xFFFFFFFF;
	(pc) =	sbr.abs _section_cstart, $3  }
0xc0: {  	[dreg:$0x1] =	wrdreg $0xFFFFFFFF  }
0xc1: {  	_ =	task.clear_ibuf [dreg:s6], $0x2FFFF;
	_ =	strace $0x9FFFFFFF  }
0xc2: {  	(tm) =	ssettm $0x7FFFFFFF  }
0xc3: {  	_ =	shalt  }
tec
execute0_lowered:
.L_overlay_start_1:
0x0: {  	(tag) =	ssettag $0x1  }
0x1: {  	s9 =	rddreg [dreg:$0x0]  }
0x2: {  	s2 =	rddreg [dreg:$0x1]  }
0x3: {  	s0 =	rddreg [dreg:$0x2];
	s3 =	simm.s32 $0x0  }
0x4: {  	s1 =	stileid.u32;
	s7 =	srdreg.scid;
	s17 =	simm.s32 $0x2  }
0x5: {  	s19 =	simm.s32 $0x80;
	s20 =	simm.s32 $0x50;
	s21 =	simm.s32 $0x100  }
0x6: {  	s22 =	simm.s32 $0x1;
	s24 =	simm.s32 $0x0;
	s6 =	smul.u32 $0x9C4, s1  }
0x7: {  	[smem:$0x7FF] =	sst s3;
	s4 =	sadd.s32 $0x40400, s9;
	s11 =	smul.u32 $0x2700, s1  }
0x8: {  	s5 =	sadd.s32 $0x67600, s9;
	s8 =	sand.u32 $0x1, s7;
	s10 =	smul.u32 $0x4E000, s1  }
0x9: {  	s7 =	sadd.s32 $0xDCC00, s9;
	s23 =	sadd.s32 $0x138000, s2;
	s31 =	sshll.u32 s1, $0x6  }
0xa: {  	p1 =	sne.s32 s1, $0xF;
	p2 =	seq.s32 s1, $0xF;
	_ =	strace $0x8000004A  }
0xb: {  	s13 =	ssub.s32 $0x2, s8;
	p0 =	seq.s32 s8, $0x1;
	s18 =	sshrl.u32 @!p1 s23, $0x3  }
0xc: {  	s23 =	sshrl.u32 s23, $0x3;
	s15 =	sadd.s32 s6, s9;
	s12 =	sadd.s32 s11, s9  }
.Ltmp0:
0xd: {  	s6 =	sadd.s32 $0xB5A00, s9;
	s14 =	sshrl.u32 s13, $0x1;
	(pc) =	sbr.rel .LBB2_1-.Ltmp0, $4  }
0xe: {  	s10 =	sshrl.u32 s10, $0x2;
	s9 =	sadd.s32 $0x40200, s9;
	s13 =	ssub.s32 s13, s14  }
0xf: {  	s16 =	sadd.s32 s10, s2;
	s8 =	sadd.s32 $0x19200, s12;
	s10 =	sadd.s32 s6, s11  }
0x10: {  	s11 =	sadd.s32 s7, s11;
	s14 =	sadd.s32 $0xF400, s15;
	s15 =	sadd.s32 $0x5600, s15  }
0x11: {  	s12 =	smax.u32 s13, $0x1;
	s13 =	sor.u32 $0x1C02, s31;
	s16 =	sshrl.u32 s16, $0x3  }
.LBB2_8:
0x12: {  	s25 =	sadd.s32 $0x27000, s25  }
0x13: {  	[hbm:s25], [sflag:s13] =	dma.local [spmem:s23], $0x100  }
0x14: {  	_ =	swait.ge [sflag:s17], $0x100  }
0x15: {  	[sflag:s17] =	ssyncset.done $0x0  }
0x16: {  	[sflag:s17] =	ssyncadd.s32 $0xFFFFFF00  }
.LBB2_9:
0x17: {  	s24 =	sadd.s32 $0x1, s24  }
0x18: {  	p3 =	sne.s32 s24, s12  }
.Ltmp1:
0x19: {  	_ = 	snop;
	(pc) =	sbr.rel @!p3 .LBB2_10-.Ltmp1, $1  }
0x1a: {  	_ =	sdelay $0x3  }
.LBB2_1:
.Ltmp2:
0x1b: {  	(pc) =	sbr.rel @!p0 .LBB2_2-.Ltmp2, $4  }
0x1c: {  	[spmem:s16], [sflag:s13] =	dma.local [hbm:s8], $0x2700  }
0x1d: {  	_ =	swait.ge [sflag:s17], $0x2700  }
0x1e: {  	[sflag:s17] =	ssyncset.done $0x0  }
0x1f: {  	[sflag:s17] =	ssyncadd.s32 $0xFFFFD900  }
0x20: {  	[spmem:s18], [sflag:s13] =	dma.local @!p1 [hbm:s9], $0x100  }
0x21: {  	s25 =	simm.s32 @!p1 $0x2  }
0x22: {  	_ =	swait.ge @!p1 [sflag:s25], $0x100  }
0x23: {  	[sflag:s25] =	ssyncset.done @!p1 $0x0  }
0x24: {  	[sflag:s25] =	ssyncadd.s32 @!p1 $0xFFFFFF00  }
0x25: {  	s30 =	sadd.s32 $0x0, s15;
	[bflag:$0x0] =	sbarrier.arrive $0xFFFF  }
0x26: {  	[tilespmem:s3], [sflag:$0x2] =	stream.linear.gather [hbm4b:s30+s3], $0x50, $0x38;
	[tilespmem:$0x16180] =	vst v63  }
0x27: {  	_ =	swait.ge [sflag:s17], $0x50  }
0x28: {  	[sflag:s17] =	ssyncset.done $0x0  }
0x29: {  	s31 =	sadd.s32 $0x0, s14;
	[sflag:s17] =	ssyncadd.s32 $0xFFFFFFB0  }
0x2a: {  	[tilespmem:s19], [sflag:$0x2] =	stream.linear.gather [hbm4b:s31+s3], $0x50, $0x38;
	[tilespmem:$0x16180] =	vst v63  }
0x2b: {  	_ =	swait.ge [sflag:s17], $0x50  }
0x2c: {  	[sflag:s17] =	ssyncset.done $0x0  }
0x2d: {  	[sflag:s17] =	ssyncadd.s32 $0xFFFFFFB0  }
0x2e: {  	[tilespmem:s21], [sflag:$0x1] =	stream.indirect.gather [hbm4b:s5+s20], $0x80, s3, s20, $0xb8;
	[tilespmem:$0x16180] =	vst v63  }
0x2f: {  	_ =	swait.ge [sflag:s22], $0x2800  }
0x30: {  	[sflag:s22] =	ssyncset.done $0x0  }
0x31: {  	[sflag:s22] =	ssyncadd.s32 $0xFFFFD800  }
0x32: {  	[spmem:s2] =	stream.indirect.scatter.add.f32 [tilespmem:s21], [sflag:$0x2], $0x80, s19, s20, $0xb8;
	[tilespmem:$0x16180] =	vst v63  }
0x33: {  	_ =	swait.ge [sflag:s17], $0x2800  }
0x34: {  	s26 =	simm.s32 $0x14;
	s25 =	simm.s32 $0xA;
	[sflag:s17] =	ssyncset.done $0x0  }
.LBB2_6:
0x35: {  	s28 =	sadd.s32 s25, s15  }
0x36: {  	[sflag:s17] =	ssyncadd.s32 $0xFFFFD800;
	s29 =	smov.u32 s26;
	s30 =	sadd.s32 $0xA, s26  }
0x37: {  	[tilespmem:s3], [sflag:$0x2] =	stream.linear.gather [hbm4b:s28+s3], $0x50, $0x38;
	[tilespmem:$0x16180] =	vst v63  }
0x38: {  	p3 =	sne.s32 s26, $0x9BA;
	_ =	swait.ge [sflag:s17], $0x50  }
0x39: {  	[sflag:s17] =	ssyncset.done $0x0  }
0x3a: {  	s26 =	sadd.s32 s25, s14;
	s25 =	smov.u32 s29;
	[sflag:s17] =	ssyncadd.s32 $0xFFFFFFB0  }
0x3b: {  	[tilespmem:s19], [sflag:$0x2] =	stream.linear.gather [hbm4b:s26+s3], $0x50, $0x38;
	[tilespmem:$0x16180] =	vst v63  }
0x3c: {  	_ =	swait.ge [sflag:s17], $0x50  }
0x3d: {  	[sflag:s17] =	ssyncset.done $0x0  }
0x3e: {  	[sflag:s17] =	ssyncadd.s32 $0xFFFFFFB0  }
0x3f: {  	[tilespmem:s21], [sflag:$0x1] =	stream.indirect.gather [hbm4b:s5+s20], $0x80, s3, s20, $0xb8;
	[tilespmem:$0x16180] =	vst v63  }
0x40: {  	_ =	swait.ge [sflag:s22], $0x2800  }
.Ltmp3:
0x41: {  	[sflag:s22] =	ssyncset.done $0x0;
	(pc) =	sbr.rel @p3 .LBB2_6-.Ltmp3, $4  }
0x42: {  	[sflag:s22] =	ssyncadd.s32 $0xFFFFD800  }
0x43: {  	[spmem:s2] =	stream.indirect.scatter.add.f32 [tilespmem:s21], [sflag:$0x2], $0x80, s19, s20, $0xb8;
	[tilespmem:$0x16180] =	vst v63  }
0x44: {  	_ =	swait.ge [sflag:s17], $0x2800  }
0x45: {  	s26 =	smov.u32 s30;
	[sflag:s17] =	ssyncset.done $0x0  }
0x46: {  	s26 =	sadd.s32 s25, s15;
	[sflag:s17] =	ssyncadd.s32 $0xFFFFD800  }
0x47: {  	[tilespmem:s3], [sflag:$0x2] =	stream.linear.gather [hbm4b:s26+s3], $0x50, $0x38;
	[tilespmem:$0x16180] =	vst v63  }
0x48: {  	_ =	swait.ge [sflag:s17], $0x50  }
0x49: {  	[sflag:s17] =	ssyncset.done $0x0  }
0x4a: {  	s31 =	sadd.s32 s25, s14;
	[sflag:s17] =	ssyncadd.s32 $0xFFFFFFB0  }
0x4b: {  	[tilespmem:s19], [sflag:$0x2] =	stream.linear.gather [hbm4b:s31+s3], $0x50, $0x38;
	[tilespmem:$0x16180] =	vst v63  }
0x4c: {  	_ =	swait.ge [sflag:s17], $0x50  }
0x4d: {  	[sflag:s17] =	ssyncset.done $0x0  }
0x4e: {  	[sflag:s17] =	ssyncadd.s32 $0xFFFFFFB0  }
0x4f: {  	[tilespmem:s21], [sflag:$0x1] =	stream.indirect.gather [hbm4b:s5+s20], $0x80, s3, s20, $0xb8;
	[tilespmem:$0x16180] =	vst v63  }
0x50: {  	_ =	swait.ge [sflag:s22], $0x2800  }
0x51: {  	[sflag:s22] =	ssyncset.done $0x0  }
0x52: {  	[sflag:s22] =	ssyncadd.s32 $0xFFFFD800  }
0x53: {  	[spmem:s2] =	stream.indirect.scatter.add.f32 [tilespmem:s21], [sflag:$0x2], $0x80, s19, s20, $0xb8;
	[tilespmem:$0x16180] =	vst v63  }
0x54: {  	_ =	swait.ge [sflag:s17], $0x2800  }
0x55: {  	[sflag:s17] =	ssyncset.done $0x0  }
0x56: {  	[sflag:s17] =	ssyncadd.s32 $0xFFFFD800  }
0x57: {  	[bflag:$0x0] =	sbarrier.arrive $0xFFFF  }
0x58: {  	[hbm:s11], [sflag:s13] =	dma.local [spmem:s16], $0x2700  }
.Ltmp4:
0x59: {  	_ = 	snop;
	(pc) =	sbr.rel @p1 .LBB2_9-.Ltmp4, $4  }
.Ltmp5:
0x5a: {  	_ = 	snop;
	(pc) =	sbr.rel @!p1 .LBB2_8-.Ltmp5, $4  }
0x5b: {  	_ =	swait.ge [sflag:s17], $0x2700  }
0x5c: {  	[sflag:s17] =	ssyncset.done $0x0  }
0x5d: {  	s25 =	smov.u32 s7;
	[sflag:s17] =	ssyncadd.s32 $0xFFFFD900  }
0x5e: {  	_ = 	snop  }
.LBB2_2:
0x5f: {  	[spmem:s18], [sflag:s13] =	dma.local @!p1 [hbm:s9], $0x100  }
0x60: {  	s25 =	simm.s32 @!p1 $0x2  }
0x61: {  	_ =	swait.ge @!p1 [sflag:s25], $0x100  }
0x62: {  	[sflag:s25] =	ssyncset.done @!p1 $0x0  }
0x63: {  	[sflag:s25] =	ssyncadd.s32 @!p1 $0xFFFFFF00  }
0x64: {  	s30 =	sadd.s32 $0x0, s15;
	[bflag:$0x0] =	sbarrier.arrive $0xFFFF  }
0x65: {  	[tilespmem:s3], [sflag:$0x2] =	stream.linear.gather [hbm4b:s30+s3], $0x50, $0x38;
	[tilespmem:$0x16180] =	vst v63  }
0x66: {  	_ =	swait.ge [sflag:s17], $0x50  }
0x67: {  	[sflag:s17] =	ssyncset.done $0x0  }
0x68: {  	s31 =	sadd.s32 $0x0, s14;
	[sflag:s17] =	ssyncadd.s32 $0xFFFFFFB0  }
0x69: {  	[tilespmem:s19], [sflag:$0x2] =	stream.linear.gather [hbm4b:s31+s3], $0x50, $0x38;
	[tilespmem:$0x16180] =	vst v63  }
0x6a: {  	_ =	swait.ge [sflag:s17], $0x50  }
0x6b: {  	[sflag:s17] =	ssyncset.done $0x0  }
0x6c: {  	[sflag:s17] =	ssyncadd.s32 $0xFFFFFFB0  }
0x6d: {  	[tilespmem:s21], [sflag:$0x1] =	stream.indirect.gather [hbm4b:s4+s20], $0x80, s3, s20, $0xb8;
	[tilespmem:$0x16180] =	vst v63  }
0x6e: {  	_ =	swait.ge [sflag:s22], $0x2800  }
0x6f: {  	[sflag:s22] =	ssyncset.done $0x0  }
0x70: {  	[sflag:s22] =	ssyncadd.s32 $0xFFFFD800  }
0x71: {  	[spmem:s2] =	stream.indirect.scatter.add.f32 [tilespmem:s21], [sflag:$0x2], $0x80, s19, s20, $0xb8;
	[tilespmem:$0x16180] =	vst v63  }
0x72: {  	_ =	swait.ge [sflag:s17], $0x2800  }
0x73: {  	s26 =	simm.s32 $0x14;
	s25 =	simm.s32 $0xA;
	[sflag:s17] =	ssyncset.done $0x0  }
.LBB2_3:
0x74: {  	s28 =	sadd.s32 s25, s15  }
0x75: {  	[sflag:s17] =	ssyncadd.s32 $0xFFFFD800;
	s29 =	smov.u32 s26;
	s30 =	sadd.s32 $0xA, s26  }
0x76: {  	[tilespmem:s3], [sflag:$0x2] =	stream.linear.gather [hbm4b:s28+s3], $0x50, $0x38;
	[tilespmem:$0x16180] =	vst v63  }
0x77: {  	p3 =	sne.s32 s26, $0x9BA;
	_ =	swait.ge [sflag:s17], $0x50  }
0x78: {  	[sflag:s17] =	ssyncset.done $0x0  }
0x79: {  	s26 =	sadd.s32 s25, s14;
	s25 =	smov.u32 s29;
	[sflag:s17] =	ssyncadd.s32 $0xFFFFFFB0  }
0x7a: {  	[tilespmem:s19], [sflag:$0x2] =	stream.linear.gather [hbm4b:s26+s3], $0x50, $0x38;
	[tilespmem:$0x16180] =	vst v63  }
0x7b: {  	_ =	swait.ge [sflag:s17], $0x50  }
0x7c: {  	[sflag:s17] =	ssyncset.done $0x0  }
0x7d: {  	[sflag:s17] =	ssyncadd.s32 $0xFFFFFFB0  }
0x7e: {  	[tilespmem:s21], [sflag:$0x1] =	stream.indirect.gather [hbm4b:s4+s20], $0x80, s3, s20, $0xb8;
	[tilespmem:$0x16180] =	vst v63  }
0x7f: {  	_ =	swait.ge [sflag:s22], $0x2800  }
.Ltmp6:
0x80: {  	[sflag:s22] =	ssyncset.done $0x0;
	(pc) =	sbr.rel @p3 .LBB2_3-.Ltmp6, $4  }
0x81: {  	[sflag:s22] =	ssyncadd.s32 $0xFFFFD800  }
0x82: {  	[spmem:s2] =	stream.indirect.scatter.add.f32 [tilespmem:s21], [sflag:$0x2], $0x80, s19, s20, $0xb8;
	[tilespmem:$0x16180] =	vst v63  }
0x83: {  	_ =	swait.ge [sflag:s17], $0x2800  }
0x84: {  	s26 =	smov.u32 s30;
	[sflag:s17] =	ssyncset.done $0x0  }
0x85: {  	s26 =	sadd.s32 s25, s15;
	[sflag:s17] =	ssyncadd.s32 $0xFFFFD800  }
0x86: {  	[tilespmem:s3], [sflag:$0x2] =	stream.linear.gather [hbm4b:s26+s3], $0x50, $0x38;
	[tilespmem:$0x16180] =	vst v63  }
0x87: {  	_ =	swait.ge [sflag:s17], $0x50  }
0x88: {  	[sflag:s17] =	ssyncset.done $0x0  }
0x89: {  	s31 =	sadd.s32 s25, s14;
	[sflag:s17] =	ssyncadd.s32 $0xFFFFFFB0  }
0x8a: {  	[tilespmem:s19], [sflag:$0x2] =	stream.linear.gather [hbm4b:s31+s3], $0x50, $0x38;
	[tilespmem:$0x16180] =	vst v63  }
0x8b: {  	_ =	swait.ge [sflag:s17], $0x50  }
0x8c: {  	[sflag:s17] =	ssyncset.done $0x0  }
0x8d: {  	[sflag:s17] =	ssyncadd.s32 $0xFFFFFFB0  }
0x8e: {  	[tilespmem:s21], [sflag:$0x1] =	stream.indirect.gather [hbm4b:s4+s20], $0x80, s3, s20, $0xb8;
	[tilespmem:$0x16180] =	vst v63  }
0x8f: {  	_ =	swait.ge [sflag:s22], $0x2800  }
0x90: {  	[sflag:s22] =	ssyncset.done $0x0  }
0x91: {  	[sflag:s22] =	ssyncadd.s32 $0xFFFFD800  }
0x92: {  	[spmem:s2] =	stream.indirect.scatter.add.f32 [tilespmem:s21], [sflag:$0x2], $0x80, s19, s20, $0xb8;
	[tilespmem:$0x16180] =	vst v63  }
0x93: {  	_ =	swait.ge [sflag:s17], $0x2800  }
0x94: {  	[sflag:s17] =	ssyncset.done $0x0  }
0x95: {  	[sflag:s17] =	ssyncadd.s32 $0xFFFFD800  }
0x96: {  	[bflag:$0x0] =	sbarrier.arrive $0xFFFF  }
0x97: {  	[hbm:s10], [sflag:s13] =	dma.local [spmem:s16], $0x2700  }
.Ltmp7:
0x98: {  	_ = 	snop;
	(pc) =	sbr.rel @p2 .LBB2_8-.Ltmp7, $4  }
.Ltmp8:
0x99: {  	_ = 	snop;
	(pc) =	sbr.rel @!p2 .LBB2_9-.Ltmp8, $4  }
0x9a: {  	_ =	swait.ge [sflag:s17], $0x2700  }
0x9b: {  	[sflag:s17] =	ssyncset.done $0x0  }
0x9c: {  	s25 =	smov.u32 s6;
	[sflag:s17] =	ssyncadd.s32 $0xFFFFD900  }
0x9d: {  	_ = 	snop  }
.LBB2_10:
0x9e: {  	_ =	sfence.sel $0x180000  }
0x9f: {  	[bflag:$0x0] =	sbarrier.arrive $0xFFFF  }
0xa0: {  	p0 =	sne.s32 s1, $0x0;
	_ =	strace $0x9000004A  }
0xa1: {  	s0 =	sadd.s32 @!p0 $0x100000, s0;
	[bflag:$0x2] =	sbarrier.arrive $0xFFFF  }
0xa2: {  	[sflag:s0] =	ssyncadd.tile.s32 @!p0 $0x1;
	_ =	shalt  }
.Lfunc_end2:
_tile_overlayer_lowered:
.L_overlay_start_2:
0xa3: {  	(tag) =	ssettag $0x2  }
0xa4: {  	s0 =	rddreg [dreg:$0x0];
	s2 =	stileid.u32  }
0xa5: {  	s1 =	rddreg [dreg:$0x1];
	p0 =	sne.s32 s2, $0x0  }
0xa6: {  	s3 =	rddreg [dreg:$0x2];
	[bflag:$0x3] =	sbarrier.arrive $0xFFFF;
	s2 =	simm.s32 @!p0 $0x1C02  }
0xa7: {  	[timem:s3], [sflag:s2] =	dma.local @!p0 [hbm:s0], s1  }
0xa8: {  	s0 =	simm.s32 @!p0 $0x2  }
0xa9: {  	_ =	swait.ge @!p0 [sflag:s0], s1  }
0xaa: {  	s1 =	ssub.s32 @!p0 $0x0, s1;
	[sflag:s0] =	ssyncset.done @!p0 $0x0  }
0xab: {  	[sflag:s0] =	ssyncadd.s32 @!p0 s1  }
0xac: {  	[bflag:$0x3] =	sbarrier.arrive $0xFFFF  }
0xad: {  	_ =	shalt  }

// kernel: kernel.21.cloned.1.call-start
scs
__scs_entry_jumppad:
0x0: {  	(pc) =	sbr.rel $0x88, $3  }
0x1: {  	(tag) =	ssettag $0x0;
	lr =	simm.s32 $0x1  }
0x2: {  	[smem:$0x3F96] =	sst lr;
	_ =	strace $0xD0000000  }
0x3: {  	_ = 	snop  }
0x4: {  	_ = 	snop  }
0x5: {  	_ = 	snop  }
0x6: {  	_ = 	snop  }
0x7: {  	_ = 	snop  }
__scs_overlays_trampoline_lowered:
0x8: {  	[smem:$0x3FA5] =	sst s0  }
0x9: {  	[smem:$0x3FA6] =	sst s1  }
0xa: {  	[smem:$0x3FA7] =	sst s2  }
0xb: {  	[smem:$0x3FA8] =	sst s3  }
0xc: {  	[smem:$0x3FA9] =	sst s4  }
0xd: {  	[smem:$0x3FAA] =	sst s5  }
0xe: {  	[smem:$0x3FAB] =	sst s6  }
0xf: {  	[smem:$0x3FAC] =	sst s7  }
0x10: {  	[smem:$0x3FAD] =	sst s8  }
0x11: {  	[smem:$0x3FAE] =	sst s9;
	s0 =	simm.s32 @!p0 $0x0  }
0x12: {  	s1 =	sld [smem:$0x3F94];
	s0 =	simm.s32 @p0 $0x1  }
0x13: {  	[smem:$0x3FAF] =	sst s0;
	s0 =	simm.s32 @!p1 $0x0  }
0x14: {  	s2 =	sld [smem:$0x3F93];
	s0 =	simm.s32 @p1 $0x1  }
0x15: {  	[smem:$0x3FB0] =	sst s0;
	s0 =	simm.s32 @!p2 $0x0  }
0x16: {  	s3 =	sld [smem:$0x3FDB];
	s0 =	simm.s32 @p2 $0x1  }
0x17: {  	s4 =	simm.s32 $0x1BF5;
	[smem:$0x3FB2] =	sst s0  }
0x18: {  	s0 =	sld [smem:$0x3F95];
	_ =	swait.ge [sflag:s4], $0x0  }
0x19: {  	s7 =	sld [smem:$0x3F96]  }
0x1a: {  	s8 =	sadd.s32 $0xFFFFE003, lr  }
0x1b: {  	s9 =	sadd.s32 $0xFFFFFEF7, lr;
	s5 =	simm.s32 $0xFFFFFFFF;
	p2 =	slt.u32 s8, $0xFFFFF086  }
0x1c: {  	p1 =	slt.u32 s9, $0xF7A;
	s5 =	simm.s32 @!p2 $0x0  }
0x1d: {  	s5 =	simm.s32 @p1 $0x1;
	p0 =	seq.s32 s7, s2  }
0x1e: {  	s7 =	smul.u32 @!p0 $0xF7A, s2;
	p2 =	seq.s32 @!p0 s5, $0x0  }
0x1f: {  	s9 =	smul.u32 $0xF7A, s1;
	s8 =	simm.s32 @!p0 $0x1BF5;
	p2 =	por !p2, p0  }
0x20: {  	[sflag:s8] =	ssyncset.s32 @!p0 $0xFFFFF086;
	s6 =	sadd.s32 @!p0 s3, s7;
	s7 =	simm.s32 @!p0 $0x108  }
0x21: {  	s3 =	sadd.s32 s3, s9;
	s6 =	sadd.s32 @!p0 $0x88, s6;
	s7 =	simm.s32 @p2 $0x1082  }
0x22: {  	[simem:s7], [sflag:s8] =	dma.local @!p0 [hbm:s6], $0xF7A  }
0x23: {  	s9 =	sor.u32 $0xD0000000, s2;
	s6 =	simm.s32 $0x108;
	_ =	swait.ge @!p0 [sflag:s8], $0x0  }
0x24: {  	s3 =	sadd.s32 $0x88, s3;
	s6 =	simm.s32 @!p1 $0x1082;
	[sflag:s4] =	ssyncset.s32 $0xFFFFF086  }
0x25: {  	[simem:s6], [sflag:s4] =	dma.local [hbm:s3], $0xF7A  }
0x26: {  	[smem:$0x3F96] =	sst s1;
	(tag) =	ssettag s2;
	_ =	strace s9  }
0x27: {  	s1 =	sld [smem:$0x3FA6]  }
0x28: {  	s2 =	sld [smem:$0x3FA7]  }
0x29: {  	s4 =	sld [smem:$0x3FA9]  }
0x2a: {  	p0 =	seq.s32 s5, $0x0;
	s5 =	sld [smem:$0x3FAA]  }
0x2b: {  	s6 =	sld [smem:$0x3FAB]  }
0x2c: {  	s7 =	sld [smem:$0x3FAC]  }
0x2d: {  	s3 =	simm.s32 $0x108;
	s8 =	sld [smem:$0x3FAD]  }
0x2e: {  	s3 =	simm.s32 @!p0 $0x1082;
	s9 =	sld [smem:$0x3FAE]  }
0x2f: {  	lr =	sadd.s32 s0, s3;
	s0 =	sld [smem:$0x3FA5]  }
0x30: {  	s3 =	sld [smem:$0x3FA8]  }
0x31: {  	[smem:$0x3FB1] =	sst s10  }
0x32: {  	s10 =	sld [smem:$0x3FAF];
	_ =	sdelay $0x3  }
0x33: {  	p0 =	seq.s32 s10, $0x1;
	s10 =	sld [smem:$0x3FB1];
	_ =	sdelay $0x3  }
0x34: {  	[smem:$0x3FB1] =	sst s10  }
0x35: {  	s10 =	sld [smem:$0x3FB0];
	_ =	sdelay $0x3  }
0x36: {  	p1 =	seq.s32 s10, $0x1;
	s10 =	sld [smem:$0x3FB1];
	_ =	sdelay $0x3  }
0x37: {  	[smem:$0x3FB1] =	sst s10  }
0x38: {  	s10 =	sld [smem:$0x3FB2]  }
0x39: {  	_ = 	snop;
	(pc) =	sbr.ind lr, $3  }
0x3a: {  	_ = 	snop  }
0x3b: {  	_ = 	snop  }
0x3c: {  	p2 =	seq.s32 s10, $0x1;
	s10 =	sld [smem:$0x3FB1]  }
0x3d: {  	_ =	shalt  }
0x3e: {  	_ =	shalt  }
0x3f: {  	_ =	shalt  }
0x40: {  	_ =	shalt  }
0x41: {  	_ =	shalt  }
0x42: {  	_ =	shalt  }
0x43: {  	_ =	shalt  }
0x44: {  	_ =	shalt  }
0x45: {  	_ =	shalt  }
0x46: {  	_ =	shalt  }
0x47: {  	_ =	shalt  }
0x48: {  	_ =	shalt  }
0x49: {  	_ =	shalt  }
0x4a: {  	_ =	shalt  }
0x4b: {  	_ =	shalt  }
0x4c: {  	_ =	shalt  }
0x4d: {  	_ =	shalt  }
0x4e: {  	_ =	shalt  }
0x4f: {  	_ =	shalt  }
0x50: {  	_ =	shalt  }
0x51: {  	_ =	shalt  }
0x52: {  	_ =	shalt  }
0x53: {  	_ =	shalt  }
0x54: {  	_ =	shalt  }
0x55: {  	_ =	shalt  }
0x56: {  	_ =	shalt  }
0x57: {  	_ =	shalt  }
0x58: {  	_ =	shalt  }
0x59: {  	_ =	shalt  }
0x5a: {  	_ =	shalt  }
0x5b: {  	_ =	shalt  }
0x5c: {  	_ =	shalt  }
0x5d: {  	_ =	shalt  }
0x5e: {  	_ =	shalt  }
0x5f: {  	_ =	shalt  }
0x60: {  	_ =	shalt  }
0x61: {  	_ =	shalt  }
0x62: {  	_ =	shalt  }
0x63: {  	_ =	shalt  }
0x64: {  	_ =	shalt  }
0x65: {  	_ =	shalt  }
0x66: {  	_ =	shalt  }
0x67: {  	_ =	shalt  }
0x68: {  	_ =	shalt  }
0x69: {  	_ =	shalt  }
0x6a: {  	_ =	shalt  }
0x6b: {  	_ =	shalt  }
0x6c: {  	_ =	shalt  }
0x6d: {  	_ =	shalt  }
0x6e: {  	_ =	shalt  }
0x6f: {  	_ =	shalt  }
0x70: {  	_ =	shalt  }
0x71: {  	_ =	shalt  }
0x72: {  	_ =	shalt  }
0x73: {  	_ =	shalt  }
0x74: {  	_ =	shalt  }
0x75: {  	_ =	shalt  }
0x76: {  	_ =	shalt  }
0x77: {  	_ =	shalt  }
0x78: {  	_ =	shalt  }
0x79: {  	_ =	shalt  }
0x7a: {  	_ =	shalt  }
0x7b: {  	_ =	shalt  }
0x7c: {  	_ =	shalt  }
0x7d: {  	_ =	shalt  }
0x7e: {  	_ =	shalt  }
0x7f: {  	_ =	shalt  }
0x80: {  	_ =	shalt  }
0x81: {  	_ =	shalt  }
0x82: {  	_ =	shalt  }
0x83: {  	_ =	shalt  }
0x84: {  	_ =	shalt  }
0x85: {  	_ =	shalt  }
0x86: {  	_ =	shalt  }
0x87: {  	_ =	shalt  }
.Lfunc_end0:
.L_simem_size_0:
called_computation.2_lowered:
.L_overlay_start_0:
0x88: {  	s2 =	sld [smem:$0x3FD9]  }
0x89: {  	s3 =	sld [smem:$0x3FFE];
	_ =	sdelay $0x1  }
0x8a: {  	s1 =	srdreg.scid  }
0x8b: {  	s0 =	sand.u32 $0x1, s1  }
0x8c: {  	s16 =	sshll.u32 s0, $0xA;
	s2 =	sadd.s32 s3, s2  }
0x8d: {  	s2 =	sadd.s32 s2, s16  }
0x8e: {  	[smem:$0x3FBD] =	sst s2  }
0x8f: {  	_ = 	snop  }
0x90: {  	(tm) =	ssettm $0x1  }
0x91: {  	s17 =	sld [smem:$0x3FFB];
	_ =	sdelay $0x3  }
0x92: {  	_ =	strace s17  }
0x93: {  	s2 =	sld [smem:$0x3FFC];
	_ =	sdelay $0x3  }
0x94: {  	_ =	strace s2  }
0x95: {  	s2 =	sld [smem:$0x3FFD];
	_ =	sdelay $0x3  }
0x96: {  	_ =	strace s2  }
0x97: {  	_ =	strace $0x8FFFFFFF  }
0x98: {  	s18 =	sld [smem:$0x3FDB];
	_ =	sdelay $0x1  }
0x99: {  	s19 =	simm.s32 $_scs_section_size  }
0x9a: {  	s4 =	simm.s32 $_size__tile_overlayer_lowered;
	s5 =	simm.s32 $_tile_overlayer_lowered  }
0x9b: {  	s22 =	simm.s32 $0x1BFF;
	s21 =	sshll.u32 s5, $0x1;
	s2 =	sadd.s32 s19, s18  }
0x9c: {  	s6 =	simm.s32 $0x0;
	s20 =	sshll.u32 s4, $0x1;
	s4 =	sadd.s32 s21, s2  }
0x9d: {  	[timem:s6], [sflag:s22] =	dma.local [hbm:s4], s20  }
0x9e: {  	_ =	swait.ge [sflag:s22], s20  }
0x9f: {  	s3 =	ssub.s32 $0x0, s20;
	[sflag:s22] =	ssyncset.done $0x0  }
0xa0: {  	[sflag:s22] =	ssyncadd.s32 s3;
	_ =	sdelay $0x1  }
0xa1: {  	s23 =	simm.s32 $0x1B8B  }
0xa2: {  	_ =	swait.ge [sflag:s23], $0x1  }
0xa3: {  	[sflag:s23] =	ssyncset.done $0x0  }
0xa4: {  	s25 =	simm.s32 $0x1B8E;
	s24 =	sld [smem:$0x3FFE];
	[sflag:s23] =	ssyncadd.s32 $0xFFFFFFFF  }
0xa5: {  	s26 =	simm.s32 $execute0_lowered;
	[smem:$0x3FD2] =	sst s25  }
0xa6: {  	s4 =	sshll.u32 s26, $0x1;
	_ =	strace $0x8000004C;
	[dreg:$0x1] =	wrdreg $0xFFFFFFFF  }
0xa7: {  	s28 =	simm.s32 $_size_execute0_lowered;
	s2 =	sadd.s32 s2, s4;
	[dreg:$0x0] =	wrdreg $0x0  }
0xa8: {  	s4 =	sshll.u32 s28, $0x1;
	[dreg:$0x2] =	wrdreg s2  }
0xa9: {  	[dreg:$0x3] =	wrdreg s4  }
0xaa: {  	[dreg:$0x4] =	wrdreg $0xC0  }
0xab: {  	_ =	task [dreg:s6], $0x5FFFF  }
0xac: {  	[dreg:$0x1] =	wrdreg $0xFFFFFFFF  }
0xad: {  	[dreg:$0x0] =	wrdreg $0x60  }
0xae: {  	[dreg:$0x2] =	wrdreg s24  }
0xaf: {  	[dreg:$0x3] =	wrdreg $0x29000  }
0xb0: {  	[dreg:$0x4] =	wrdreg $0x9  }
0xb1: {  	_ =	task.clear_ibuf [dreg:s6], $0x5FFFF;
	_ =	strace $0x9000004C  }
0xb2: {  	s29 =	simm.s32 $0x9;
	_ =	strace $0x8000004E  }
0xb3: {  	_ =	swait.ge [sflag:s29], $0x1  }
0xb4: {  	[sflag:s29] =	ssyncadd.s32 $0xFFFFFFFF  }
0xb5: {  	_ =	strace $0x9000004E  }
0xb6: {  	_ =	sfence  }
0xb7: {  	s30 =	sld [smem:$0x0];
	_ =	sdelay $0x2  }
0xb8: {  	s31 =	sshll.u32 s1, $0xD;
	s1 =	sshrl.u32 s1, $0x2  }
0xb9: {  	s3 =	sand.u32 $0x4000, s31;
	s1 =	sadd.s32 s1, s30  }
0xba: {  	s0 =	sor.u32 s3, s0;
	s1 =	sshll.u32 s1, $0x11  }
0xbb: {  	s0 =	sor.u32 s1, s0  }
0xbc: {  	s0 =	sadd.s32 $0x8F2B, s0  }
0xbd: {  	[sflag:s0] =	ssyncadd.remote.s32 $0x1  }
0xbe: {  	_ =	sfence.sel $0xFFFF  }
0xbf: {  	[dreg:$0x0] =	wrdreg $0xFFFFFFFF;
	(pc) =	sbr.abs _section_cstart, $3  }
0xc0: {  	[dreg:$0x1] =	wrdreg $0xFFFFFFFF  }
0xc1: {  	_ =	task.clear_ibuf [dreg:s6], $0x2FFFF;
	_ =	strace $0x9FFFFFFF  }
0xc2: {  	(tm) =	ssettm $0x7FFFFFFF  }
0xc3: {  	_ =	shalt  }
tec
execute0_lowered:
.L_overlay_start_1:
0x0: {  	(tag) =	ssettag $0x1  }
0x1: {  	s9 =	rddreg [dreg:$0x0]  }
0x2: {  	s2 =	rddreg [dreg:$0x1]  }
0x3: {  	s0 =	rddreg [dreg:$0x2];
	s3 =	simm.s32 $0x0  }
0x4: {  	s1 =	stileid.u32;
	s7 =	srdreg.scid;
	s17 =	simm.s32 $0x2  }
0x5: {  	s19 =	simm.s32 $0x80;
	s20 =	simm.s32 $0x50;
	s21 =	simm.s32 $0x100  }
0x6: {  	s22 =	simm.s32 $0x1;
	s24 =	simm.s32 $0x0;
	s6 =	smul.u32 $0x9C4, s1  }
0x7: {  	[smem:$0x7FF] =	sst s3;
	s4 =	sadd.s32 $0x40400, s9;
	s11 =	smul.u32 $0x2700, s1  }
0x8: {  	s5 =	sadd.s32 $0x67600, s9;
	s8 =	sand.u32 $0x1, s7;
	s10 =	smul.u32 $0x4E000, s1  }
0x9: {  	s7 =	sadd.s32 $0xDCC00, s9;
	s23 =	sadd.s32 $0x138000, s2;
	s31 =	sshll.u32 s1, $0x6  }
0xa: {  	p1 =	sne.s32 s1, $0xF;
	p2 =	seq.s32 s1, $0xF;
	_ =	strace $0x8000004D  }
0xb: {  	s13 =	ssub.s32 $0x2, s8;
	p0 =	seq.s32 s8, $0x1;
	s18 =	sshrl.u32 @!p1 s23, $0x3  }
0xc: {  	s23 =	sshrl.u32 s23, $0x3;
	s15 =	sadd.s32 s6, s9;
	s12 =	sadd.s32 s11, s9  }
.Ltmp0:
0xd: {  	s6 =	sadd.s32 $0xB5A00, s9;
	s14 =	sshrl.u32 s13, $0x1;
	(pc) =	sbr.rel .LBB2_1-.Ltmp0, $4  }
0xe: {  	s10 =	sshrl.u32 s10, $0x2;
	s9 =	sadd.s32 $0x40200, s9;
	s13 =	ssub.s32 s13, s14  }
0xf: {  	s16 =	sadd.s32 s10, s2;
	s8 =	sadd.s32 $0x19200, s12;
	s10 =	sadd.s32 s6, s11  }
0x10: {  	s11 =	sadd.s32 s7, s11;
	s14 =	sadd.s32 $0xF400, s15;
	s15 =	sadd.s32 $0x5600, s15  }
0x11: {  	s12 =	smax.u32 s13, $0x1;
	s13 =	sor.u32 $0x1C02, s31;
	s16 =	sshrl.u32 s16, $0x3  }
.LBB2_8:
0x12: {  	s25 =	sadd.s32 $0x27000, s25  }
0x13: {  	[hbm:s25], [sflag:s13] =	dma.local [spmem:s23], $0x100  }
0x14: {  	_ =	swait.ge [sflag:s17], $0x100  }
0x15: {  	[sflag:s17] =	ssyncset.done $0x0  }
0x16: {  	[sflag:s17] =	ssyncadd.s32 $0xFFFFFF00  }
.LBB2_9:
0x17: {  	s24 =	sadd.s32 $0x1, s24  }
0x18: {  	p3 =	sne.s32 s24, s12  }
.Ltmp1:
0x19: {  	_ = 	snop;
	(pc) =	sbr.rel @!p3 .LBB2_10-.Ltmp1, $1  }
0x1a: {  	_ =	sdelay $0x3  }
.LBB2_1:
.Ltmp2:
0x1b: {  	(pc) =	sbr.rel @!p0 .LBB2_2-.Ltmp2, $4  }
0x1c: {  	[spmem:s16], [sflag:s13] =	dma.local [hbm:s8], $0x2700  }
0x1d: {  	_ =	swait.ge [sflag:s17], $0x2700  }
0x1e: {  	[sflag:s17] =	ssyncset.done $0x0  }
0x1f: {  	[sflag:s17] =	ssyncadd.s32 $0xFFFFD900  }
0x20: {  	[spmem:s18], [sflag:s13] =	dma.local @!p1 [hbm:s9], $0x100  }
0x21: {  	s25 =	simm.s32 @!p1 $0x2  }
0x22: {  	_ =	swait.ge @!p1 [sflag:s25], $0x100  }
0x23: {  	[sflag:s25] =	ssyncset.done @!p1 $0x0  }
0x24: {  	[sflag:s25] =	ssyncadd.s32 @!p1 $0xFFFFFF00  }
0x25: {  	s30 =	sadd.s32 $0x0, s15;
	[bflag:$0x0] =	sbarrier.arrive $0xFFFF  }
0x26: {  	[tilespmem:s3], [sflag:$0x2] =	stream.linear.gather [hbm4b:s30+s3], $0x50, $0x38;
	[tilespmem:$0x16180] =	vst v63  }
0x27: {  	_ =	swait.ge [sflag:s17], $0x50  }
0x28: {  	[sflag:s17] =	ssyncset.done $0x0  }
0x29: {  	s31 =	sadd.s32 $0x0, s14;
	[sflag:s17] =	ssyncadd.s32 $0xFFFFFFB0  }
0x2a: {  	[tilespmem:s19], [sflag:$0x2] =	stream.linear.gather [hbm4b:s31+s3], $0x50, $0x38;
	[tilespmem:$0x16180] =	vst v63  }
0x2b: {  	_ =	swait.ge [sflag:s17], $0x50  }
0x2c: {  	[sflag:s17] =	ssyncset.done $0x0  }
0x2d: {  	[sflag:s17] =	ssyncadd.s32 $0xFFFFFFB0  }
0x2e: {  	[tilespmem:s21], [sflag:$0x1] =	stream.indirect.gather [hbm4b:s5+s20], $0x80, s3, s20, $0xb8;
	[tilespmem:$0x16180] =	vst v63  }
0x2f: {  	_ =	swait.ge [sflag:s22], $0x2800  }
0x30: {  	[sflag:s22] =	ssyncset.done $0x0  }
0x31: {  	[sflag:s22] =	ssyncadd.s32 $0xFFFFD800  }
0x32: {  	[spmem:s2] =	stream.indirect.scatter.add.f32 [tilespmem:s21], [sflag:$0x2], $0x80, s19, s20, $0xb8;
	[tilespmem:$0x16180] =	vst v63  }
0x33: {  	_ =	swait.ge [sflag:s17], $0x2800  }
0x34: {  	s26 =	simm.s32 $0x14;
	s25 =	simm.s32 $0xA;
	[sflag:s17] =	ssyncset.done $0x0  }
.LBB2_6:
0x35: {  	s28 =	sadd.s32 s25, s15  }
0x36: {  	[sflag:s17] =	ssyncadd.s32 $0xFFFFD800;
	s29 =	smov.u32 s26;
	s30 =	sadd.s32 $0xA, s26  }
0x37: {  	[tilespmem:s3], [sflag:$0x2] =	stream.linear.gather [hbm4b:s28+s3], $0x50, $0x38;
	[tilespmem:$0x16180] =	vst v63  }
0x38: {  	p3 =	sne.s32 s26, $0x9BA;
	_ =	swait.ge [sflag:s17], $0x50  }
0x39: {  	[sflag:s17] =	ssyncset.done $0x0  }
0x3a: {  	s26 =	sadd.s32 s25, s14;
	s25 =	smov.u32 s29;
	[sflag:s17] =	ssyncadd.s32 $0xFFFFFFB0  }
0x3b: {  	[tilespmem:s19], [sflag:$0x2] =	stream.linear.gather [hbm4b:s26+s3], $0x50, $0x38;
	[tilespmem:$0x16180] =	vst v63  }
0x3c: {  	_ =	swait.ge [sflag:s17], $0x50  }
0x3d: {  	[sflag:s17] =	ssyncset.done $0x0  }
0x3e: {  	[sflag:s17] =	ssyncadd.s32 $0xFFFFFFB0  }
0x3f: {  	[tilespmem:s21], [sflag:$0x1] =	stream.indirect.gather [hbm4b:s5+s20], $0x80, s3, s20, $0xb8;
	[tilespmem:$0x16180] =	vst v63  }
0x40: {  	_ =	swait.ge [sflag:s22], $0x2800  }
.Ltmp3:
0x41: {  	[sflag:s22] =	ssyncset.done $0x0;
	(pc) =	sbr.rel @p3 .LBB2_6-.Ltmp3, $4  }
0x42: {  	[sflag:s22] =	ssyncadd.s32 $0xFFFFD800  }
0x43: {  	[spmem:s2] =	stream.indirect.scatter.add.f32 [tilespmem:s21], [sflag:$0x2], $0x80, s19, s20, $0xb8;
	[tilespmem:$0x16180] =	vst v63  }
0x44: {  	_ =	swait.ge [sflag:s17], $0x2800  }
0x45: {  	s26 =	smov.u32 s30;
	[sflag:s17] =	ssyncset.done $0x0  }
0x46: {  	s26 =	sadd.s32 s25, s15;
	[sflag:s17] =	ssyncadd.s32 $0xFFFFD800  }
0x47: {  	[tilespmem:s3], [sflag:$0x2] =	stream.linear.gather [hbm4b:s26+s3], $0x50, $0x38;
	[tilespmem:$0x16180] =	vst v63  }
0x48: {  	_ =	swait.ge [sflag:s17], $0x50  }
0x49: {  	[sflag:s17] =	ssyncset.done $0x0  }
0x4a: {  	s31 =	sadd.s32 s25, s14;
	[sflag:s17] =	ssyncadd.s32 $0xFFFFFFB0  }
0x4b: {  	[tilespmem:s19], [sflag:$0x2] =	stream.linear.gather [hbm4b:s31+s3], $0x50, $0x38;
	[tilespmem:$0x16180] =	vst v63  }
0x4c: {  	_ =	swait.ge [sflag:s17], $0x50  }
0x4d: {  	[sflag:s17] =	ssyncset.done $0x0  }
0x4e: {  	[sflag:s17] =	ssyncadd.s32 $0xFFFFFFB0  }
0x4f: {  	[tilespmem:s21], [sflag:$0x1] =	stream.indirect.gather [hbm4b:s5+s20], $0x80, s3, s20, $0xb8;
	[tilespmem:$0x16180] =	vst v63  }
0x50: {  	_ =	swait.ge [sflag:s22], $0x2800  }
0x51: {  	[sflag:s22] =	ssyncset.done $0x0  }
0x52: {  	[sflag:s22] =	ssyncadd.s32 $0xFFFFD800  }
0x53: {  	[spmem:s2] =	stream.indirect.scatter.add.f32 [tilespmem:s21], [sflag:$0x2], $0x80, s19, s20, $0xb8;
	[tilespmem:$0x16180] =	vst v63  }
0x54: {  	_ =	swait.ge [sflag:s17], $0x2800  }
0x55: {  	[sflag:s17] =	ssyncset.done $0x0  }
0x56: {  	[sflag:s17] =	ssyncadd.s32 $0xFFFFD800  }
0x57: {  	[bflag:$0x0] =	sbarrier.arrive $0xFFFF  }
0x58: {  	[hbm:s11], [sflag:s13] =	dma.local [spmem:s16], $0x2700  }
.Ltmp4:
0x59: {  	_ = 	snop;
	(pc) =	sbr.rel @p1 .LBB2_9-.Ltmp4, $4  }
.Ltmp5:
0x5a: {  	_ = 	snop;
	(pc) =	sbr.rel @!p1 .LBB2_8-.Ltmp5, $4  }
0x5b: {  	_ =	swait.ge [sflag:s17], $0x2700  }
0x5c: {  	[sflag:s17] =	ssyncset.done $0x0  }
0x5d: {  	s25 =	smov.u32 s7;
	[sflag:s17] =	ssyncadd.s32 $0xFFFFD900  }
0x5e: {  	_ = 	snop  }
.LBB2_2:
0x5f: {  	[spmem:s18], [sflag:s13] =	dma.local @!p1 [hbm:s9], $0x100  }
0x60: {  	s25 =	simm.s32 @!p1 $0x2  }
0x61: {  	_ =	swait.ge @!p1 [sflag:s25], $0x100  }
0x62: {  	[sflag:s25] =	ssyncset.done @!p1 $0x0  }
0x63: {  	[sflag:s25] =	ssyncadd.s32 @!p1 $0xFFFFFF00  }
0x64: {  	s30 =	sadd.s32 $0x0, s15;
	[bflag:$0x0] =	sbarrier.arrive $0xFFFF  }
0x65: {  	[tilespmem:s3], [sflag:$0x2] =	stream.linear.gather [hbm4b:s30+s3], $0x50, $0x38;
	[tilespmem:$0x16180] =	vst v63  }
0x66: {  	_ =	swait.ge [sflag:s17], $0x50  }
0x67: {  	[sflag:s17] =	ssyncset.done $0x0  }
0x68: {  	s31 =	sadd.s32 $0x0, s14;
	[sflag:s17] =	ssyncadd.s32 $0xFFFFFFB0  }
0x69: {  	[tilespmem:s19], [sflag:$0x2] =	stream.linear.gather [hbm4b:s31+s3], $0x50, $0x38;
	[tilespmem:$0x16180] =	vst v63  }
0x6a: {  	_ =	swait.ge [sflag:s17], $0x50  }
0x6b: {  	[sflag:s17] =	ssyncset.done $0x0  }
0x6c: {  	[sflag:s17] =	ssyncadd.s32 $0xFFFFFFB0  }
0x6d: {  	[tilespmem:s21], [sflag:$0x1] =	stream.indirect.gather [hbm4b:s4+s20], $0x80, s3, s20, $0xb8;
	[tilespmem:$0x16180] =	vst v63  }
0x6e: {  	_ =	swait.ge [sflag:s22], $0x2800  }
0x6f: {  	[sflag:s22] =	ssyncset.done $0x0  }
0x70: {  	[sflag:s22] =	ssyncadd.s32 $0xFFFFD800  }
0x71: {  	[spmem:s2] =	stream.indirect.scatter.add.f32 [tilespmem:s21], [sflag:$0x2], $0x80, s19, s20, $0xb8;
	[tilespmem:$0x16180] =	vst v63  }
0x72: {  	_ =	swait.ge [sflag:s17], $0x2800  }
0x73: {  	s26 =	simm.s32 $0x14;
	s25 =	simm.s32 $0xA;
	[sflag:s17] =	ssyncset.done $0x0  }
.LBB2_3:
0x74: {  	s28 =	sadd.s32 s25, s15  }
0x75: {  	[sflag:s17] =	ssyncadd.s32 $0xFFFFD800;
	s29 =	smov.u32 s26;
	s30 =	sadd.s32 $0xA, s26  }
0x76: {  	[tilespmem:s3], [sflag:$0x2] =	stream.linear.gather [hbm4b:s28+s3], $0x50, $0x38;
	[tilespmem:$0x16180] =	vst v63  }
0x77: {  	p3 =	sne.s32 s26, $0x9BA;
	_ =	swait.ge [sflag:s17], $0x50  }
0x78: {  	[sflag:s17] =	ssyncset.done $0x0  }
0x79: {  	s26 =	sadd.s32 s25, s14;
	s25 =	smov.u32 s29;
	[sflag:s17] =	ssyncadd.s32 $0xFFFFFFB0  }
0x7a: {  	[tilespmem:s19], [sflag:$0x2] =	stream.linear.gather [hbm4b:s26+s3], $0x50, $0x38;
	[tilespmem:$0x16180] =	vst v63  }
0x7b: {  	_ =	swait.ge [sflag:s17], $0x50  }
0x7c: {  	[sflag:s17] =	ssyncset.done $0x0  }
0x7d: {  	[sflag:s17] =	ssyncadd.s32 $0xFFFFFFB0  }
0x7e: {  	[tilespmem:s21], [sflag:$0x1] =	stream.indirect.gather [hbm4b:s4+s20], $0x80, s3, s20, $0xb8;
	[tilespmem:$0x16180] =	vst v63  }
0x7f: {  	_ =	swait.ge [sflag:s22], $0x2800  }
.Ltmp6:
0x80: {  	[sflag:s22] =	ssyncset.done $0x0;
	(pc) =	sbr.rel @p3 .LBB2_3-.Ltmp6, $4  }
0x81: {  	[sflag:s22] =	ssyncadd.s32 $0xFFFFD800  }
0x82: {  	[spmem:s2] =	stream.indirect.scatter.add.f32 [tilespmem:s21], [sflag:$0x2], $0x80, s19, s20, $0xb8;
	[tilespmem:$0x16180] =	vst v63  }
0x83: {  	_ =	swait.ge [sflag:s17], $0x2800  }
0x84: {  	s26 =	smov.u32 s30;
	[sflag:s17] =	ssyncset.done $0x0  }
0x85: {  	s26 =	sadd.s32 s25, s15;
	[sflag:s17] =	ssyncadd.s32 $0xFFFFD800  }
0x86: {  	[tilespmem:s3], [sflag:$0x2] =	stream.linear.gather [hbm4b:s26+s3], $0x50, $0x38;
	[tilespmem:$0x16180] =	vst v63  }
0x87: {  	_ =	swait.ge [sflag:s17], $0x50  }
0x88: {  	[sflag:s17] =	ssyncset.done $0x0  }
0x89: {  	s31 =	sadd.s32 s25, s14;
	[sflag:s17] =	ssyncadd.s32 $0xFFFFFFB0  }
0x8a: {  	[tilespmem:s19], [sflag:$0x2] =	stream.linear.gather [hbm4b:s31+s3], $0x50, $0x38;
	[tilespmem:$0x16180] =	vst v63  }
0x8b: {  	_ =	swait.ge [sflag:s17], $0x50  }
0x8c: {  	[sflag:s17] =	ssyncset.done $0x0  }
0x8d: {  	[sflag:s17] =	ssyncadd.s32 $0xFFFFFFB0  }
0x8e: {  	[tilespmem:s21], [sflag:$0x1] =	stream.indirect.gather [hbm4b:s4+s20], $0x80, s3, s20, $0xb8;
	[tilespmem:$0x16180] =	vst v63  }
0x8f: {  	_ =	swait.ge [sflag:s22], $0x2800  }
0x90: {  	[sflag:s22] =	ssyncset.done $0x0  }
0x91: {  	[sflag:s22] =	ssyncadd.s32 $0xFFFFD800  }
0x92: {  	[spmem:s2] =	stream.indirect.scatter.add.f32 [tilespmem:s21], [sflag:$0x2], $0x80, s19, s20, $0xb8;
	[tilespmem:$0x16180] =	vst v63  }
0x93: {  	_ =	swait.ge [sflag:s17], $0x2800  }
0x94: {  	[sflag:s17] =	ssyncset.done $0x0  }
0x95: {  	[sflag:s17] =	ssyncadd.s32 $0xFFFFD800  }
0x96: {  	[bflag:$0x0] =	sbarrier.arrive $0xFFFF  }
0x97: {  	[hbm:s10], [sflag:s13] =	dma.local [spmem:s16], $0x2700  }
.Ltmp7:
0x98: {  	_ = 	snop;
	(pc) =	sbr.rel @p2 .LBB2_8-.Ltmp7, $4  }
.Ltmp8:
0x99: {  	_ = 	snop;
	(pc) =	sbr.rel @!p2 .LBB2_9-.Ltmp8, $4  }
0x9a: {  	_ =	swait.ge [sflag:s17], $0x2700  }
0x9b: {  	[sflag:s17] =	ssyncset.done $0x0  }
0x9c: {  	s25 =	smov.u32 s6;
	[sflag:s17] =	ssyncadd.s32 $0xFFFFD900  }
0x9d: {  	_ = 	snop  }
.LBB2_10:
0x9e: {  	_ =	sfence.sel $0x180000  }
0x9f: {  	[bflag:$0x0] =	sbarrier.arrive $0xFFFF  }
0xa0: {  	p0 =	sne.s32 s1, $0x0;
	_ =	strace $0x9000004D  }
0xa1: {  	s0 =	sadd.s32 @!p0 $0x100000, s0;
	[bflag:$0x2] =	sbarrier.arrive $0xFFFF  }
0xa2: {  	[sflag:s0] =	ssyncadd.tile.s32 @!p0 $0x1;
	_ =	shalt  }
.Lfunc_end2:
_tile_overlayer_lowered:
.L_overlay_start_2:
0xa3: {  	(tag) =	ssettag $0x2  }
0xa4: {  	s0 =	rddreg [dreg:$0x0];
	s2 =	stileid.u32  }
0xa5: {  	s1 =	rddreg [dreg:$0x1];
	p0 =	sne.s32 s2, $0x0  }
0xa6: {  	s3 =	rddreg [dreg:$0x2];
	[bflag:$0x3] =	sbarrier.arrive $0xFFFF;
	s2 =	simm.s32 @!p0 $0x1C02  }
0xa7: {  	[timem:s3], [sflag:s2] =	dma.local @!p0 [hbm:s0], s1  }
0xa8: {  	s0 =	simm.s32 @!p0 $0x2  }
0xa9: {  	_ =	swait.ge @!p0 [sflag:s0], s1  }
0xaa: {  	s1 =	ssub.s32 @!p0 $0x0, s1;
	[sflag:s0] =	ssyncset.done @!p0 $0x0  }
0xab: {  	[sflag:s0] =	ssyncadd.s32 @!p0 s1  }
0xac: {  	[bflag:$0x3] =	sbarrier.arrive $0xFFFF  }
0xad: {  	_ =	shalt  }

// kernel: kernel.24.cloned.1.call-start
scs
__scs_entry_jumppad:
0x0: {  	(pc) =	sbr.rel $0x88, $3  }
0x1: {  	(tag) =	ssettag $0x0;
	lr =	simm.s32 $0x1  }
0x2: {  	[smem:$0x3F96] =	sst lr;
	_ =	strace $0xD0000000  }
0x3: {  	_ = 	snop  }
0x4: {  	_ = 	snop  }
0x5: {  	_ = 	snop  }
0x6: {  	_ = 	snop  }
0x7: {  	_ = 	snop  }
__scs_overlays_trampoline_lowered:
0x8: {  	[smem:$0x3FA5] =	sst s0  }
0x9: {  	[smem:$0x3FA6] =	sst s1  }
0xa: {  	[smem:$0x3FA7] =	sst s2  }
0xb: {  	[smem:$0x3FA8] =	sst s3  }
0xc: {  	[smem:$0x3FA9] =	sst s4  }
0xd: {  	[smem:$0x3FAA] =	sst s5  }
0xe: {  	[smem:$0x3FAB] =	sst s6  }
0xf: {  	[smem:$0x3FAC] =	sst s7  }
0x10: {  	[smem:$0x3FAD] =	sst s8  }
0x11: {  	[smem:$0x3FAE] =	sst s9;
	s0 =	simm.s32 @!p0 $0x0  }
0x12: {  	s1 =	sld [smem:$0x3F94];
	s0 =	simm.s32 @p0 $0x1  }
0x13: {  	[smem:$0x3FAF] =	sst s0;
	s0 =	simm.s32 @!p1 $0x0  }
0x14: {  	s2 =	sld [smem:$0x3F93];
	s0 =	simm.s32 @p1 $0x1  }
0x15: {  	[smem:$0x3FB0] =	sst s0;
	s0 =	simm.s32 @!p2 $0x0  }
0x16: {  	s3 =	sld [smem:$0x3FDB];
	s0 =	simm.s32 @p2 $0x1  }
0x17: {  	s4 =	simm.s32 $0x1BF5;
	[smem:$0x3FB2] =	sst s0  }
0x18: {  	s0 =	sld [smem:$0x3F95];
	_ =	swait.ge [sflag:s4], $0x0  }
0x19: {  	s7 =	sld [smem:$0x3F96]  }
0x1a: {  	s8 =	sadd.s32 $0xFFFFE003, lr  }
0x1b: {  	s9 =	sadd.s32 $0xFFFFFEF7, lr;
	s5 =	simm.s32 $0xFFFFFFFF;
	p2 =	slt.u32 s8, $0xFFFFF086  }
0x1c: {  	p1 =	slt.u32 s9, $0xF7A;
	s5 =	simm.s32 @!p2 $0x0  }
0x1d: {  	s5 =	simm.s32 @p1 $0x1;
	p0 =	seq.s32 s7, s2  }
0x1e: {  	s7 =	smul.u32 @!p0 $0xF7A, s2;
	p2 =	seq.s32 @!p0 s5, $0x0  }
0x1f: {  	s9 =	smul.u32 $0xF7A, s1;
	s8 =	simm.s32 @!p0 $0x1BF5;
	p2 =	por !p2, p0  }
0x20: {  	[sflag:s8] =	ssyncset.s32 @!p0 $0xFFFFF086;
	s6 =	sadd.s32 @!p0 s3, s7;
	s7 =	simm.s32 @!p0 $0x108  }
0x21: {  	s3 =	sadd.s32 s3, s9;
	s6 =	sadd.s32 @!p0 $0x88, s6;
	s7 =	simm.s32 @p2 $0x1082  }
0x22: {  	[simem:s7], [sflag:s8] =	dma.local @!p0 [hbm:s6], $0xF7A  }
0x23: {  	s9 =	sor.u32 $0xD0000000, s2;
	s6 =	simm.s32 $0x108;
	_ =	swait.ge @!p0 [sflag:s8], $0x0  }
0x24: {  	s3 =	sadd.s32 $0x88, s3;
	s6 =	simm.s32 @!p1 $0x1082;
	[sflag:s4] =	ssyncset.s32 $0xFFFFF086  }
0x25: {  	[simem:s6], [sflag:s4] =	dma.local [hbm:s3], $0xF7A  }
0x26: {  	[smem:$0x3F96] =	sst s1;
	(tag) =	ssettag s2;
	_ =	strace s9  }
0x27: {  	s1 =	sld [smem:$0x3FA6]  }
0x28: {  	s2 =	sld [smem:$0x3FA7]  }
0x29: {  	s4 =	sld [smem:$0x3FA9]  }
0x2a: {  	p0 =	seq.s32 s5, $0x0;
	s5 =	sld [smem:$0x3FAA]  }
0x2b: {  	s6 =	sld [smem:$0x3FAB]  }
0x2c: {  	s7 =	sld [smem:$0x3FAC]  }
0x2d: {  	s3 =	simm.s32 $0x108;
	s8 =	sld [smem:$0x3FAD]  }
0x2e: {  	s3 =	simm.s32 @!p0 $0x1082;
	s9 =	sld [smem:$0x3FAE]  }
0x2f: {  	lr =	sadd.s32 s0, s3;
	s0 =	sld [smem:$0x3FA5]  }
0x30: {  	s3 =	sld [smem:$0x3FA8]  }
0x31: {  	[smem:$0x3FB1] =	sst s10  }
0x32: {  	s10 =	sld [smem:$0x3FAF];
	_ =	sdelay $0x3  }
0x33: {  	p0 =	seq.s32 s10, $0x1;
	s10 =	sld [smem:$0x3FB1];
	_ =	sdelay $0x3  }
0x34: {  	[smem:$0x3FB1] =	sst s10  }
0x35: {  	s10 =	sld [smem:$0x3FB0];
	_ =	sdelay $0x3  }
0x36: {  	p1 =	seq.s32 s10, $0x1;
	s10 =	sld [smem:$0x3FB1];
	_ =	sdelay $0x3  }
0x37: {  	[smem:$0x3FB1] =	sst s10  }
0x38: {  	s10 =	sld [smem:$0x3FB2]  }
0x39: {  	_ = 	snop;
	(pc) =	sbr.ind lr, $3  }
0x3a: {  	_ = 	snop  }
0x3b: {  	_ = 	snop  }
0x3c: {  	p2 =	seq.s32 s10, $0x1;
	s10 =	sld [smem:$0x3FB1]  }
0x3d: {  	_ =	shalt  }
0x3e: {  	_ =	shalt  }
0x3f: {  	_ =	shalt  }
0x40: {  	_ =	shalt  }
0x41: {  	_ =	shalt  }
0x42: {  	_ =	shalt  }
0x43: {  	_ =	shalt  }
0x44: {  	_ =	shalt  }
0x45: {  	_ =	shalt  }
0x46: {  	_ =	shalt  }
0x47: {  	_ =	shalt  }
0x48: {  	_ =	shalt  }
0x49: {  	_ =	shalt  }
0x4a: {  	_ =	shalt  }
0x4b: {  	_ =	shalt  }
0x4c: {  	_ =	shalt  }
0x4d: {  	_ =	shalt  }
0x4e: {  	_ =	shalt  }
0x4f: {  	_ =	shalt  }
0x50: {  	_ =	shalt  }
0x51: {  	_ =	shalt  }
0x52: {  	_ =	shalt  }
0x53: {  	_ =	shalt  }
0x54: {  	_ =	shalt  }
0x55: {  	_ =	shalt  }
0x56: {  	_ =	shalt  }
0x57: {  	_ =	shalt  }
0x58: {  	_ =	shalt  }
0x59: {  	_ =	shalt  }
0x5a: {  	_ =	shalt  }
0x5b: {  	_ =	shalt  }
0x5c: {  	_ =	shalt  }
0x5d: {  	_ =	shalt  }
0x5e: {  	_ =	shalt  }
0x5f: {  	_ =	shalt  }
0x60: {  	_ =	shalt  }
0x61: {  	_ =	shalt  }
0x62: {  	_ =	shalt  }
0x63: {  	_ =	shalt  }
0x64: {  	_ =	shalt  }
0x65: {  	_ =	shalt  }
0x66: {  	_ =	shalt  }
0x67: {  	_ =	shalt  }
0x68: {  	_ =	shalt  }
0x69: {  	_ =	shalt  }
0x6a: {  	_ =	shalt  }
0x6b: {  	_ =	shalt  }
0x6c: {  	_ =	shalt  }
0x6d: {  	_ =	shalt  }
0x6e: {  	_ =	shalt  }
0x6f: {  	_ =	shalt  }
0x70: {  	_ =	shalt  }
0x71: {  	_ =	shalt  }
0x72: {  	_ =	shalt  }
0x73: {  	_ =	shalt  }
0x74: {  	_ =	shalt  }
0x75: {  	_ =	shalt  }
0x76: {  	_ =	shalt  }
0x77: {  	_ =	shalt  }
0x78: {  	_ =	shalt  }
0x79: {  	_ =	shalt  }
0x7a: {  	_ =	shalt  }
0x7b: {  	_ =	shalt  }
0x7c: {  	_ =	shalt  }
0x7d: {  	_ =	shalt  }
0x7e: {  	_ =	shalt  }
0x7f: {  	_ =	shalt  }
0x80: {  	_ =	shalt  }
0x81: {  	_ =	shalt  }
0x82: {  	_ =	shalt  }
0x83: {  	_ =	shalt  }
0x84: {  	_ =	shalt  }
0x85: {  	_ =	shalt  }
0x86: {  	_ =	shalt  }
0x87: {  	_ =	shalt  }
.Lfunc_end0:
.L_simem_size_0:
called_computation.3_lowered:
.L_overlay_start_0:
0x88: {  	s2 =	sld [smem:$0x3FD9]  }
0x89: {  	s3 =	sld [smem:$0x3FFE];
	_ =	sdelay $0x1  }
0x8a: {  	s1 =	srdreg.scid  }
0x8b: {  	s0 =	sand.u32 $0x1, s1  }
0x8c: {  	s16 =	sshll.u32 s0, $0xA;
	s2 =	sadd.s32 s3, s2  }
0x8d: {  	s2 =	sadd.s32 s2, s16  }
0x8e: {  	[smem:$0x3FBD] =	sst s2  }
0x8f: {  	_ = 	snop  }
0x90: {  	(tm) =	ssettm $0x1  }
0x91: {  	s17 =	sld [smem:$0x3FFB];
	_ =	sdelay $0x3  }
0x92: {  	_ =	strace s17  }
0x93: {  	s2 =	sld [smem:$0x3FFC];
	_ =	sdelay $0x3  }
0x94: {  	_ =	strace s2  }
0x95: {  	s2 =	sld [smem:$0x3FFD];
	_ =	sdelay $0x3  }
0x96: {  	_ =	strace s2  }
0x97: {  	_ =	strace $0x8FFFFFFF  }
0x98: {  	s18 =	sld [smem:$0x3FDB];
	_ =	sdelay $0x1  }
0x99: {  	s19 =	simm.s32 $_scs_section_size  }
0x9a: {  	s4 =	simm.s32 $_size__tile_overlayer_lowered;
	s5 =	simm.s32 $_tile_overlayer_lowered  }
0x9b: {  	s22 =	simm.s32 $0x1BFF;
	s21 =	sshll.u32 s5, $0x1;
	s2 =	sadd.s32 s19, s18  }
0x9c: {  	s6 =	simm.s32 $0x0;
	s20 =	sshll.u32 s4, $0x1;
	s4 =	sadd.s32 s21, s2  }
0x9d: {  	[timem:s6], [sflag:s22] =	dma.local [hbm:s4], s20  }
0x9e: {  	_ =	swait.ge [sflag:s22], s20  }
0x9f: {  	s3 =	ssub.s32 $0x0, s20;
	[sflag:s22] =	ssyncset.done $0x0  }
0xa0: {  	[sflag:s22] =	ssyncadd.s32 s3;
	_ =	sdelay $0x1  }
0xa1: {  	s23 =	simm.s32 $0x1B8B  }
0xa2: {  	_ =	swait.ge [sflag:s23], $0x1  }
0xa3: {  	[sflag:s23] =	ssyncset.done $0x0  }
0xa4: {  	s25 =	simm.s32 $0x1B8E;
	s24 =	sld [smem:$0x3FFE];
	[sflag:s23] =	ssyncadd.s32 $0xFFFFFFFF  }
0xa5: {  	s26 =	simm.s32 $execute0_lowered;
	[smem:$0x3FD2] =	sst s25  }
0xa6: {  	s4 =	sshll.u32 s26, $0x1;
	_ =	strace $0x8000004F;
	[dreg:$0x1] =	wrdreg $0xFFFFFFFF  }
0xa7: {  	s28 =	simm.s32 $_size_execute0_lowered;
	s2 =	sadd.s32 s2, s4;
	[dreg:$0x0] =	wrdreg $0x0  }
0xa8: {  	s4 =	sshll.u32 s28, $0x1;
	[dreg:$0x2] =	wrdreg s2  }
0xa9: {  	[dreg:$0x3] =	wrdreg s4  }
0xaa: {  	[dreg:$0x4] =	wrdreg $0xC0  }
0xab: {  	_ =	task [dreg:s6], $0x5FFFF  }
0xac: {  	[dreg:$0x1] =	wrdreg $0xFFFFFFFF  }
0xad: {  	[dreg:$0x0] =	wrdreg $0x60  }
0xae: {  	[dreg:$0x2] =	wrdreg s24  }
0xaf: {  	[dreg:$0x3] =	wrdreg $0x29000  }
0xb0: {  	[dreg:$0x4] =	wrdreg $0x9  }
0xb1: {  	_ =	task.clear_ibuf [dreg:s6], $0x5FFFF;
	_ =	strace $0x9000004F  }
0xb2: {  	s29 =	simm.s32 $0x9;
	_ =	strace $0x80000051  }
0xb3: {  	_ =	swait.ge [sflag:s29], $0x1  }
0xb4: {  	[sflag:s29] =	ssyncadd.s32 $0xFFFFFFFF  }
0xb5: {  	_ =	strace $0x90000051  }
0xb6: {  	_ =	sfence  }
0xb7: {  	s30 =	sld [smem:$0x0];
	_ =	sdelay $0x2  }
0xb8: {  	s31 =	sshll.u32 s1, $0xD;
	s1 =	sshrl.u32 s1, $0x2  }
0xb9: {  	s3 =	sand.u32 $0x4000, s31;
	s1 =	sadd.s32 s1, s30  }
0xba: {  	s0 =	sor.u32 s3, s0;
	s1 =	sshll.u32 s1, $0x11  }
0xbb: {  	s0 =	sor.u32 s1, s0  }
0xbc: {  	s0 =	sadd.s32 $0x8F2B, s0  }
0xbd: {  	[sflag:s0] =	ssyncadd.remote.s32 $0x1  }
0xbe: {  	_ =	sfence.sel $0xFFFF  }
0xbf: {  	[dreg:$0x0] =	wrdreg $0xFFFFFFFF;
	(pc) =	sbr.abs _section_cstart, $3  }
0xc0: {  	[dreg:$0x1] =	wrdreg $0xFFFFFFFF  }
0xc1: {  	_ =	task.clear_ibuf [dreg:s6], $0x2FFFF;
	_ =	strace $0x9FFFFFFF  }
0xc2: {  	(tm) =	ssettm $0x7FFFFFFF  }
0xc3: {  	_ =	shalt  }
tec
execute0_lowered:
.L_overlay_start_1:
0x0: {  	(tag) =	ssettag $0x1  }
0x1: {  	s9 =	rddreg [dreg:$0x0]  }
0x2: {  	s2 =	rddreg [dreg:$0x1]  }
0x3: {  	s0 =	rddreg [dreg:$0x2];
	s3 =	simm.s32 $0x0  }
0x4: {  	s1 =	stileid.u32;
	s7 =	srdreg.scid;
	s17 =	simm.s32 $0x2  }
0x5: {  	s19 =	simm.s32 $0x80;
	s20 =	simm.s32 $0x50;
	s21 =	simm.s32 $0x100  }
0x6: {  	s22 =	simm.s32 $0x1;
	s24 =	simm.s32 $0x0;
	s6 =	smul.u32 $0x9C4, s1  }
0x7: {  	[smem:$0x7FF] =	sst s3;
	s4 =	sadd.s32 $0x40400, s9;
	s11 =	smul.u32 $0x2700, s1  }
0x8: {  	s5 =	sadd.s32 $0x67600, s9;
	s8 =	sand.u32 $0x1, s7;
	s10 =	smul.u32 $0x4E000, s1  }
0x9: {  	s7 =	sadd.s32 $0xDCC00, s9;
	s23 =	sadd.s32 $0x138000, s2;
	s31 =	sshll.u32 s1, $0x6  }
0xa: {  	p1 =	sne.s32 s1, $0xF;
	p2 =	seq.s32 s1, $0xF;
	_ =	strace $0x80000050  }
0xb: {  	s13 =	ssub.s32 $0x2, s8;
	p0 =	seq.s32 s8, $0x1;
	s18 =	sshrl.u32 @!p1 s23, $0x3  }
0xc: {  	s23 =	sshrl.u32 s23, $0x3;
	s15 =	sadd.s32 s6, s9;
	s12 =	sadd.s32 s11, s9  }
.Ltmp0:
0xd: {  	s6 =	sadd.s32 $0xB5A00, s9;
	s14 =	sshrl.u32 s13, $0x1;
	(pc) =	sbr.rel .LBB2_1-.Ltmp0, $4  }
0xe: {  	s10 =	sshrl.u32 s10, $0x2;
	s9 =	sadd.s32 $0x40200, s9;
	s13 =	ssub.s32 s13, s14  }
0xf: {  	s16 =	sadd.s32 s10, s2;
	s8 =	sadd.s32 $0x19200, s12;
	s10 =	sadd.s32 s6, s11  }
0x10: {  	s11 =	sadd.s32 s7, s11;
	s14 =	sadd.s32 $0xF400, s15;
	s15 =	sadd.s32 $0x5600, s15  }
0x11: {  	s12 =	smax.u32 s13, $0x1;
	s13 =	sor.u32 $0x1C02, s31;
	s16 =	sshrl.u32 s16, $0x3  }
.LBB2_8:
0x12: {  	s25 =	sadd.s32 $0x27000, s25  }
0x13: {  	[hbm:s25], [sflag:s13] =	dma.local [spmem:s23], $0x100  }
0x14: {  	_ =	swait.ge [sflag:s17], $0x100  }
0x15: {  	[sflag:s17] =	ssyncset.done $0x0  }
0x16: {  	[sflag:s17] =	ssyncadd.s32 $0xFFFFFF00  }
.LBB2_9:
0x17: {  	s24 =	sadd.s32 $0x1, s24  }
0x18: {  	p3 =	sne.s32 s24, s12  }
.Ltmp1:
0x19: {  	_ = 	snop;
	(pc) =	sbr.rel @!p3 .LBB2_10-.Ltmp1, $1  }
0x1a: {  	_ =	sdelay $0x3  }
.LBB2_1:
.Ltmp2:
0x1b: {  	(pc) =	sbr.rel @!p0 .LBB2_2-.Ltmp2, $4  }
0x1c: {  	[spmem:s16], [sflag:s13] =	dma.local [hbm:s8], $0x2700  }
0x1d: {  	_ =	swait.ge [sflag:s17], $0x2700  }
0x1e: {  	[sflag:s17] =	ssyncset.done $0x0  }
0x1f: {  	[sflag:s17] =	ssyncadd.s32 $0xFFFFD900  }
0x20: {  	[spmem:s18], [sflag:s13] =	dma.local @!p1 [hbm:s9], $0x100  }
0x21: {  	s25 =	simm.s32 @!p1 $0x2  }
0x22: {  	_ =	swait.ge @!p1 [sflag:s25], $0x100  }
0x23: {  	[sflag:s25] =	ssyncset.done @!p1 $0x0  }
0x24: {  	[sflag:s25] =	ssyncadd.s32 @!p1 $0xFFFFFF00  }
0x25: {  	s30 =	sadd.s32 $0x0, s15;
	[bflag:$0x0] =	sbarrier.arrive $0xFFFF  }
0x26: {  	[tilespmem:s3], [sflag:$0x2] =	stream.linear.gather [hbm4b:s30+s3], $0x50, $0x38;
	[tilespmem:$0x16180] =	vst v63  }
0x27: {  	_ =	swait.ge [sflag:s17], $0x50  }
0x28: {  	[sflag:s17] =	ssyncset.done $0x0  }
0x29: {  	s31 =	sadd.s32 $0x0, s14;
	[sflag:s17] =	ssyncadd.s32 $0xFFFFFFB0  }
0x2a: {  	[tilespmem:s19], [sflag:$0x2] =	stream.linear.gather [hbm4b:s31+s3], $0x50, $0x38;
	[tilespmem:$0x16180] =	vst v63  }
0x2b: {  	_ =	swait.ge [sflag:s17], $0x50  }
0x2c: {  	[sflag:s17] =	ssyncset.done $0x0  }
0x2d: {  	[sflag:s17] =	ssyncadd.s32 $0xFFFFFFB0  }
0x2e: {  	[tilespmem:s21], [sflag:$0x1] =	stream.indirect.gather [hbm4b:s5+s20], $0x80, s3, s20, $0xb8;
	[tilespmem:$0x16180] =	vst v63  }
0x2f: {  	_ =	swait.ge [sflag:s22], $0x2800  }
0x30: {  	[sflag:s22] =	ssyncset.done $0x0  }
0x31: {  	[sflag:s22] =	ssyncadd.s32 $0xFFFFD800  }
0x32: {  	[spmem:s2] =	stream.indirect.scatter.add.f32 [tilespmem:s21], [sflag:$0x2], $0x80, s19, s20, $0xb8;
	[tilespmem:$0x16180] =	vst v63  }
0x33: {  	_ =	swait.ge [sflag:s17], $0x2800  }
0x34: {  	s26 =	simm.s32 $0x14;
	s25 =	simm.s32 $0xA;
	[sflag:s17] =	ssyncset.done $0x0  }
.LBB2_6:
0x35: {  	s28 =	sadd.s32 s25, s15  }
0x36: {  	[sflag:s17] =	ssyncadd.s32 $0xFFFFD800;
	s29 =	smov.u32 s26;
	s30 =	sadd.s32 $0xA, s26  }
0x37: {  	[tilespmem:s3], [sflag:$0x2] =	stream.linear.gather [hbm4b:s28+s3], $0x50, $0x38;
	[tilespmem:$0x16180] =	vst v63  }
0x38: {  	p3 =	sne.s32 s26, $0x9BA;
	_ =	swait.ge [sflag:s17], $0x50  }
0x39: {  	[sflag:s17] =	ssyncset.done $0x0  }
0x3a: {  	s26 =	sadd.s32 s25, s14;
	s25 =	smov.u32 s29;
	[sflag:s17] =	ssyncadd.s32 $0xFFFFFFB0  }
0x3b: {  	[tilespmem:s19], [sflag:$0x2] =	stream.linear.gather [hbm4b:s26+s3], $0x50, $0x38;
	[tilespmem:$0x16180] =	vst v63  }
0x3c: {  	_ =	swait.ge [sflag:s17], $0x50  }
0x3d: {  	[sflag:s17] =	ssyncset.done $0x0  }
0x3e: {  	[sflag:s17] =	ssyncadd.s32 $0xFFFFFFB0  }
0x3f: {  	[tilespmem:s21], [sflag:$0x1] =	stream.indirect.gather [hbm4b:s5+s20], $0x80, s3, s20, $0xb8;
	[tilespmem:$0x16180] =	vst v63  }
0x40: {  	_ =	swait.ge [sflag:s22], $0x2800  }
.Ltmp3:
0x41: {  	[sflag:s22] =	ssyncset.done $0x0;
	(pc) =	sbr.rel @p3 .LBB2_6-.Ltmp3, $4  }
0x42: {  	[sflag:s22] =	ssyncadd.s32 $0xFFFFD800  }
0x43: {  	[spmem:s2] =	stream.indirect.scatter.add.f32 [tilespmem:s21], [sflag:$0x2], $0x80, s19, s20, $0xb8;
	[tilespmem:$0x16180] =	vst v63  }
0x44: {  	_ =	swait.ge [sflag:s17], $0x2800  }
0x45: {  	s26 =	smov.u32 s30;
	[sflag:s17] =	ssyncset.done $0x0  }
0x46: {  	s26 =	sadd.s32 s25, s15;
	[sflag:s17] =	ssyncadd.s32 $0xFFFFD800  }
0x47: {  	[tilespmem:s3], [sflag:$0x2] =	stream.linear.gather [hbm4b:s26+s3], $0x50, $0x38;
	[tilespmem:$0x16180] =	vst v63  }
0x48: {  	_ =	swait.ge [sflag:s17], $0x50  }
0x49: {  	[sflag:s17] =	ssyncset.done $0x0  }
0x4a: {  	s31 =	sadd.s32 s25, s14;
	[sflag:s17] =	ssyncadd.s32 $0xFFFFFFB0  }
0x4b: {  	[tilespmem:s19], [sflag:$0x2] =	stream.linear.gather [hbm4b:s31+s3], $0x50, $0x38;
	[tilespmem:$0x16180] =	vst v63  }
0x4c: {  	_ =	swait.ge [sflag:s17], $0x50  }
0x4d: {  	[sflag:s17] =	ssyncset.done $0x0  }
0x4e: {  	[sflag:s17] =	ssyncadd.s32 $0xFFFFFFB0  }
0x4f: {  	[tilespmem:s21], [sflag:$0x1] =	stream.indirect.gather [hbm4b:s5+s20], $0x80, s3, s20, $0xb8;
	[tilespmem:$0x16180] =	vst v63  }
0x50: {  	_ =	swait.ge [sflag:s22], $0x2800  }
0x51: {  	[sflag:s22] =	ssyncset.done $0x0  }
0x52: {  	[sflag:s22] =	ssyncadd.s32 $0xFFFFD800  }
0x53: {  	[spmem:s2] =	stream.indirect.scatter.add.f32 [tilespmem:s21], [sflag:$0x2], $0x80, s19, s20, $0xb8;
	[tilespmem:$0x16180] =	vst v63  }
0x54: {  	_ =	swait.ge [sflag:s17], $0x2800  }
0x55: {  	[sflag:s17] =	ssyncset.done $0x0  }
0x56: {  	[sflag:s17] =	ssyncadd.s32 $0xFFFFD800  }
0x57: {  	[bflag:$0x0] =	sbarrier.arrive $0xFFFF  }
0x58: {  	[hbm:s11], [sflag:s13] =	dma.local [spmem:s16], $0x2700  }
.Ltmp4:
0x59: {  	_ = 	snop;
	(pc) =	sbr.rel @p1 .LBB2_9-.Ltmp4, $4  }
.Ltmp5:
0x5a: {  	_ = 	snop;
	(pc) =	sbr.rel @!p1 .LBB2_8-.Ltmp5, $4  }
0x5b: {  	_ =	swait.ge [sflag:s17], $0x2700  }
0x5c: {  	[sflag:s17] =	ssyncset.done $0x0  }
0x5d: {  	s25 =	smov.u32 s7;
	[sflag:s17] =	ssyncadd.s32 $0xFFFFD900  }
0x5e: {  	_ = 	snop  }
.LBB2_2:
0x5f: {  	[spmem:s18], [sflag:s13] =	dma.local @!p1 [hbm:s9], $0x100  }
0x60: {  	s25 =	simm.s32 @!p1 $0x2  }
0x61: {  	_ =	swait.ge @!p1 [sflag:s25], $0x100  }
0x62: {  	[sflag:s25] =	ssyncset.done @!p1 $0x0  }
0x63: {  	[sflag:s25] =	ssyncadd.s32 @!p1 $0xFFFFFF00  }
0x64: {  	s30 =	sadd.s32 $0x0, s15;
	[bflag:$0x0] =	sbarrier.arrive $0xFFFF  }
0x65: {  	[tilespmem:s3], [sflag:$0x2] =	stream.linear.gather [hbm4b:s30+s3], $0x50, $0x38;
	[tilespmem:$0x16180] =	vst v63  }
0x66: {  	_ =	swait.ge [sflag:s17], $0x50  }
0x67: {  	[sflag:s17] =	ssyncset.done $0x0  }
0x68: {  	s31 =	sadd.s32 $0x0, s14;
	[sflag:s17] =	ssyncadd.s32 $0xFFFFFFB0  }
0x69: {  	[tilespmem:s19], [sflag:$0x2] =	stream.linear.gather [hbm4b:s31+s3], $0x50, $0x38;
	[tilespmem:$0x16180] =	vst v63  }
0x6a: {  	_ =	swait.ge [sflag:s17], $0x50  }
0x6b: {  	[sflag:s17] =	ssyncset.done $0x0  }
0x6c: {  	[sflag:s17] =	ssyncadd.s32 $0xFFFFFFB0  }
0x6d: {  	[tilespmem:s21], [sflag:$0x1] =	stream.indirect.gather [hbm4b:s4+s20], $0x80, s3, s20, $0xb8;
	[tilespmem:$0x16180] =	vst v63  }
0x6e: {  	_ =	swait.ge [sflag:s22], $0x2800  }
0x6f: {  	[sflag:s22] =	ssyncset.done $0x0  }
0x70: {  	[sflag:s22] =	ssyncadd.s32 $0xFFFFD800  }
0x71: {  	[spmem:s2] =	stream.indirect.scatter.add.f32 [tilespmem:s21], [sflag:$0x2], $0x80, s19, s20, $0xb8;
	[tilespmem:$0x16180] =	vst v63  }
0x72: {  	_ =	swait.ge [sflag:s17], $0x2800  }
0x73: {  	s26 =	simm.s32 $0x14;
	s25 =	simm.s32 $0xA;
	[sflag:s17] =	ssyncset.done $0x0  }
.LBB2_3:
0x74: {  	s28 =	sadd.s32 s25, s15  }
0x75: {  	[sflag:s17] =	ssyncadd.s32 $0xFFFFD800;
	s29 =	smov.u32 s26;
	s30 =	sadd.s32 $0xA, s26  }
0x76: {  	[tilespmem:s3], [sflag:$0x2] =	stream.linear.gather [hbm4b:s28+s3], $0x50, $0x38;
	[tilespmem:$0x16180] =	vst v63  }
0x77: {  	p3 =	sne.s32 s26, $0x9BA;
	_ =	swait.ge [sflag:s17], $0x50  }
0x78: {  	[sflag:s17] =	ssyncset.done $0x0  }
0x79: {  	s26 =	sadd.s32 s25, s14;
	s25 =	smov.u32 s29;
	[sflag:s17] =	ssyncadd.s32 $0xFFFFFFB0  }
0x7a: {  	[tilespmem:s19], [sflag:$0x2] =	stream.linear.gather [hbm4b:s26+s3], $0x50, $0x38;
	[tilespmem:$0x16180] =	vst v63  }
0x7b: {  	_ =	swait.ge [sflag:s17], $0x50  }
0x7c: {  	[sflag:s17] =	ssyncset.done $0x0  }
0x7d: {  	[sflag:s17] =	ssyncadd.s32 $0xFFFFFFB0  }
0x7e: {  	[tilespmem:s21], [sflag:$0x1] =	stream.indirect.gather [hbm4b:s4+s20], $0x80, s3, s20, $0xb8;
	[tilespmem:$0x16180] =	vst v63  }
0x7f: {  	_ =	swait.ge [sflag:s22], $0x2800  }
.Ltmp6:
0x80: {  	[sflag:s22] =	ssyncset.done $0x0;
	(pc) =	sbr.rel @p3 .LBB2_3-.Ltmp6, $4  }
0x81: {  	[sflag:s22] =	ssyncadd.s32 $0xFFFFD800  }
0x82: {  	[spmem:s2] =	stream.indirect.scatter.add.f32 [tilespmem:s21], [sflag:$0x2], $0x80, s19, s20, $0xb8;
	[tilespmem:$0x16180] =	vst v63  }
0x83: {  	_ =	swait.ge [sflag:s17], $0x2800  }
0x84: {  	s26 =	smov.u32 s30;
	[sflag:s17] =	ssyncset.done $0x0  }
0x85: {  	s26 =	sadd.s32 s25, s15;
	[sflag:s17] =	ssyncadd.s32 $0xFFFFD800  }
0x86: {  	[tilespmem:s3], [sflag:$0x2] =	stream.linear.gather [hbm4b:s26+s3], $0x50, $0x38;
	[tilespmem:$0x16180] =	vst v63  }
0x87: {  	_ =	swait.ge [sflag:s17], $0x50  }
0x88: {  	[sflag:s17] =	ssyncset.done $0x0  }
0x89: {  	s31 =	sadd.s32 s25, s14;
	[sflag:s17] =	ssyncadd.s32 $0xFFFFFFB0  }
0x8a: {  	[tilespmem:s19], [sflag:$0x2] =	stream.linear.gather [hbm4b:s31+s3], $0x50, $0x38;
	[tilespmem:$0x16180] =	vst v63  }
0x8b: {  	_ =	swait.ge [sflag:s17], $0x50  }
0x8c: {  	[sflag:s17] =	ssyncset.done $0x0  }
0x8d: {  	[sflag:s17] =	ssyncadd.s32 $0xFFFFFFB0  }
0x8e: {  	[tilespmem:s21], [sflag:$0x1] =	stream.indirect.gather [hbm4b:s4+s20], $0x80, s3, s20, $0xb8;
	[tilespmem:$0x16180] =	vst v63  }
0x8f: {  	_ =	swait.ge [sflag:s22], $0x2800  }
0x90: {  	[sflag:s22] =	ssyncset.done $0x0  }
0x91: {  	[sflag:s22] =	ssyncadd.s32 $0xFFFFD800  }
0x92: {  	[spmem:s2] =	stream.indirect.scatter.add.f32 [tilespmem:s21], [sflag:$0x2], $0x80, s19, s20, $0xb8;
	[tilespmem:$0x16180] =	vst v63  }
0x93: {  	_ =	swait.ge [sflag:s17], $0x2800  }
0x94: {  	[sflag:s17] =	ssyncset.done $0x0  }
0x95: {  	[sflag:s17] =	ssyncadd.s32 $0xFFFFD800  }
0x96: {  	[bflag:$0x0] =	sbarrier.arrive $0xFFFF  }
0x97: {  	[hbm:s10], [sflag:s13] =	dma.local [spmem:s16], $0x2700  }
.Ltmp7:
0x98: {  	_ = 	snop;
	(pc) =	sbr.rel @p2 .LBB2_8-.Ltmp7, $4  }
.Ltmp8:
0x99: {  	_ = 	snop;
	(pc) =	sbr.rel @!p2 .LBB2_9-.Ltmp8, $4  }
0x9a: {  	_ =	swait.ge [sflag:s17], $0x2700  }
0x9b: {  	[sflag:s17] =	ssyncset.done $0x0  }
0x9c: {  	s25 =	smov.u32 s6;
	[sflag:s17] =	ssyncadd.s32 $0xFFFFD900  }
0x9d: {  	_ = 	snop  }
.LBB2_10:
0x9e: {  	_ =	sfence.sel $0x180000  }
0x9f: {  	[bflag:$0x0] =	sbarrier.arrive $0xFFFF  }
0xa0: {  	p0 =	sne.s32 s1, $0x0;
	_ =	strace $0x90000050  }
0xa1: {  	s0 =	sadd.s32 @!p0 $0x100000, s0;
	[bflag:$0x2] =	sbarrier.arrive $0xFFFF  }
0xa2: {  	[sflag:s0] =	ssyncadd.tile.s32 @!p0 $0x1;
	_ =	shalt  }
.Lfunc_end2:
_tile_overlayer_lowered:
.L_overlay_start_2:
0xa3: {  	(tag) =	ssettag $0x2  }
0xa4: {  	s0 =	rddreg [dreg:$0x0];
	s2 =	stileid.u32  }
0xa5: {  	s1 =	rddreg [dreg:$0x1];
	p0 =	sne.s32 s2, $0x0  }
0xa6: {  	s3 =	rddreg [dreg:$0x2];
	[bflag:$0x3] =	sbarrier.arrive $0xFFFF;
	s2 =	simm.s32 @!p0 $0x1C02  }
0xa7: {  	[timem:s3], [sflag:s2] =	dma.local @!p0 [hbm:s0], s1  }
0xa8: {  	s0 =	simm.s32 @!p0 $0x2  }
0xa9: {  	_ =	swait.ge @!p0 [sflag:s0], s1  }
0xaa: {  	s1 =	ssub.s32 @!p0 $0x0, s1;
	[sflag:s0] =	ssyncset.done @!p0 $0x0  }
0xab: {  	[sflag:s0] =	ssyncadd.s32 @!p0 s1  }
0xac: {  	[bflag:$0x3] =	sbarrier.arrive $0xFFFF  }
0xad: {  	_ =	shalt  }

// kernel: kernel.27.cloned.1.call-start
scs
__scs_entry_jumppad:
0x0: {  	(pc) =	sbr.rel $0x88, $3  }
0x1: {  	(tag) =	ssettag $0x0;
	lr =	simm.s32 $0x1  }
0x2: {  	[smem:$0x3F96] =	sst lr;
	_ =	strace $0xD0000000  }
0x3: {  	_ = 	snop  }
0x4: {  	_ = 	snop  }
0x5: {  	_ = 	snop  }
0x6: {  	_ = 	snop  }
0x7: {  	_ = 	snop  }
__scs_overlays_trampoline_lowered:
0x8: {  	[smem:$0x3FA5] =	sst s0  }
0x9: {  	[smem:$0x3FA6] =	sst s1  }
0xa: {  	[smem:$0x3FA7] =	sst s2  }
0xb: {  	[smem:$0x3FA8] =	sst s3  }
0xc: {  	[smem:$0x3FA9] =	sst s4  }
0xd: {  	[smem:$0x3FAA] =	sst s5  }
0xe: {  	[smem:$0x3FAB] =	sst s6  }
0xf: {  	[smem:$0x3FAC] =	sst s7  }
0x10: {  	[smem:$0x3FAD] =	sst s8  }
0x11: {  	[smem:$0x3FAE] =	sst s9;
	s0 =	simm.s32 @!p0 $0x0  }
0x12: {  	s1 =	sld [smem:$0x3F94];
	s0 =	simm.s32 @p0 $0x1  }
0x13: {  	[smem:$0x3FAF] =	sst s0;
	s0 =	simm.s32 @!p1 $0x0  }
0x14: {  	s2 =	sld [smem:$0x3F93];
	s0 =	simm.s32 @p1 $0x1  }
0x15: {  	[smem:$0x3FB0] =	sst s0;
	s0 =	simm.s32 @!p2 $0x0  }
0x16: {  	s3 =	sld [smem:$0x3FDB];
	s0 =	simm.s32 @p2 $0x1  }
0x17: {  	s4 =	simm.s32 $0x1BF5;
	[smem:$0x3FB2] =	sst s0  }
0x18: {  	s0 =	sld [smem:$0x3F95];
	_ =	swait.ge [sflag:s4], $0x0  }
0x19: {  	s7 =	sld [smem:$0x3F96]  }
0x1a: {  	s8 =	sadd.s32 $0xFFFFE003, lr  }
0x1b: {  	s9 =	sadd.s32 $0xFFFFFEF7, lr;
	s5 =	simm.s32 $0xFFFFFFFF;
	p2 =	slt.u32 s8, $0xFFFFF086  }
0x1c: {  	p1 =	slt.u32 s9, $0xF7A;
	s5 =	simm.s32 @!p2 $0x0  }
0x1d: {  	s5 =	simm.s32 @p1 $0x1;
	p0 =	seq.s32 s7, s2  }
0x1e: {  	s7 =	smul.u32 @!p0 $0xF7A, s2;
	p2 =	seq.s32 @!p0 s5, $0x0  }
0x1f: {  	s9 =	smul.u32 $0xF7A, s1;
	s8 =	simm.s32 @!p0 $0x1BF5;
	p2 =	por !p2, p0  }
0x20: {  	[sflag:s8] =	ssyncset.s32 @!p0 $0xFFFFF086;
	s6 =	sadd.s32 @!p0 s3, s7;
	s7 =	simm.s32 @!p0 $0x108  }
0x21: {  	s3 =	sadd.s32 s3, s9;
	s6 =	sadd.s32 @!p0 $0x88, s6;
	s7 =	simm.s32 @p2 $0x1082  }
0x22: {  	[simem:s7], [sflag:s8] =	dma.local @!p0 [hbm:s6], $0xF7A  }
0x23: {  	s9 =	sor.u32 $0xD0000000, s2;
	s6 =	simm.s32 $0x108;
	_ =	swait.ge @!p0 [sflag:s8], $0x0  }
0x24: {  	s3 =	sadd.s32 $0x88, s3;
	s6 =	simm.s32 @!p1 $0x1082;
	[sflag:s4] =	ssyncset.s32 $0xFFFFF086  }
0x25: {  	[simem:s6], [sflag:s4] =	dma.local [hbm:s3], $0xF7A  }
0x26: {  	[smem:$0x3F96] =	sst s1;
	(tag) =	ssettag s2;
	_ =	strace s9  }
0x27: {  	s1 =	sld [smem:$0x3FA6]  }
0x28: {  	s2 =	sld [smem:$0x3FA7]  }
0x29: {  	s4 =	sld [smem:$0x3FA9]  }
0x2a: {  	p0 =	seq.s32 s5, $0x0;
	s5 =	sld [smem:$0x3FAA]  }
0x2b: {  	s6 =	sld [smem:$0x3FAB]  }
0x2c: {  	s7 =	sld [smem:$0x3FAC]  }
0x2d: {  	s3 =	simm.s32 $0x108;
	s8 =	sld [smem:$0x3FAD]  }
0x2e: {  	s3 =	simm.s32 @!p0 $0x1082;
	s9 =	sld [smem:$0x3FAE]  }
0x2f: {  	lr =	sadd.s32 s0, s3;
	s0 =	sld [smem:$0x3FA5]  }
0x30: {  	s3 =	sld [smem:$0x3FA8]  }
0x31: {  	[smem:$0x3FB1] =	sst s10  }
0x32: {  	s10 =	sld [smem:$0x3FAF];
	_ =	sdelay $0x3  }
0x33: {  	p0 =	seq.s32 s10, $0x1;
	s10 =	sld [smem:$0x3FB1];
	_ =	sdelay $0x3  }
0x34: {  	[smem:$0x3FB1] =	sst s10  }
0x35: {  	s10 =	sld [smem:$0x3FB0];
	_ =	sdelay $0x3  }
0x36: {  	p1 =	seq.s32 s10, $0x1;
	s10 =	sld [smem:$0x3FB1];
	_ =	sdelay $0x3  }
0x37: {  	[smem:$0x3FB1] =	sst s10  }
0x38: {  	s10 =	sld [smem:$0x3FB2]  }
0x39: {  	_ = 	snop;
	(pc) =	sbr.ind lr, $3  }
0x3a: {  	_ = 	snop  }
0x3b: {  	_ = 	snop  }
0x3c: {  	p2 =	seq.s32 s10, $0x1;
	s10 =	sld [smem:$0x3FB1]  }
0x3d: {  	_ =	shalt  }
0x3e: {  	_ =	shalt  }
0x3f: {  	_ =	shalt  }
0x40: {  	_ =	shalt  }
0x41: {  	_ =	shalt  }
0x42: {  	_ =	shalt  }
0x43: {  	_ =	shalt  }
0x44: {  	_ =	shalt  }
0x45: {  	_ =	shalt  }
0x46: {  	_ =	shalt  }
0x47: {  	_ =	shalt  }
0x48: {  	_ =	shalt  }
0x49: {  	_ =	shalt  }
0x4a: {  	_ =	shalt  }
0x4b: {  	_ =	shalt  }
0x4c: {  	_ =	shalt  }
0x4d: {  	_ =	shalt  }
0x4e: {  	_ =	shalt  }
0x4f: {  	_ =	shalt  }
0x50: {  	_ =	shalt  }
0x51: {  	_ =	shalt  }
0x52: {  	_ =	shalt  }
0x53: {  	_ =	shalt  }
0x54: {  	_ =	shalt  }
0x55: {  	_ =	shalt  }
0x56: {  	_ =	shalt  }
0x57: {  	_ =	shalt  }
0x58: {  	_ =	shalt  }
0x59: {  	_ =	shalt  }
0x5a: {  	_ =	shalt  }
0x5b: {  	_ =	shalt  }
0x5c: {  	_ =	shalt  }
0x5d: {  	_ =	shalt  }
0x5e: {  	_ =	shalt  }
0x5f: {  	_ =	shalt  }
0x60: {  	_ =	shalt  }
0x61: {  	_ =	shalt  }
0x62: {  	_ =	shalt  }
0x63: {  	_ =	shalt  }
0x64: {  	_ =	shalt  }
0x65: {  	_ =	shalt  }
0x66: {  	_ =	shalt  }
0x67: {  	_ =	shalt  }
0x68: {  	_ =	shalt  }
0x69: {  	_ =	shalt  }
0x6a: {  	_ =	shalt  }
0x6b: {  	_ =	shalt  }
0x6c: {  	_ =	shalt  }
0x6d: {  	_ =	shalt  }
0x6e: {  	_ =	shalt  }
0x6f: {  	_ =	shalt  }
0x70: {  	_ =	shalt  }
0x71: {  	_ =	shalt  }
0x72: {  	_ =	shalt  }
0x73: {  	_ =	shalt  }
0x74: {  	_ =	shalt  }
0x75: {  	_ =	shalt  }
0x76: {  	_ =	shalt  }
0x77: {  	_ =	shalt  }
0x78: {  	_ =	shalt  }
0x79: {  	_ =	shalt  }
0x7a: {  	_ =	shalt  }
0x7b: {  	_ =	shalt  }
0x7c: {  	_ =	shalt  }
0x7d: {  	_ =	shalt  }
0x7e: {  	_ =	shalt  }
0x7f: {  	_ =	shalt  }
0x80: {  	_ =	shalt  }
0x81: {  	_ =	shalt  }
0x82: {  	_ =	shalt  }
0x83: {  	_ =	shalt  }
0x84: {  	_ =	shalt  }
0x85: {  	_ =	shalt  }
0x86: {  	_ =	shalt  }
0x87: {  	_ =	shalt  }
.Lfunc_end0:
.L_simem_size_0:
called_computation.4_lowered:
.L_overlay_start_0:
0x88: {  	s2 =	sld [smem:$0x3FD9]  }
0x89: {  	s3 =	sld [smem:$0x3FFE];
	_ =	sdelay $0x1  }
0x8a: {  	s1 =	srdreg.scid  }
0x8b: {  	s0 =	sand.u32 $0x1, s1  }
0x8c: {  	s16 =	sshll.u32 s0, $0xA;
	s2 =	sadd.s32 s3, s2  }
0x8d: {  	s2 =	sadd.s32 s2, s16  }
0x8e: {  	[smem:$0x3FBD] =	sst s2  }
0x8f: {  	_ = 	snop  }
0x90: {  	(tm) =	ssettm $0x1  }
0x91: {  	s17 =	sld [smem:$0x3FFB];
	_ =	sdelay $0x3  }
0x92: {  	_ =	strace s17  }
0x93: {  	s2 =	sld [smem:$0x3FFC];
	_ =	sdelay $0x3  }
0x94: {  	_ =	strace s2  }
0x95: {  	s2 =	sld [smem:$0x3FFD];
	_ =	sdelay $0x3  }
0x96: {  	_ =	strace s2  }
0x97: {  	_ =	strace $0x8FFFFFFF  }
0x98: {  	s18 =	sld [smem:$0x3FDB];
	_ =	sdelay $0x1  }
0x99: {  	s19 =	simm.s32 $_scs_section_size  }
0x9a: {  	s4 =	simm.s32 $_size__tile_overlayer_lowered;
	s5 =	simm.s32 $_tile_overlayer_lowered  }
0x9b: {  	s22 =	simm.s32 $0x1BFF;
	s21 =	sshll.u32 s5, $0x1;
	s2 =	sadd.s32 s19, s18  }
0x9c: {  	s6 =	simm.s32 $0x0;
	s20 =	sshll.u32 s4, $0x1;
	s4 =	sadd.s32 s21, s2  }
0x9d: {  	[timem:s6], [sflag:s22] =	dma.local [hbm:s4], s20  }
0x9e: {  	_ =	swait.ge [sflag:s22], s20  }
0x9f: {  	s3 =	ssub.s32 $0x0, s20;
	[sflag:s22] =	ssyncset.done $0x0  }
0xa0: {  	[sflag:s22] =	ssyncadd.s32 s3;
	_ =	sdelay $0x1  }
0xa1: {  	s23 =	simm.s32 $0x1B8B  }
0xa2: {  	_ =	swait.ge [sflag:s23], $0x1  }
0xa3: {  	[sflag:s23] =	ssyncset.done $0x0  }
0xa4: {  	s25 =	simm.s32 $0x1B8E;
	s24 =	sld [smem:$0x3FFE];
	[sflag:s23] =	ssyncadd.s32 $0xFFFFFFFF  }
0xa5: {  	s26 =	simm.s32 $execute0_lowered;
	[smem:$0x3FD2] =	sst s25  }
0xa6: {  	s4 =	sshll.u32 s26, $0x1;
	_ =	strace $0x80000052;
	[dreg:$0x1] =	wrdreg $0xFFFFFFFF  }
0xa7: {  	s28 =	simm.s32 $_size_execute0_lowered;
	s2 =	sadd.s32 s2, s4;
	[dreg:$0x0] =	wrdreg $0x0  }
0xa8: {  	s4 =	sshll.u32 s28, $0x1;
	[dreg:$0x2] =	wrdreg s2  }
0xa9: {  	[dreg:$0x3] =	wrdreg s4  }
0xaa: {  	[dreg:$0x4] =	wrdreg $0xC0  }
0xab: {  	_ =	task [dreg:s6], $0x5FFFF  }
0xac: {  	[dreg:$0x1] =	wrdreg $0xFFFFFFFF  }
0xad: {  	[dreg:$0x0] =	wrdreg $0x60  }
0xae: {  	[dreg:$0x2] =	wrdreg s24  }
0xaf: {  	[dreg:$0x3] =	wrdreg $0x29000  }
0xb0: {  	[dreg:$0x4] =	wrdreg $0x9  }
0xb1: {  	_ =	task.clear_ibuf [dreg:s6], $0x5FFFF;
	_ =	strace $0x90000052  }
0xb2: {  	s29 =	simm.s32 $0x9;
	_ =	strace $0x80000054  }
0xb3: {  	_ =	swait.ge [sflag:s29], $0x1  }
0xb4: {  	[sflag:s29] =	ssyncadd.s32 $0xFFFFFFFF  }
0xb5: {  	_ =	strace $0x90000054  }
0xb6: {  	_ =	sfence  }
0xb7: {  	s30 =	sld [smem:$0x0];
	_ =	sdelay $0x2  }
0xb8: {  	s31 =	sshll.u32 s1, $0xD;
	s1 =	sshrl.u32 s1, $0x2  }
0xb9: {  	s3 =	sand.u32 $0x4000, s31;
	s1 =	sadd.s32 s1, s30  }
0xba: {  	s0 =	sor.u32 s3, s0;
	s1 =	sshll.u32 s1, $0x11  }
0xbb: {  	s0 =	sor.u32 s1, s0  }
0xbc: {  	s0 =	sadd.s32 $0x8F2B, s0  }
0xbd: {  	[sflag:s0] =	ssyncadd.remote.s32 $0x1  }
0xbe: {  	_ =	sfence.sel $0xFFFF  }
0xbf: {  	[dreg:$0x0] =	wrdreg $0xFFFFFFFF;
	(pc) =	sbr.abs _section_cstart, $3  }
0xc0: {  	[dreg:$0x1] =	wrdreg $0xFFFFFFFF  }
0xc1: {  	_ =	task.clear_ibuf [dreg:s6], $0x2FFFF;
	_ =	strace $0x9FFFFFFF  }
0xc2: {  	(tm) =	ssettm $0x7FFFFFFF  }
0xc3: {  	_ =	shalt  }
tec
execute0_lowered:
.L_overlay_start_1:
0x0: {  	(tag) =	ssettag $0x1  }
0x1: {  	s9 =	rddreg [dreg:$0x0]  }
0x2: {  	s2 =	rddreg [dreg:$0x1]  }
0x3: {  	s0 =	rddreg [dreg:$0x2];
	s3 =	simm.s32 $0x0  }
0x4: {  	s1 =	stileid.u32;
	s7 =	srdreg.scid;
	s17 =	simm.s32 $0x2  }
0x5: {  	s19 =	simm.s32 $0x80;
	s20 =	simm.s32 $0x50;
	s21 =	simm.s32 $0x100  }
0x6: {  	s22 =	simm.s32 $0x1;
	s24 =	simm.s32 $0x0;
	s6 =	smul.u32 $0x9C4, s1  }
0x7: {  	[smem:$0x7FF] =	sst s3;
	s4 =	sadd.s32 $0x40400, s9;
	s11 =	smul.u32 $0x2700, s1  }
0x8: {  	s5 =	sadd.s32 $0x67600, s9;
	s8 =	sand.u32 $0x1, s7;
	s10 =	smul.u32 $0x4E000, s1  }
0x9: {  	s7 =	sadd.s32 $0xDCC00, s9;
	s23 =	sadd.s32 $0x138000, s2;
	s31 =	sshll.u32 s1, $0x6  }
0xa: {  	p1 =	sne.s32 s1, $0xF;
	p2 =	seq.s32 s1, $0xF;
	_ =	strace $0x80000053  }
0xb: {  	s13 =	ssub.s32 $0x2, s8;
	p0 =	seq.s32 s8, $0x1;
	s18 =	sshrl.u32 @!p1 s23, $0x3  }
0xc: {  	s23 =	sshrl.u32 s23, $0x3;
	s15 =	sadd.s32 s6, s9;
	s12 =	sadd.s32 s11, s9  }
.Ltmp0:
0xd: {  	s6 =	sadd.s32 $0xB5A00, s9;
	s14 =	sshrl.u32 s13, $0x1;
	(pc) =	sbr.rel .LBB2_1-.Ltmp0, $4  }
0xe: {  	s10 =	sshrl.u32 s10, $0x2;
	s9 =	sadd.s32 $0x40200, s9;
	s13 =	ssub.s32 s13, s14  }
0xf: {  	s16 =	sadd.s32 s10, s2;
	s8 =	sadd.s32 $0x19200, s12;
	s10 =	sadd.s32 s6, s11  }
0x10: {  	s11 =	sadd.s32 s7, s11;
	s14 =	sadd.s32 $0xF400, s15;
	s15 =	sadd.s32 $0x5600, s15  }
0x11: {  	s12 =	smax.u32 s13, $0x1;
	s13 =	sor.u32 $0x1C02, s31;
	s16 =	sshrl.u32 s16, $0x3  }
.LBB2_8:
0x12: {  	s25 =	sadd.s32 $0x27000, s25  }
0x13: {  	[hbm:s25], [sflag:s13] =	dma.local [spmem:s23], $0x100  }
0x14: {  	_ =	swait.ge [sflag:s17], $0x100  }
0x15: {  	[sflag:s17] =	ssyncset.done $0x0  }
0x16: {  	[sflag:s17] =	ssyncadd.s32 $0xFFFFFF00  }
.LBB2_9:
0x17: {  	s24 =	sadd.s32 $0x1, s24  }
0x18: {  	p3 =	sne.s32 s24, s12  }
.Ltmp1:
0x19: {  	_ = 	snop;
	(pc) =	sbr.rel @!p3 .LBB2_10-.Ltmp1, $1  }
0x1a: {  	_ =	sdelay $0x3  }
.LBB2_1:
.Ltmp2:
0x1b: {  	(pc) =	sbr.rel @!p0 .LBB2_2-.Ltmp2, $4  }
0x1c: {  	[spmem:s16], [sflag:s13] =	dma.local [hbm:s8], $0x2700  }
0x1d: {  	_ =	swait.ge [sflag:s17], $0x2700  }
0x1e: {  	[sflag:s17] =	ssyncset.done $0x0  }
0x1f: {  	[sflag:s17] =	ssyncadd.s32 $0xFFFFD900  }
0x20: {  	[spmem:s18], [sflag:s13] =	dma.local @!p1 [hbm:s9], $0x100  }
0x21: {  	s25 =	simm.s32 @!p1 $0x2  }
0x22: {  	_ =	swait.ge @!p1 [sflag:s25], $0x100  }
0x23: {  	[sflag:s25] =	ssyncset.done @!p1 $0x0  }
0x24: {  	[sflag:s25] =	ssyncadd.s32 @!p1 $0xFFFFFF00  }
0x25: {  	s30 =	sadd.s32 $0x0, s15;
	[bflag:$0x0] =	sbarrier.arrive $0xFFFF  }
0x26: {  	[tilespmem:s3], [sflag:$0x2] =	stream.linear.gather [hbm4b:s30+s3], $0x50, $0x38;
	[tilespmem:$0x16180] =	vst v63  }
0x27: {  	_ =	swait.ge [sflag:s17], $0x50  }
0x28: {  	[sflag:s17] =	ssyncset.done $0x0  }
0x29: {  	s31 =	sadd.s32 $0x0, s14;
	[sflag:s17] =	ssyncadd.s32 $0xFFFFFFB0  }
0x2a: {  	[tilespmem:s19], [sflag:$0x2] =	stream.linear.gather [hbm4b:s31+s3], $0x50, $0x38;
	[tilespmem:$0x16180] =	vst v63  }
0x2b: {  	_ =	swait.ge [sflag:s17], $0x50  }
0x2c: {  	[sflag:s17] =	ssyncset.done $0x0  }
0x2d: {  	[sflag:s17] =	ssyncadd.s32 $0xFFFFFFB0  }
0x2e: {  	[tilespmem:s21], [sflag:$0x1] =	stream.indirect.gather [hbm4b:s5+s20], $0x80, s3, s20, $0xb8;
	[tilespmem:$0x16180] =	vst v63  }
0x2f: {  	_ =	swait.ge [sflag:s22], $0x2800  }
0x30: {  	[sflag:s22] =	ssyncset.done $0x0  }
0x31: {  	[sflag:s22] =	ssyncadd.s32 $0xFFFFD800  }
0x32: {  	[spmem:s2] =	stream.indirect.scatter.add.f32 [tilespmem:s21], [sflag:$0x2], $0x80, s19, s20, $0xb8;
	[tilespmem:$0x16180] =	vst v63  }
0x33: {  	_ =	swait.ge [sflag:s17], $0x2800  }
0x34: {  	s26 =	simm.s32 $0x14;
	s25 =	simm.s32 $0xA;
	[sflag:s17] =	ssyncset.done $0x0  }
.LBB2_6:
0x35: {  	s28 =	sadd.s32 s25, s15  }
0x36: {  	[sflag:s17] =	ssyncadd.s32 $0xFFFFD800;
	s29 =	smov.u32 s26;
	s30 =	sadd.s32 $0xA, s26  }
0x37: {  	[tilespmem:s3], [sflag:$0x2] =	stream.linear.gather [hbm4b:s28+s3], $0x50, $0x38;
	[tilespmem:$0x16180] =	vst v63  }
0x38: {  	p3 =	sne.s32 s26, $0x9BA;
	_ =	swait.ge [sflag:s17], $0x50  }
0x39: {  	[sflag:s17] =	ssyncset.done $0x0  }
0x3a: {  	s26 =	sadd.s32 s25, s14;
	s25 =	smov.u32 s29;
	[sflag:s17] =	ssyncadd.s32 $0xFFFFFFB0  }
0x3b: {  	[tilespmem:s19], [sflag:$0x2] =	stream.linear.gather [hbm4b:s26+s3], $0x50, $0x38;
	[tilespmem:$0x16180] =	vst v63  }
0x3c: {  	_ =	swait.ge [sflag:s17], $0x50  }
0x3d: {  	[sflag:s17] =	ssyncset.done $0x0  }
0x3e: {  	[sflag:s17] =	ssyncadd.s32 $0xFFFFFFB0  }
0x3f: {  	[tilespmem:s21], [sflag:$0x1] =	stream.indirect.gather [hbm4b:s5+s20], $0x80, s3, s20, $0xb8;
	[tilespmem:$0x16180] =	vst v63  }
0x40: {  	_ =	swait.ge [sflag:s22], $0x2800  }
.Ltmp3:
0x41: {  	[sflag:s22] =	ssyncset.done $0x0;
	(pc) =	sbr.rel @p3 .LBB2_6-.Ltmp3, $4  }
0x42: {  	[sflag:s22] =	ssyncadd.s32 $0xFFFFD800  }
0x43: {  	[spmem:s2] =	stream.indirect.scatter.add.f32 [tilespmem:s21], [sflag:$0x2], $0x80, s19, s20, $0xb8;
	[tilespmem:$0x16180] =	vst v63  }
0x44: {  	_ =	swait.ge [sflag:s17], $0x2800  }
0x45: {  	s26 =	smov.u32 s30;
	[sflag:s17] =	ssyncset.done $0x0  }
0x46: {  	s26 =	sadd.s32 s25, s15;
	[sflag:s17] =	ssyncadd.s32 $0xFFFFD800  }
0x47: {  	[tilespmem:s3], [sflag:$0x2] =	stream.linear.gather [hbm4b:s26+s3], $0x50, $0x38;
	[tilespmem:$0x16180] =	vst v63  }
0x48: {  	_ =	swait.ge [sflag:s17], $0x50  }
0x49: {  	[sflag:s17] =	ssyncset.done $0x0  }
0x4a: {  	s31 =	sadd.s32 s25, s14;
	[sflag:s17] =	ssyncadd.s32 $0xFFFFFFB0  }
0x4b: {  	[tilespmem:s19], [sflag:$0x2] =	stream.linear.gather [hbm4b:s31+s3], $0x50, $0x38;
	[tilespmem:$0x16180] =	vst v63  }
0x4c: {  	_ =	swait.ge [sflag:s17], $0x50  }
0x4d: {  	[sflag:s17] =	ssyncset.done $0x0  }
0x4e: {  	[sflag:s17] =	ssyncadd.s32 $0xFFFFFFB0  }
0x4f: {  	[tilespmem:s21], [sflag:$0x1] =	stream.indirect.gather [hbm4b:s5+s20], $0x80, s3, s20, $0xb8;
	[tilespmem:$0x16180] =	vst v63  }
0x50: {  	_ =	swait.ge [sflag:s22], $0x2800  }
0x51: {  	[sflag:s22] =	ssyncset.done $0x0  }
0x52: {  	[sflag:s22] =	ssyncadd.s32 $0xFFFFD800  }
0x53: {  	[spmem:s2] =	stream.indirect.scatter.add.f32 [tilespmem:s21], [sflag:$0x2], $0x80, s19, s20, $0xb8;
	[tilespmem:$0x16180] =	vst v63  }
0x54: {  	_ =	swait.ge [sflag:s17], $0x2800  }
0x55: {  	[sflag:s17] =	ssyncset.done $0x0  }
0x56: {  	[sflag:s17] =	ssyncadd.s32 $0xFFFFD800  }
0x57: {  	[bflag:$0x0] =	sbarrier.arrive $0xFFFF  }
0x58: {  	[hbm:s11], [sflag:s13] =	dma.local [spmem:s16], $0x2700  }
.Ltmp4:
0x59: {  	_ = 	snop;
	(pc) =	sbr.rel @p1 .LBB2_9-.Ltmp4, $4  }
.Ltmp5:
0x5a: {  	_ = 	snop;
	(pc) =	sbr.rel @!p1 .LBB2_8-.Ltmp5, $4  }
0x5b: {  	_ =	swait.ge [sflag:s17], $0x2700  }
0x5c: {  	[sflag:s17] =	ssyncset.done $0x0  }
0x5d: {  	s25 =	smov.u32 s7;
	[sflag:s17] =	ssyncadd.s32 $0xFFFFD900  }
0x5e: {  	_ = 	snop  }
.LBB2_2:
0x5f: {  	[spmem:s18], [sflag:s13] =	dma.local @!p1 [hbm:s9], $0x100  }
0x60: {  	s25 =	simm.s32 @!p1 $0x2  }
0x61: {  	_ =	swait.ge @!p1 [sflag:s25], $0x100  }
0x62: {  	[sflag:s25] =	ssyncset.done @!p1 $0x0  }
0x63: {  	[sflag:s25] =	ssyncadd.s32 @!p1 $0xFFFFFF00  }
0x64: {  	s30 =	sadd.s32 $0x0, s15;
	[bflag:$0x0] =	sbarrier.arrive $0xFFFF  }
0x65: {  	[tilespmem:s3], [sflag:$0x2] =	stream.linear.gather [hbm4b:s30+s3], $0x50, $0x38;
	[tilespmem:$0x16180] =	vst v63  }
0x66: {  	_ =	swait.ge [sflag:s17], $0x50  }
0x67: {  	[sflag:s17] =	ssyncset.done $0x0  }
0x68: {  	s31 =	sadd.s32 $0x0, s14;
	[sflag:s17] =	ssyncadd.s32 $0xFFFFFFB0  }
0x69: {  	[tilespmem:s19], [sflag:$0x2] =	stream.linear.gather [hbm4b:s31+s3], $0x50, $0x38;
	[tilespmem:$0x16180] =	vst v63  }
0x6a: {  	_ =	swait.ge [sflag:s17], $0x50  }
0x6b: {  	[sflag:s17] =	ssyncset.done $0x0  }
0x6c: {  	[sflag:s17] =	ssyncadd.s32 $0xFFFFFFB0  }
0x6d: {  	[tilespmem:s21], [sflag:$0x1] =	stream.indirect.gather [hbm4b:s4+s20], $0x80, s3, s20, $0xb8;
	[tilespmem:$0x16180] =	vst v63  }
0x6e: {  	_ =	swait.ge [sflag:s22], $0x2800  }
0x6f: {  	[sflag:s22] =	ssyncset.done $0x0  }
0x70: {  	[sflag:s22] =	ssyncadd.s32 $0xFFFFD800  }
0x71: {  	[spmem:s2] =	stream.indirect.scatter.add.f32 [tilespmem:s21], [sflag:$0x2], $0x80, s19, s20, $0xb8;
	[tilespmem:$0x16180] =	vst v63  }
0x72: {  	_ =	swait.ge [sflag:s17], $0x2800  }
0x73: {  	s26 =	simm.s32 $0x14;
	s25 =	simm.s32 $0xA;
	[sflag:s17] =	ssyncset.done $0x0  }
.LBB2_3:
0x74: {  	s28 =	sadd.s32 s25, s15  }
0x75: {  	[sflag:s17] =	ssyncadd.s32 $0xFFFFD800;
	s29 =	smov.u32 s26;
	s30 =	sadd.s32 $0xA, s26  }
0x76: {  	[tilespmem:s3], [sflag:$0x2] =	stream.linear.gather [hbm4b:s28+s3], $0x50, $0x38;
	[tilespmem:$0x16180] =	vst v63  }
0x77: {  	p3 =	sne.s32 s26, $0x9BA;
	_ =	swait.ge [sflag:s17], $0x50  }
0x78: {  	[sflag:s17] =	ssyncset.done $0x0  }
0x79: {  	s26 =	sadd.s32 s25, s14;
	s25 =	smov.u32 s29;
	[sflag:s17] =	ssyncadd.s32 $0xFFFFFFB0  }
0x7a: {  	[tilespmem:s19], [sflag:$0x2] =	stream.linear.gather [hbm4b:s26+s3], $0x50, $0x38;
	[tilespmem:$0x16180] =	vst v63  }
0x7b: {  	_ =	swait.ge [sflag:s17], $0x50  }
0x7c: {  	[sflag:s17] =	ssyncset.done $0x0  }
0x7d: {  	[sflag:s17] =	ssyncadd.s32 $0xFFFFFFB0  }
0x7e: {  	[tilespmem:s21], [sflag:$0x1] =	stream.indirect.gather [hbm4b:s4+s20], $0x80, s3, s20, $0xb8;
	[tilespmem:$0x16180] =	vst v63  }
0x7f: {  	_ =	swait.ge [sflag:s22], $0x2800  }
.Ltmp6:
0x80: {  	[sflag:s22] =	ssyncset.done $0x0;
	(pc) =	sbr.rel @p3 .LBB2_3-.Ltmp6, $4  }
0x81: {  	[sflag:s22] =	ssyncadd.s32 $0xFFFFD800  }
0x82: {  	[spmem:s2] =	stream.indirect.scatter.add.f32 [tilespmem:s21], [sflag:$0x2], $0x80, s19, s20, $0xb8;
	[tilespmem:$0x16180] =	vst v63  }
0x83: {  	_ =	swait.ge [sflag:s17], $0x2800  }
0x84: {  	s26 =	smov.u32 s30;
	[sflag:s17] =	ssyncset.done $0x0  }
0x85: {  	s26 =	sadd.s32 s25, s15;
	[sflag:s17] =	ssyncadd.s32 $0xFFFFD800  }
0x86: {  	[tilespmem:s3], [sflag:$0x2] =	stream.linear.gather [hbm4b:s26+s3], $0x50, $0x38;
	[tilespmem:$0x16180] =	vst v63  }
0x87: {  	_ =	swait.ge [sflag:s17], $0x50  }
0x88: {  	[sflag:s17] =	ssyncset.done $0x0  }
0x89: {  	s31 =	sadd.s32 s25, s14;
	[sflag:s17] =	ssyncadd.s32 $0xFFFFFFB0  }
0x8a: {  	[tilespmem:s19], [sflag:$0x2] =	stream.linear.gather [hbm4b:s31+s3], $0x50, $0x38;
	[tilespmem:$0x16180] =	vst v63  }
0x8b: {  	_ =	swait.ge [sflag:s17], $0x50  }
0x8c: {  	[sflag:s17] =	ssyncset.done $0x0  }
0x8d: {  	[sflag:s17] =	ssyncadd.s32 $0xFFFFFFB0  }
0x8e: {  	[tilespmem:s21], [sflag:$0x1] =	stream.indirect.gather [hbm4b:s4+s20], $0x80, s3, s20, $0xb8;
	[tilespmem:$0x16180] =	vst v63  }
0x8f: {  	_ =	swait.ge [sflag:s22], $0x2800  }
0x90: {  	[sflag:s22] =	ssyncset.done $0x0  }
0x91: {  	[sflag:s22] =	ssyncadd.s32 $0xFFFFD800  }
0x92: {  	[spmem:s2] =	stream.indirect.scatter.add.f32 [tilespmem:s21], [sflag:$0x2], $0x80, s19, s20, $0xb8;
	[tilespmem:$0x16180] =	vst v63  }
0x93: {  	_ =	swait.ge [sflag:s17], $0x2800  }
0x94: {  	[sflag:s17] =	ssyncset.done $0x0  }
0x95: {  	[sflag:s17] =	ssyncadd.s32 $0xFFFFD800  }
0x96: {  	[bflag:$0x0] =	sbarrier.arrive $0xFFFF  }
0x97: {  	[hbm:s10], [sflag:s13] =	dma.local [spmem:s16], $0x2700  }
.Ltmp7:
0x98: {  	_ = 	snop;
	(pc) =	sbr.rel @p2 .LBB2_8-.Ltmp7, $4  }
.Ltmp8:
0x99: {  	_ = 	snop;
	(pc) =	sbr.rel @!p2 .LBB2_9-.Ltmp8, $4  }
0x9a: {  	_ =	swait.ge [sflag:s17], $0x2700  }
0x9b: {  	[sflag:s17] =	ssyncset.done $0x0  }
0x9c: {  	s25 =	smov.u32 s6;
	[sflag:s17] =	ssyncadd.s32 $0xFFFFD900  }
0x9d: {  	_ = 	snop  }
.LBB2_10:
0x9e: {  	_ =	sfence.sel $0x180000  }
0x9f: {  	[bflag:$0x0] =	sbarrier.arrive $0xFFFF  }
0xa0: {  	p0 =	sne.s32 s1, $0x0;
	_ =	strace $0x90000053  }
0xa1: {  	s0 =	sadd.s32 @!p0 $0x100000, s0;
	[bflag:$0x2] =	sbarrier.arrive $0xFFFF  }
0xa2: {  	[sflag:s0] =	ssyncadd.tile.s32 @!p0 $0x1;
	_ =	shalt  }
.Lfunc_end2:
_tile_overlayer_lowered:
.L_overlay_start_2:
0xa3: {  	(tag) =	ssettag $0x2  }
0xa4: {  	s0 =	rddreg [dreg:$0x0];
	s2 =	stileid.u32  }
0xa5: {  	s1 =	rddreg [dreg:$0x1];
	p0 =	sne.s32 s2, $0x0  }
0xa6: {  	s3 =	rddreg [dreg:$0x2];
	[bflag:$0x3] =	sbarrier.arrive $0xFFFF;
	s2 =	simm.s32 @!p0 $0x1C02  }
0xa7: {  	[timem:s3], [sflag:s2] =	dma.local @!p0 [hbm:s0], s1  }
0xa8: {  	s0 =	simm.s32 @!p0 $0x2  }
0xa9: {  	_ =	swait.ge @!p0 [sflag:s0], s1  }
0xaa: {  	s1 =	ssub.s32 @!p0 $0x0, s1;
	[sflag:s0] =	ssyncset.done @!p0 $0x0  }
0xab: {  	[sflag:s0] =	ssyncadd.s32 @!p0 s1  }
0xac: {  	[bflag:$0x3] =	sbarrier.arrive $0xFFFF  }
0xad: {  	_ =	shalt  }

// kernel: kernel.30.cloned.1.call-start
scs
__scs_entry_jumppad:
0x0: {  	(pc) =	sbr.rel $0x88, $3  }
0x1: {  	(tag) =	ssettag $0x0;
	lr =	simm.s32 $0x1  }
0x2: {  	[smem:$0x3F96] =	sst lr;
	_ =	strace $0xD0000000  }
0x3: {  	_ = 	snop  }
0x4: {  	_ = 	snop  }
0x5: {  	_ = 	snop  }
0x6: {  	_ = 	snop  }
0x7: {  	_ = 	snop  }
__scs_overlays_trampoline_lowered:
0x8: {  	[smem:$0x3FA5] =	sst s0  }
0x9: {  	[smem:$0x3FA6] =	sst s1  }
0xa: {  	[smem:$0x3FA7] =	sst s2  }
0xb: {  	[smem:$0x3FA8] =	sst s3  }
0xc: {  	[smem:$0x3FA9] =	sst s4  }
0xd: {  	[smem:$0x3FAA] =	sst s5  }
0xe: {  	[smem:$0x3FAB] =	sst s6  }
0xf: {  	[smem:$0x3FAC] =	sst s7  }
0x10: {  	[smem:$0x3FAD] =	sst s8  }
0x11: {  	[smem:$0x3FAE] =	sst s9;
	s0 =	simm.s32 @!p0 $0x0  }
0x12: {  	s1 =	sld [smem:$0x3F94];
	s0 =	simm.s32 @p0 $0x1  }
0x13: {  	[smem:$0x3FAF] =	sst s0;
	s0 =	simm.s32 @!p1 $0x0  }
0x14: {  	s2 =	sld [smem:$0x3F93];
	s0 =	simm.s32 @p1 $0x1  }
0x15: {  	[smem:$0x3FB0] =	sst s0;
	s0 =	simm.s32 @!p2 $0x0  }
0x16: {  	s3 =	sld [smem:$0x3FDB];
	s0 =	simm.s32 @p2 $0x1  }
0x17: {  	s4 =	simm.s32 $0x1BF5;
	[smem:$0x3FB2] =	sst s0  }
0x18: {  	s0 =	sld [smem:$0x3F95];
	_ =	swait.ge [sflag:s4], $0x0  }
0x19: {  	s7 =	sld [smem:$0x3F96]  }
0x1a: {  	s8 =	sadd.s32 $0xFFFFE003, lr  }
0x1b: {  	s9 =	sadd.s32 $0xFFFFFEF7, lr;
	s5 =	simm.s32 $0xFFFFFFFF;
	p2 =	slt.u32 s8, $0xFFFFF086  }
0x1c: {  	p1 =	slt.u32 s9, $0xF7A;
	s5 =	simm.s32 @!p2 $0x0  }
0x1d: {  	s5 =	simm.s32 @p1 $0x1;
	p0 =	seq.s32 s7, s2  }
0x1e: {  	s7 =	smul.u32 @!p0 $0xF7A, s2;
	p2 =	seq.s32 @!p0 s5, $0x0  }
0x1f: {  	s9 =	smul.u32 $0xF7A, s1;
	s8 =	simm.s32 @!p0 $0x1BF5;
	p2 =	por !p2, p0  }
0x20: {  	[sflag:s8] =	ssyncset.s32 @!p0 $0xFFFFF086;
	s6 =	sadd.s32 @!p0 s3, s7;
	s7 =	simm.s32 @!p0 $0x108  }
0x21: {  	s3 =	sadd.s32 s3, s9;
	s6 =	sadd.s32 @!p0 $0x88, s6;
	s7 =	simm.s32 @p2 $0x1082  }
0x22: {  	[simem:s7], [sflag:s8] =	dma.local @!p0 [hbm:s6], $0xF7A  }
0x23: {  	s9 =	sor.u32 $0xD0000000, s2;
	s6 =	simm.s32 $0x108;
	_ =	swait.ge @!p0 [sflag:s8], $0x0  }
0x24: {  	s3 =	sadd.s32 $0x88, s3;
	s6 =	simm.s32 @!p1 $0x1082;
	[sflag:s4] =	ssyncset.s32 $0xFFFFF086  }
0x25: {  	[simem:s6], [sflag:s4] =	dma.local [hbm:s3], $0xF7A  }
0x26: {  	[smem:$0x3F96] =	sst s1;
	(tag) =	ssettag s2;
	_ =	strace s9  }
0x27: {  	s1 =	sld [smem:$0x3FA6]  }
0x28: {  	s2 =	sld [smem:$0x3FA7]  }
0x29: {  	s4 =	sld [smem:$0x3FA9]  }
0x2a: {  	p0 =	seq.s32 s5, $0x0;
	s5 =	sld [smem:$0x3FAA]  }
0x2b: {  	s6 =	sld [smem:$0x3FAB]  }
0x2c: {  	s7 =	sld [smem:$0x3FAC]  }
0x2d: {  	s3 =	simm.s32 $0x108;
	s8 =	sld [smem:$0x3FAD]  }
0x2e: {  	s3 =	simm.s32 @!p0 $0x1082;
	s9 =	sld [smem:$0x3FAE]  }
0x2f: {  	lr =	sadd.s32 s0, s3;
	s0 =	sld [smem:$0x3FA5]  }
0x30: {  	s3 =	sld [smem:$0x3FA8]  }
0x31: {  	[smem:$0x3FB1] =	sst s10  }
0x32: {  	s10 =	sld [smem:$0x3FAF];
	_ =	sdelay $0x3  }
0x33: {  	p0 =	seq.s32 s10, $0x1;
	s10 =	sld [smem:$0x3FB1];
	_ =	sdelay $0x3  }
0x34: {  	[smem:$0x3FB1] =	sst s10  }
0x35: {  	s10 =	sld [smem:$0x3FB0];
	_ =	sdelay $0x3  }
0x36: {  	p1 =	seq.s32 s10, $0x1;
	s10 =	sld [smem:$0x3FB1];
	_ =	sdelay $0x3  }
0x37: {  	[smem:$0x3FB1] =	sst s10  }
0x38: {  	s10 =	sld [smem:$0x3FB2]  }
0x39: {  	_ = 	snop;
	(pc) =	sbr.ind lr, $3  }
0x3a: {  	_ = 	snop  }
0x3b: {  	_ = 	snop  }
0x3c: {  	p2 =	seq.s32 s10, $0x1;
	s10 =	sld [smem:$0x3FB1]  }
0x3d: {  	_ =	shalt  }
0x3e: {  	_ =	shalt  }
0x3f: {  	_ =	shalt  }
0x40: {  	_ =	shalt  }
0x41: {  	_ =	shalt  }
0x42: {  	_ =	shalt  }
0x43: {  	_ =	shalt  }
0x44: {  	_ =	shalt  }
0x45: {  	_ =	shalt  }
0x46: {  	_ =	shalt  }
0x47: {  	_ =	shalt  }
0x48: {  	_ =	shalt  }
0x49: {  	_ =	shalt  }
0x4a: {  	_ =	shalt  }
0x4b: {  	_ =	shalt  }
0x4c: {  	_ =	shalt  }
0x4d: {  	_ =	shalt  }
0x4e: {  	_ =	shalt  }
0x4f: {  	_ =	shalt  }
0x50: {  	_ =	shalt  }
0x51: {  	_ =	shalt  }
0x52: {  	_ =	shalt  }
0x53: {  	_ =	shalt  }
0x54: {  	_ =	shalt  }
0x55: {  	_ =	shalt  }
0x56: {  	_ =	shalt  }
0x57: {  	_ =	shalt  }
0x58: {  	_ =	shalt  }
0x59: {  	_ =	shalt  }
0x5a: {  	_ =	shalt  }
0x5b: {  	_ =	shalt  }
0x5c: {  	_ =	shalt  }
0x5d: {  	_ =	shalt  }
0x5e: {  	_ =	shalt  }
0x5f: {  	_ =	shalt  }
0x60: {  	_ =	shalt  }
0x61: {  	_ =	shalt  }
0x62: {  	_ =	shalt  }
0x63: {  	_ =	shalt  }
0x64: {  	_ =	shalt  }
0x65: {  	_ =	shalt  }
0x66: {  	_ =	shalt  }
0x67: {  	_ =	shalt  }
0x68: {  	_ =	shalt  }
0x69: {  	_ =	shalt  }
0x6a: {  	_ =	shalt  }
0x6b: {  	_ =	shalt  }
0x6c: {  	_ =	shalt  }
0x6d: {  	_ =	shalt  }
0x6e: {  	_ =	shalt  }
0x6f: {  	_ =	shalt  }
0x70: {  	_ =	shalt  }
0x71: {  	_ =	shalt  }
0x72: {  	_ =	shalt  }
0x73: {  	_ =	shalt  }
0x74: {  	_ =	shalt  }
0x75: {  	_ =	shalt  }
0x76: {  	_ =	shalt  }
0x77: {  	_ =	shalt  }
0x78: {  	_ =	shalt  }
0x79: {  	_ =	shalt  }
0x7a: {  	_ =	shalt  }
0x7b: {  	_ =	shalt  }
0x7c: {  	_ =	shalt  }
0x7d: {  	_ =	shalt  }
0x7e: {  	_ =	shalt  }
0x7f: {  	_ =	shalt  }
0x80: {  	_ =	shalt  }
0x81: {  	_ =	shalt  }
0x82: {  	_ =	shalt  }
0x83: {  	_ =	shalt  }
0x84: {  	_ =	shalt  }
0x85: {  	_ =	shalt  }
0x86: {  	_ =	shalt  }
0x87: {  	_ =	shalt  }
.Lfunc_end0:
.L_simem_size_0:
called_computation.5_lowered:
.L_overlay_start_0:
0x88: {  	s2 =	sld [smem:$0x3FD9]  }
0x89: {  	s3 =	sld [smem:$0x3FFE];
	_ =	sdelay $0x1  }
0x8a: {  	s1 =	srdreg.scid  }
0x8b: {  	s0 =	sand.u32 $0x1, s1  }
0x8c: {  	s16 =	sshll.u32 s0, $0xA;
	s2 =	sadd.s32 s3, s2  }
0x8d: {  	s2 =	sadd.s32 s2, s16  }
0x8e: {  	[smem:$0x3FBD] =	sst s2  }
0x8f: {  	_ = 	snop  }
0x90: {  	(tm) =	ssettm $0x1  }
0x91: {  	s17 =	sld [smem:$0x3FFB];
	_ =	sdelay $0x3  }
0x92: {  	_ =	strace s17  }
0x93: {  	s2 =	sld [smem:$0x3FFC];
	_ =	sdelay $0x3  }
0x94: {  	_ =	strace s2  }
0x95: {  	s2 =	sld [smem:$0x3FFD];
	_ =	sdelay $0x3  }
0x96: {  	_ =	strace s2  }
0x97: {  	_ =	strace $0x8FFFFFFF  }
0x98: {  	s18 =	sld [smem:$0x3FDB];
	_ =	sdelay $0x1  }
0x99: {  	s19 =	simm.s32 $_scs_section_size  }
0x9a: {  	s4 =	simm.s32 $_size__tile_overlayer_lowered;
	s5 =	simm.s32 $_tile_overlayer_lowered  }
0x9b: {  	s22 =	simm.s32 $0x1BFF;
	s21 =	sshll.u32 s5, $0x1;
	s2 =	sadd.s32 s19, s18  }
0x9c: {  	s6 =	simm.s32 $0x0;
	s20 =	sshll.u32 s4, $0x1;
	s4 =	sadd.s32 s21, s2  }
0x9d: {  	[timem:s6], [sflag:s22] =	dma.local [hbm:s4], s20  }
0x9e: {  	_ =	swait.ge [sflag:s22], s20  }
0x9f: {  	s3 =	ssub.s32 $0x0, s20;
	[sflag:s22] =	ssyncset.done $0x0  }
0xa0: {  	[sflag:s22] =	ssyncadd.s32 s3;
	_ =	sdelay $0x1  }
0xa1: {  	s23 =	simm.s32 $0x1B8B  }
0xa2: {  	_ =	swait.ge [sflag:s23], $0x1  }
0xa3: {  	[sflag:s23] =	ssyncset.done $0x0  }
0xa4: {  	s25 =	simm.s32 $0x1B8E;
	s24 =	sld [smem:$0x3FFE];
	[sflag:s23] =	ssyncadd.s32 $0xFFFFFFFF  }
0xa5: {  	s26 =	simm.s32 $execute0_lowered;
	[smem:$0x3FD2] =	sst s25  }
0xa6: {  	s4 =	sshll.u32 s26, $0x1;
	_ =	strace $0x80000055;
	[dreg:$0x1] =	wrdreg $0xFFFFFFFF  }
0xa7: {  	s28 =	simm.s32 $_size_execute0_lowered;
	s2 =	sadd.s32 s2, s4;
	[dreg:$0x0] =	wrdreg $0x0  }
0xa8: {  	s4 =	sshll.u32 s28, $0x1;
	[dreg:$0x2] =	wrdreg s2  }
0xa9: {  	[dreg:$0x3] =	wrdreg s4  }
0xaa: {  	[dreg:$0x4] =	wrdreg $0xC0  }
0xab: {  	_ =	task [dreg:s6], $0x5FFFF  }
0xac: {  	[dreg:$0x1] =	wrdreg $0xFFFFFFFF  }
0xad: {  	[dreg:$0x0] =	wrdreg $0x60  }
0xae: {  	[dreg:$0x2] =	wrdreg s24  }
0xaf: {  	[dreg:$0x3] =	wrdreg $0x29000  }
0xb0: {  	[dreg:$0x4] =	wrdreg $0x9  }
0xb1: {  	_ =	task.clear_ibuf [dreg:s6], $0x5FFFF;
	_ =	strace $0x90000055  }
0xb2: {  	s29 =	simm.s32 $0x9;
	_ =	strace $0x80000057  }
0xb3: {  	_ =	swait.ge [sflag:s29], $0x1  }
0xb4: {  	[sflag:s29] =	ssyncadd.s32 $0xFFFFFFFF  }
0xb5: {  	_ =	strace $0x90000057  }
0xb6: {  	_ =	sfence  }
0xb7: {  	s30 =	sld [smem:$0x0];
	_ =	sdelay $0x2  }
0xb8: {  	s31 =	sshll.u32 s1, $0xD;
	s1 =	sshrl.u32 s1, $0x2  }
0xb9: {  	s3 =	sand.u32 $0x4000, s31;
	s1 =	sadd.s32 s1, s30  }
0xba: {  	s0 =	sor.u32 s3, s0;
	s1 =	sshll.u32 s1, $0x11  }
0xbb: {  	s0 =	sor.u32 s1, s0  }
0xbc: {  	s0 =	sadd.s32 $0x8F2B, s0  }
0xbd: {  	[sflag:s0] =	ssyncadd.remote.s32 $0x1  }
0xbe: {  	_ =	sfence.sel $0xFFFF  }
0xbf: {  	[dreg:$0x0] =	wrdreg $0xFFFFFFFF;
	(pc) =	sbr.abs _section_cstart, $3  }
0xc0: {  	[dreg:$0x1] =	wrdreg $0xFFFFFFFF  }
0xc1: {  	_ =	task.clear_ibuf [dreg:s6], $0x2FFFF;
	_ =	strace $0x9FFFFFFF  }
0xc2: {  	(tm) =	ssettm $0x7FFFFFFF  }
0xc3: {  	_ =	shalt  }
tec
execute0_lowered:
.L_overlay_start_1:
0x0: {  	(tag) =	ssettag $0x1  }
0x1: {  	s7 =	rddreg [dreg:$0x0]  }
0x2: {  	s2 =	rddreg [dreg:$0x1]  }
0x3: {  	s0 =	srdreg.scid;
	s1 =	rddreg [dreg:$0x2]  }
0x4: {  	s3 =	simm.s32 $0x0;
	s16 =	simm.s32 $0x80;
	s5 =	sand.u32 $0x1, s0  }
0x5: {  	s17 =	simm.s32 $0x50;
	s0 =	stileid.u32;
	s4 =	smul.u32 $0x27100, s5  }
0x6: {  	s18 =	simm.s32 $0x100;
	s19 =	simm.s32 $0x1;
	s6 =	smul.u32 $0x2710, s0  }
0x7: {  	s20 =	simm.s32 $0x0;
	[smem:$0x7FF] =	sst s3;
	s8 =	smul.u32 $0x13800, s0  }
0x8: {  	s11 =	sadd.s32 $0xB5A00, s7;
	s15 =	sadd.s32 $0x138000, s2;
	s10 =	smul.u32 $0x4E000, s0  }
0x9: {  	_ =	strace $0x80000056;
	s9 =	ssub.s32 $0x2, s5;
	s29 =	smul.u32 $0x138800, s5  }
0xa: {  	s30 =	sshll.u32 s0, $0x6;
	p0 =	sne.s32 s0, $0xF;
	s13 =	sshrl.u32 s9, $0x1  }
0xb: {  	s15 =	sshrl.u32 @!p0 s15, $0x3;
	s4 =	sadd.s32 s6, s4;
	s26 =	sshrl.u32 s8, $0x3  }
0xc: {  	s13 =	ssub.s32 s9, s13;
	s28 =	sshrl.u32 s10, $0x2;
	s8 =	sadd.s32 s8, s29  }
0xd: {  	s31 =	sshrl.u32 s29, $0x3;
	s6 =	sshrl.u32 s4, $0x3;
	s4 =	sadd.s32 $0x40400, s7  }
0xe: {  	s14 =	sadd.s32 s28, s2;
	s8 =	sshrl.u32 s8, $0x3;
	s9 =	sadd.s32 s11, s31  }
0xf: {  	s10 =	smax.u32 s13, $0x1;
	s12 =	sadd.s32 s6, s7;
	s6 =	sadd.s32 s26, s7  }
0x10: {  	s7 =	sadd.s32 $0x40200, s7;
	s8 =	sadd.s32 s11, s8;
	s9 =	sadd.s32 $0x27000, s9  }
0x11: {  	s13 =	sshrl.u32 s14, $0x3;
	s14 =	simm.s32 $0x2;
	s5 =	sadd.s32 $0x19200, s6  }
0x12: {  	s6 =	sor.u32 $0x1C02, s30;
	s11 =	sadd.s32 $0xF400, s12;
	s12 =	sadd.s32 $0x5600, s12  }
.LBB2_1:
0x13: {  	[spmem:s13], [sflag:s6] =	dma.local [hbm:s5], $0x2700  }
0x14: {  	_ =	swait.ge [sflag:s14], $0x2700  }
0x15: {  	[sflag:s14] =	ssyncset.done $0x0  }
0x16: {  	s21 =	simm.s32 @!p0 $0x2;
	[sflag:s14] =	ssyncadd.s32 $0xFFFFD900  }
0x17: {  	[spmem:s15], [sflag:s6] =	dma.local @!p0 [hbm:s7], $0x100  }
0x18: {  	_ =	swait.ge @!p0 [sflag:s21], $0x100  }
0x19: {  	[sflag:s21] =	ssyncset.done @!p0 $0x0  }
0x1a: {  	[sflag:s21] =	ssyncadd.s32 @!p0 $0xFFFFFF00  }
0x1b: {  	s30 =	sadd.s32 $0x0, s12;
	[bflag:$0x0] =	sbarrier.arrive $0xFFFF  }
0x1c: {  	[tilespmem:s3], [sflag:$0x2] =	stream.linear.gather [hbm4b:s30+s3], $0x50, $0x38;
	[tilespmem:$0x16180] =	vst v63  }
0x1d: {  	_ =	swait.ge [sflag:s14], $0x50  }
0x1e: {  	[sflag:s14] =	ssyncset.done $0x0  }
0x1f: {  	s31 =	sadd.s32 $0x0, s11;
	[sflag:s14] =	ssyncadd.s32 $0xFFFFFFB0  }
0x20: {  	[tilespmem:s16], [sflag:$0x2] =	stream.linear.gather [hbm4b:s31+s3], $0x50, $0x38;
	[tilespmem:$0x16180] =	vst v63  }
0x21: {  	_ =	swait.ge [sflag:s14], $0x50  }
0x22: {  	[sflag:s14] =	ssyncset.done $0x0  }
0x23: {  	[sflag:s14] =	ssyncadd.s32 $0xFFFFFFB0  }
0x24: {  	[tilespmem:s18], [sflag:$0x1] =	stream.indirect.gather [hbm4b:s4+s17], $0x80, s3, s17, $0xb8;
	[tilespmem:$0x16180] =	vst v63  }
0x25: {  	_ =	swait.ge [sflag:s19], $0x2800  }
0x26: {  	[sflag:s19] =	ssyncset.done $0x0  }
0x27: {  	[sflag:s19] =	ssyncadd.s32 $0xFFFFD800  }
0x28: {  	[spmem:s2] =	stream.indirect.scatter.add.f32 [tilespmem:s18], [sflag:$0x2], $0x80, s16, s17, $0xb8;
	[tilespmem:$0x16180] =	vst v63  }
0x29: {  	_ =	swait.ge [sflag:s14], $0x2800  }
0x2a: {  	s22 =	simm.s32 $0x14;
	s21 =	simm.s32 $0xA;
	[sflag:s14] =	ssyncset.done $0x0  }
.LBB2_2:
0x2b: {  	s23 =	sadd.s32 s21, s12  }
0x2c: {  	[sflag:s14] =	ssyncadd.s32 $0xFFFFD800;
	s24 =	smov.u32 s22;
	s25 =	sadd.s32 $0xA, s22  }
0x2d: {  	[tilespmem:s3], [sflag:$0x2] =	stream.linear.gather [hbm4b:s23+s3], $0x50, $0x38;
	[tilespmem:$0x16180] =	vst v63  }
0x2e: {  	p1 =	sne.s32 s22, $0x4D8;
	_ =	swait.ge [sflag:s14], $0x50  }
0x2f: {  	[sflag:s14] =	ssyncset.done $0x0  }
0x30: {  	s22 =	sadd.s32 s21, s11;
	s21 =	smov.u32 s24;
	[sflag:s14] =	ssyncadd.s32 $0xFFFFFFB0  }
0x31: {  	[tilespmem:s16], [sflag:$0x2] =	stream.linear.gather [hbm4b:s22+s3], $0x50, $0x38;
	[tilespmem:$0x16180] =	vst v63  }
0x32: {  	_ =	swait.ge [sflag:s14], $0x50  }
0x33: {  	[sflag:s14] =	ssyncset.done $0x0  }
0x34: {  	[sflag:s14] =	ssyncadd.s32 $0xFFFFFFB0  }
0x35: {  	[tilespmem:s18], [sflag:$0x1] =	stream.indirect.gather [hbm4b:s4+s17], $0x80, s3, s17, $0xb8;
	[tilespmem:$0x16180] =	vst v63  }
0x36: {  	_ =	swait.ge [sflag:s19], $0x2800  }
.Ltmp0:
0x37: {  	[sflag:s19] =	ssyncset.done $0x0;
	(pc) =	sbr.rel @p1 .LBB2_2-.Ltmp0, $4  }
0x38: {  	[sflag:s19] =	ssyncadd.s32 $0xFFFFD800  }
0x39: {  	[spmem:s2] =	stream.indirect.scatter.add.f32 [tilespmem:s18], [sflag:$0x2], $0x80, s16, s17, $0xb8;
	[tilespmem:$0x16180] =	vst v63  }
0x3a: {  	_ =	swait.ge [sflag:s14], $0x2800  }
0x3b: {  	s22 =	smov.u32 s25;
	[sflag:s14] =	ssyncset.done $0x0  }
0x3c: {  	s22 =	sadd.s32 s21, s12;
	[sflag:s14] =	ssyncadd.s32 $0xFFFFD800  }
0x3d: {  	[tilespmem:s3], [sflag:$0x2] =	stream.linear.gather [hbm4b:s22+s3], $0x50, $0x38;
	[tilespmem:$0x16180] =	vst v63  }
0x3e: {  	_ =	swait.ge [sflag:s14], $0x50  }
0x3f: {  	[sflag:s14] =	ssyncset.done $0x0  }
0x40: {  	s31 =	sadd.s32 s21, s11;
	[sflag:s14] =	ssyncadd.s32 $0xFFFFFFB0  }
0x41: {  	[tilespmem:s16], [sflag:$0x2] =	stream.linear.gather [hbm4b:s31+s3], $0x50, $0x38;
	[tilespmem:$0x16180] =	vst v63  }
0x42: {  	_ =	swait.ge [sflag:s14], $0x50  }
0x43: {  	[sflag:s14] =	ssyncset.done $0x0  }
0x44: {  	[sflag:s14] =	ssyncadd.s32 $0xFFFFFFB0  }
0x45: {  	[tilespmem:s18], [sflag:$0x1] =	stream.indirect.gather [hbm4b:s4+s17], $0x80, s3, s17, $0xb8;
	[tilespmem:$0x16180] =	vst v63  }
0x46: {  	_ =	swait.ge [sflag:s19], $0x2800  }
0x47: {  	[sflag:s19] =	ssyncset.done $0x0  }
0x48: {  	[sflag:s19] =	ssyncadd.s32 $0xFFFFD800  }
0x49: {  	[spmem:s2] =	stream.indirect.scatter.add.f32 [tilespmem:s18], [sflag:$0x2], $0x80, s16, s17, $0xb8;
	[tilespmem:$0x16180] =	vst v63  }
0x4a: {  	_ =	swait.ge [sflag:s14], $0x2800  }
0x4b: {  	[sflag:s14] =	ssyncset.done $0x0  }
0x4c: {  	[sflag:s14] =	ssyncadd.s32 $0xFFFFD800  }
0x4d: {  	[bflag:$0x0] =	sbarrier.arrive $0xFFFF  }
0x4e: {  	[hbm:s8], [sflag:s6] =	dma.local [spmem:s13], $0x2700  }
0x4f: {  	s20 =	sadd.s32 $0x1, s20;
	_ =	swait.ge [sflag:s14], $0x2700  }
0x50: {  	p1 =	sne.s32 s20, s10;
	[sflag:s14] =	ssyncset.done $0x0  }
.Ltmp1:
0x51: {  	s21 =	simm.s32 @!p0 $0x2;
	[sflag:s14] =	ssyncadd.s32 $0xFFFFD900;
	(pc) =	sbr.rel @p1 .LBB2_1-.Ltmp1, $4  }
0x52: {  	[hbm:s9], [sflag:s6] =	dma.local @!p0 [spmem:s15], $0x100  }
0x53: {  	_ =	swait.ge @!p0 [sflag:s21], $0x100  }
0x54: {  	[sflag:s21] =	ssyncset.done @!p0 $0x0  }
0x55: {  	[sflag:s21] =	ssyncadd.s32 @!p0 $0xFFFFFF00  }
0x56: {  	_ =	sfence.sel $0x180000  }
0x57: {  	[bflag:$0x0] =	sbarrier.arrive $0xFFFF  }
0x58: {  	p0 =	sne.s32 s0, $0x0;
	_ =	strace $0x90000056  }
0x59: {  	s0 =	sadd.s32 @!p0 $0x100000, s1;
	[bflag:$0x2] =	sbarrier.arrive $0xFFFF  }
0x5a: {  	[sflag:s0] =	ssyncadd.tile.s32 @!p0 $0x1;
	_ =	shalt  }
.Lfunc_end2:
_tile_overlayer_lowered:
.L_overlay_start_2:
0x5b: {  	(tag) =	ssettag $0x2  }
0x5c: {  	s0 =	rddreg [dreg:$0x0];
	s2 =	stileid.u32  }
0x5d: {  	s1 =	rddreg [dreg:$0x1];
	p0 =	sne.s32 s2, $0x0  }
0x5e: {  	s3 =	rddreg [dreg:$0x2];
	[bflag:$0x3] =	sbarrier.arrive $0xFFFF;
	s2 =	simm.s32 @!p0 $0x1C02  }
0x5f: {  	[timem:s3], [sflag:s2] =	dma.local @!p0 [hbm:s0], s1  }
0x60: {  	s0 =	simm.s32 @!p0 $0x2  }
0x61: {  	_ =	swait.ge @!p0 [sflag:s0], s1  }
0x62: {  	s1 =	ssub.s32 @!p0 $0x0, s1;
	[sflag:s0] =	ssyncset.done @!p0 $0x0  }
0x63: {  	[sflag:s0] =	ssyncadd.s32 @!p0 s1  }
0x64: {  	[bflag:$0x3] =	sbarrier.arrive $0xFFFF  }
0x65: {  	_ =	shalt  }

</sc_bundles>
